<compile_context>
chip_gen: v7x
topology: tpu7x:2x2x1
jax: 0.10.2.dev20260603
libtpu: 0.0.44.dev20260713+nightly
codegen_flags: <defaults>
</compile_context>

<pallas_src>
import jax
import jax.numpy as jnp
from jax import lax
from jax.experimental import pallas as pl
from jax.experimental.pallas import tpu as pltpu
from jax.experimental.pallas import tpu_sc as plsc

N_NODES = 10000
N_EDGES = 160000
H = 256
HH = 128
ED = 16

BN = 1000
BE = 2000

NC = 2
NS = 16
L = 16

EPT1 = N_EDGES // NS
G1 = EPT1 // L
RBG = 25
RB = RBG * L
NA0 = 5008
NA1 = EPT1 - NA0
G0 = NA0 // L
DR = 640
TB = 8
TROWS = TB * L
TC_ = ED + L
TR = 10240

NW = NC * NS
EPT2 = N_EDGES // NS
BCH = 80
NCH = EPT2 // BCH
NBM = 3
NBI = 5
RPT = N_NODES // NS


def _node_kernel(src_x, dst_x, w_src, b_src, w_dst, b_dst, w_msg, w1, w2,
                 w_edge, b_edge, b_msg, w_out,
                 a_src_o, a_dst_o, m01_o, wem2_o, bem2_o):
    xs = jnp.dot(src_x[...], w_src[...], preferred_element_type=jnp.float32) + b_src[...]
    a_src_o[...] = jnp.dot(jnp.tanh(xs), w1[...], preferred_element_type=jnp.float32)
    m = jnp.dot(xs, w_msg[...], preferred_element_type=jnp.float32)
    m01_o[0] = m[:, :HH]
    m01_o[1] = m[:, HH:]
    xd = jnp.dot(dst_x[...], w_dst[...], preferred_element_type=jnp.float32) + b_dst[...]
    a_dst_o[...] = jnp.dot(jnp.tanh(xd), w2[...], preferred_element_type=jnp.float32)

    @pl.when(pl.program_id(0) == 0)
    def _():
        wo_b = w_out[H:, :]
        wem = jnp.dot(w_edge[...], w_msg[...], preferred_element_type=jnp.float32)
        wem2_o[...] = jnp.dot(wem, wo_b, preferred_element_type=jnp.float32)
        bem = jnp.dot(b_edge[...], w_msg[...], preferred_element_type=jnp.float32) + b_msg[...]
        bem2_o[...] = jnp.dot(bem, wo_b, preferred_element_type=jnp.float32)


def _edge_kernel(ea, w_edge, b_edge, w3, b_attn, a_edge_o):
    ef = jnp.dot(ea[...], w_edge[...], preferred_element_type=jnp.float32) + b_edge[...]
    a_edge_o[...] = jnp.dot(jnp.tanh(ef), w3[...], preferred_element_type=jnp.float32) + b_attn[...]


def _out_kernel(dx, ag, t, w_out, wem2, bem2, b_out, gamma, beta, out_o):
    w = w_out[...]
    a0s = ag[0]
    a1s = ag[1]
    ts = t[0] + t[1]
    upd = (jnp.dot(dx[...], w[:H, :], preferred_element_type=jnp.float32)
           + jnp.dot(a0s, w[H:H + HH, :], preferred_element_type=jnp.float32)
           + jnp.dot(a1s, w[H + HH:, :], preferred_element_type=jnp.float32)
           + jnp.dot(ts[:, :ED], wem2[...], preferred_element_type=jnp.float32)
           + ts[:, ED:ED + 1] * bem2[...]
           + b_out[...])
    h = dx[...] + upd
    mean = jnp.mean(h, axis=-1, keepdims=True)
    c = h - mean
    var = jnp.mean(c * c, axis=-1, keepdims=True)
    out_o[...] = c * jax.lax.rsqrt(var + 1e-5) * gamma[...] + beta[...]


def _full(shape):
    return pl.BlockSpec(shape, lambda i: (0,) * len(shape))


def _alpha_body(asrc_h, adst_h, aedge_h, sidx_h, didx_h, ea_h,
                alpha_h, t_h,
                asrc_v, adst_v, sidx_v, didx_v, aedge_v, ex_v, denom_v,
                rowbuf_v, rowidx_v, zbuf_v, eabuf_v, trow_v, tidx_v, tidx16_v,
                dsh, tsh):
    c = lax.axis_index("c")
    s = lax.axis_index("s")
    base1 = pl.multiple_of(s * EPT1, 16)
    zeros = jnp.zeros((L,), jnp.float32)
    iota = lax.iota(jnp.int32, L)

    for k in range(DR // NS):
        zbuf_v[k, :] = zeros
    pltpu.sync_copy(zbuf_v, dsh.at[pl.ds(s * (DR // NS), DR // NS)])
    for j in range(TROWS):
        for k in range(TC_ // L):
            plsc.store_scatter(trow_v, [jnp.full((L,), j, jnp.int32), k * L + iota], zeros)
    for k in range(TR // NS // TROWS):
        pltpu.sync_copy(trow_v, tsh.at[pl.ds(s * (TR // NS) + k * TROWS, TROWS)])
    pltpu.sync_copy(asrc_h, asrc_v)
    pltpu.sync_copy(adst_h, adst_v)
    pltpu.sync_copy(sidx_h.at[pl.ds(base1, EPT1)], sidx_v)
    pltpu.sync_copy(didx_h.at[pl.ds(base1, EPT1)], didx_v)
    pltpu.sync_copy(aedge_h.at[pl.ds(base1, EPT1)], aedge_v)
    plsc.subcore_barrier()

    def group(g, carry):
        o = pl.multiple_of(g * L, 16)
        sidx = sidx_v[pl.ds(o, L)]
        didx = didx_v[pl.ds(o, L)]
        ae = aedge_v[pl.ds(o, L)]
        sa = plsc.load_gather(asrc_v, [sidx])
        sd = plsc.load_gather(adst_v, [didx])
        ex = jnp.exp(sa + sd + ae)
        ex_v[pl.ds(o, L)] = ex
        j = lax.rem(g, RBG)
        rows = j * L + iota
        for k in range(L):
            plsc.store_scatter(rowbuf_v, [jnp.full((L,), j * L + k, jnp.int32), iota], zeros)
        plsc.store_scatter(rowbuf_v, [rows, jnp.bitwise_and(didx, L - 1)], ex)
        plsc.store_scatter(
            rowidx_v,
            [jnp.full((L,), lax.div(j, 5), jnp.int32), lax.rem(j, 5) * L + iota],
            lax.shift_right_logical(didx, 4))

        @pl.when(j == RBG - 1)
        def push():
            for k in range(RBG // 5):
                pltpu.sync_copy(rowbuf_v.at[pl.ds(k * 5 * L, 5 * L)],
                                dsh.at[rowidx_v.at[k]], add=True)
        return carry

    lax.fori_loop(0, G1, group, None, unroll=False)
    plsc.subcore_barrier()

    pltpu.sync_copy(dsh.at[pl.ds(0, DR)], denom_v)
    astart = pl.multiple_of(c * NA0, 16)
    ng = G0 - c

    def agroup(g, carry):
        o = pl.multiple_of(astart + g * L, 16)
        didx = didx_v[pl.ds(o, L)]
        ex = ex_v[pl.ds(o, L)]
        d = plsc.load_gather(
            denom_v, [lax.shift_right_logical(didx, 4), jnp.bitwise_and(didx, L - 1)])
        al = ex / d
        aedge_v[pl.ds(o, L)] = al
        jb = lax.rem(g, TB)

        @pl.when(jb == 0)
        def stage():
            pltpu.sync_copy(ea_h.at[pl.ds(base1 + o, TROWS)], eabuf_v)

        def edge(j, ecarry):
            row = jnp.full((L,), jb * L + j, jnp.int32)
            ab = plsc.load_gather(aedge_v, [jnp.full((L,), o + j, jnp.int32)])
            r = plsc.load_gather(eabuf_v, [row, iota])
            plsc.store_scatter(trow_v, [row, iota], r * ab)
            return ecarry

        lax.fori_loop(0, L, edge, None, unroll=False)
        plsc.store_scatter(trow_v, [jb * L + iota, jnp.full((L,), ED, jnp.int32)], al)
        plsc.store_scatter(tidx_v, [jb * L + iota], didx)
        plsc.store_scatter(tidx16_v, [iota], didx)

        @pl.when(jb == TB - 1)
        def pusht():
            pltpu.sync_copy(trow_v, tsh.at[tidx_v], add=True)

        @pl.when(jnp.logical_and(g == ng - 1, jb != TB - 1))
        def pushlast():
            pltpu.sync_copy(trow_v.at[pl.ds(0, L)], tsh.at[tidx16_v], add=True)
        return carry

    lax.fori_loop(0, ng, agroup, None, unroll=False)

    @pl.when(c == 0)
    def outa0():
        pltpu.sync_copy(aedge_v.at[pl.ds(0, NA0)], alpha_h.at[pl.ds(base1, NA0)])

    @pl.when(c == 1)
    def outa1():
        pltpu.sync_copy(aedge_v.at[pl.ds(NA0, NA1)], alpha_h.at[pl.ds(base1 + NA0, NA1)])

    plsc.subcore_barrier()
    pltpu.sync_copy(tsh.at[pl.ds(s * (TR // NS), TR // NS)],
                    t_h.at[c].at[pl.ds(s * (TR // NS), TR // NS)])


def _spl(x):
    return jnp.full((L,), x, jnp.int32)


def _agg_body(m_h, alpha_h, sidx_h, didx_h, out_h,
              mbuf, sidxc, didxc, alphac, agg_sh,
              sem_s, sem_d, sem_a, sem_g, sem_p):
    c = lax.axis_index("c")
    s = lax.axis_index("s")
    eb = pl.multiple_of(s * EPT2, 8)
    iota = lax.iota(jnp.int32, L)
    zeros = jnp.zeros((L,), jnp.float32)
    moff = c * N_NODES

    def zrow(j, carry):
        for k in range(HH // L):
            plsc.store_scatter(mbuf, [_spl(0), _spl(j), k * L + iota], zeros)
        return carry

    lax.fori_loop(0, BCH, zrow, None, unroll=False)
    for t in range(RPT // BCH):
        pltpu.sync_copy(mbuf.at[0], agg_sh.at[pl.ds(s * RPT + t * BCH, BCH)])
    _rem = RPT % BCH
    if _rem:
        pltpu.sync_copy(mbuf.at[0].at[pl.ds(0, _rem)],
                        agg_sh.at[pl.ds(s * RPT + RPT - _rem, _rem)])
    plsc.subcore_barrier()

    def stage(x):
        o = pl.multiple_of(eb + x * BCH, 8)
        sl = lax.rem(x, NBI)
        pltpu.async_copy(sidx_h.at[pl.ds(o, BCH)], sidxc.at[sl], sem_s)
        pltpu.async_copy(didx_h.at[pl.ds(o, BCH)], didxc.at[sl], sem_d)
        pltpu.async_copy(alpha_h.at[pl.ds(o, BCH)], alphac.at[sl], sem_a)

    def wait_stage(x):
        o = pl.multiple_of(eb + x * BCH, 8)
        sl = lax.rem(x, NBI)
        pltpu.make_async_copy(sidx_h.at[pl.ds(o, BCH)], sidxc.at[sl], sem_s).wait()
        pltpu.make_async_copy(didx_h.at[pl.ds(o, BCH)], didxc.at[sl], sem_d).wait()
        pltpu.make_async_copy(alpha_h.at[pl.ds(o, BCH)], alphac.at[sl], sem_a).wait()
        for k in range(BCH // L):
            v = plsc.load_gather(sidxc, [_spl(sl), k * L + iota])
            plsc.store_scatter(sidxc, [_spl(sl), k * L + iota], v + moff)

    def start_gather(x):
        pltpu.async_copy(m_h.at[sidxc.at[lax.rem(x, NBI)]],
                         mbuf.at[lax.rem(x, NBM)], sem_g)

    def wait_gather(x):
        pltpu.make_async_copy(m_h.at[sidxc.at[lax.rem(x, NBI)]],
                              mbuf.at[lax.rem(x, NBM)], sem_g).wait()

    def push(x):
        pltpu.async_copy(mbuf.at[lax.rem(x, NBM)],
                         agg_sh.at[didxc.at[lax.rem(x, NBI)]], sem_p, add=True)

    def drain_push(x):
        pltpu.make_async_copy(mbuf.at[lax.rem(x, NBM)],
                              agg_sh.at[didxc.at[lax.rem(x, NBI)]], sem_p).wait()

    stage(0)
    stage(1)
    wait_stage(0)
    start_gather(0)

    def chunk(ch, carry):
        @pl.when(ch >= 2)
        def dr():
            drain_push(ch - 2)

        @pl.when(ch + 1 < NCH)
        def ws():
            wait_stage(ch + 1)

        wait_gather(ch)

        @pl.when(ch + 1 < NCH)
        def sg():
            start_gather(ch + 1)

        @pl.when(ch + 2 < NCH)
        def st():
            stage(ch + 2)

        slm = lax.rem(ch, NBM)
        sl = lax.rem(ch, NBI)

        pslm = _spl(slm)
        psl = _spl(sl)

        def edge(j4, ecarry):
            for u in range(4):
                pj = _spl(j4 * 4 + u)
                ab = plsc.load_gather(alphac, [psl, pj])
                for k in range(HH // L):
                    m = plsc.load_gather(mbuf, [pslm, pj, k * L + iota])
                    plsc.store_scatter(mbuf, [pslm, pj, k * L + iota], m * ab)
            return ecarry

        lax.fori_loop(0, BCH // 4, edge, None, unroll=False)
        push(ch)
        return carry

    lax.fori_loop(0, NCH, chunk, None, unroll=False)
    drain_push(NCH - 2)
    drain_push(NCH - 1)
    plsc.subcore_barrier()
    pltpu.sync_copy(agg_sh.at[pl.ds(s * RPT, RPT)], out_h.at[c].at[pl.ds(s * RPT, RPT)])


_SC_MESH = plsc.VectorSubcoreMesh(core_axis_name="c", subcore_axis_name="s")
_SC_PARAMS = pltpu.CompilerParams(needs_layout_passes=False,
                                  use_tc_tiling_on_sc=False)

_alpha_call = pl.kernel(
    _alpha_body,
    out_type=(jax.ShapeDtypeStruct((N_EDGES,), jnp.float32),
              jax.ShapeDtypeStruct((NC, TR, TC_), jnp.float32)),
    mesh=_SC_MESH,
    compiler_params=_SC_PARAMS,
    scratch_types=[
        pltpu.VMEM((N_NODES,), jnp.float32),
        pltpu.VMEM((N_NODES,), jnp.float32),
        pltpu.VMEM((EPT1,), jnp.int32),
        pltpu.VMEM((EPT1,), jnp.int32),
        pltpu.VMEM((EPT1,), jnp.float32),
        pltpu.VMEM((EPT1,), jnp.float32),
        pltpu.VMEM((DR, L), jnp.float32),
        pltpu.VMEM((RB, L), jnp.float32),
        pltpu.VMEM((RBG // 5, 5 * L), jnp.int32),
        pltpu.VMEM((DR // NS, L), jnp.float32),
        pltpu.VMEM((TROWS, ED), jnp.float32),
        pltpu.VMEM((TROWS, TC_), jnp.float32),
        pltpu.VMEM((TROWS,), jnp.int32),
        pltpu.VMEM((L,), jnp.int32),
        pltpu.VMEM_SHARED((DR, L), jnp.float32),
        pltpu.VMEM_SHARED((TR, TC_), jnp.float32),
    ],
)

_agg_call = pl.kernel(
    _agg_body,
    out_type=jax.ShapeDtypeStruct((NC, N_NODES, HH), jnp.float32),
    mesh=_SC_MESH,
    compiler_params=_SC_PARAMS,
    scratch_types=[
        pltpu.VMEM((NBM, BCH, HH), jnp.float32),
        pltpu.VMEM((NBI, BCH), jnp.int32),
        pltpu.VMEM((NBI, BCH), jnp.int32),
        pltpu.VMEM((NBI, BCH), jnp.float32),
        pltpu.VMEM_SHARED((N_NODES, HH), jnp.float32),
        pltpu.SemaphoreType.DMA,
        pltpu.SemaphoreType.DMA,
        pltpu.SemaphoreType.DMA,
        pltpu.SemaphoreType.DMA,
        pltpu.SemaphoreType.DMA,
    ],
)


def kernel(src_x, dst_x, edge_index, edge_attr, W_src, b_src, W_dst, b_dst,
           W_edge, b_edge, W_attn, b_attn, W_msg, b_msg, W_out, b_out,
           gamma, beta):
    src_idx = edge_index[0].astype(jnp.int32)
    dst_idx = edge_index[1].astype(jnp.int32)

    b_src2 = b_src.reshape(1, H)
    b_dst2 = b_dst.reshape(1, H)
    b_edge2 = b_edge.reshape(1, H)
    b_msg2 = b_msg.reshape(1, H)
    b_out2 = b_out.reshape(1, H)
    gamma2 = gamma.reshape(1, H)
    beta2 = beta.reshape(1, H)
    w1 = W_attn[:H]
    w2 = W_attn[H:2 * H]
    w3 = W_attn[2 * H:]
    b_attn2 = b_attn.reshape(1, 1)

    nsteps = N_NODES // BN
    a_src, a_dst, m01, wem2, bem2 = pl.pallas_call(
        _node_kernel,
        grid=(nsteps,),
        in_specs=[
            pl.BlockSpec((BN, H), lambda i: (i, 0)),
            pl.BlockSpec((BN, H), lambda i: (i, 0)),
            _full((H, H)), _full((1, H)), _full((H, H)), _full((1, H)),
            _full((H, H)), _full((H, 1)), _full((H, 1)),
            _full((ED, H)), _full((1, H)), _full((1, H)), _full((2 * H, H)),
        ],
        out_specs=[
            pl.BlockSpec((BN, 1), lambda i: (i, 0)),
            pl.BlockSpec((BN, 1), lambda i: (i, 0)),
            pl.BlockSpec((NC, BN, HH), lambda i: (0, i, 0)),
            _full((ED, H)), _full((1, H)),
        ],
        out_shape=[
            jax.ShapeDtypeStruct((N_NODES, 1), jnp.float32),
            jax.ShapeDtypeStruct((N_NODES, 1), jnp.float32),
            jax.ShapeDtypeStruct((NC, N_NODES, HH), jnp.float32),
            jax.ShapeDtypeStruct((ED, H), jnp.float32),
            jax.ShapeDtypeStruct((1, H), jnp.float32),
        ],
    )(src_x, dst_x, W_src, b_src2, W_dst, b_dst2, W_msg, w1, w2,
      W_edge, b_edge2, b_msg2, W_out)

    esteps = N_EDGES // BE
    a_edge = pl.pallas_call(
        _edge_kernel,
        grid=(esteps,),
        in_specs=[
            pl.BlockSpec((BE, ED), lambda i: (i, 0)),
            _full((ED, H)), _full((1, H)), _full((H, 1)), _full((1, 1)),
        ],
        out_specs=pl.BlockSpec((BE, 1), lambda i: (i, 0)),
        out_shape=jax.ShapeDtypeStruct((N_EDGES, 1), jnp.float32),
    )(edge_attr, W_edge, b_edge2, w3, b_attn2)

    alpha, t_mom = _alpha_call(a_src.reshape(N_NODES), a_dst.reshape(N_NODES),
                               a_edge.reshape(N_EDGES), src_idx, dst_idx,
                               edge_attr)
    agg = _agg_call(m01.reshape(NC * N_NODES, HH), alpha, src_idx, dst_idx)

    out = pl.pallas_call(
        _out_kernel,
        grid=(nsteps,),
        in_specs=[
            pl.BlockSpec((BN, H), lambda i: (i, 0)),
            pl.BlockSpec((NC, BN, HH), lambda i: (0, i, 0)),
            pl.BlockSpec((NC, BN, TC_), lambda i: (0, i, 0)),
            _full((2 * H, H)), _full((ED, H)), _full((1, H)),
            _full((1, H)), _full((1, H)), _full((1, H)),
        ],
        out_specs=pl.BlockSpec((BN, H), lambda i: (i, 0)),
        out_shape=jax.ShapeDtypeStruct((N_NODES, H), jnp.float32),
    )(dst_x, agg, t_mom, W_out, wem2, bem2, b_out2, gamma2, beta2)
    return out

# --- scband reference (transcript-rebuilt; emitter-appended) ---
"""Pipeline reference for scband-relation-graph-attention-65000035058007 (READ-ONLY COPY).

The authoritative reference and input builder live on the scoring server;
editing this copy changes nothing except your own understanding.
"""

import jax, jax.numpy as jnp
import numpy as np

N = 10000
E = 160000
H = 256
ED = 16

def setup_inputs(seed: int = 0) -> dict:
    key = jax.random.key(seed)
    ks = jax.random.split(key, 20)
    src_x = jax.random.normal(ks[0], (N, H), dtype=jnp.float32)
    dst_x = jax.random.normal(ks[1], (N, H), dtype=jnp.float32)
    edge_index = jax.random.randint(ks[2], (2, E), 0, N, dtype=jnp.int64)
    edge_attr = jax.random.normal(ks[3], (E, ED), dtype=jnp.float32)
    s = 1.0 / np.sqrt(H)
    se = 1.0 / np.sqrt(ED)
    W_src = jax.random.uniform(ks[4], (H, H), jnp.float32, -s, s)
    b_src = jax.random.uniform(ks[5], (H,), jnp.float32, -s, s)
    W_dst = jax.random.uniform(ks[6], (H, H), jnp.float32, -s, s)
    b_dst = jax.random.uniform(ks[7], (H,), jnp.float32, -s, s)
    W_edge = jax.random.uniform(ks[8], (ED, H), jnp.float32, -se, se)
    b_edge = jax.random.uniform(ks[9], (H,), jnp.float32, -se, se)
    s3 = 1.0 / np.sqrt(3 * H)
    W_attn = jax.random.uniform(ks[10], (3 * H, 1), jnp.float32, -s3, s3)
    b_attn = jax.random.uniform(ks[11], (1,), jnp.float32, -s3, s3)
    W_msg = jax.random.uniform(ks[12], (H, H), jnp.float32, -s, s)
    b_msg = jax.random.uniform(ks[13], (H,), jnp.float32, -s, s)
    s2 = 1.0 / np.sqrt(2 * H)
    W_out = jax.random.uniform(ks[14], (2 * H, H), jnp.float32, -s2, s2)
    b_out = jax.random.uniform(ks[15], (H,), jnp.float32, -s2, s2)
    gamma = jnp.ones((H,), dtype=jnp.float32)
    beta = jnp.zeros((H,), dtype=jnp.float32)
    return {"src_x": src_x, "dst_x": dst_x, "edge_index": edge_index, "edge_attr": edge_attr,
            "W_src": W_src, "b_src": b_src, "W_dst": W_dst, "b_dst": b_dst,
            "W_edge": W_edge, "b_edge": b_edge, "W_attn": W_attn, "b_attn": b_attn,
            "W_msg": W_msg, "b_msg": b_msg, "W_out": W_out, "b_out": b_out,
            "gamma": gamma, "beta": beta}

def reference(src_x, dst_x, edge_index, edge_attr,
              W_src, b_src, W_dst, b_dst, W_edge, b_edge,
              W_attn, b_attn, W_msg, b_msg, W_out, b_out, gamma, beta):
    src_idx = edge_index[0]
    dst_idx = edge_index[1]
    num_dst = dst_x.shape[0]
    src_feat = src_x[src_idx] @ W_src + b_src
    dst_feat = dst_x[dst_idx] @ W_dst + b_dst
    e_feat = edge_attr @ W_edge + b_edge
    attn_in = jnp.concatenate([src_feat, dst_feat, e_feat], axis=-1)
    msg = (src_feat + e_feat) @ W_msg + b_msg
    attn_scores = (jnp.tanh(attn_in) @ W_attn + b_attn)[:, 0]
    # segment softmax over dst_idx (numerically stable)
    seg_max = jax.ops.segment_max(attn_scores, dst_idx, num_segments=num_dst)
    ex = jnp.exp(attn_scores - seg_max[dst_idx])
    denom = jax.ops.segment_sum(ex, dst_idx, num_segments=num_dst)
    alpha = ex / denom[dst_idx]
    weighted_msg = msg * alpha[:, None]
    agg = jax.ops.segment_sum(weighted_msg, dst_idx, num_segments=num_dst)
    updated = jnp.concatenate([dst_x, agg], axis=-1) @ W_out + b_out
    # dropout is identity in eval mode
    h = dst_x + updated
    mean = jnp.mean(h, axis=-1, keepdims=True)
    var = jnp.var(h, axis=-1, keepdims=True)
    out = (h - mean) / jnp.sqrt(var + 1e-5) * gamma + beta
    return out

if __name__ == "__main__":
    import jax
    _d = setup_inputs()
    print(jax.jit(kernel)(*tuple(_d.values())))

</pallas_src>

<mosaic_0001>
#map = affine_map<(d0, d1) -> (0)>
#map1 = affine_map<(d0, d1) -> (0, 0)>
#map2 = affine_map<(d0, d1) -> (0, 0, 0)>
module attributes {stable_mosaic.version = 14 : i64} {
  func.func @_alpha_body(%arg0: i32, %arg1: i32, %arg2: memref<10000xf32, #tpu.memory_space<hbm>>, %arg3: memref<10000xf32, #tpu.memory_space<hbm>>, %arg4: memref<160000xf32, #tpu.memory_space<hbm>>, %arg5: memref<160000xi32, #tpu.memory_space<hbm>>, %arg6: memref<160000xi32, #tpu.memory_space<hbm>>, %arg7: memref<160000x16xf32, #tpu.memory_space<hbm>>, %arg8: memref<160000xf32, #tpu.memory_space<hbm>>, %arg9: memref<2x10240x32xf32, #tpu.memory_space<hbm>>, %arg10: memref<10000xf32, #tpu.memory_space<vmem>>, %arg11: memref<10000xf32, #tpu.memory_space<vmem>>, %arg12: memref<10000xi32, #tpu.memory_space<vmem>>, %arg13: memref<10000xi32, #tpu.memory_space<vmem>>, %arg14: memref<10000xf32, #tpu.memory_space<vmem>>, %arg15: memref<10000xf32, #tpu.memory_space<vmem>>, %arg16: memref<640x16xf32, #tpu.memory_space<vmem>>, %arg17: memref<400x16xf32, #tpu.memory_space<vmem>>, %arg18: memref<5x80xi32, #tpu.memory_space<vmem>>, %arg19: memref<40x16xf32, #tpu.memory_space<vmem>>, %arg20: memref<128x16xf32, #tpu.memory_space<vmem>>, %arg21: memref<128x32xf32, #tpu.memory_space<vmem>>, %arg22: memref<128xi32, #tpu.memory_space<vmem>>, %arg23: memref<16xi32, #tpu.memory_space<vmem>>, %arg24: memref<640x16xf32, #tpu.memory_space<vmem_shared>>, %arg25: memref<10240x32xf32, #tpu.memory_space<vmem_shared>>) attributes {dimension_semantics = [#tpu.dimension_semantics<core_parallel>, #tpu.dimension_semantics<subcore_parallel>], iteration_bounds = array<i64: 2, 16>, scalar_prefetch = 0 : i64, scratch_operands = 16 : i64, tpu.core_type = #tpu.core_type<sc_vector_subcore>, window_params = [{transform_indices = #map}, {transform_indices = #map}, {transform_indices = #map}, {transform_indices = #map}, {transform_indices = #map}, {transform_indices = #map1}, {transform_indices = #map}, {transform_indices = #map2}]} {
    %mul3A = arith.constant 10000 : i32
    %mul3A_0 = arith.muli %arg1, %mul3A : i32
    %multiple_of3A = tpu.assume_multiple %mul3A_0, 16 : i32
    %broadcast_in_dim3A = arith.constant 0.000000e+00 : f32
    %broadcast_in_dim3A_1 = vector.broadcast %broadcast_in_dim3A : f32 to vector<16xf32>
    %iota3A = tpu.iota {dimensions = array<i32: 0>} : vector<16xi32>
    %swap3A = arith.constant 0 : i32
    %swap3A_2 = arith.index_cast %swap3A : i32 to index
    %swap3A_3 = arith.constant 0 : index
    %swap3A_4 = tpu.vector_load %arg19[%swap3A_2, %swap3A_3] {strides = array<i32>} : memref<40x16xf32, #tpu.memory_space<vmem>>, vector<16xf32>,
    tpu.vector_store %arg19[%swap3A_2, %swap3A_3], %broadcast_in_dim3A_1 {strides = array<i32>} : memref<40x16xf32, #tpu.memory_space<vmem>>, vector<16xf32>,
    %swap3A_5 = arith.constant 1 : i32
    %swap3A_6 = arith.index_cast %swap3A_5 : i32 to index
    %swap3A_7 = arith.constant 0 : index
    %swap3A_8 = tpu.vector_load %arg19[%swap3A_6, %swap3A_7] {strides = array<i32>} : memref<40x16xf32, #tpu.memory_space<vmem>>, vector<16xf32>,
    tpu.vector_store %arg19[%swap3A_6, %swap3A_7], %broadcast_in_dim3A_1 {strides = array<i32>} : memref<40x16xf32, #tpu.memory_space<vmem>>, vector<16xf32>,
    %swap3A_9 = arith.constant 2 : i32
    %swap3A_10 = arith.index_cast %swap3A_9 : i32 to index
    %swap3A_11 = arith.constant 0 : index
    %swap3A_12 = tpu.vector_load %arg19[%swap3A_10, %swap3A_11] {strides = array<i32>} : memref<40x16xf32, #tpu.memory_space<vmem>>, vector<16xf32>,
    tpu.vector_store %arg19[%swap3A_10, %swap3A_11], %broadcast_in_dim3A_1 {strides = array<i32>} : memref<40x16xf32, #tpu.memory_space<vmem>>, vector<16xf32>,
    %swap3A_13 = arith.constant 3 : i32
    %swap3A_14 = arith.index_cast %swap3A_13 : i32 to index
    %swap3A_15 = arith.constant 0 : index
    %swap3A_16 = tpu.vector_load %arg19[%swap3A_14, %swap3A_15] {strides = array<i32>} : memref<40x16xf32, #tpu.memory_space<vmem>>, vector<16xf32>,
    tpu.vector_store %arg19[%swap3A_14, %swap3A_15], %broadcast_in_dim3A_1 {strides = array<i32>} : memref<40x16xf32, #tpu.memory_space<vmem>>, vector<16xf32>,
    %swap3A_17 = arith.constant 4 : i32
    %swap3A_18 = arith.index_cast %swap3A_17 : i32 to index
    %swap3A_19 = arith.constant 0 : index
    %swap3A_20 = tpu.vector_load %arg19[%swap3A_18, %swap3A_19] {strides = array<i32>} : memref<40x16xf32, #tpu.memory_space<vmem>>, vector<16xf32>,
    tpu.vector_store %arg19[%swap3A_18, %swap3A_19], %broadcast_in_dim3A_1 {strides = array<i32>} : memref<40x16xf32, #tpu.memory_space<vmem>>, vector<16xf32>,
    %swap3A_21 = arith.constant 5 : i32
    %swap3A_22 = arith.index_cast %swap3A_21 : i32 to index
    %swap3A_23 = arith.constant 0 : index
    %swap3A_24 = tpu.vector_load %arg19[%swap3A_22, %swap3A_23] {strides = array<i32>} : memref<40x16xf32, #tpu.memory_space<vmem>>, vector<16xf32>,
    tpu.vector_store %arg19[%swap3A_22, %swap3A_23], %broadcast_in_dim3A_1 {strides = array<i32>} : memref<40x16xf32, #tpu.memory_space<vmem>>, vector<16xf32>,
    %swap3A_25 = arith.constant 6 : i32
    %swap3A_26 = arith.index_cast %swap3A_25 : i32 to index
    %swap3A_27 = arith.constant 0 : index
    %swap3A_28 = tpu.vector_load %arg19[%swap3A_26, %swap3A_27] {strides = array<i32>} : memref<40x16xf32, #tpu.memory_space<vmem>>, vector<16xf32>,
    tpu.vector_store %arg19[%swap3A_26, %swap3A_27], %broadcast_in_dim3A_1 {strides = array<i32>} : memref<40x16xf32, #tpu.memory_space<vmem>>, vector<16xf32>,
    %swap3A_29 = arith.constant 7 : i32
    %swap3A_30 = arith.index_cast %swap3A_29 : i32 to index
    %swap3A_31 = arith.constant 0 : index
    %swap3A_32 = tpu.vector_load %arg19[%swap3A_30, %swap3A_31] {strides = array<i32>} : memref<40x16xf32, #tpu.memory_space<vmem>>, vector<16xf32>,
    tpu.vector_store %arg19[%swap3A_30, %swap3A_31], %broadcast_in_dim3A_1 {strides = array<i32>} : memref<40x16xf32, #tpu.memory_space<vmem>>, vector<16xf32>,
    %swap3A_33 = arith.constant 8 : i32
    %swap3A_34 = arith.index_cast %swap3A_33 : i32 to index
    %swap3A_35 = arith.constant 0 : index
    %swap3A_36 = tpu.vector_load %arg19[%swap3A_34, %swap3A_35] {strides = array<i32>} : memref<40x16xf32, #tpu.memory_space<vmem>>, vector<16xf32>,
    tpu.vector_store %arg19[%swap3A_34, %swap3A_35], %broadcast_in_dim3A_1 {strides = array<i32>} : memref<40x16xf32, #tpu.memory_space<vmem>>, vector<16xf32>,
    %swap3A_37 = arith.constant 9 : i32
    %swap3A_38 = arith.index_cast %swap3A_37 : i32 to index
    %swap3A_39 = arith.constant 0 : index
    %swap3A_40 = tpu.vector_load %arg19[%swap3A_38, %swap3A_39] {strides = array<i32>} : memref<40x16xf32, #tpu.memory_space<vmem>>, vector<16xf32>,
    tpu.vector_store %arg19[%swap3A_38, %swap3A_39], %broadcast_in_dim3A_1 {strides = array<i32>} : memref<40x16xf32, #tpu.memory_space<vmem>>, vector<16xf32>,
    %swap3A_41 = arith.constant 10 : i32
    %swap3A_42 = arith.index_cast %swap3A_41 : i32 to index
    %swap3A_43 = arith.constant 0 : index
    %swap3A_44 = tpu.vector_load %arg19[%swap3A_42, %swap3A_43] {strides = array<i32>} : memref<40x16xf32, #tpu.memory_space<vmem>>, vector<16xf32>,
    tpu.vector_store %arg19[%swap3A_42, %swap3A_43], %broadcast_in_dim3A_1 {strides = array<i32>} : memref<40x16xf32, #tpu.memory_space<vmem>>, vector<16xf32>,
    %swap3A_45 = arith.constant 11 : i32
    %swap3A_46 = arith.index_cast %swap3A_45 : i32 to index
    %swap3A_47 = arith.constant 0 : index
    %swap3A_48 = tpu.vector_load %arg19[%swap3A_46, %swap3A_47] {strides = array<i32>} : memref<40x16xf32, #tpu.memory_space<vmem>>, vector<16xf32>,
    tpu.vector_store %arg19[%swap3A_46, %swap3A_47], %broadcast_in_dim3A_1 {strides = array<i32>} : memref<40x16xf32, #tpu.memory_space<vmem>>, vector<16xf32>,
    %swap3A_49 = arith.constant 12 : i32
    %swap3A_50 = arith.index_cast %swap3A_49 : i32 to index
    %swap3A_51 = arith.constant 0 : index
    %swap3A_52 = tpu.vector_load %arg19[%swap3A_50, %swap3A_51] {strides = array<i32>} : memref<40x16xf32, #tpu.memory_space<vmem>>, vector<16xf32>,
    tpu.vector_store %arg19[%swap3A_50, %swap3A_51], %broadcast_in_dim3A_1 {strides = array<i32>} : memref<40x16xf32, #tpu.memory_space<vmem>>, vector<16xf32>,
    %swap3A_53 = arith.constant 13 : i32
    %swap3A_54 = arith.index_cast %swap3A_53 : i32 to index
    %swap3A_55 = arith.constant 0 : index
    %swap3A_56 = tpu.vector_load %arg19[%swap3A_54, %swap3A_55] {strides = array<i32>} : memref<40x16xf32, #tpu.memory_space<vmem>>, vector<16xf32>,
    tpu.vector_store %arg19[%swap3A_54, %swap3A_55], %broadcast_in_dim3A_1 {strides = array<i32>} : memref<40x16xf32, #tpu.memory_space<vmem>>, vector<16xf32>,
    %swap3A_57 = arith.constant 14 : i32
    %swap3A_58 = arith.index_cast %swap3A_57 : i32 to index
    %swap3A_59 = arith.constant 0 : index
    %swap3A_60 = tpu.vector_load %arg19[%swap3A_58, %swap3A_59] {strides = array<i32>} : memref<40x16xf32, #tpu.memory_space<vmem>>, vector<16xf32>,
    tpu.vector_store %arg19[%swap3A_58, %swap3A_59], %broadcast_in_dim3A_1 {strides = array<i32>} : memref<40x16xf32, #tpu.memory_space<vmem>>, vector<16xf32>,
    %swap3A_61 = arith.constant 15 : i32
    %swap3A_62 = arith.index_cast %swap3A_61 : i32 to index
    %swap3A_63 = arith.constant 0 : index
    %swap3A_64 = tpu.vector_load %arg19[%swap3A_62, %swap3A_63] {strides = array<i32>} : memref<40x16xf32, #tpu.memory_space<vmem>>, vector<16xf32>,
    tpu.vector_store %arg19[%swap3A_62, %swap3A_63], %broadcast_in_dim3A_1 {strides = array<i32>} : memref<40x16xf32, #tpu.memory_space<vmem>>, vector<16xf32>,
    %swap3A_65 = arith.constant 16 : i32
    %swap3A_66 = arith.index_cast %swap3A_65 : i32 to index
    %swap3A_67 = arith.constant 0 : index
    %swap3A_68 = tpu.vector_load %arg19[%swap3A_66, %swap3A_67] {strides = array<i32>} : memref<40x16xf32, #tpu.memory_space<vmem>>, vector<16xf32>,
    tpu.vector_store %arg19[%swap3A_66, %swap3A_67], %broadcast_in_dim3A_1 {strides = array<i32>} : memref<40x16xf32, #tpu.memory_space<vmem>>, vector<16xf32>,
    %swap3A_69 = arith.constant 17 : i32
    %swap3A_70 = arith.index_cast %swap3A_69 : i32 to index
    %swap3A_71 = arith.constant 0 : index
    %swap3A_72 = tpu.vector_load %arg19[%swap3A_70, %swap3A_71] {strides = array<i32>} : memref<40x16xf32, #tpu.memory_space<vmem>>, vector<16xf32>,
    tpu.vector_store %arg19[%swap3A_70, %swap3A_71], %broadcast_in_dim3A_1 {strides = array<i32>} : memref<40x16xf32, #tpu.memory_space<vmem>>, vector<16xf32>,
    %swap3A_73 = arith.constant 18 : i32
    %swap3A_74 = arith.index_cast %swap3A_73 : i32 to index
    %swap3A_75 = arith.constant 0 : index
    %swap3A_76 = tpu.vector_load %arg19[%swap3A_74, %swap3A_75] {strides = array<i32>} : memref<40x16xf32, #tpu.memory_space<vmem>>, vector<16xf32>,
    tpu.vector_store %arg19[%swap3A_74, %swap3A_75], %broadcast_in_dim3A_1 {strides = array<i32>} : memref<40x16xf32, #tpu.memory_space<vmem>>, vector<16xf32>,
    %swap3A_77 = arith.constant 19 : i32
    %swap3A_78 = arith.index_cast %swap3A_77 : i32 to index
    %swap3A_79 = arith.constant 0 : index
    %swap3A_80 = tpu.vector_load %arg19[%swap3A_78, %swap3A_79] {strides = array<i32>} : memref<40x16xf32, #tpu.memory_space<vmem>>, vector<16xf32>,
    tpu.vector_store %arg19[%swap3A_78, %swap3A_79], %broadcast_in_dim3A_1 {strides = array<i32>} : memref<40x16xf32, #tpu.memory_space<vmem>>, vector<16xf32>,
    %swap3A_81 = arith.constant 20 : i32
    %swap3A_82 = arith.index_cast %swap3A_81 : i32 to index
    %swap3A_83 = arith.constant 0 : index
    %swap3A_84 = tpu.vector_load %arg19[%swap3A_82, %swap3A_83] {strides = array<i32>} : memref<40x16xf32, #tpu.memory_space<vmem>>, vector<16xf32>,
    tpu.vector_store %arg19[%swap3A_82, %swap3A_83], %broadcast_in_dim3A_1 {strides = array<i32>} : memref<40x16xf32, #tpu.memory_space<vmem>>, vector<16xf32>,
    %swap3A_85 = arith.constant 21 : i32
    %swap3A_86 = arith.index_cast %swap3A_85 : i32 to index
    %swap3A_87 = arith.constant 0 : index
    %swap3A_88 = tpu.vector_load %arg19[%swap3A_86, %swap3A_87] {strides = array<i32>} : memref<40x16xf32, #tpu.memory_space<vmem>>, vector<16xf32>,
    tpu.vector_store %arg19[%swap3A_86, %swap3A_87], %broadcast_in_dim3A_1 {strides = array<i32>} : memref<40x16xf32, #tpu.memory_space<vmem>>, vector<16xf32>,
    %swap3A_89 = arith.constant 22 : i32
    %swap3A_90 = arith.index_cast %swap3A_89 : i32 to index
    %swap3A_91 = arith.constant 0 : index
    %swap3A_92 = tpu.vector_load %arg19[%swap3A_90, %swap3A_91] {strides = array<i32>} : memref<40x16xf32, #tpu.memory_space<vmem>>, vector<16xf32>,
    tpu.vector_store %arg19[%swap3A_90, %swap3A_91], %broadcast_in_dim3A_1 {strides = array<i32>} : memref<40x16xf32, #tpu.memory_space<vmem>>, vector<16xf32>,
    %swap3A_93 = arith.constant 23 : i32
    %swap3A_94 = arith.index_cast %swap3A_93 : i32 to index
    %swap3A_95 = arith.constant 0 : index
    %swap3A_96 = tpu.vector_load %arg19[%swap3A_94, %swap3A_95] {strides = array<i32>} : memref<40x16xf32, #tpu.memory_space<vmem>>, vector<16xf32>,
    tpu.vector_store %arg19[%swap3A_94, %swap3A_95], %broadcast_in_dim3A_1 {strides = array<i32>} : memref<40x16xf32, #tpu.memory_space<vmem>>, vector<16xf32>,
    %swap3A_97 = arith.constant 24 : i32
    %swap3A_98 = arith.index_cast %swap3A_97 : i32 to index
    %swap3A_99 = arith.constant 0 : index
    %swap3A_100 = tpu.vector_load %arg19[%swap3A_98, %swap3A_99] {strides = array<i32>} : memref<40x16xf32, #tpu.memory_space<vmem>>, vector<16xf32>,
    tpu.vector_store %arg19[%swap3A_98, %swap3A_99], %broadcast_in_dim3A_1 {strides = array<i32>} : memref<40x16xf32, #tpu.memory_space<vmem>>, vector<16xf32>,
    %swap3A_101 = arith.constant 25 : i32
    %swap3A_102 = arith.index_cast %swap3A_101 : i32 to index
    %swap3A_103 = arith.constant 0 : index
    %swap3A_104 = tpu.vector_load %arg19[%swap3A_102, %swap3A_103] {strides = array<i32>} : memref<40x16xf32, #tpu.memory_space<vmem>>, vector<16xf32>,
    tpu.vector_store %arg19[%swap3A_102, %swap3A_103], %broadcast_in_dim3A_1 {strides = array<i32>} : memref<40x16xf32, #tpu.memory_space<vmem>>, vector<16xf32>,
    %swap3A_105 = arith.constant 26 : i32
    %swap3A_106 = arith.index_cast %swap3A_105 : i32 to index
    %swap3A_107 = arith.constant 0 : index
    %swap3A_108 = tpu.vector_load %arg19[%swap3A_106, %swap3A_107] {strides = array<i32>} : memref<40x16xf32, #tpu.memory_space<vmem>>, vector<16xf32>,
    tpu.vector_store %arg19[%swap3A_106, %swap3A_107], %broadcast_in_dim3A_1 {strides = array<i32>} : memref<40x16xf32, #tpu.memory_space<vmem>>, vector<16xf32>,
    %swap3A_109 = arith.constant 27 : i32
    %swap3A_110 = arith.index_cast %swap3A_109 : i32 to index
    %swap3A_111 = arith.constant 0 : index
    %swap3A_112 = tpu.vector_load %arg19[%swap3A_110, %swap3A_111] {strides = array<i32>} : memref<40x16xf32, #tpu.memory_space<vmem>>, vector<16xf32>,
    tpu.vector_store %arg19[%swap3A_110, %swap3A_111], %broadcast_in_dim3A_1 {strides = array<i32>} : memref<40x16xf32, #tpu.memory_space<vmem>>, vector<16xf32>,
    %swap3A_113 = arith.constant 28 : i32
    %swap3A_114 = arith.index_cast %swap3A_113 : i32 to index
    %swap3A_115 = arith.constant 0 : index
    %swap3A_116 = tpu.vector_load %arg19[%swap3A_114, %swap3A_115] {strides = array<i32>} : memref<40x16xf32, #tpu.memory_space<vmem>>, vector<16xf32>,
    tpu.vector_store %arg19[%swap3A_114, %swap3A_115], %broadcast_in_dim3A_1 {strides = array<i32>} : memref<40x16xf32, #tpu.memory_space<vmem>>, vector<16xf32>,
    %swap3A_117 = arith.constant 29 : i32
    %swap3A_118 = arith.index_cast %swap3A_117 : i32 to index
    %swap3A_119 = arith.constant 0 : index
    %swap3A_120 = tpu.vector_load %arg19[%swap3A_118, %swap3A_119] {strides = array<i32>} : memref<40x16xf32, #tpu.memory_space<vmem>>, vector<16xf32>,
    tpu.vector_store %arg19[%swap3A_118, %swap3A_119], %broadcast_in_dim3A_1 {strides = array<i32>} : memref<40x16xf32, #tpu.memory_space<vmem>>, vector<16xf32>,
    %swap3A_121 = arith.constant 30 : i32
    %swap3A_122 = arith.index_cast %swap3A_121 : i32 to index
    %swap3A_123 = arith.constant 0 : index
    %swap3A_124 = tpu.vector_load %arg19[%swap3A_122, %swap3A_123] {strides = array<i32>} : memref<40x16xf32, #tpu.memory_space<vmem>>, vector<16xf32>,
    tpu.vector_store %arg19[%swap3A_122, %swap3A_123], %broadcast_in_dim3A_1 {strides = array<i32>} : memref<40x16xf32, #tpu.memory_space<vmem>>, vector<16xf32>,
    %swap3A_125 = arith.constant 31 : i32
    %swap3A_126 = arith.index_cast %swap3A_125 : i32 to index
    %swap3A_127 = arith.constant 0 : index
    %swap3A_128 = tpu.vector_load %arg19[%swap3A_126, %swap3A_127] {strides = array<i32>} : memref<40x16xf32, #tpu.memory_space<vmem>>, vector<16xf32>,
    tpu.vector_store %arg19[%swap3A_126, %swap3A_127], %broadcast_in_dim3A_1 {strides = array<i32>} : memref<40x16xf32, #tpu.memory_space<vmem>>, vector<16xf32>,
    %swap3A_129 = arith.constant 32 : i32
    %swap3A_130 = arith.index_cast %swap3A_129 : i32 to index
    %swap3A_131 = arith.constant 0 : index
    %swap3A_132 = tpu.vector_load %arg19[%swap3A_130, %swap3A_131] {strides = array<i32>} : memref<40x16xf32, #tpu.memory_space<vmem>>, vector<16xf32>,
    tpu.vector_store %arg19[%swap3A_130, %swap3A_131], %broadcast_in_dim3A_1 {strides = array<i32>} : memref<40x16xf32, #tpu.memory_space<vmem>>, vector<16xf32>,
    %swap3A_133 = arith.constant 33 : i32
    %swap3A_134 = arith.index_cast %swap3A_133 : i32 to index
    %swap3A_135 = arith.constant 0 : index
    %swap3A_136 = tpu.vector_load %arg19[%swap3A_134, %swap3A_135] {strides = array<i32>} : memref<40x16xf32, #tpu.memory_space<vmem>>, vector<16xf32>,
    tpu.vector_store %arg19[%swap3A_134, %swap3A_135], %broadcast_in_dim3A_1 {strides = array<i32>} : memref<40x16xf32, #tpu.memory_space<vmem>>, vector<16xf32>,
    %swap3A_137 = arith.constant 34 : i32
    %swap3A_138 = arith.index_cast %swap3A_137 : i32 to index
    %swap3A_139 = arith.constant 0 : index
    %swap3A_140 = tpu.vector_load %arg19[%swap3A_138, %swap3A_139] {strides = array<i32>} : memref<40x16xf32, #tpu.memory_space<vmem>>, vector<16xf32>,
    tpu.vector_store %arg19[%swap3A_138, %swap3A_139], %broadcast_in_dim3A_1 {strides = array<i32>} : memref<40x16xf32, #tpu.memory_space<vmem>>, vector<16xf32>,
    %swap3A_141 = arith.constant 35 : i32
    %swap3A_142 = arith.index_cast %swap3A_141 : i32 to index
    %swap3A_143 = arith.constant 0 : index
    %swap3A_144 = tpu.vector_load %arg19[%swap3A_142, %swap3A_143] {strides = array<i32>} : memref<40x16xf32, #tpu.memory_space<vmem>>, vector<16xf32>,
    tpu.vector_store %arg19[%swap3A_142, %swap3A_143], %broadcast_in_dim3A_1 {strides = array<i32>} : memref<40x16xf32, #tpu.memory_space<vmem>>, vector<16xf32>,
    %swap3A_145 = arith.constant 36 : i32
    %swap3A_146 = arith.index_cast %swap3A_145 : i32 to index
    %swap3A_147 = arith.constant 0 : index
    %swap3A_148 = tpu.vector_load %arg19[%swap3A_146, %swap3A_147] {strides = array<i32>} : memref<40x16xf32, #tpu.memory_space<vmem>>, vector<16xf32>,
    tpu.vector_store %arg19[%swap3A_146, %swap3A_147], %broadcast_in_dim3A_1 {strides = array<i32>} : memref<40x16xf32, #tpu.memory_space<vmem>>, vector<16xf32>,
    %swap3A_149 = arith.constant 37 : i32
    %swap3A_150 = arith.index_cast %swap3A_149 : i32 to index
    %swap3A_151 = arith.constant 0 : index
    %swap3A_152 = tpu.vector_load %arg19[%swap3A_150, %swap3A_151] {strides = array<i32>} : memref<40x16xf32, #tpu.memory_space<vmem>>, vector<16xf32>,
    tpu.vector_store %arg19[%swap3A_150, %swap3A_151], %broadcast_in_dim3A_1 {strides = array<i32>} : memref<40x16xf32, #tpu.memory_space<vmem>>, vector<16xf32>,
    %swap3A_153 = arith.constant 38 : i32
    %swap3A_154 = arith.index_cast %swap3A_153 : i32 to index
    %swap3A_155 = arith.constant 0 : index
    %swap3A_156 = tpu.vector_load %arg19[%swap3A_154, %swap3A_155] {strides = array<i32>} : memref<40x16xf32, #tpu.memory_space<vmem>>, vector<16xf32>,
    tpu.vector_store %arg19[%swap3A_154, %swap3A_155], %broadcast_in_dim3A_1 {strides = array<i32>} : memref<40x16xf32, #tpu.memory_space<vmem>>, vector<16xf32>,
    %swap3A_157 = arith.constant 39 : i32
    %swap3A_158 = arith.index_cast %swap3A_157 : i32 to index
    %swap3A_159 = arith.constant 0 : index
    %swap3A_160 = tpu.vector_load %arg19[%swap3A_158, %swap3A_159] {strides = array<i32>} : memref<40x16xf32, #tpu.memory_space<vmem>>, vector<16xf32>,
    tpu.vector_store %arg19[%swap3A_158, %swap3A_159], %broadcast_in_dim3A_1 {strides = array<i32>} : memref<40x16xf32, #tpu.memory_space<vmem>>, vector<16xf32>,
    %mul3A_161 = arith.constant 40 : i32
    %mul3A_162 = arith.muli %arg1, %mul3A_161 : i32
    "tpu.region"() ({
      %run_scoped3A = tpu.sem_alloc : memref<!tpu.dma_semaphore, #tpu.memory_space<semaphore_mem>>
      %dma_start3A = arith.constant 0 : i32
      %dma_start3A_1491 = tpu.memref_slice %arg24[%mul3A_162, %dma_start3A] : memref<640x16xf32, #tpu.memory_space<vmem_shared>> -> memref<40x16xf32, #tpu.memory_space<vmem_shared>>
      %dma_start3A_1492 = arith.constant 0 : i32
      %dma_start3A_1493 = tpu.memref_slice %arg24[%mul3A_162, %dma_start3A_1492] : memref<640x16xf32, #tpu.memory_space<vmem_shared>> -> memref<40x16xf32, #tpu.memory_space<vmem_shared>>
      tpu.enqueue_dma source(%arg19 : memref<40x16xf32, #tpu.memory_space<vmem>>) target(%dma_start3A_1493 : memref<40x16xf32, #tpu.memory_space<vmem_shared>>) target_semaphore(%run_scoped3A : memref<!tpu.dma_semaphore, #tpu.memory_space<semaphore_mem>>)
      %dma_wait3A = arith.constant 0 : i32
      %dma_wait3A_1494 = tpu.memref_slice %arg24[%mul3A_162, %dma_wait3A] : memref<640x16xf32, #tpu.memory_space<vmem_shared>> -> memref<40x16xf32, #tpu.memory_space<vmem_shared>>
      %dma_wait3A_1495 = arith.constant 0 : i32
      %dma_wait3A_1496 = tpu.memref_slice %arg24[%mul3A_162, %dma_wait3A_1495] : memref<640x16xf32, #tpu.memory_space<vmem_shared>> -> memref<40x16xf32, #tpu.memory_space<vmem_shared>>
      tpu.wait_dma2 semaphore(%run_scoped3A : memref<!tpu.dma_semaphore, #tpu.memory_space<semaphore_mem>>) src(%arg19 : memref<40x16xf32, #tpu.memory_space<vmem>>) dst(%dma_wait3A_1496 : memref<40x16xf32, #tpu.memory_space<vmem_shared>>)
      tpu.yield
    }) : () -> ()
    %broadcast_in_dim3A_163 = arith.constant 0 : i32
    %broadcast_in_dim3A_164 = vector.broadcast %broadcast_in_dim3A_163 : i32 to vector<16xi32>
    %add3A = arith.constant 0 : i32
    %add3A_165 = vector.broadcast %add3A : i32 to vector<16xi32>
    %add3A_166 = arith.addi %add3A_165, %iota3A : vector<16xi32>
    tpu.vector_store_idx %arg21[%broadcast_in_dim3A_164, %add3A_166], %broadcast_in_dim3A_1 : memref<128x32xf32, #tpu.memory_space<vmem>>[vector<16xi32>, vector<16xi32>], vector<16xf32>,
    %broadcast_in_dim3A_167 = arith.constant 0 : i32
    %broadcast_in_dim3A_168 = vector.broadcast %broadcast_in_dim3A_167 : i32 to vector<16xi32>
    %add3A_169 = arith.constant 16 : i32
    %add3A_170 = vector.broadcast %add3A_169 : i32 to vector<16xi32>
    %add3A_171 = arith.addi %add3A_170, %iota3A : vector<16xi32>
    tpu.vector_store_idx %arg21[%broadcast_in_dim3A_168, %add3A_171], %broadcast_in_dim3A_1 : memref<128x32xf32, #tpu.memory_space<vmem>>[vector<16xi32>, vector<16xi32>], vector<16xf32>,
    %broadcast_in_dim3A_172 = arith.constant 1 : i32
    %broadcast_in_dim3A_173 = vector.broadcast %broadcast_in_dim3A_172 : i32 to vector<16xi32>
    %add3A_174 = arith.constant 0 : i32
    %add3A_175 = vector.broadcast %add3A_174 : i32 to vector<16xi32>
    %add3A_176 = arith.addi %add3A_175, %iota3A : vector<16xi32>
    tpu.vector_store_idx %arg21[%broadcast_in_dim3A_173, %add3A_176], %broadcast_in_dim3A_1 : memref<128x32xf32, #tpu.memory_space<vmem>>[vector<16xi32>, vector<16xi32>], vector<16xf32>,
    %broadcast_in_dim3A_177 = arith.constant 1 : i32
    %broadcast_in_dim3A_178 = vector.broadcast %broadcast_in_dim3A_177 : i32 to vector<16xi32>
    %add3A_179 = arith.constant 16 : i32
    %add3A_180 = vector.broadcast %add3A_179 : i32 to vector<16xi32>
    %add3A_181 = arith.addi %add3A_180, %iota3A : vector<16xi32>
    tpu.vector_store_idx %arg21[%broadcast_in_dim3A_178, %add3A_181], %broadcast_in_dim3A_1 : memref<128x32xf32, #tpu.memory_space<vmem>>[vector<16xi32>, vector<16xi32>], vector<16xf32>,
    %broadcast_in_dim3A_182 = arith.constant 2 : i32
    %broadcast_in_dim3A_183 = vector.broadcast %broadcast_in_dim3A_182 : i32 to vector<16xi32>
    %add3A_184 = arith.constant 0 : i32
    %add3A_185 = vector.broadcast %add3A_184 : i32 to vector<16xi32>
    %add3A_186 = arith.addi %add3A_185, %iota3A : vector<16xi32>
    tpu.vector_store_idx %arg21[%broadcast_in_dim3A_183, %add3A_186], %broadcast_in_dim3A_1 : memref<128x32xf32, #tpu.memory_space<vmem>>[vector<16xi32>, vector<16xi32>], vector<16xf32>,
    %broadcast_in_dim3A_187 = arith.constant 2 : i32
    %broadcast_in_dim3A_188 = vector.broadcast %broadcast_in_dim3A_187 : i32 to vector<16xi32>
    %add3A_189 = arith.constant 16 : i32
    %add3A_190 = vector.broadcast %add3A_189 : i32 to vector<16xi32>
    %add3A_191 = arith.addi %add3A_190, %iota3A : vector<16xi32>
    tpu.vector_store_idx %arg21[%broadcast_in_dim3A_188, %add3A_191], %broadcast_in_dim3A_1 : memref<128x32xf32, #tpu.memory_space<vmem>>[vector<16xi32>, vector<16xi32>], vector<16xf32>,
    %broadcast_in_dim3A_192 = arith.constant 3 : i32
    %broadcast_in_dim3A_193 = vector.broadcast %broadcast_in_dim3A_192 : i32 to vector<16xi32>
    %add3A_194 = arith.constant 0 : i32
    %add3A_195 = vector.broadcast %add3A_194 : i32 to vector<16xi32>
    %add3A_196 = arith.addi %add3A_195, %iota3A : vector<16xi32>
    tpu.vector_store_idx %arg21[%broadcast_in_dim3A_193, %add3A_196], %broadcast_in_dim3A_1 : memref<128x32xf32, #tpu.memory_space<vmem>>[vector<16xi32>, vector<16xi32>], vector<16xf32>,
    %broadcast_in_dim3A_197 = arith.constant 3 : i32
    %broadcast_in_dim3A_198 = vector.broadcast %broadcast_in_dim3A_197 : i32 to vector<16xi32>
    %add3A_199 = arith.constant 16 : i32
    %add3A_200 = vector.broadcast %add3A_199 : i32 to vector<16xi32>
    %add3A_201 = arith.addi %add3A_200, %iota3A : vector<16xi32>
    tpu.vector_store_idx %arg21[%broadcast_in_dim3A_198, %add3A_201], %broadcast_in_dim3A_1 : memref<128x32xf32, #tpu.memory_space<vmem>>[vector<16xi32>, vector<16xi32>], vector<16xf32>,
    %broadcast_in_dim3A_202 = arith.constant 4 : i32
    %broadcast_in_dim3A_203 = vector.broadcast %broadcast_in_dim3A_202 : i32 to vector<16xi32>
    %add3A_204 = arith.constant 0 : i32
    %add3A_205 = vector.broadcast %add3A_204 : i32 to vector<16xi32>
    %add3A_206 = arith.addi %add3A_205, %iota3A : vector<16xi32>
    tpu.vector_store_idx %arg21[%broadcast_in_dim3A_203, %add3A_206], %broadcast_in_dim3A_1 : memref<128x32xf32, #tpu.memory_space<vmem>>[vector<16xi32>, vector<16xi32>], vector<16xf32>,
    %broadcast_in_dim3A_207 = arith.constant 4 : i32
    %broadcast_in_dim3A_208 = vector.broadcast %broadcast_in_dim3A_207 : i32 to vector<16xi32>
    %add3A_209 = arith.constant 16 : i32
    %add3A_210 = vector.broadcast %add3A_209 : i32 to vector<16xi32>
    %add3A_211 = arith.addi %add3A_210, %iota3A : vector<16xi32>
    tpu.vector_store_idx %arg21[%broadcast_in_dim3A_208, %add3A_211], %broadcast_in_dim3A_1 : memref<128x32xf32, #tpu.memory_space<vmem>>[vector<16xi32>, vector<16xi32>], vector<16xf32>,
    %broadcast_in_dim3A_212 = arith.constant 5 : i32
    %broadcast_in_dim3A_213 = vector.broadcast %broadcast_in_dim3A_212 : i32 to vector<16xi32>
    %add3A_214 = arith.constant 0 : i32
    %add3A_215 = vector.broadcast %add3A_214 : i32 to vector<16xi32>
    %add3A_216 = arith.addi %add3A_215, %iota3A : vector<16xi32>
    tpu.vector_store_idx %arg21[%broadcast_in_dim3A_213, %add3A_216], %broadcast_in_dim3A_1 : memref<128x32xf32, #tpu.memory_space<vmem>>[vector<16xi32>, vector<16xi32>], vector<16xf32>,
    %broadcast_in_dim3A_217 = arith.constant 5 : i32
    %broadcast_in_dim3A_218 = vector.broadcast %broadcast_in_dim3A_217 : i32 to vector<16xi32>
    %add3A_219 = arith.constant 16 : i32
    %add3A_220 = vector.broadcast %add3A_219 : i32 to vector<16xi32>
    %add3A_221 = arith.addi %add3A_220, %iota3A : vector<16xi32>
    tpu.vector_store_idx %arg21[%broadcast_in_dim3A_218, %add3A_221], %broadcast_in_dim3A_1 : memref<128x32xf32, #tpu.memory_space<vmem>>[vector<16xi32>, vector<16xi32>], vector<16xf32>,
    %broadcast_in_dim3A_222 = arith.constant 6 : i32
    %broadcast_in_dim3A_223 = vector.broadcast %broadcast_in_dim3A_222 : i32 to vector<16xi32>
    %add3A_224 = arith.constant 0 : i32
    %add3A_225 = vector.broadcast %add3A_224 : i32 to vector<16xi32>
    %add3A_226 = arith.addi %add3A_225, %iota3A : vector<16xi32>
    tpu.vector_store_idx %arg21[%broadcast_in_dim3A_223, %add3A_226], %broadcast_in_dim3A_1 : memref<128x32xf32, #tpu.memory_space<vmem>>[vector<16xi32>, vector<16xi32>], vector<16xf32>,
    %broadcast_in_dim3A_227 = arith.constant 6 : i32
    %broadcast_in_dim3A_228 = vector.broadcast %broadcast_in_dim3A_227 : i32 to vector<16xi32>
    %add3A_229 = arith.constant 16 : i32
    %add3A_230 = vector.broadcast %add3A_229 : i32 to vector<16xi32>
    %add3A_231 = arith.addi %add3A_230, %iota3A : vector<16xi32>
    tpu.vector_store_idx %arg21[%broadcast_in_dim3A_228, %add3A_231], %broadcast_in_dim3A_1 : memref<128x32xf32, #tpu.memory_space<vmem>>[vector<16xi32>, vector<16xi32>], vector<16xf32>,
    %broadcast_in_dim3A_232 = arith.constant 7 : i32
    %broadcast_in_dim3A_233 = vector.broadcast %broadcast_in_dim3A_232 : i32 to vector<16xi32>
    %add3A_234 = arith.constant 0 : i32
    %add3A_235 = vector.broadcast %add3A_234 : i32 to vector<16xi32>
    %add3A_236 = arith.addi %add3A_235, %iota3A : vector<16xi32>
    tpu.vector_store_idx %arg21[%broadcast_in_dim3A_233, %add3A_236], %broadcast_in_dim3A_1 : memref<128x32xf32, #tpu.memory_space<vmem>>[vector<16xi32>, vector<16xi32>], vector<16xf32>,
    %broadcast_in_dim3A_237 = arith.constant 7 : i32
    %broadcast_in_dim3A_238 = vector.broadcast %broadcast_in_dim3A_237 : i32 to vector<16xi32>
    %add3A_239 = arith.constant 16 : i32
    %add3A_240 = vector.broadcast %add3A_239 : i32 to vector<16xi32>
    %add3A_241 = arith.addi %add3A_240, %iota3A : vector<16xi32>
    tpu.vector_store_idx %arg21[%broadcast_in_dim3A_238, %add3A_241], %broadcast_in_dim3A_1 : memref<128x32xf32, #tpu.memory_space<vmem>>[vector<16xi32>, vector<16xi32>], vector<16xf32>,
    %broadcast_in_dim3A_242 = arith.constant 8 : i32
    %broadcast_in_dim3A_243 = vector.broadcast %broadcast_in_dim3A_242 : i32 to vector<16xi32>
    %add3A_244 = arith.constant 0 : i32
    %add3A_245 = vector.broadcast %add3A_244 : i32 to vector<16xi32>
    %add3A_246 = arith.addi %add3A_245, %iota3A : vector<16xi32>
    tpu.vector_store_idx %arg21[%broadcast_in_dim3A_243, %add3A_246], %broadcast_in_dim3A_1 : memref<128x32xf32, #tpu.memory_space<vmem>>[vector<16xi32>, vector<16xi32>], vector<16xf32>,
    %broadcast_in_dim3A_247 = arith.constant 8 : i32
    %broadcast_in_dim3A_248 = vector.broadcast %broadcast_in_dim3A_247 : i32 to vector<16xi32>
    %add3A_249 = arith.constant 16 : i32
    %add3A_250 = vector.broadcast %add3A_249 : i32 to vector<16xi32>
    %add3A_251 = arith.addi %add3A_250, %iota3A : vector<16xi32>
    tpu.vector_store_idx %arg21[%broadcast_in_dim3A_248, %add3A_251], %broadcast_in_dim3A_1 : memref<128x32xf32, #tpu.memory_space<vmem>>[vector<16xi32>, vector<16xi32>], vector<16xf32>,
    %broadcast_in_dim3A_252 = arith.constant 9 : i32
    %broadcast_in_dim3A_253 = vector.broadcast %broadcast_in_dim3A_252 : i32 to vector<16xi32>
    %add3A_254 = arith.constant 0 : i32
    %add3A_255 = vector.broadcast %add3A_254 : i32 to vector<16xi32>
    %add3A_256 = arith.addi %add3A_255, %iota3A : vector<16xi32>
    tpu.vector_store_idx %arg21[%broadcast_in_dim3A_253, %add3A_256], %broadcast_in_dim3A_1 : memref<128x32xf32, #tpu.memory_space<vmem>>[vector<16xi32>, vector<16xi32>], vector<16xf32>,
    %broadcast_in_dim3A_257 = arith.constant 9 : i32
    %broadcast_in_dim3A_258 = vector.broadcast %broadcast_in_dim3A_257 : i32 to vector<16xi32>
    %add3A_259 = arith.constant 16 : i32
    %add3A_260 = vector.broadcast %add3A_259 : i32 to vector<16xi32>
    %add3A_261 = arith.addi %add3A_260, %iota3A : vector<16xi32>
    tpu.vector_store_idx %arg21[%broadcast_in_dim3A_258, %add3A_261], %broadcast_in_dim3A_1 : memref<128x32xf32, #tpu.memory_space<vmem>>[vector<16xi32>, vector<16xi32>], vector<16xf32>,
    %broadcast_in_dim3A_262 = arith.constant 10 : i32
    %broadcast_in_dim3A_263 = vector.broadcast %broadcast_in_dim3A_262 : i32 to vector<16xi32>
    %add3A_264 = arith.constant 0 : i32
    %add3A_265 = vector.broadcast %add3A_264 : i32 to vector<16xi32>
    %add3A_266 = arith.addi %add3A_265, %iota3A : vector<16xi32>
    tpu.vector_store_idx %arg21[%broadcast_in_dim3A_263, %add3A_266], %broadcast_in_dim3A_1 : memref<128x32xf32, #tpu.memory_space<vmem>>[vector<16xi32>, vector<16xi32>], vector<16xf32>,
    %broadcast_in_dim3A_267 = arith.constant 10 : i32
    %broadcast_in_dim3A_268 = vector.broadcast %broadcast_in_dim3A_267 : i32 to vector<16xi32>
    %add3A_269 = arith.constant 16 : i32
    %add3A_270 = vector.broadcast %add3A_269 : i32 to vector<16xi32>
    %add3A_271 = arith.addi %add3A_270, %iota3A : vector<16xi32>
    tpu.vector_store_idx %arg21[%broadcast_in_dim3A_268, %add3A_271], %broadcast_in_dim3A_1 : memref<128x32xf32, #tpu.memory_space<vmem>>[vector<16xi32>, vector<16xi32>], vector<16xf32>,
    %broadcast_in_dim3A_272 = arith.constant 11 : i32
    %broadcast_in_dim3A_273 = vector.broadcast %broadcast_in_dim3A_272 : i32 to vector<16xi32>
    %add3A_274 = arith.constant 0 : i32
    %add3A_275 = vector.broadcast %add3A_274 : i32 to vector<16xi32>
    %add3A_276 = arith.addi %add3A_275, %iota3A : vector<16xi32>
    tpu.vector_store_idx %arg21[%broadcast_in_dim3A_273, %add3A_276], %broadcast_in_dim3A_1 : memref<128x32xf32, #tpu.memory_space<vmem>>[vector<16xi32>, vector<16xi32>], vector<16xf32>,
    %broadcast_in_dim3A_277 = arith.constant 11 : i32
    %broadcast_in_dim3A_278 = vector.broadcast %broadcast_in_dim3A_277 : i32 to vector<16xi32>
    %add3A_279 = arith.constant 16 : i32
    %add3A_280 = vector.broadcast %add3A_279 : i32 to vector<16xi32>
    %add3A_281 = arith.addi %add3A_280, %iota3A : vector<16xi32>
    tpu.vector_store_idx %arg21[%broadcast_in_dim3A_278, %add3A_281], %broadcast_in_dim3A_1 : memref<128x32xf32, #tpu.memory_space<vmem>>[vector<16xi32>, vector<16xi32>], vector<16xf32>,
    %broadcast_in_dim3A_282 = arith.constant 12 : i32
    %broadcast_in_dim3A_283 = vector.broadcast %broadcast_in_dim3A_282 : i32 to vector<16xi32>
    %add3A_284 = arith.constant 0 : i32
    %add3A_285 = vector.broadcast %add3A_284 : i32 to vector<16xi32>
    %add3A_286 = arith.addi %add3A_285, %iota3A : vector<16xi32>
    tpu.vector_store_idx %arg21[%broadcast_in_dim3A_283, %add3A_286], %broadcast_in_dim3A_1 : memref<128x32xf32, #tpu.memory_space<vmem>>[vector<16xi32>, vector<16xi32>], vector<16xf32>,
    %broadcast_in_dim3A_287 = arith.constant 12 : i32
    %broadcast_in_dim3A_288 = vector.broadcast %broadcast_in_dim3A_287 : i32 to vector<16xi32>
    %add3A_289 = arith.constant 16 : i32
    %add3A_290 = vector.broadcast %add3A_289 : i32 to vector<16xi32>
    %add3A_291 = arith.addi %add3A_290, %iota3A : vector<16xi32>
    tpu.vector_store_idx %arg21[%broadcast_in_dim3A_288, %add3A_291], %broadcast_in_dim3A_1 : memref<128x32xf32, #tpu.memory_space<vmem>>[vector<16xi32>, vector<16xi32>], vector<16xf32>,
    %broadcast_in_dim3A_292 = arith.constant 13 : i32
    %broadcast_in_dim3A_293 = vector.broadcast %broadcast_in_dim3A_292 : i32 to vector<16xi32>
    %add3A_294 = arith.constant 0 : i32
    %add3A_295 = vector.broadcast %add3A_294 : i32 to vector<16xi32>
    %add3A_296 = arith.addi %add3A_295, %iota3A : vector<16xi32>
    tpu.vector_store_idx %arg21[%broadcast_in_dim3A_293, %add3A_296], %broadcast_in_dim3A_1 : memref<128x32xf32, #tpu.memory_space<vmem>>[vector<16xi32>, vector<16xi32>], vector<16xf32>,
    %broadcast_in_dim3A_297 = arith.constant 13 : i32
    %broadcast_in_dim3A_298 = vector.broadcast %broadcast_in_dim3A_297 : i32 to vector<16xi32>
    %add3A_299 = arith.constant 16 : i32
    %add3A_300 = vector.broadcast %add3A_299 : i32 to vector<16xi32>
    %add3A_301 = arith.addi %add3A_300, %iota3A : vector<16xi32>
    tpu.vector_store_idx %arg21[%broadcast_in_dim3A_298, %add3A_301], %broadcast_in_dim3A_1 : memref<128x32xf32, #tpu.memory_space<vmem>>[vector<16xi32>, vector<16xi32>], vector<16xf32>,
    %broadcast_in_dim3A_302 = arith.constant 14 : i32
    %broadcast_in_dim3A_303 = vector.broadcast %broadcast_in_dim3A_302 : i32 to vector<16xi32>
    %add3A_304 = arith.constant 0 : i32
    %add3A_305 = vector.broadcast %add3A_304 : i32 to vector<16xi32>
    %add3A_306 = arith.addi %add3A_305, %iota3A : vector<16xi32>
    tpu.vector_store_idx %arg21[%broadcast_in_dim3A_303, %add3A_306], %broadcast_in_dim3A_1 : memref<128x32xf32, #tpu.memory_space<vmem>>[vector<16xi32>, vector<16xi32>], vector<16xf32>,
    %broadcast_in_dim3A_307 = arith.constant 14 : i32
    %broadcast_in_dim3A_308 = vector.broadcast %broadcast_in_dim3A_307 : i32 to vector<16xi32>
    %add3A_309 = arith.constant 16 : i32
    %add3A_310 = vector.broadcast %add3A_309 : i32 to vector<16xi32>
    %add3A_311 = arith.addi %add3A_310, %iota3A : vector<16xi32>
    tpu.vector_store_idx %arg21[%broadcast_in_dim3A_308, %add3A_311], %broadcast_in_dim3A_1 : memref<128x32xf32, #tpu.memory_space<vmem>>[vector<16xi32>, vector<16xi32>], vector<16xf32>,
    %broadcast_in_dim3A_312 = arith.constant 15 : i32
    %broadcast_in_dim3A_313 = vector.broadcast %broadcast_in_dim3A_312 : i32 to vector<16xi32>
    %add3A_314 = arith.constant 0 : i32
    %add3A_315 = vector.broadcast %add3A_314 : i32 to vector<16xi32>
    %add3A_316 = arith.addi %add3A_315, %iota3A : vector<16xi32>
    tpu.vector_store_idx %arg21[%broadcast_in_dim3A_313, %add3A_316], %broadcast_in_dim3A_1 : memref<128x32xf32, #tpu.memory_space<vmem>>[vector<16xi32>, vector<16xi32>], vector<16xf32>,
    %broadcast_in_dim3A_317 = arith.constant 15 : i32
    %broadcast_in_dim3A_318 = vector.broadcast %broadcast_in_dim3A_317 : i32 to vector<16xi32>
    %add3A_319 = arith.constant 16 : i32
    %add3A_320 = vector.broadcast %add3A_319 : i32 to vector<16xi32>
    %add3A_321 = arith.addi %add3A_320, %iota3A : vector<16xi32>
    tpu.vector_store_idx %arg21[%broadcast_in_dim3A_318, %add3A_321], %broadcast_in_dim3A_1 : memref<128x32xf32, #tpu.memory_space<vmem>>[vector<16xi32>, vector<16xi32>], vector<16xf32>,
    %broadcast_in_dim3A_322 = arith.constant 16 : i32
    %broadcast_in_dim3A_323 = vector.broadcast %broadcast_in_dim3A_322 : i32 to vector<16xi32>
    %add3A_324 = arith.constant 0 : i32
    %add3A_325 = vector.broadcast %add3A_324 : i32 to vector<16xi32>
    %add3A_326 = arith.addi %add3A_325, %iota3A : vector<16xi32>
    tpu.vector_store_idx %arg21[%broadcast_in_dim3A_323, %add3A_326], %broadcast_in_dim3A_1 : memref<128x32xf32, #tpu.memory_space<vmem>>[vector<16xi32>, vector<16xi32>], vector<16xf32>,
    %broadcast_in_dim3A_327 = arith.constant 16 : i32
    %broadcast_in_dim3A_328 = vector.broadcast %broadcast_in_dim3A_327 : i32 to vector<16xi32>
    %add3A_329 = arith.constant 16 : i32
    %add3A_330 = vector.broadcast %add3A_329 : i32 to vector<16xi32>
    %add3A_331 = arith.addi %add3A_330, %iota3A : vector<16xi32>
    tpu.vector_store_idx %arg21[%broadcast_in_dim3A_328, %add3A_331], %broadcast_in_dim3A_1 : memref<128x32xf32, #tpu.memory_space<vmem>>[vector<16xi32>, vector<16xi32>], vector<16xf32>,
    %broadcast_in_dim3A_332 = arith.constant 17 : i32
    %broadcast_in_dim3A_333 = vector.broadcast %broadcast_in_dim3A_332 : i32 to vector<16xi32>
    %add3A_334 = arith.constant 0 : i32
    %add3A_335 = vector.broadcast %add3A_334 : i32 to vector<16xi32>
    %add3A_336 = arith.addi %add3A_335, %iota3A : vector<16xi32>
    tpu.vector_store_idx %arg21[%broadcast_in_dim3A_333, %add3A_336], %broadcast_in_dim3A_1 : memref<128x32xf32, #tpu.memory_space<vmem>>[vector<16xi32>, vector<16xi32>], vector<16xf32>,
    %broadcast_in_dim3A_337 = arith.constant 17 : i32
    %broadcast_in_dim3A_338 = vector.broadcast %broadcast_in_dim3A_337 : i32 to vector<16xi32>
    %add3A_339 = arith.constant 16 : i32
    %add3A_340 = vector.broadcast %add3A_339 : i32 to vector<16xi32>
    %add3A_341 = arith.addi %add3A_340, %iota3A : vector<16xi32>
    tpu.vector_store_idx %arg21[%broadcast_in_dim3A_338, %add3A_341], %broadcast_in_dim3A_1 : memref<128x32xf32, #tpu.memory_space<vmem>>[vector<16xi32>, vector<16xi32>], vector<16xf32>,
    %broadcast_in_dim3A_342 = arith.constant 18 : i32
    %broadcast_in_dim3A_343 = vector.broadcast %broadcast_in_dim3A_342 : i32 to vector<16xi32>
    %add3A_344 = arith.constant 0 : i32
    %add3A_345 = vector.broadcast %add3A_344 : i32 to vector<16xi32>
    %add3A_346 = arith.addi %add3A_345, %iota3A : vector<16xi32>
    tpu.vector_store_idx %arg21[%broadcast_in_dim3A_343, %add3A_346], %broadcast_in_dim3A_1 : memref<128x32xf32, #tpu.memory_space<vmem>>[vector<16xi32>, vector<16xi32>], vector<16xf32>,
    %broadcast_in_dim3A_347 = arith.constant 18 : i32
    %broadcast_in_dim3A_348 = vector.broadcast %broadcast_in_dim3A_347 : i32 to vector<16xi32>
    %add3A_349 = arith.constant 16 : i32
    %add3A_350 = vector.broadcast %add3A_349 : i32 to vector<16xi32>
    %add3A_351 = arith.addi %add3A_350, %iota3A : vector<16xi32>
    tpu.vector_store_idx %arg21[%broadcast_in_dim3A_348, %add3A_351], %broadcast_in_dim3A_1 : memref<128x32xf32, #tpu.memory_space<vmem>>[vector<16xi32>, vector<16xi32>], vector<16xf32>,
    %broadcast_in_dim3A_352 = arith.constant 19 : i32
    %broadcast_in_dim3A_353 = vector.broadcast %broadcast_in_dim3A_352 : i32 to vector<16xi32>
    %add3A_354 = arith.constant 0 : i32
    %add3A_355 = vector.broadcast %add3A_354 : i32 to vector<16xi32>
    %add3A_356 = arith.addi %add3A_355, %iota3A : vector<16xi32>
    tpu.vector_store_idx %arg21[%broadcast_in_dim3A_353, %add3A_356], %broadcast_in_dim3A_1 : memref<128x32xf32, #tpu.memory_space<vmem>>[vector<16xi32>, vector<16xi32>], vector<16xf32>,
    %broadcast_in_dim3A_357 = arith.constant 19 : i32
    %broadcast_in_dim3A_358 = vector.broadcast %broadcast_in_dim3A_357 : i32 to vector<16xi32>
    %add3A_359 = arith.constant 16 : i32
    %add3A_360 = vector.broadcast %add3A_359 : i32 to vector<16xi32>
    %add3A_361 = arith.addi %add3A_360, %iota3A : vector<16xi32>
    tpu.vector_store_idx %arg21[%broadcast_in_dim3A_358, %add3A_361], %broadcast_in_dim3A_1 : memref<128x32xf32, #tpu.memory_space<vmem>>[vector<16xi32>, vector<16xi32>], vector<16xf32>,
    %broadcast_in_dim3A_362 = arith.constant 20 : i32
    %broadcast_in_dim3A_363 = vector.broadcast %broadcast_in_dim3A_362 : i32 to vector<16xi32>
    %add3A_364 = arith.constant 0 : i32
    %add3A_365 = vector.broadcast %add3A_364 : i32 to vector<16xi32>
    %add3A_366 = arith.addi %add3A_365, %iota3A : vector<16xi32>
    tpu.vector_store_idx %arg21[%broadcast_in_dim3A_363, %add3A_366], %broadcast_in_dim3A_1 : memref<128x32xf32, #tpu.memory_space<vmem>>[vector<16xi32>, vector<16xi32>], vector<16xf32>,
    %broadcast_in_dim3A_367 = arith.constant 20 : i32
    %broadcast_in_dim3A_368 = vector.broadcast %broadcast_in_dim3A_367 : i32 to vector<16xi32>
    %add3A_369 = arith.constant 16 : i32
    %add3A_370 = vector.broadcast %add3A_369 : i32 to vector<16xi32>
    %add3A_371 = arith.addi %add3A_370, %iota3A : vector<16xi32>
    tpu.vector_store_idx %arg21[%broadcast_in_dim3A_368, %add3A_371], %broadcast_in_dim3A_1 : memref<128x32xf32, #tpu.memory_space<vmem>>[vector<16xi32>, vector<16xi32>], vector<16xf32>,
    %broadcast_in_dim3A_372 = arith.constant 21 : i32
    %broadcast_in_dim3A_373 = vector.broadcast %broadcast_in_dim3A_372 : i32 to vector<16xi32>
    %add3A_374 = arith.constant 0 : i32
    %add3A_375 = vector.broadcast %add3A_374 : i32 to vector<16xi32>
    %add3A_376 = arith.addi %add3A_375, %iota3A : vector<16xi32>
    tpu.vector_store_idx %arg21[%broadcast_in_dim3A_373, %add3A_376], %broadcast_in_dim3A_1 : memref<128x32xf32, #tpu.memory_space<vmem>>[vector<16xi32>, vector<16xi32>], vector<16xf32>,
    %broadcast_in_dim3A_377 = arith.constant 21 : i32
    %broadcast_in_dim3A_378 = vector.broadcast %broadcast_in_dim3A_377 : i32 to vector<16xi32>
    %add3A_379 = arith.constant 16 : i32
    %add3A_380 = vector.broadcast %add3A_379 : i32 to vector<16xi32>
    %add3A_381 = arith.addi %add3A_380, %iota3A : vector<16xi32>
    tpu.vector_store_idx %arg21[%broadcast_in_dim3A_378, %add3A_381], %broadcast_in_dim3A_1 : memref<128x32xf32, #tpu.memory_space<vmem>>[vector<16xi32>, vector<16xi32>], vector<16xf32>,
    %broadcast_in_dim3A_382 = arith.constant 22 : i32
    %broadcast_in_dim3A_383 = vector.broadcast %broadcast_in_dim3A_382 : i32 to vector<16xi32>
    %add3A_384 = arith.constant 0 : i32
    %add3A_385 = vector.broadcast %add3A_384 : i32 to vector<16xi32>
    %add3A_386 = arith.addi %add3A_385, %iota3A : vector<16xi32>
    tpu.vector_store_idx %arg21[%broadcast_in_dim3A_383, %add3A_386], %broadcast_in_dim3A_1 : memref<128x32xf32, #tpu.memory_space<vmem>>[vector<16xi32>, vector<16xi32>], vector<16xf32>,
    %broadcast_in_dim3A_387 = arith.constant 22 : i32
    %broadcast_in_dim3A_388 = vector.broadcast %broadcast_in_dim3A_387 : i32 to vector<16xi32>
    %add3A_389 = arith.constant 16 : i32
    %add3A_390 = vector.broadcast %add3A_389 : i32 to vector<16xi32>
    %add3A_391 = arith.addi %add3A_390, %iota3A : vector<16xi32>
    tpu.vector_store_idx %arg21[%broadcast_in_dim3A_388, %add3A_391], %broadcast_in_dim3A_1 : memref<128x32xf32, #tpu.memory_space<vmem>>[vector<16xi32>, vector<16xi32>], vector<16xf32>,
    %broadcast_in_dim3A_392 = arith.constant 23 : i32
    %broadcast_in_dim3A_393 = vector.broadcast %broadcast_in_dim3A_392 : i32 to vector<16xi32>
    %add3A_394 = arith.constant 0 : i32
    %add3A_395 = vector.broadcast %add3A_394 : i32 to vector<16xi32>
    %add3A_396 = arith.addi %add3A_395, %iota3A : vector<16xi32>
    tpu.vector_store_idx %arg21[%broadcast_in_dim3A_393, %add3A_396], %broadcast_in_dim3A_1 : memref<128x32xf32, #tpu.memory_space<vmem>>[vector<16xi32>, vector<16xi32>], vector<16xf32>,
    %broadcast_in_dim3A_397 = arith.constant 23 : i32
    %broadcast_in_dim3A_398 = vector.broadcast %broadcast_in_dim3A_397 : i32 to vector<16xi32>
    %add3A_399 = arith.constant 16 : i32
    %add3A_400 = vector.broadcast %add3A_399 : i32 to vector<16xi32>
    %add3A_401 = arith.addi %add3A_400, %iota3A : vector<16xi32>
    tpu.vector_store_idx %arg21[%broadcast_in_dim3A_398, %add3A_401], %broadcast_in_dim3A_1 : memref<128x32xf32, #tpu.memory_space<vmem>>[vector<16xi32>, vector<16xi32>], vector<16xf32>,
    %broadcast_in_dim3A_402 = arith.constant 24 : i32
    %broadcast_in_dim3A_403 = vector.broadcast %broadcast_in_dim3A_402 : i32 to vector<16xi32>
    %add3A_404 = arith.constant 0 : i32
    %add3A_405 = vector.broadcast %add3A_404 : i32 to vector<16xi32>
    %add3A_406 = arith.addi %add3A_405, %iota3A : vector<16xi32>
    tpu.vector_store_idx %arg21[%broadcast_in_dim3A_403, %add3A_406], %broadcast_in_dim3A_1 : memref<128x32xf32, #tpu.memory_space<vmem>>[vector<16xi32>, vector<16xi32>], vector<16xf32>,
    %broadcast_in_dim3A_407 = arith.constant 24 : i32
    %broadcast_in_dim3A_408 = vector.broadcast %broadcast_in_dim3A_407 : i32 to vector<16xi32>
    %add3A_409 = arith.constant 16 : i32
    %add3A_410 = vector.broadcast %add3A_409 : i32 to vector<16xi32>
    %add3A_411 = arith.addi %add3A_410, %iota3A : vector<16xi32>
    tpu.vector_store_idx %arg21[%broadcast_in_dim3A_408, %add3A_411], %broadcast_in_dim3A_1 : memref<128x32xf32, #tpu.memory_space<vmem>>[vector<16xi32>, vector<16xi32>], vector<16xf32>,
    %broadcast_in_dim3A_412 = arith.constant 25 : i32
    %broadcast_in_dim3A_413 = vector.broadcast %broadcast_in_dim3A_412 : i32 to vector<16xi32>
    %add3A_414 = arith.constant 0 : i32
    %add3A_415 = vector.broadcast %add3A_414 : i32 to vector<16xi32>
    %add3A_416 = arith.addi %add3A_415, %iota3A : vector<16xi32>
    tpu.vector_store_idx %arg21[%broadcast_in_dim3A_413, %add3A_416], %broadcast_in_dim3A_1 : memref<128x32xf32, #tpu.memory_space<vmem>>[vector<16xi32>, vector<16xi32>], vector<16xf32>,
    %broadcast_in_dim3A_417 = arith.constant 25 : i32
    %broadcast_in_dim3A_418 = vector.broadcast %broadcast_in_dim3A_417 : i32 to vector<16xi32>
    %add3A_419 = arith.constant 16 : i32
    %add3A_420 = vector.broadcast %add3A_419 : i32 to vector<16xi32>
    %add3A_421 = arith.addi %add3A_420, %iota3A : vector<16xi32>
    tpu.vector_store_idx %arg21[%broadcast_in_dim3A_418, %add3A_421], %broadcast_in_dim3A_1 : memref<128x32xf32, #tpu.memory_space<vmem>>[vector<16xi32>, vector<16xi32>], vector<16xf32>,
    %broadcast_in_dim3A_422 = arith.constant 26 : i32
    %broadcast_in_dim3A_423 = vector.broadcast %broadcast_in_dim3A_422 : i32 to vector<16xi32>
    %add3A_424 = arith.constant 0 : i32
    %add3A_425 = vector.broadcast %add3A_424 : i32 to vector<16xi32>
    %add3A_426 = arith.addi %add3A_425, %iota3A : vector<16xi32>
    tpu.vector_store_idx %arg21[%broadcast_in_dim3A_423, %add3A_426], %broadcast_in_dim3A_1 : memref<128x32xf32, #tpu.memory_space<vmem>>[vector<16xi32>, vector<16xi32>], vector<16xf32>,
    %broadcast_in_dim3A_427 = arith.constant 26 : i32
    %broadcast_in_dim3A_428 = vector.broadcast %broadcast_in_dim3A_427 : i32 to vector<16xi32>
    %add3A_429 = arith.constant 16 : i32
    %add3A_430 = vector.broadcast %add3A_429 : i32 to vector<16xi32>
    %add3A_431 = arith.addi %add3A_430, %iota3A : vector<16xi32>
    tpu.vector_store_idx %arg21[%broadcast_in_dim3A_428, %add3A_431], %broadcast_in_dim3A_1 : memref<128x32xf32, #tpu.memory_space<vmem>>[vector<16xi32>, vector<16xi32>], vector<16xf32>,
    %broadcast_in_dim3A_432 = arith.constant 27 : i32
    %broadcast_in_dim3A_433 = vector.broadcast %broadcast_in_dim3A_432 : i32 to vector<16xi32>
    %add3A_434 = arith.constant 0 : i32
    %add3A_435 = vector.broadcast %add3A_434 : i32 to vector<16xi32>
    %add3A_436 = arith.addi %add3A_435, %iota3A : vector<16xi32>
    tpu.vector_store_idx %arg21[%broadcast_in_dim3A_433, %add3A_436], %broadcast_in_dim3A_1 : memref<128x32xf32, #tpu.memory_space<vmem>>[vector<16xi32>, vector<16xi32>], vector<16xf32>,
    %broadcast_in_dim3A_437 = arith.constant 27 : i32
    %broadcast_in_dim3A_438 = vector.broadcast %broadcast_in_dim3A_437 : i32 to vector<16xi32>
    %add3A_439 = arith.constant 16 : i32
    %add3A_440 = vector.broadcast %add3A_439 : i32 to vector<16xi32>
    %add3A_441 = arith.addi %add3A_440, %iota3A : vector<16xi32>
    tpu.vector_store_idx %arg21[%broadcast_in_dim3A_438, %add3A_441], %broadcast_in_dim3A_1 : memref<128x32xf32, #tpu.memory_space<vmem>>[vector<16xi32>, vector<16xi32>], vector<16xf32>,
    %broadcast_in_dim3A_442 = arith.constant 28 : i32
    %broadcast_in_dim3A_443 = vector.broadcast %broadcast_in_dim3A_442 : i32 to vector<16xi32>
    %add3A_444 = arith.constant 0 : i32
    %add3A_445 = vector.broadcast %add3A_444 : i32 to vector<16xi32>
    %add3A_446 = arith.addi %add3A_445, %iota3A : vector<16xi32>
    tpu.vector_store_idx %arg21[%broadcast_in_dim3A_443, %add3A_446], %broadcast_in_dim3A_1 : memref<128x32xf32, #tpu.memory_space<vmem>>[vector<16xi32>, vector<16xi32>], vector<16xf32>,
    %broadcast_in_dim3A_447 = arith.constant 28 : i32
    %broadcast_in_dim3A_448 = vector.broadcast %broadcast_in_dim3A_447 : i32 to vector<16xi32>
    %add3A_449 = arith.constant 16 : i32
    %add3A_450 = vector.broadcast %add3A_449 : i32 to vector<16xi32>
    %add3A_451 = arith.addi %add3A_450, %iota3A : vector<16xi32>
    tpu.vector_store_idx %arg21[%broadcast_in_dim3A_448, %add3A_451], %broadcast_in_dim3A_1 : memref<128x32xf32, #tpu.memory_space<vmem>>[vector<16xi32>, vector<16xi32>], vector<16xf32>,
    %broadcast_in_dim3A_452 = arith.constant 29 : i32
    %broadcast_in_dim3A_453 = vector.broadcast %broadcast_in_dim3A_452 : i32 to vector<16xi32>
    %add3A_454 = arith.constant 0 : i32
    %add3A_455 = vector.broadcast %add3A_454 : i32 to vector<16xi32>
    %add3A_456 = arith.addi %add3A_455, %iota3A : vector<16xi32>
    tpu.vector_store_idx %arg21[%broadcast_in_dim3A_453, %add3A_456], %broadcast_in_dim3A_1 : memref<128x32xf32, #tpu.memory_space<vmem>>[vector<16xi32>, vector<16xi32>], vector<16xf32>,
    %broadcast_in_dim3A_457 = arith.constant 29 : i32
    %broadcast_in_dim3A_458 = vector.broadcast %broadcast_in_dim3A_457 : i32 to vector<16xi32>
    %add3A_459 = arith.constant 16 : i32
    %add3A_460 = vector.broadcast %add3A_459 : i32 to vector<16xi32>
    %add3A_461 = arith.addi %add3A_460, %iota3A : vector<16xi32>
    tpu.vector_store_idx %arg21[%broadcast_in_dim3A_458, %add3A_461], %broadcast_in_dim3A_1 : memref<128x32xf32, #tpu.memory_space<vmem>>[vector<16xi32>, vector<16xi32>], vector<16xf32>,
    %broadcast_in_dim3A_462 = arith.constant 30 : i32
    %broadcast_in_dim3A_463 = vector.broadcast %broadcast_in_dim3A_462 : i32 to vector<16xi32>
    %add3A_464 = arith.constant 0 : i32
    %add3A_465 = vector.broadcast %add3A_464 : i32 to vector<16xi32>
    %add3A_466 = arith.addi %add3A_465, %iota3A : vector<16xi32>
    tpu.vector_store_idx %arg21[%broadcast_in_dim3A_463, %add3A_466], %broadcast_in_dim3A_1 : memref<128x32xf32, #tpu.memory_space<vmem>>[vector<16xi32>, vector<16xi32>], vector<16xf32>,
    %broadcast_in_dim3A_467 = arith.constant 30 : i32
    %broadcast_in_dim3A_468 = vector.broadcast %broadcast_in_dim3A_467 : i32 to vector<16xi32>
    %add3A_469 = arith.constant 16 : i32
    %add3A_470 = vector.broadcast %add3A_469 : i32 to vector<16xi32>
    %add3A_471 = arith.addi %add3A_470, %iota3A : vector<16xi32>
    tpu.vector_store_idx %arg21[%broadcast_in_dim3A_468, %add3A_471], %broadcast_in_dim3A_1 : memref<128x32xf32, #tpu.memory_space<vmem>>[vector<16xi32>, vector<16xi32>], vector<16xf32>,
    %broadcast_in_dim3A_472 = arith.constant 31 : i32
    %broadcast_in_dim3A_473 = vector.broadcast %broadcast_in_dim3A_472 : i32 to vector<16xi32>
    %add3A_474 = arith.constant 0 : i32
    %add3A_475 = vector.broadcast %add3A_474 : i32 to vector<16xi32>
    %add3A_476 = arith.addi %add3A_475, %iota3A : vector<16xi32>
    tpu.vector_store_idx %arg21[%broadcast_in_dim3A_473, %add3A_476], %broadcast_in_dim3A_1 : memref<128x32xf32, #tpu.memory_space<vmem>>[vector<16xi32>, vector<16xi32>], vector<16xf32>,
    %broadcast_in_dim3A_477 = arith.constant 31 : i32
    %broadcast_in_dim3A_478 = vector.broadcast %broadcast_in_dim3A_477 : i32 to vector<16xi32>
    %add3A_479 = arith.constant 16 : i32
    %add3A_480 = vector.broadcast %add3A_479 : i32 to vector<16xi32>
    %add3A_481 = arith.addi %add3A_480, %iota3A : vector<16xi32>
    tpu.vector_store_idx %arg21[%broadcast_in_dim3A_478, %add3A_481], %broadcast_in_dim3A_1 : memref<128x32xf32, #tpu.memory_space<vmem>>[vector<16xi32>, vector<16xi32>], vector<16xf32>,
    %broadcast_in_dim3A_482 = arith.constant 32 : i32
    %broadcast_in_dim3A_483 = vector.broadcast %broadcast_in_dim3A_482 : i32 to vector<16xi32>
    %add3A_484 = arith.constant 0 : i32
    %add3A_485 = vector.broadcast %add3A_484 : i32 to vector<16xi32>
    %add3A_486 = arith.addi %add3A_485, %iota3A : vector<16xi32>
    tpu.vector_store_idx %arg21[%broadcast_in_dim3A_483, %add3A_486], %broadcast_in_dim3A_1 : memref<128x32xf32, #tpu.memory_space<vmem>>[vector<16xi32>, vector<16xi32>], vector<16xf32>,
    %broadcast_in_dim3A_487 = arith.constant 32 : i32
    %broadcast_in_dim3A_488 = vector.broadcast %broadcast_in_dim3A_487 : i32 to vector<16xi32>
    %add3A_489 = arith.constant 16 : i32
    %add3A_490 = vector.broadcast %add3A_489 : i32 to vector<16xi32>
    %add3A_491 = arith.addi %add3A_490, %iota3A : vector<16xi32>
    tpu.vector_store_idx %arg21[%broadcast_in_dim3A_488, %add3A_491], %broadcast_in_dim3A_1 : memref<128x32xf32, #tpu.memory_space<vmem>>[vector<16xi32>, vector<16xi32>], vector<16xf32>,
    %broadcast_in_dim3A_492 = arith.constant 33 : i32
    %broadcast_in_dim3A_493 = vector.broadcast %broadcast_in_dim3A_492 : i32 to vector<16xi32>
    %add3A_494 = arith.constant 0 : i32
    %add3A_495 = vector.broadcast %add3A_494 : i32 to vector<16xi32>
    %add3A_496 = arith.addi %add3A_495, %iota3A : vector<16xi32>
    tpu.vector_store_idx %arg21[%broadcast_in_dim3A_493, %add3A_496], %broadcast_in_dim3A_1 : memref<128x32xf32, #tpu.memory_space<vmem>>[vector<16xi32>, vector<16xi32>], vector<16xf32>,
    %broadcast_in_dim3A_497 = arith.constant 33 : i32
    %broadcast_in_dim3A_498 = vector.broadcast %broadcast_in_dim3A_497 : i32 to vector<16xi32>
    %add3A_499 = arith.constant 16 : i32
    %add3A_500 = vector.broadcast %add3A_499 : i32 to vector<16xi32>
    %add3A_501 = arith.addi %add3A_500, %iota3A : vector<16xi32>
    tpu.vector_store_idx %arg21[%broadcast_in_dim3A_498, %add3A_501], %broadcast_in_dim3A_1 : memref<128x32xf32, #tpu.memory_space<vmem>>[vector<16xi32>, vector<16xi32>], vector<16xf32>,
    %broadcast_in_dim3A_502 = arith.constant 34 : i32
    %broadcast_in_dim3A_503 = vector.broadcast %broadcast_in_dim3A_502 : i32 to vector<16xi32>
    %add3A_504 = arith.constant 0 : i32
    %add3A_505 = vector.broadcast %add3A_504 : i32 to vector<16xi32>
    %add3A_506 = arith.addi %add3A_505, %iota3A : vector<16xi32>
    tpu.vector_store_idx %arg21[%broadcast_in_dim3A_503, %add3A_506], %broadcast_in_dim3A_1 : memref<128x32xf32, #tpu.memory_space<vmem>>[vector<16xi32>, vector<16xi32>], vector<16xf32>,
    %broadcast_in_dim3A_507 = arith.constant 34 : i32
    %broadcast_in_dim3A_508 = vector.broadcast %broadcast_in_dim3A_507 : i32 to vector<16xi32>
    %add3A_509 = arith.constant 16 : i32
    %add3A_510 = vector.broadcast %add3A_509 : i32 to vector<16xi32>
    %add3A_511 = arith.addi %add3A_510, %iota3A : vector<16xi32>
    tpu.vector_store_idx %arg21[%broadcast_in_dim3A_508, %add3A_511], %broadcast_in_dim3A_1 : memref<128x32xf32, #tpu.memory_space<vmem>>[vector<16xi32>, vector<16xi32>], vector<16xf32>,
    %broadcast_in_dim3A_512 = arith.constant 35 : i32
    %broadcast_in_dim3A_513 = vector.broadcast %broadcast_in_dim3A_512 : i32 to vector<16xi32>
    %add3A_514 = arith.constant 0 : i32
    %add3A_515 = vector.broadcast %add3A_514 : i32 to vector<16xi32>
    %add3A_516 = arith.addi %add3A_515, %iota3A : vector<16xi32>
    tpu.vector_store_idx %arg21[%broadcast_in_dim3A_513, %add3A_516], %broadcast_in_dim3A_1 : memref<128x32xf32, #tpu.memory_space<vmem>>[vector<16xi32>, vector<16xi32>], vector<16xf32>,
    %broadcast_in_dim3A_517 = arith.constant 35 : i32
    %broadcast_in_dim3A_518 = vector.broadcast %broadcast_in_dim3A_517 : i32 to vector<16xi32>
    %add3A_519 = arith.constant 16 : i32
    %add3A_520 = vector.broadcast %add3A_519 : i32 to vector<16xi32>
    %add3A_521 = arith.addi %add3A_520, %iota3A : vector<16xi32>
    tpu.vector_store_idx %arg21[%broadcast_in_dim3A_518, %add3A_521], %broadcast_in_dim3A_1 : memref<128x32xf32, #tpu.memory_space<vmem>>[vector<16xi32>, vector<16xi32>], vector<16xf32>,
    %broadcast_in_dim3A_522 = arith.constant 36 : i32
    %broadcast_in_dim3A_523 = vector.broadcast %broadcast_in_dim3A_522 : i32 to vector<16xi32>
    %add3A_524 = arith.constant 0 : i32
    %add3A_525 = vector.broadcast %add3A_524 : i32 to vector<16xi32>
    %add3A_526 = arith.addi %add3A_525, %iota3A : vector<16xi32>
    tpu.vector_store_idx %arg21[%broadcast_in_dim3A_523, %add3A_526], %broadcast_in_dim3A_1 : memref<128x32xf32, #tpu.memory_space<vmem>>[vector<16xi32>, vector<16xi32>], vector<16xf32>,
    %broadcast_in_dim3A_527 = arith.constant 36 : i32
    %broadcast_in_dim3A_528 = vector.broadcast %broadcast_in_dim3A_527 : i32 to vector<16xi32>
    %add3A_529 = arith.constant 16 : i32
    %add3A_530 = vector.broadcast %add3A_529 : i32 to vector<16xi32>
    %add3A_531 = arith.addi %add3A_530, %iota3A : vector<16xi32>
    tpu.vector_store_idx %arg21[%broadcast_in_dim3A_528, %add3A_531], %broadcast_in_dim3A_1 : memref<128x32xf32, #tpu.memory_space<vmem>>[vector<16xi32>, vector<16xi32>], vector<16xf32>,
    %broadcast_in_dim3A_532 = arith.constant 37 : i32
    %broadcast_in_dim3A_533 = vector.broadcast %broadcast_in_dim3A_532 : i32 to vector<16xi32>
    %add3A_534 = arith.constant 0 : i32
    %add3A_535 = vector.broadcast %add3A_534 : i32 to vector<16xi32>
    %add3A_536 = arith.addi %add3A_535, %iota3A : vector<16xi32>
    tpu.vector_store_idx %arg21[%broadcast_in_dim3A_533, %add3A_536], %broadcast_in_dim3A_1 : memref<128x32xf32, #tpu.memory_space<vmem>>[vector<16xi32>, vector<16xi32>], vector<16xf32>,
    %broadcast_in_dim3A_537 = arith.constant 37 : i32
    %broadcast_in_dim3A_538 = vector.broadcast %broadcast_in_dim3A_537 : i32 to vector<16xi32>
    %add3A_539 = arith.constant 16 : i32
    %add3A_540 = vector.broadcast %add3A_539 : i32 to vector<16xi32>
    %add3A_541 = arith.addi %add3A_540, %iota3A : vector<16xi32>
    tpu.vector_store_idx %arg21[%broadcast_in_dim3A_538, %add3A_541], %broadcast_in_dim3A_1 : memref<128x32xf32, #tpu.memory_space<vmem>>[vector<16xi32>, vector<16xi32>], vector<16xf32>,
    %broadcast_in_dim3A_542 = arith.constant 38 : i32
    %broadcast_in_dim3A_543 = vector.broadcast %broadcast_in_dim3A_542 : i32 to vector<16xi32>
    %add3A_544 = arith.constant 0 : i32
    %add3A_545 = vector.broadcast %add3A_544 : i32 to vector<16xi32>
    %add3A_546 = arith.addi %add3A_545, %iota3A : vector<16xi32>
    tpu.vector_store_idx %arg21[%broadcast_in_dim3A_543, %add3A_546], %broadcast_in_dim3A_1 : memref<128x32xf32, #tpu.memory_space<vmem>>[vector<16xi32>, vector<16xi32>], vector<16xf32>,
    %broadcast_in_dim3A_547 = arith.constant 38 : i32
    %broadcast_in_dim3A_548 = vector.broadcast %broadcast_in_dim3A_547 : i32 to vector<16xi32>
    %add3A_549 = arith.constant 16 : i32
    %add3A_550 = vector.broadcast %add3A_549 : i32 to vector<16xi32>
    %add3A_551 = arith.addi %add3A_550, %iota3A : vector<16xi32>
    tpu.vector_store_idx %arg21[%broadcast_in_dim3A_548, %add3A_551], %broadcast_in_dim3A_1 : memref<128x32xf32, #tpu.memory_space<vmem>>[vector<16xi32>, vector<16xi32>], vector<16xf32>,
    %broadcast_in_dim3A_552 = arith.constant 39 : i32
    %broadcast_in_dim3A_553 = vector.broadcast %broadcast_in_dim3A_552 : i32 to vector<16xi32>
    %add3A_554 = arith.constant 0 : i32
    %add3A_555 = vector.broadcast %add3A_554 : i32 to vector<16xi32>
    %add3A_556 = arith.addi %add3A_555, %iota3A : vector<16xi32>
    tpu.vector_store_idx %arg21[%broadcast_in_dim3A_553, %add3A_556], %broadcast_in_dim3A_1 : memref<128x32xf32, #tpu.memory_space<vmem>>[vector<16xi32>, vector<16xi32>], vector<16xf32>,
    %broadcast_in_dim3A_557 = arith.constant 39 : i32
    %broadcast_in_dim3A_558 = vector.broadcast %broadcast_in_dim3A_557 : i32 to vector<16xi32>
    %add3A_559 = arith.constant 16 : i32
    %add3A_560 = vector.broadcast %add3A_559 : i32 to vector<16xi32>
    %add3A_561 = arith.addi %add3A_560, %iota3A : vector<16xi32>
    tpu.vector_store_idx %arg21[%broadcast_in_dim3A_558, %add3A_561], %broadcast_in_dim3A_1 : memref<128x32xf32, #tpu.memory_space<vmem>>[vector<16xi32>, vector<16xi32>], vector<16xf32>,
    %broadcast_in_dim3A_562 = arith.constant 40 : i32
    %broadcast_in_dim3A_563 = vector.broadcast %broadcast_in_dim3A_562 : i32 to vector<16xi32>
    %add3A_564 = arith.constant 0 : i32
    %add3A_565 = vector.broadcast %add3A_564 : i32 to vector<16xi32>
    %add3A_566 = arith.addi %add3A_565, %iota3A : vector<16xi32>
    tpu.vector_store_idx %arg21[%broadcast_in_dim3A_563, %add3A_566], %broadcast_in_dim3A_1 : memref<128x32xf32, #tpu.memory_space<vmem>>[vector<16xi32>, vector<16xi32>], vector<16xf32>,
    %broadcast_in_dim3A_567 = arith.constant 40 : i32
    %broadcast_in_dim3A_568 = vector.broadcast %broadcast_in_dim3A_567 : i32 to vector<16xi32>
    %add3A_569 = arith.constant 16 : i32
    %add3A_570 = vector.broadcast %add3A_569 : i32 to vector<16xi32>
    %add3A_571 = arith.addi %add3A_570, %iota3A : vector<16xi32>
    tpu.vector_store_idx %arg21[%broadcast_in_dim3A_568, %add3A_571], %broadcast_in_dim3A_1 : memref<128x32xf32, #tpu.memory_space<vmem>>[vector<16xi32>, vector<16xi32>], vector<16xf32>,
    %broadcast_in_dim3A_572 = arith.constant 41 : i32
    %broadcast_in_dim3A_573 = vector.broadcast %broadcast_in_dim3A_572 : i32 to vector<16xi32>
    %add3A_574 = arith.constant 0 : i32
    %add3A_575 = vector.broadcast %add3A_574 : i32 to vector<16xi32>
    %add3A_576 = arith.addi %add3A_575, %iota3A : vector<16xi32>
    tpu.vector_store_idx %arg21[%broadcast_in_dim3A_573, %add3A_576], %broadcast_in_dim3A_1 : memref<128x32xf32, #tpu.memory_space<vmem>>[vector<16xi32>, vector<16xi32>], vector<16xf32>,
    %broadcast_in_dim3A_577 = arith.constant 41 : i32
    %broadcast_in_dim3A_578 = vector.broadcast %broadcast_in_dim3A_577 : i32 to vector<16xi32>
    %add3A_579 = arith.constant 16 : i32
    %add3A_580 = vector.broadcast %add3A_579 : i32 to vector<16xi32>
    %add3A_581 = arith.addi %add3A_580, %iota3A : vector<16xi32>
    tpu.vector_store_idx %arg21[%broadcast_in_dim3A_578, %add3A_581], %broadcast_in_dim3A_1 : memref<128x32xf32, #tpu.memory_space<vmem>>[vector<16xi32>, vector<16xi32>], vector<16xf32>,
    %broadcast_in_dim3A_582 = arith.constant 42 : i32
    %broadcast_in_dim3A_583 = vector.broadcast %broadcast_in_dim3A_582 : i32 to vector<16xi32>
    %add3A_584 = arith.constant 0 : i32
    %add3A_585 = vector.broadcast %add3A_584 : i32 to vector<16xi32>
    %add3A_586 = arith.addi %add3A_585, %iota3A : vector<16xi32>
    tpu.vector_store_idx %arg21[%broadcast_in_dim3A_583, %add3A_586], %broadcast_in_dim3A_1 : memref<128x32xf32, #tpu.memory_space<vmem>>[vector<16xi32>, vector<16xi32>], vector<16xf32>,
    %broadcast_in_dim3A_587 = arith.constant 42 : i32
    %broadcast_in_dim3A_588 = vector.broadcast %broadcast_in_dim3A_587 : i32 to vector<16xi32>
    %add3A_589 = arith.constant 16 : i32
    %add3A_590 = vector.broadcast %add3A_589 : i32 to vector<16xi32>
    %add3A_591 = arith.addi %add3A_590, %iota3A : vector<16xi32>
    tpu.vector_store_idx %arg21[%broadcast_in_dim3A_588, %add3A_591], %broadcast_in_dim3A_1 : memref<128x32xf32, #tpu.memory_space<vmem>>[vector<16xi32>, vector<16xi32>], vector<16xf32>,
    %broadcast_in_dim3A_592 = arith.constant 43 : i32
    %broadcast_in_dim3A_593 = vector.broadcast %broadcast_in_dim3A_592 : i32 to vector<16xi32>
    %add3A_594 = arith.constant 0 : i32
    %add3A_595 = vector.broadcast %add3A_594 : i32 to vector<16xi32>
    %add3A_596 = arith.addi %add3A_595, %iota3A : vector<16xi32>
    tpu.vector_store_idx %arg21[%broadcast_in_dim3A_593, %add3A_596], %broadcast_in_dim3A_1 : memref<128x32xf32, #tpu.memory_space<vmem>>[vector<16xi32>, vector<16xi32>], vector<16xf32>,
    %broadcast_in_dim3A_597 = arith.constant 43 : i32
    %broadcast_in_dim3A_598 = vector.broadcast %broadcast_in_dim3A_597 : i32 to vector<16xi32>
    %add3A_599 = arith.constant 16 : i32
    %add3A_600 = vector.broadcast %add3A_599 : i32 to vector<16xi32>
    %add3A_601 = arith.addi %add3A_600, %iota3A : vector<16xi32>
    tpu.vector_store_idx %arg21[%broadcast_in_dim3A_598, %add3A_601], %broadcast_in_dim3A_1 : memref<128x32xf32, #tpu.memory_space<vmem>>[vector<16xi32>, vector<16xi32>], vector<16xf32>,
    %broadcast_in_dim3A_602 = arith.constant 44 : i32
    %broadcast_in_dim3A_603 = vector.broadcast %broadcast_in_dim3A_602 : i32 to vector<16xi32>
    %add3A_604 = arith.constant 0 : i32
    %add3A_605 = vector.broadcast %add3A_604 : i32 to vector<16xi32>
    %add3A_606 = arith.addi %add3A_605, %iota3A : vector<16xi32>
    tpu.vector_store_idx %arg21[%broadcast_in_dim3A_603, %add3A_606], %broadcast_in_dim3A_1 : memref<128x32xf32, #tpu.memory_space<vmem>>[vector<16xi32>, vector<16xi32>], vector<16xf32>,
    %broadcast_in_dim3A_607 = arith.constant 44 : i32
    %broadcast_in_dim3A_608 = vector.broadcast %broadcast_in_dim3A_607 : i32 to vector<16xi32>
    %add3A_609 = arith.constant 16 : i32
    %add3A_610 = vector.broadcast %add3A_609 : i32 to vector<16xi32>
    %add3A_611 = arith.addi %add3A_610, %iota3A : vector<16xi32>
    tpu.vector_store_idx %arg21[%broadcast_in_dim3A_608, %add3A_611], %broadcast_in_dim3A_1 : memref<128x32xf32, #tpu.memory_space<vmem>>[vector<16xi32>, vector<16xi32>], vector<16xf32>,
    %broadcast_in_dim3A_612 = arith.constant 45 : i32
    %broadcast_in_dim3A_613 = vector.broadcast %broadcast_in_dim3A_612 : i32 to vector<16xi32>
    %add3A_614 = arith.constant 0 : i32
    %add3A_615 = vector.broadcast %add3A_614 : i32 to vector<16xi32>
    %add3A_616 = arith.addi %add3A_615, %iota3A : vector<16xi32>
    tpu.vector_store_idx %arg21[%broadcast_in_dim3A_613, %add3A_616], %broadcast_in_dim3A_1 : memref<128x32xf32, #tpu.memory_space<vmem>>[vector<16xi32>, vector<16xi32>], vector<16xf32>,
    %broadcast_in_dim3A_617 = arith.constant 45 : i32
    %broadcast_in_dim3A_618 = vector.broadcast %broadcast_in_dim3A_617 : i32 to vector<16xi32>
    %add3A_619 = arith.constant 16 : i32
    %add3A_620 = vector.broadcast %add3A_619 : i32 to vector<16xi32>
    %add3A_621 = arith.addi %add3A_620, %iota3A : vector<16xi32>
    tpu.vector_store_idx %arg21[%broadcast_in_dim3A_618, %add3A_621], %broadcast_in_dim3A_1 : memref<128x32xf32, #tpu.memory_space<vmem>>[vector<16xi32>, vector<16xi32>], vector<16xf32>,
    %broadcast_in_dim3A_622 = arith.constant 46 : i32
    %broadcast_in_dim3A_623 = vector.broadcast %broadcast_in_dim3A_622 : i32 to vector<16xi32>
    %add3A_624 = arith.constant 0 : i32
    %add3A_625 = vector.broadcast %add3A_624 : i32 to vector<16xi32>
    %add3A_626 = arith.addi %add3A_625, %iota3A : vector<16xi32>
    tpu.vector_store_idx %arg21[%broadcast_in_dim3A_623, %add3A_626], %broadcast_in_dim3A_1 : memref<128x32xf32, #tpu.memory_space<vmem>>[vector<16xi32>, vector<16xi32>], vector<16xf32>,
    %broadcast_in_dim3A_627 = arith.constant 46 : i32
    %broadcast_in_dim3A_628 = vector.broadcast %broadcast_in_dim3A_627 : i32 to vector<16xi32>
    %add3A_629 = arith.constant 16 : i32
    %add3A_630 = vector.broadcast %add3A_629 : i32 to vector<16xi32>
    %add3A_631 = arith.addi %add3A_630, %iota3A : vector<16xi32>
    tpu.vector_store_idx %arg21[%broadcast_in_dim3A_628, %add3A_631], %broadcast_in_dim3A_1 : memref<128x32xf32, #tpu.memory_space<vmem>>[vector<16xi32>, vector<16xi32>], vector<16xf32>,
    %broadcast_in_dim3A_632 = arith.constant 47 : i32
    %broadcast_in_dim3A_633 = vector.broadcast %broadcast_in_dim3A_632 : i32 to vector<16xi32>
    %add3A_634 = arith.constant 0 : i32
    %add3A_635 = vector.broadcast %add3A_634 : i32 to vector<16xi32>
    %add3A_636 = arith.addi %add3A_635, %iota3A : vector<16xi32>
    tpu.vector_store_idx %arg21[%broadcast_in_dim3A_633, %add3A_636], %broadcast_in_dim3A_1 : memref<128x32xf32, #tpu.memory_space<vmem>>[vector<16xi32>, vector<16xi32>], vector<16xf32>,
    %broadcast_in_dim3A_637 = arith.constant 47 : i32
    %broadcast_in_dim3A_638 = vector.broadcast %broadcast_in_dim3A_637 : i32 to vector<16xi32>
    %add3A_639 = arith.constant 16 : i32
    %add3A_640 = vector.broadcast %add3A_639 : i32 to vector<16xi32>
    %add3A_641 = arith.addi %add3A_640, %iota3A : vector<16xi32>
    tpu.vector_store_idx %arg21[%broadcast_in_dim3A_638, %add3A_641], %broadcast_in_dim3A_1 : memref<128x32xf32, #tpu.memory_space<vmem>>[vector<16xi32>, vector<16xi32>], vector<16xf32>,
    %broadcast_in_dim3A_642 = arith.constant 48 : i32
    %broadcast_in_dim3A_643 = vector.broadcast %broadcast_in_dim3A_642 : i32 to vector<16xi32>
    %add3A_644 = arith.constant 0 : i32
    %add3A_645 = vector.broadcast %add3A_644 : i32 to vector<16xi32>
    %add3A_646 = arith.addi %add3A_645, %iota3A : vector<16xi32>
    tpu.vector_store_idx %arg21[%broadcast_in_dim3A_643, %add3A_646], %broadcast_in_dim3A_1 : memref<128x32xf32, #tpu.memory_space<vmem>>[vector<16xi32>, vector<16xi32>], vector<16xf32>,
    %broadcast_in_dim3A_647 = arith.constant 48 : i32
    %broadcast_in_dim3A_648 = vector.broadcast %broadcast_in_dim3A_647 : i32 to vector<16xi32>
    %add3A_649 = arith.constant 16 : i32
    %add3A_650 = vector.broadcast %add3A_649 : i32 to vector<16xi32>
    %add3A_651 = arith.addi %add3A_650, %iota3A : vector<16xi32>
    tpu.vector_store_idx %arg21[%broadcast_in_dim3A_648, %add3A_651], %broadcast_in_dim3A_1 : memref<128x32xf32, #tpu.memory_space<vmem>>[vector<16xi32>, vector<16xi32>], vector<16xf32>,
    %broadcast_in_dim3A_652 = arith.constant 49 : i32
    %broadcast_in_dim3A_653 = vector.broadcast %broadcast_in_dim3A_652 : i32 to vector<16xi32>
    %add3A_654 = arith.constant 0 : i32
    %add3A_655 = vector.broadcast %add3A_654 : i32 to vector<16xi32>
    %add3A_656 = arith.addi %add3A_655, %iota3A : vector<16xi32>
    tpu.vector_store_idx %arg21[%broadcast_in_dim3A_653, %add3A_656], %broadcast_in_dim3A_1 : memref<128x32xf32, #tpu.memory_space<vmem>>[vector<16xi32>, vector<16xi32>], vector<16xf32>,
    %broadcast_in_dim3A_657 = arith.constant 49 : i32
    %broadcast_in_dim3A_658 = vector.broadcast %broadcast_in_dim3A_657 : i32 to vector<16xi32>
    %add3A_659 = arith.constant 16 : i32
    %add3A_660 = vector.broadcast %add3A_659 : i32 to vector<16xi32>
    %add3A_661 = arith.addi %add3A_660, %iota3A : vector<16xi32>
    tpu.vector_store_idx %arg21[%broadcast_in_dim3A_658, %add3A_661], %broadcast_in_dim3A_1 : memref<128x32xf32, #tpu.memory_space<vmem>>[vector<16xi32>, vector<16xi32>], vector<16xf32>,
    %broadcast_in_dim3A_662 = arith.constant 50 : i32
    %broadcast_in_dim3A_663 = vector.broadcast %broadcast_in_dim3A_662 : i32 to vector<16xi32>
    %add3A_664 = arith.constant 0 : i32
    %add3A_665 = vector.broadcast %add3A_664 : i32 to vector<16xi32>
    %add3A_666 = arith.addi %add3A_665, %iota3A : vector<16xi32>
    tpu.vector_store_idx %arg21[%broadcast_in_dim3A_663, %add3A_666], %broadcast_in_dim3A_1 : memref<128x32xf32, #tpu.memory_space<vmem>>[vector<16xi32>, vector<16xi32>], vector<16xf32>,
    %broadcast_in_dim3A_667 = arith.constant 50 : i32
    %broadcast_in_dim3A_668 = vector.broadcast %broadcast_in_dim3A_667 : i32 to vector<16xi32>
    %add3A_669 = arith.constant 16 : i32
    %add3A_670 = vector.broadcast %add3A_669 : i32 to vector<16xi32>
    %add3A_671 = arith.addi %add3A_670, %iota3A : vector<16xi32>
    tpu.vector_store_idx %arg21[%broadcast_in_dim3A_668, %add3A_671], %broadcast_in_dim3A_1 : memref<128x32xf32, #tpu.memory_space<vmem>>[vector<16xi32>, vector<16xi32>], vector<16xf32>,
    %broadcast_in_dim3A_672 = arith.constant 51 : i32
    %broadcast_in_dim3A_673 = vector.broadcast %broadcast_in_dim3A_672 : i32 to vector<16xi32>
    %add3A_674 = arith.constant 0 : i32
    %add3A_675 = vector.broadcast %add3A_674 : i32 to vector<16xi32>
    %add3A_676 = arith.addi %add3A_675, %iota3A : vector<16xi32>
    tpu.vector_store_idx %arg21[%broadcast_in_dim3A_673, %add3A_676], %broadcast_in_dim3A_1 : memref<128x32xf32, #tpu.memory_space<vmem>>[vector<16xi32>, vector<16xi32>], vector<16xf32>,
    %broadcast_in_dim3A_677 = arith.constant 51 : i32
    %broadcast_in_dim3A_678 = vector.broadcast %broadcast_in_dim3A_677 : i32 to vector<16xi32>
    %add3A_679 = arith.constant 16 : i32
    %add3A_680 = vector.broadcast %add3A_679 : i32 to vector<16xi32>
    %add3A_681 = arith.addi %add3A_680, %iota3A : vector<16xi32>
    tpu.vector_store_idx %arg21[%broadcast_in_dim3A_678, %add3A_681], %broadcast_in_dim3A_1 : memref<128x32xf32, #tpu.memory_space<vmem>>[vector<16xi32>, vector<16xi32>], vector<16xf32>,
    %broadcast_in_dim3A_682 = arith.constant 52 : i32
    %broadcast_in_dim3A_683 = vector.broadcast %broadcast_in_dim3A_682 : i32 to vector<16xi32>
    %add3A_684 = arith.constant 0 : i32
    %add3A_685 = vector.broadcast %add3A_684 : i32 to vector<16xi32>
    %add3A_686 = arith.addi %add3A_685, %iota3A : vector<16xi32>
    tpu.vector_store_idx %arg21[%broadcast_in_dim3A_683, %add3A_686], %broadcast_in_dim3A_1 : memref<128x32xf32, #tpu.memory_space<vmem>>[vector<16xi32>, vector<16xi32>], vector<16xf32>,
    %broadcast_in_dim3A_687 = arith.constant 52 : i32
    %broadcast_in_dim3A_688 = vector.broadcast %broadcast_in_dim3A_687 : i32 to vector<16xi32>
    %add3A_689 = arith.constant 16 : i32
    %add3A_690 = vector.broadcast %add3A_689 : i32 to vector<16xi32>
    %add3A_691 = arith.addi %add3A_690, %iota3A : vector<16xi32>
    tpu.vector_store_idx %arg21[%broadcast_in_dim3A_688, %add3A_691], %broadcast_in_dim3A_1 : memref<128x32xf32, #tpu.memory_space<vmem>>[vector<16xi32>, vector<16xi32>], vector<16xf32>,
    %broadcast_in_dim3A_692 = arith.constant 53 : i32
    %broadcast_in_dim3A_693 = vector.broadcast %broadcast_in_dim3A_692 : i32 to vector<16xi32>
    %add3A_694 = arith.constant 0 : i32
    %add3A_695 = vector.broadcast %add3A_694 : i32 to vector<16xi32>
    %add3A_696 = arith.addi %add3A_695, %iota3A : vector<16xi32>
    tpu.vector_store_idx %arg21[%broadcast_in_dim3A_693, %add3A_696], %broadcast_in_dim3A_1 : memref<128x32xf32, #tpu.memory_space<vmem>>[vector<16xi32>, vector<16xi32>], vector<16xf32>,
    %broadcast_in_dim3A_697 = arith.constant 53 : i32
    %broadcast_in_dim3A_698 = vector.broadcast %broadcast_in_dim3A_697 : i32 to vector<16xi32>
    %add3A_699 = arith.constant 16 : i32
    %add3A_700 = vector.broadcast %add3A_699 : i32 to vector<16xi32>
    %add3A_701 = arith.addi %add3A_700, %iota3A : vector<16xi32>
    tpu.vector_store_idx %arg21[%broadcast_in_dim3A_698, %add3A_701], %broadcast_in_dim3A_1 : memref<128x32xf32, #tpu.memory_space<vmem>>[vector<16xi32>, vector<16xi32>], vector<16xf32>,
    %broadcast_in_dim3A_702 = arith.constant 54 : i32
    %broadcast_in_dim3A_703 = vector.broadcast %broadcast_in_dim3A_702 : i32 to vector<16xi32>
    %add3A_704 = arith.constant 0 : i32
    %add3A_705 = vector.broadcast %add3A_704 : i32 to vector<16xi32>
    %add3A_706 = arith.addi %add3A_705, %iota3A : vector<16xi32>
    tpu.vector_store_idx %arg21[%broadcast_in_dim3A_703, %add3A_706], %broadcast_in_dim3A_1 : memref<128x32xf32, #tpu.memory_space<vmem>>[vector<16xi32>, vector<16xi32>], vector<16xf32>,
    %broadcast_in_dim3A_707 = arith.constant 54 : i32
    %broadcast_in_dim3A_708 = vector.broadcast %broadcast_in_dim3A_707 : i32 to vector<16xi32>
    %add3A_709 = arith.constant 16 : i32
    %add3A_710 = vector.broadcast %add3A_709 : i32 to vector<16xi32>
    %add3A_711 = arith.addi %add3A_710, %iota3A : vector<16xi32>
    tpu.vector_store_idx %arg21[%broadcast_in_dim3A_708, %add3A_711], %broadcast_in_dim3A_1 : memref<128x32xf32, #tpu.memory_space<vmem>>[vector<16xi32>, vector<16xi32>], vector<16xf32>,
    %broadcast_in_dim3A_712 = arith.constant 55 : i32
    %broadcast_in_dim3A_713 = vector.broadcast %broadcast_in_dim3A_712 : i32 to vector<16xi32>
    %add3A_714 = arith.constant 0 : i32
    %add3A_715 = vector.broadcast %add3A_714 : i32 to vector<16xi32>
    %add3A_716 = arith.addi %add3A_715, %iota3A : vector<16xi32>
    tpu.vector_store_idx %arg21[%broadcast_in_dim3A_713, %add3A_716], %broadcast_in_dim3A_1 : memref<128x32xf32, #tpu.memory_space<vmem>>[vector<16xi32>, vector<16xi32>], vector<16xf32>,
    %broadcast_in_dim3A_717 = arith.constant 55 : i32
    %broadcast_in_dim3A_718 = vector.broadcast %broadcast_in_dim3A_717 : i32 to vector<16xi32>
    %add3A_719 = arith.constant 16 : i32
    %add3A_720 = vector.broadcast %add3A_719 : i32 to vector<16xi32>
    %add3A_721 = arith.addi %add3A_720, %iota3A : vector<16xi32>
    tpu.vector_store_idx %arg21[%broadcast_in_dim3A_718, %add3A_721], %broadcast_in_dim3A_1 : memref<128x32xf32, #tpu.memory_space<vmem>>[vector<16xi32>, vector<16xi32>], vector<16xf32>,
    %broadcast_in_dim3A_722 = arith.constant 56 : i32
    %broadcast_in_dim3A_723 = vector.broadcast %broadcast_in_dim3A_722 : i32 to vector<16xi32>
    %add3A_724 = arith.constant 0 : i32
    %add3A_725 = vector.broadcast %add3A_724 : i32 to vector<16xi32>
    %add3A_726 = arith.addi %add3A_725, %iota3A : vector<16xi32>
    tpu.vector_store_idx %arg21[%broadcast_in_dim3A_723, %add3A_726], %broadcast_in_dim3A_1 : memref<128x32xf32, #tpu.memory_space<vmem>>[vector<16xi32>, vector<16xi32>], vector<16xf32>,
    %broadcast_in_dim3A_727 = arith.constant 56 : i32
    %broadcast_in_dim3A_728 = vector.broadcast %broadcast_in_dim3A_727 : i32 to vector<16xi32>
    %add3A_729 = arith.constant 16 : i32
    %add3A_730 = vector.broadcast %add3A_729 : i32 to vector<16xi32>
    %add3A_731 = arith.addi %add3A_730, %iota3A : vector<16xi32>
    tpu.vector_store_idx %arg21[%broadcast_in_dim3A_728, %add3A_731], %broadcast_in_dim3A_1 : memref<128x32xf32, #tpu.memory_space<vmem>>[vector<16xi32>, vector<16xi32>], vector<16xf32>,
    %broadcast_in_dim3A_732 = arith.constant 57 : i32
    %broadcast_in_dim3A_733 = vector.broadcast %broadcast_in_dim3A_732 : i32 to vector<16xi32>
    %add3A_734 = arith.constant 0 : i32
    %add3A_735 = vector.broadcast %add3A_734 : i32 to vector<16xi32>
    %add3A_736 = arith.addi %add3A_735, %iota3A : vector<16xi32>
    tpu.vector_store_idx %arg21[%broadcast_in_dim3A_733, %add3A_736], %broadcast_in_dim3A_1 : memref<128x32xf32, #tpu.memory_space<vmem>>[vector<16xi32>, vector<16xi32>], vector<16xf32>,
    %broadcast_in_dim3A_737 = arith.constant 57 : i32
    %broadcast_in_dim3A_738 = vector.broadcast %broadcast_in_dim3A_737 : i32 to vector<16xi32>
    %add3A_739 = arith.constant 16 : i32
    %add3A_740 = vector.broadcast %add3A_739 : i32 to vector<16xi32>
    %add3A_741 = arith.addi %add3A_740, %iota3A : vector<16xi32>
    tpu.vector_store_idx %arg21[%broadcast_in_dim3A_738, %add3A_741], %broadcast_in_dim3A_1 : memref<128x32xf32, #tpu.memory_space<vmem>>[vector<16xi32>, vector<16xi32>], vector<16xf32>,
    %broadcast_in_dim3A_742 = arith.constant 58 : i32
    %broadcast_in_dim3A_743 = vector.broadcast %broadcast_in_dim3A_742 : i32 to vector<16xi32>
    %add3A_744 = arith.constant 0 : i32
    %add3A_745 = vector.broadcast %add3A_744 : i32 to vector<16xi32>
    %add3A_746 = arith.addi %add3A_745, %iota3A : vector<16xi32>
    tpu.vector_store_idx %arg21[%broadcast_in_dim3A_743, %add3A_746], %broadcast_in_dim3A_1 : memref<128x32xf32, #tpu.memory_space<vmem>>[vector<16xi32>, vector<16xi32>], vector<16xf32>,
    %broadcast_in_dim3A_747 = arith.constant 58 : i32
    %broadcast_in_dim3A_748 = vector.broadcast %broadcast_in_dim3A_747 : i32 to vector<16xi32>
    %add3A_749 = arith.constant 16 : i32
    %add3A_750 = vector.broadcast %add3A_749 : i32 to vector<16xi32>
    %add3A_751 = arith.addi %add3A_750, %iota3A : vector<16xi32>
    tpu.vector_store_idx %arg21[%broadcast_in_dim3A_748, %add3A_751], %broadcast_in_dim3A_1 : memref<128x32xf32, #tpu.memory_space<vmem>>[vector<16xi32>, vector<16xi32>], vector<16xf32>,
    %broadcast_in_dim3A_752 = arith.constant 59 : i32
    %broadcast_in_dim3A_753 = vector.broadcast %broadcast_in_dim3A_752 : i32 to vector<16xi32>
    %add3A_754 = arith.constant 0 : i32
    %add3A_755 = vector.broadcast %add3A_754 : i32 to vector<16xi32>
    %add3A_756 = arith.addi %add3A_755, %iota3A : vector<16xi32>
    tpu.vector_store_idx %arg21[%broadcast_in_dim3A_753, %add3A_756], %broadcast_in_dim3A_1 : memref<128x32xf32, #tpu.memory_space<vmem>>[vector<16xi32>, vector<16xi32>], vector<16xf32>,
    %broadcast_in_dim3A_757 = arith.constant 59 : i32
    %broadcast_in_dim3A_758 = vector.broadcast %broadcast_in_dim3A_757 : i32 to vector<16xi32>
    %add3A_759 = arith.constant 16 : i32
    %add3A_760 = vector.broadcast %add3A_759 : i32 to vector<16xi32>
    %add3A_761 = arith.addi %add3A_760, %iota3A : vector<16xi32>
    tpu.vector_store_idx %arg21[%broadcast_in_dim3A_758, %add3A_761], %broadcast_in_dim3A_1 : memref<128x32xf32, #tpu.memory_space<vmem>>[vector<16xi32>, vector<16xi32>], vector<16xf32>,
    %broadcast_in_dim3A_762 = arith.constant 60 : i32
    %broadcast_in_dim3A_763 = vector.broadcast %broadcast_in_dim3A_762 : i32 to vector<16xi32>
    %add3A_764 = arith.constant 0 : i32
    %add3A_765 = vector.broadcast %add3A_764 : i32 to vector<16xi32>
    %add3A_766 = arith.addi %add3A_765, %iota3A : vector<16xi32>
    tpu.vector_store_idx %arg21[%broadcast_in_dim3A_763, %add3A_766], %broadcast_in_dim3A_1 : memref<128x32xf32, #tpu.memory_space<vmem>>[vector<16xi32>, vector<16xi32>], vector<16xf32>,
    %broadcast_in_dim3A_767 = arith.constant 60 : i32
    %broadcast_in_dim3A_768 = vector.broadcast %broadcast_in_dim3A_767 : i32 to vector<16xi32>
    %add3A_769 = arith.constant 16 : i32
    %add3A_770 = vector.broadcast %add3A_769 : i32 to vector<16xi32>
    %add3A_771 = arith.addi %add3A_770, %iota3A : vector<16xi32>
    tpu.vector_store_idx %arg21[%broadcast_in_dim3A_768, %add3A_771], %broadcast_in_dim3A_1 : memref<128x32xf32, #tpu.memory_space<vmem>>[vector<16xi32>, vector<16xi32>], vector<16xf32>,
    %broadcast_in_dim3A_772 = arith.constant 61 : i32
    %broadcast_in_dim3A_773 = vector.broadcast %broadcast_in_dim3A_772 : i32 to vector<16xi32>
    %add3A_774 = arith.constant 0 : i32
    %add3A_775 = vector.broadcast %add3A_774 : i32 to vector<16xi32>
    %add3A_776 = arith.addi %add3A_775, %iota3A : vector<16xi32>
    tpu.vector_store_idx %arg21[%broadcast_in_dim3A_773, %add3A_776], %broadcast_in_dim3A_1 : memref<128x32xf32, #tpu.memory_space<vmem>>[vector<16xi32>, vector<16xi32>], vector<16xf32>,
    %broadcast_in_dim3A_777 = arith.constant 61 : i32
    %broadcast_in_dim3A_778 = vector.broadcast %broadcast_in_dim3A_777 : i32 to vector<16xi32>
    %add3A_779 = arith.constant 16 : i32
    %add3A_780 = vector.broadcast %add3A_779 : i32 to vector<16xi32>
    %add3A_781 = arith.addi %add3A_780, %iota3A : vector<16xi32>
    tpu.vector_store_idx %arg21[%broadcast_in_dim3A_778, %add3A_781], %broadcast_in_dim3A_1 : memref<128x32xf32, #tpu.memory_space<vmem>>[vector<16xi32>, vector<16xi32>], vector<16xf32>,
    %broadcast_in_dim3A_782 = arith.constant 62 : i32
    %broadcast_in_dim3A_783 = vector.broadcast %broadcast_in_dim3A_782 : i32 to vector<16xi32>
    %add3A_784 = arith.constant 0 : i32
    %add3A_785 = vector.broadcast %add3A_784 : i32 to vector<16xi32>
    %add3A_786 = arith.addi %add3A_785, %iota3A : vector<16xi32>
    tpu.vector_store_idx %arg21[%broadcast_in_dim3A_783, %add3A_786], %broadcast_in_dim3A_1 : memref<128x32xf32, #tpu.memory_space<vmem>>[vector<16xi32>, vector<16xi32>], vector<16xf32>,
    %broadcast_in_dim3A_787 = arith.constant 62 : i32
    %broadcast_in_dim3A_788 = vector.broadcast %broadcast_in_dim3A_787 : i32 to vector<16xi32>
    %add3A_789 = arith.constant 16 : i32
    %add3A_790 = vector.broadcast %add3A_789 : i32 to vector<16xi32>
    %add3A_791 = arith.addi %add3A_790, %iota3A : vector<16xi32>
    tpu.vector_store_idx %arg21[%broadcast_in_dim3A_788, %add3A_791], %broadcast_in_dim3A_1 : memref<128x32xf32, #tpu.memory_space<vmem>>[vector<16xi32>, vector<16xi32>], vector<16xf32>,
    %broadcast_in_dim3A_792 = arith.constant 63 : i32
    %broadcast_in_dim3A_793 = vector.broadcast %broadcast_in_dim3A_792 : i32 to vector<16xi32>
    %add3A_794 = arith.constant 0 : i32
    %add3A_795 = vector.broadcast %add3A_794 : i32 to vector<16xi32>
    %add3A_796 = arith.addi %add3A_795, %iota3A : vector<16xi32>
    tpu.vector_store_idx %arg21[%broadcast_in_dim3A_793, %add3A_796], %broadcast_in_dim3A_1 : memref<128x32xf32, #tpu.memory_space<vmem>>[vector<16xi32>, vector<16xi32>], vector<16xf32>,
    %broadcast_in_dim3A_797 = arith.constant 63 : i32
    %broadcast_in_dim3A_798 = vector.broadcast %broadcast_in_dim3A_797 : i32 to vector<16xi32>
    %add3A_799 = arith.constant 16 : i32
    %add3A_800 = vector.broadcast %add3A_799 : i32 to vector<16xi32>
    %add3A_801 = arith.addi %add3A_800, %iota3A : vector<16xi32>
    tpu.vector_store_idx %arg21[%broadcast_in_dim3A_798, %add3A_801], %broadcast_in_dim3A_1 : memref<128x32xf32, #tpu.memory_space<vmem>>[vector<16xi32>, vector<16xi32>], vector<16xf32>,
    %broadcast_in_dim3A_802 = arith.constant 64 : i32
    %broadcast_in_dim3A_803 = vector.broadcast %broadcast_in_dim3A_802 : i32 to vector<16xi32>
    %add3A_804 = arith.constant 0 : i32
    %add3A_805 = vector.broadcast %add3A_804 : i32 to vector<16xi32>
    %add3A_806 = arith.addi %add3A_805, %iota3A : vector<16xi32>
    tpu.vector_store_idx %arg21[%broadcast_in_dim3A_803, %add3A_806], %broadcast_in_dim3A_1 : memref<128x32xf32, #tpu.memory_space<vmem>>[vector<16xi32>, vector<16xi32>], vector<16xf32>,
    %broadcast_in_dim3A_807 = arith.constant 64 : i32
    %broadcast_in_dim3A_808 = vector.broadcast %broadcast_in_dim3A_807 : i32 to vector<16xi32>
    %add3A_809 = arith.constant 16 : i32
    %add3A_810 = vector.broadcast %add3A_809 : i32 to vector<16xi32>
    %add3A_811 = arith.addi %add3A_810, %iota3A : vector<16xi32>
    tpu.vector_store_idx %arg21[%broadcast_in_dim3A_808, %add3A_811], %broadcast_in_dim3A_1 : memref<128x32xf32, #tpu.memory_space<vmem>>[vector<16xi32>, vector<16xi32>], vector<16xf32>,
    %broadcast_in_dim3A_812 = arith.constant 65 : i32
    %broadcast_in_dim3A_813 = vector.broadcast %broadcast_in_dim3A_812 : i32 to vector<16xi32>
    %add3A_814 = arith.constant 0 : i32
    %add3A_815 = vector.broadcast %add3A_814 : i32 to vector<16xi32>
    %add3A_816 = arith.addi %add3A_815, %iota3A : vector<16xi32>
    tpu.vector_store_idx %arg21[%broadcast_in_dim3A_813, %add3A_816], %broadcast_in_dim3A_1 : memref<128x32xf32, #tpu.memory_space<vmem>>[vector<16xi32>, vector<16xi32>], vector<16xf32>,
    %broadcast_in_dim3A_817 = arith.constant 65 : i32
    %broadcast_in_dim3A_818 = vector.broadcast %broadcast_in_dim3A_817 : i32 to vector<16xi32>
    %add3A_819 = arith.constant 16 : i32
    %add3A_820 = vector.broadcast %add3A_819 : i32 to vector<16xi32>
    %add3A_821 = arith.addi %add3A_820, %iota3A : vector<16xi32>
    tpu.vector_store_idx %arg21[%broadcast_in_dim3A_818, %add3A_821], %broadcast_in_dim3A_1 : memref<128x32xf32, #tpu.memory_space<vmem>>[vector<16xi32>, vector<16xi32>], vector<16xf32>,
    %broadcast_in_dim3A_822 = arith.constant 66 : i32
    %broadcast_in_dim3A_823 = vector.broadcast %broadcast_in_dim3A_822 : i32 to vector<16xi32>
    %add3A_824 = arith.constant 0 : i32
    %add3A_825 = vector.broadcast %add3A_824 : i32 to vector<16xi32>
    %add3A_826 = arith.addi %add3A_825, %iota3A : vector<16xi32>
    tpu.vector_store_idx %arg21[%broadcast_in_dim3A_823, %add3A_826], %broadcast_in_dim3A_1 : memref<128x32xf32, #tpu.memory_space<vmem>>[vector<16xi32>, vector<16xi32>], vector<16xf32>,
    %broadcast_in_dim3A_827 = arith.constant 66 : i32
    %broadcast_in_dim3A_828 = vector.broadcast %broadcast_in_dim3A_827 : i32 to vector<16xi32>
    %add3A_829 = arith.constant 16 : i32
    %add3A_830 = vector.broadcast %add3A_829 : i32 to vector<16xi32>
    %add3A_831 = arith.addi %add3A_830, %iota3A : vector<16xi32>
    tpu.vector_store_idx %arg21[%broadcast_in_dim3A_828, %add3A_831], %broadcast_in_dim3A_1 : memref<128x32xf32, #tpu.memory_space<vmem>>[vector<16xi32>, vector<16xi32>], vector<16xf32>,
    %broadcast_in_dim3A_832 = arith.constant 67 : i32
    %broadcast_in_dim3A_833 = vector.broadcast %broadcast_in_dim3A_832 : i32 to vector<16xi32>
    %add3A_834 = arith.constant 0 : i32
    %add3A_835 = vector.broadcast %add3A_834 : i32 to vector<16xi32>
    %add3A_836 = arith.addi %add3A_835, %iota3A : vector<16xi32>
    tpu.vector_store_idx %arg21[%broadcast_in_dim3A_833, %add3A_836], %broadcast_in_dim3A_1 : memref<128x32xf32, #tpu.memory_space<vmem>>[vector<16xi32>, vector<16xi32>], vector<16xf32>,
    %broadcast_in_dim3A_837 = arith.constant 67 : i32
    %broadcast_in_dim3A_838 = vector.broadcast %broadcast_in_dim3A_837 : i32 to vector<16xi32>
    %add3A_839 = arith.constant 16 : i32
    %add3A_840 = vector.broadcast %add3A_839 : i32 to vector<16xi32>
    %add3A_841 = arith.addi %add3A_840, %iota3A : vector<16xi32>
    tpu.vector_store_idx %arg21[%broadcast_in_dim3A_838, %add3A_841], %broadcast_in_dim3A_1 : memref<128x32xf32, #tpu.memory_space<vmem>>[vector<16xi32>, vector<16xi32>], vector<16xf32>,
    %broadcast_in_dim3A_842 = arith.constant 68 : i32
    %broadcast_in_dim3A_843 = vector.broadcast %broadcast_in_dim3A_842 : i32 to vector<16xi32>
    %add3A_844 = arith.constant 0 : i32
    %add3A_845 = vector.broadcast %add3A_844 : i32 to vector<16xi32>
    %add3A_846 = arith.addi %add3A_845, %iota3A : vector<16xi32>
    tpu.vector_store_idx %arg21[%broadcast_in_dim3A_843, %add3A_846], %broadcast_in_dim3A_1 : memref<128x32xf32, #tpu.memory_space<vmem>>[vector<16xi32>, vector<16xi32>], vector<16xf32>,
    %broadcast_in_dim3A_847 = arith.constant 68 : i32
    %broadcast_in_dim3A_848 = vector.broadcast %broadcast_in_dim3A_847 : i32 to vector<16xi32>
    %add3A_849 = arith.constant 16 : i32
    %add3A_850 = vector.broadcast %add3A_849 : i32 to vector<16xi32>
    %add3A_851 = arith.addi %add3A_850, %iota3A : vector<16xi32>
    tpu.vector_store_idx %arg21[%broadcast_in_dim3A_848, %add3A_851], %broadcast_in_dim3A_1 : memref<128x32xf32, #tpu.memory_space<vmem>>[vector<16xi32>, vector<16xi32>], vector<16xf32>,
    %broadcast_in_dim3A_852 = arith.constant 69 : i32
    %broadcast_in_dim3A_853 = vector.broadcast %broadcast_in_dim3A_852 : i32 to vector<16xi32>
    %add3A_854 = arith.constant 0 : i32
    %add3A_855 = vector.broadcast %add3A_854 : i32 to vector<16xi32>
    %add3A_856 = arith.addi %add3A_855, %iota3A : vector<16xi32>
    tpu.vector_store_idx %arg21[%broadcast_in_dim3A_853, %add3A_856], %broadcast_in_dim3A_1 : memref<128x32xf32, #tpu.memory_space<vmem>>[vector<16xi32>, vector<16xi32>], vector<16xf32>,
    %broadcast_in_dim3A_857 = arith.constant 69 : i32
    %broadcast_in_dim3A_858 = vector.broadcast %broadcast_in_dim3A_857 : i32 to vector<16xi32>
    %add3A_859 = arith.constant 16 : i32
    %add3A_860 = vector.broadcast %add3A_859 : i32 to vector<16xi32>
    %add3A_861 = arith.addi %add3A_860, %iota3A : vector<16xi32>
    tpu.vector_store_idx %arg21[%broadcast_in_dim3A_858, %add3A_861], %broadcast_in_dim3A_1 : memref<128x32xf32, #tpu.memory_space<vmem>>[vector<16xi32>, vector<16xi32>], vector<16xf32>,
    %broadcast_in_dim3A_862 = arith.constant 70 : i32
    %broadcast_in_dim3A_863 = vector.broadcast %broadcast_in_dim3A_862 : i32 to vector<16xi32>
    %add3A_864 = arith.constant 0 : i32
    %add3A_865 = vector.broadcast %add3A_864 : i32 to vector<16xi32>
    %add3A_866 = arith.addi %add3A_865, %iota3A : vector<16xi32>
    tpu.vector_store_idx %arg21[%broadcast_in_dim3A_863, %add3A_866], %broadcast_in_dim3A_1 : memref<128x32xf32, #tpu.memory_space<vmem>>[vector<16xi32>, vector<16xi32>], vector<16xf32>,
    %broadcast_in_dim3A_867 = arith.constant 70 : i32
    %broadcast_in_dim3A_868 = vector.broadcast %broadcast_in_dim3A_867 : i32 to vector<16xi32>
    %add3A_869 = arith.constant 16 : i32
    %add3A_870 = vector.broadcast %add3A_869 : i32 to vector<16xi32>
    %add3A_871 = arith.addi %add3A_870, %iota3A : vector<16xi32>
    tpu.vector_store_idx %arg21[%broadcast_in_dim3A_868, %add3A_871], %broadcast_in_dim3A_1 : memref<128x32xf32, #tpu.memory_space<vmem>>[vector<16xi32>, vector<16xi32>], vector<16xf32>,
    %broadcast_in_dim3A_872 = arith.constant 71 : i32
    %broadcast_in_dim3A_873 = vector.broadcast %broadcast_in_dim3A_872 : i32 to vector<16xi32>
    %add3A_874 = arith.constant 0 : i32
    %add3A_875 = vector.broadcast %add3A_874 : i32 to vector<16xi32>
    %add3A_876 = arith.addi %add3A_875, %iota3A : vector<16xi32>
    tpu.vector_store_idx %arg21[%broadcast_in_dim3A_873, %add3A_876], %broadcast_in_dim3A_1 : memref<128x32xf32, #tpu.memory_space<vmem>>[vector<16xi32>, vector<16xi32>], vector<16xf32>,
    %broadcast_in_dim3A_877 = arith.constant 71 : i32
    %broadcast_in_dim3A_878 = vector.broadcast %broadcast_in_dim3A_877 : i32 to vector<16xi32>
    %add3A_879 = arith.constant 16 : i32
    %add3A_880 = vector.broadcast %add3A_879 : i32 to vector<16xi32>
    %add3A_881 = arith.addi %add3A_880, %iota3A : vector<16xi32>
    tpu.vector_store_idx %arg21[%broadcast_in_dim3A_878, %add3A_881], %broadcast_in_dim3A_1 : memref<128x32xf32, #tpu.memory_space<vmem>>[vector<16xi32>, vector<16xi32>], vector<16xf32>,
    %broadcast_in_dim3A_882 = arith.constant 72 : i32
    %broadcast_in_dim3A_883 = vector.broadcast %broadcast_in_dim3A_882 : i32 to vector<16xi32>
    %add3A_884 = arith.constant 0 : i32
    %add3A_885 = vector.broadcast %add3A_884 : i32 to vector<16xi32>
    %add3A_886 = arith.addi %add3A_885, %iota3A : vector<16xi32>
    tpu.vector_store_idx %arg21[%broadcast_in_dim3A_883, %add3A_886], %broadcast_in_dim3A_1 : memref<128x32xf32, #tpu.memory_space<vmem>>[vector<16xi32>, vector<16xi32>], vector<16xf32>,
    %broadcast_in_dim3A_887 = arith.constant 72 : i32
    %broadcast_in_dim3A_888 = vector.broadcast %broadcast_in_dim3A_887 : i32 to vector<16xi32>
    %add3A_889 = arith.constant 16 : i32
    %add3A_890 = vector.broadcast %add3A_889 : i32 to vector<16xi32>
    %add3A_891 = arith.addi %add3A_890, %iota3A : vector<16xi32>
    tpu.vector_store_idx %arg21[%broadcast_in_dim3A_888, %add3A_891], %broadcast_in_dim3A_1 : memref<128x32xf32, #tpu.memory_space<vmem>>[vector<16xi32>, vector<16xi32>], vector<16xf32>,
    %broadcast_in_dim3A_892 = arith.constant 73 : i32
    %broadcast_in_dim3A_893 = vector.broadcast %broadcast_in_dim3A_892 : i32 to vector<16xi32>
    %add3A_894 = arith.constant 0 : i32
    %add3A_895 = vector.broadcast %add3A_894 : i32 to vector<16xi32>
    %add3A_896 = arith.addi %add3A_895, %iota3A : vector<16xi32>
    tpu.vector_store_idx %arg21[%broadcast_in_dim3A_893, %add3A_896], %broadcast_in_dim3A_1 : memref<128x32xf32, #tpu.memory_space<vmem>>[vector<16xi32>, vector<16xi32>], vector<16xf32>,
    %broadcast_in_dim3A_897 = arith.constant 73 : i32
    %broadcast_in_dim3A_898 = vector.broadcast %broadcast_in_dim3A_897 : i32 to vector<16xi32>
    %add3A_899 = arith.constant 16 : i32
    %add3A_900 = vector.broadcast %add3A_899 : i32 to vector<16xi32>
    %add3A_901 = arith.addi %add3A_900, %iota3A : vector<16xi32>
    tpu.vector_store_idx %arg21[%broadcast_in_dim3A_898, %add3A_901], %broadcast_in_dim3A_1 : memref<128x32xf32, #tpu.memory_space<vmem>>[vector<16xi32>, vector<16xi32>], vector<16xf32>,
    %broadcast_in_dim3A_902 = arith.constant 74 : i32
    %broadcast_in_dim3A_903 = vector.broadcast %broadcast_in_dim3A_902 : i32 to vector<16xi32>
    %add3A_904 = arith.constant 0 : i32
    %add3A_905 = vector.broadcast %add3A_904 : i32 to vector<16xi32>
    %add3A_906 = arith.addi %add3A_905, %iota3A : vector<16xi32>
    tpu.vector_store_idx %arg21[%broadcast_in_dim3A_903, %add3A_906], %broadcast_in_dim3A_1 : memref<128x32xf32, #tpu.memory_space<vmem>>[vector<16xi32>, vector<16xi32>], vector<16xf32>,
    %broadcast_in_dim3A_907 = arith.constant 74 : i32
    %broadcast_in_dim3A_908 = vector.broadcast %broadcast_in_dim3A_907 : i32 to vector<16xi32>
    %add3A_909 = arith.constant 16 : i32
    %add3A_910 = vector.broadcast %add3A_909 : i32 to vector<16xi32>
    %add3A_911 = arith.addi %add3A_910, %iota3A : vector<16xi32>
    tpu.vector_store_idx %arg21[%broadcast_in_dim3A_908, %add3A_911], %broadcast_in_dim3A_1 : memref<128x32xf32, #tpu.memory_space<vmem>>[vector<16xi32>, vector<16xi32>], vector<16xf32>,
    %broadcast_in_dim3A_912 = arith.constant 75 : i32
    %broadcast_in_dim3A_913 = vector.broadcast %broadcast_in_dim3A_912 : i32 to vector<16xi32>
    %add3A_914 = arith.constant 0 : i32
    %add3A_915 = vector.broadcast %add3A_914 : i32 to vector<16xi32>
    %add3A_916 = arith.addi %add3A_915, %iota3A : vector<16xi32>
    tpu.vector_store_idx %arg21[%broadcast_in_dim3A_913, %add3A_916], %broadcast_in_dim3A_1 : memref<128x32xf32, #tpu.memory_space<vmem>>[vector<16xi32>, vector<16xi32>], vector<16xf32>,
    %broadcast_in_dim3A_917 = arith.constant 75 : i32
    %broadcast_in_dim3A_918 = vector.broadcast %broadcast_in_dim3A_917 : i32 to vector<16xi32>
    %add3A_919 = arith.constant 16 : i32
    %add3A_920 = vector.broadcast %add3A_919 : i32 to vector<16xi32>
    %add3A_921 = arith.addi %add3A_920, %iota3A : vector<16xi32>
    tpu.vector_store_idx %arg21[%broadcast_in_dim3A_918, %add3A_921], %broadcast_in_dim3A_1 : memref<128x32xf32, #tpu.memory_space<vmem>>[vector<16xi32>, vector<16xi32>], vector<16xf32>,
    %broadcast_in_dim3A_922 = arith.constant 76 : i32
    %broadcast_in_dim3A_923 = vector.broadcast %broadcast_in_dim3A_922 : i32 to vector<16xi32>
    %add3A_924 = arith.constant 0 : i32
    %add3A_925 = vector.broadcast %add3A_924 : i32 to vector<16xi32>
    %add3A_926 = arith.addi %add3A_925, %iota3A : vector<16xi32>
    tpu.vector_store_idx %arg21[%broadcast_in_dim3A_923, %add3A_926], %broadcast_in_dim3A_1 : memref<128x32xf32, #tpu.memory_space<vmem>>[vector<16xi32>, vector<16xi32>], vector<16xf32>,
    %broadcast_in_dim3A_927 = arith.constant 76 : i32
    %broadcast_in_dim3A_928 = vector.broadcast %broadcast_in_dim3A_927 : i32 to vector<16xi32>
    %add3A_929 = arith.constant 16 : i32
    %add3A_930 = vector.broadcast %add3A_929 : i32 to vector<16xi32>
    %add3A_931 = arith.addi %add3A_930, %iota3A : vector<16xi32>
    tpu.vector_store_idx %arg21[%broadcast_in_dim3A_928, %add3A_931], %broadcast_in_dim3A_1 : memref<128x32xf32, #tpu.memory_space<vmem>>[vector<16xi32>, vector<16xi32>], vector<16xf32>,
    %broadcast_in_dim3A_932 = arith.constant 77 : i32
    %broadcast_in_dim3A_933 = vector.broadcast %broadcast_in_dim3A_932 : i32 to vector<16xi32>
    %add3A_934 = arith.constant 0 : i32
    %add3A_935 = vector.broadcast %add3A_934 : i32 to vector<16xi32>
    %add3A_936 = arith.addi %add3A_935, %iota3A : vector<16xi32>
    tpu.vector_store_idx %arg21[%broadcast_in_dim3A_933, %add3A_936], %broadcast_in_dim3A_1 : memref<128x32xf32, #tpu.memory_space<vmem>>[vector<16xi32>, vector<16xi32>], vector<16xf32>,
    %broadcast_in_dim3A_937 = arith.constant 77 : i32
    %broadcast_in_dim3A_938 = vector.broadcast %broadcast_in_dim3A_937 : i32 to vector<16xi32>
    %add3A_939 = arith.constant 16 : i32
    %add3A_940 = vector.broadcast %add3A_939 : i32 to vector<16xi32>
    %add3A_941 = arith.addi %add3A_940, %iota3A : vector<16xi32>
    tpu.vector_store_idx %arg21[%broadcast_in_dim3A_938, %add3A_941], %broadcast_in_dim3A_1 : memref<128x32xf32, #tpu.memory_space<vmem>>[vector<16xi32>, vector<16xi32>], vector<16xf32>,
    %broadcast_in_dim3A_942 = arith.constant 78 : i32
    %broadcast_in_dim3A_943 = vector.broadcast %broadcast_in_dim3A_942 : i32 to vector<16xi32>
    %add3A_944 = arith.constant 0 : i32
    %add3A_945 = vector.broadcast %add3A_944 : i32 to vector<16xi32>
    %add3A_946 = arith.addi %add3A_945, %iota3A : vector<16xi32>
    tpu.vector_store_idx %arg21[%broadcast_in_dim3A_943, %add3A_946], %broadcast_in_dim3A_1 : memref<128x32xf32, #tpu.memory_space<vmem>>[vector<16xi32>, vector<16xi32>], vector<16xf32>,
    %broadcast_in_dim3A_947 = arith.constant 78 : i32
    %broadcast_in_dim3A_948 = vector.broadcast %broadcast_in_dim3A_947 : i32 to vector<16xi32>
    %add3A_949 = arith.constant 16 : i32
    %add3A_950 = vector.broadcast %add3A_949 : i32 to vector<16xi32>
    %add3A_951 = arith.addi %add3A_950, %iota3A : vector<16xi32>
    tpu.vector_store_idx %arg21[%broadcast_in_dim3A_948, %add3A_951], %broadcast_in_dim3A_1 : memref<128x32xf32, #tpu.memory_space<vmem>>[vector<16xi32>, vector<16xi32>], vector<16xf32>,
    %broadcast_in_dim3A_952 = arith.constant 79 : i32
    %broadcast_in_dim3A_953 = vector.broadcast %broadcast_in_dim3A_952 : i32 to vector<16xi32>
    %add3A_954 = arith.constant 0 : i32
    %add3A_955 = vector.broadcast %add3A_954 : i32 to vector<16xi32>
    %add3A_956 = arith.addi %add3A_955, %iota3A : vector<16xi32>
    tpu.vector_store_idx %arg21[%broadcast_in_dim3A_953, %add3A_956], %broadcast_in_dim3A_1 : memref<128x32xf32, #tpu.memory_space<vmem>>[vector<16xi32>, vector<16xi32>], vector<16xf32>,
    %broadcast_in_dim3A_957 = arith.constant 79 : i32
    %broadcast_in_dim3A_958 = vector.broadcast %broadcast_in_dim3A_957 : i32 to vector<16xi32>
    %add3A_959 = arith.constant 16 : i32
    %add3A_960 = vector.broadcast %add3A_959 : i32 to vector<16xi32>
    %add3A_961 = arith.addi %add3A_960, %iota3A : vector<16xi32>
    tpu.vector_store_idx %arg21[%broadcast_in_dim3A_958, %add3A_961], %broadcast_in_dim3A_1 : memref<128x32xf32, #tpu.memory_space<vmem>>[vector<16xi32>, vector<16xi32>], vector<16xf32>,
    %broadcast_in_dim3A_962 = arith.constant 80 : i32
    %broadcast_in_dim3A_963 = vector.broadcast %broadcast_in_dim3A_962 : i32 to vector<16xi32>
    %add3A_964 = arith.constant 0 : i32
    %add3A_965 = vector.broadcast %add3A_964 : i32 to vector<16xi32>
    %add3A_966 = arith.addi %add3A_965, %iota3A : vector<16xi32>
    tpu.vector_store_idx %arg21[%broadcast_in_dim3A_963, %add3A_966], %broadcast_in_dim3A_1 : memref<128x32xf32, #tpu.memory_space<vmem>>[vector<16xi32>, vector<16xi32>], vector<16xf32>,
    %broadcast_in_dim3A_967 = arith.constant 80 : i32
    %broadcast_in_dim3A_968 = vector.broadcast %broadcast_in_dim3A_967 : i32 to vector<16xi32>
    %add3A_969 = arith.constant 16 : i32
    %add3A_970 = vector.broadcast %add3A_969 : i32 to vector<16xi32>
    %add3A_971 = arith.addi %add3A_970, %iota3A : vector<16xi32>
    tpu.vector_store_idx %arg21[%broadcast_in_dim3A_968, %add3A_971], %broadcast_in_dim3A_1 : memref<128x32xf32, #tpu.memory_space<vmem>>[vector<16xi32>, vector<16xi32>], vector<16xf32>,
    %broadcast_in_dim3A_972 = arith.constant 81 : i32
    %broadcast_in_dim3A_973 = vector.broadcast %broadcast_in_dim3A_972 : i32 to vector<16xi32>
    %add3A_974 = arith.constant 0 : i32
    %add3A_975 = vector.broadcast %add3A_974 : i32 to vector<16xi32>
    %add3A_976 = arith.addi %add3A_975, %iota3A : vector<16xi32>
    tpu.vector_store_idx %arg21[%broadcast_in_dim3A_973, %add3A_976], %broadcast_in_dim3A_1 : memref<128x32xf32, #tpu.memory_space<vmem>>[vector<16xi32>, vector<16xi32>], vector<16xf32>,
    %broadcast_in_dim3A_977 = arith.constant 81 : i32
    %broadcast_in_dim3A_978 = vector.broadcast %broadcast_in_dim3A_977 : i32 to vector<16xi32>
    %add3A_979 = arith.constant 16 : i32
    %add3A_980 = vector.broadcast %add3A_979 : i32 to vector<16xi32>
    %add3A_981 = arith.addi %add3A_980, %iota3A : vector<16xi32>
    tpu.vector_store_idx %arg21[%broadcast_in_dim3A_978, %add3A_981], %broadcast_in_dim3A_1 : memref<128x32xf32, #tpu.memory_space<vmem>>[vector<16xi32>, vector<16xi32>], vector<16xf32>,
    %broadcast_in_dim3A_982 = arith.constant 82 : i32
    %broadcast_in_dim3A_983 = vector.broadcast %broadcast_in_dim3A_982 : i32 to vector<16xi32>
    %add3A_984 = arith.constant 0 : i32
    %add3A_985 = vector.broadcast %add3A_984 : i32 to vector<16xi32>
    %add3A_986 = arith.addi %add3A_985, %iota3A : vector<16xi32>
    tpu.vector_store_idx %arg21[%broadcast_in_dim3A_983, %add3A_986], %broadcast_in_dim3A_1 : memref<128x32xf32, #tpu.memory_space<vmem>>[vector<16xi32>, vector<16xi32>], vector<16xf32>,
    %broadcast_in_dim3A_987 = arith.constant 82 : i32
    %broadcast_in_dim3A_988 = vector.broadcast %broadcast_in_dim3A_987 : i32 to vector<16xi32>
    %add3A_989 = arith.constant 16 : i32
    %add3A_990 = vector.broadcast %add3A_989 : i32 to vector<16xi32>
    %add3A_991 = arith.addi %add3A_990, %iota3A : vector<16xi32>
    tpu.vector_store_idx %arg21[%broadcast_in_dim3A_988, %add3A_991], %broadcast_in_dim3A_1 : memref<128x32xf32, #tpu.memory_space<vmem>>[vector<16xi32>, vector<16xi32>], vector<16xf32>,
    %broadcast_in_dim3A_992 = arith.constant 83 : i32
    %broadcast_in_dim3A_993 = vector.broadcast %broadcast_in_dim3A_992 : i32 to vector<16xi32>
    %add3A_994 = arith.constant 0 : i32
    %add3A_995 = vector.broadcast %add3A_994 : i32 to vector<16xi32>
    %add3A_996 = arith.addi %add3A_995, %iota3A : vector<16xi32>
    tpu.vector_store_idx %arg21[%broadcast_in_dim3A_993, %add3A_996], %broadcast_in_dim3A_1 : memref<128x32xf32, #tpu.memory_space<vmem>>[vector<16xi32>, vector<16xi32>], vector<16xf32>,
    %broadcast_in_dim3A_997 = arith.constant 83 : i32
    %broadcast_in_dim3A_998 = vector.broadcast %broadcast_in_dim3A_997 : i32 to vector<16xi32>
    %add3A_999 = arith.constant 16 : i32
    %add3A_1000 = vector.broadcast %add3A_999 : i32 to vector<16xi32>
    %add3A_1001 = arith.addi %add3A_1000, %iota3A : vector<16xi32>
    tpu.vector_store_idx %arg21[%broadcast_in_dim3A_998, %add3A_1001], %broadcast_in_dim3A_1 : memref<128x32xf32, #tpu.memory_space<vmem>>[vector<16xi32>, vector<16xi32>], vector<16xf32>,
    %broadcast_in_dim3A_1002 = arith.constant 84 : i32
    %broadcast_in_dim3A_1003 = vector.broadcast %broadcast_in_dim3A_1002 : i32 to vector<16xi32>
    %add3A_1004 = arith.constant 0 : i32
    %add3A_1005 = vector.broadcast %add3A_1004 : i32 to vector<16xi32>
    %add3A_1006 = arith.addi %add3A_1005, %iota3A : vector<16xi32>
    tpu.vector_store_idx %arg21[%broadcast_in_dim3A_1003, %add3A_1006], %broadcast_in_dim3A_1 : memref<128x32xf32, #tpu.memory_space<vmem>>[vector<16xi32>, vector<16xi32>], vector<16xf32>,
    %broadcast_in_dim3A_1007 = arith.constant 84 : i32
    %broadcast_in_dim3A_1008 = vector.broadcast %broadcast_in_dim3A_1007 : i32 to vector<16xi32>
    %add3A_1009 = arith.constant 16 : i32
    %add3A_1010 = vector.broadcast %add3A_1009 : i32 to vector<16xi32>
    %add3A_1011 = arith.addi %add3A_1010, %iota3A : vector<16xi32>
    tpu.vector_store_idx %arg21[%broadcast_in_dim3A_1008, %add3A_1011], %broadcast_in_dim3A_1 : memref<128x32xf32, #tpu.memory_space<vmem>>[vector<16xi32>, vector<16xi32>], vector<16xf32>,
    %broadcast_in_dim3A_1012 = arith.constant 85 : i32
    %broadcast_in_dim3A_1013 = vector.broadcast %broadcast_in_dim3A_1012 : i32 to vector<16xi32>
    %add3A_1014 = arith.constant 0 : i32
    %add3A_1015 = vector.broadcast %add3A_1014 : i32 to vector<16xi32>
    %add3A_1016 = arith.addi %add3A_1015, %iota3A : vector<16xi32>
    tpu.vector_store_idx %arg21[%broadcast_in_dim3A_1013, %add3A_1016], %broadcast_in_dim3A_1 : memref<128x32xf32, #tpu.memory_space<vmem>>[vector<16xi32>, vector<16xi32>], vector<16xf32>,
    %broadcast_in_dim3A_1017 = arith.constant 85 : i32
    %broadcast_in_dim3A_1018 = vector.broadcast %broadcast_in_dim3A_1017 : i32 to vector<16xi32>
    %add3A_1019 = arith.constant 16 : i32
    %add3A_1020 = vector.broadcast %add3A_1019 : i32 to vector<16xi32>
    %add3A_1021 = arith.addi %add3A_1020, %iota3A : vector<16xi32>
    tpu.vector_store_idx %arg21[%broadcast_in_dim3A_1018, %add3A_1021], %broadcast_in_dim3A_1 : memref<128x32xf32, #tpu.memory_space<vmem>>[vector<16xi32>, vector<16xi32>], vector<16xf32>,
    %broadcast_in_dim3A_1022 = arith.constant 86 : i32
    %broadcast_in_dim3A_1023 = vector.broadcast %broadcast_in_dim3A_1022 : i32 to vector<16xi32>
    %add3A_1024 = arith.constant 0 : i32
    %add3A_1025 = vector.broadcast %add3A_1024 : i32 to vector<16xi32>
    %add3A_1026 = arith.addi %add3A_1025, %iota3A : vector<16xi32>
    tpu.vector_store_idx %arg21[%broadcast_in_dim3A_1023, %add3A_1026], %broadcast_in_dim3A_1 : memref<128x32xf32, #tpu.memory_space<vmem>>[vector<16xi32>, vector<16xi32>], vector<16xf32>,
    %broadcast_in_dim3A_1027 = arith.constant 86 : i32
    %broadcast_in_dim3A_1028 = vector.broadcast %broadcast_in_dim3A_1027 : i32 to vector<16xi32>
    %add3A_1029 = arith.constant 16 : i32
    %add3A_1030 = vector.broadcast %add3A_1029 : i32 to vector<16xi32>
    %add3A_1031 = arith.addi %add3A_1030, %iota3A : vector<16xi32>
    tpu.vector_store_idx %arg21[%broadcast_in_dim3A_1028, %add3A_1031], %broadcast_in_dim3A_1 : memref<128x32xf32, #tpu.memory_space<vmem>>[vector<16xi32>, vector<16xi32>], vector<16xf32>,
    %broadcast_in_dim3A_1032 = arith.constant 87 : i32
    %broadcast_in_dim3A_1033 = vector.broadcast %broadcast_in_dim3A_1032 : i32 to vector<16xi32>
    %add3A_1034 = arith.constant 0 : i32
    %add3A_1035 = vector.broadcast %add3A_1034 : i32 to vector<16xi32>
    %add3A_1036 = arith.addi %add3A_1035, %iota3A : vector<16xi32>
    tpu.vector_store_idx %arg21[%broadcast_in_dim3A_1033, %add3A_1036], %broadcast_in_dim3A_1 : memref<128x32xf32, #tpu.memory_space<vmem>>[vector<16xi32>, vector<16xi32>], vector<16xf32>,
    %broadcast_in_dim3A_1037 = arith.constant 87 : i32
    %broadcast_in_dim3A_1038 = vector.broadcast %broadcast_in_dim3A_1037 : i32 to vector<16xi32>
    %add3A_1039 = arith.constant 16 : i32
    %add3A_1040 = vector.broadcast %add3A_1039 : i32 to vector<16xi32>
    %add3A_1041 = arith.addi %add3A_1040, %iota3A : vector<16xi32>
    tpu.vector_store_idx %arg21[%broadcast_in_dim3A_1038, %add3A_1041], %broadcast_in_dim3A_1 : memref<128x32xf32, #tpu.memory_space<vmem>>[vector<16xi32>, vector<16xi32>], vector<16xf32>,
    %broadcast_in_dim3A_1042 = arith.constant 88 : i32
    %broadcast_in_dim3A_1043 = vector.broadcast %broadcast_in_dim3A_1042 : i32 to vector<16xi32>
    %add3A_1044 = arith.constant 0 : i32
    %add3A_1045 = vector.broadcast %add3A_1044 : i32 to vector<16xi32>
    %add3A_1046 = arith.addi %add3A_1045, %iota3A : vector<16xi32>
    tpu.vector_store_idx %arg21[%broadcast_in_dim3A_1043, %add3A_1046], %broadcast_in_dim3A_1 : memref<128x32xf32, #tpu.memory_space<vmem>>[vector<16xi32>, vector<16xi32>], vector<16xf32>,
    %broadcast_in_dim3A_1047 = arith.constant 88 : i32
    %broadcast_in_dim3A_1048 = vector.broadcast %broadcast_in_dim3A_1047 : i32 to vector<16xi32>
    %add3A_1049 = arith.constant 16 : i32
    %add3A_1050 = vector.broadcast %add3A_1049 : i32 to vector<16xi32>
    %add3A_1051 = arith.addi %add3A_1050, %iota3A : vector<16xi32>
    tpu.vector_store_idx %arg21[%broadcast_in_dim3A_1048, %add3A_1051], %broadcast_in_dim3A_1 : memref<128x32xf32, #tpu.memory_space<vmem>>[vector<16xi32>, vector<16xi32>], vector<16xf32>,
    %broadcast_in_dim3A_1052 = arith.constant 89 : i32
    %broadcast_in_dim3A_1053 = vector.broadcast %broadcast_in_dim3A_1052 : i32 to vector<16xi32>
    %add3A_1054 = arith.constant 0 : i32
    %add3A_1055 = vector.broadcast %add3A_1054 : i32 to vector<16xi32>
    %add3A_1056 = arith.addi %add3A_1055, %iota3A : vector<16xi32>
    tpu.vector_store_idx %arg21[%broadcast_in_dim3A_1053, %add3A_1056], %broadcast_in_dim3A_1 : memref<128x32xf32, #tpu.memory_space<vmem>>[vector<16xi32>, vector<16xi32>], vector<16xf32>,
    %broadcast_in_dim3A_1057 = arith.constant 89 : i32
    %broadcast_in_dim3A_1058 = vector.broadcast %broadcast_in_dim3A_1057 : i32 to vector<16xi32>
    %add3A_1059 = arith.constant 16 : i32
    %add3A_1060 = vector.broadcast %add3A_1059 : i32 to vector<16xi32>
    %add3A_1061 = arith.addi %add3A_1060, %iota3A : vector<16xi32>
    tpu.vector_store_idx %arg21[%broadcast_in_dim3A_1058, %add3A_1061], %broadcast_in_dim3A_1 : memref<128x32xf32, #tpu.memory_space<vmem>>[vector<16xi32>, vector<16xi32>], vector<16xf32>,
    %broadcast_in_dim3A_1062 = arith.constant 90 : i32
    %broadcast_in_dim3A_1063 = vector.broadcast %broadcast_in_dim3A_1062 : i32 to vector<16xi32>
    %add3A_1064 = arith.constant 0 : i32
    %add3A_1065 = vector.broadcast %add3A_1064 : i32 to vector<16xi32>
    %add3A_1066 = arith.addi %add3A_1065, %iota3A : vector<16xi32>
    tpu.vector_store_idx %arg21[%broadcast_in_dim3A_1063, %add3A_1066], %broadcast_in_dim3A_1 : memref<128x32xf32, #tpu.memory_space<vmem>>[vector<16xi32>, vector<16xi32>], vector<16xf32>,
    %broadcast_in_dim3A_1067 = arith.constant 90 : i32
    %broadcast_in_dim3A_1068 = vector.broadcast %broadcast_in_dim3A_1067 : i32 to vector<16xi32>
    %add3A_1069 = arith.constant 16 : i32
    %add3A_1070 = vector.broadcast %add3A_1069 : i32 to vector<16xi32>
    %add3A_1071 = arith.addi %add3A_1070, %iota3A : vector<16xi32>
    tpu.vector_store_idx %arg21[%broadcast_in_dim3A_1068, %add3A_1071], %broadcast_in_dim3A_1 : memref<128x32xf32, #tpu.memory_space<vmem>>[vector<16xi32>, vector<16xi32>], vector<16xf32>,
    %broadcast_in_dim3A_1072 = arith.constant 91 : i32
    %broadcast_in_dim3A_1073 = vector.broadcast %broadcast_in_dim3A_1072 : i32 to vector<16xi32>
    %add3A_1074 = arith.constant 0 : i32
    %add3A_1075 = vector.broadcast %add3A_1074 : i32 to vector<16xi32>
    %add3A_1076 = arith.addi %add3A_1075, %iota3A : vector<16xi32>
    tpu.vector_store_idx %arg21[%broadcast_in_dim3A_1073, %add3A_1076], %broadcast_in_dim3A_1 : memref<128x32xf32, #tpu.memory_space<vmem>>[vector<16xi32>, vector<16xi32>], vector<16xf32>,
    %broadcast_in_dim3A_1077 = arith.constant 91 : i32
    %broadcast_in_dim3A_1078 = vector.broadcast %broadcast_in_dim3A_1077 : i32 to vector<16xi32>
    %add3A_1079 = arith.constant 16 : i32
    %add3A_1080 = vector.broadcast %add3A_1079 : i32 to vector<16xi32>
    %add3A_1081 = arith.addi %add3A_1080, %iota3A : vector<16xi32>
    tpu.vector_store_idx %arg21[%broadcast_in_dim3A_1078, %add3A_1081], %broadcast_in_dim3A_1 : memref<128x32xf32, #tpu.memory_space<vmem>>[vector<16xi32>, vector<16xi32>], vector<16xf32>,
    %broadcast_in_dim3A_1082 = arith.constant 92 : i32
    %broadcast_in_dim3A_1083 = vector.broadcast %broadcast_in_dim3A_1082 : i32 to vector<16xi32>
    %add3A_1084 = arith.constant 0 : i32
    %add3A_1085 = vector.broadcast %add3A_1084 : i32 to vector<16xi32>
    %add3A_1086 = arith.addi %add3A_1085, %iota3A : vector<16xi32>
    tpu.vector_store_idx %arg21[%broadcast_in_dim3A_1083, %add3A_1086], %broadcast_in_dim3A_1 : memref<128x32xf32, #tpu.memory_space<vmem>>[vector<16xi32>, vector<16xi32>], vector<16xf32>,
    %broadcast_in_dim3A_1087 = arith.constant 92 : i32
    %broadcast_in_dim3A_1088 = vector.broadcast %broadcast_in_dim3A_1087 : i32 to vector<16xi32>
    %add3A_1089 = arith.constant 16 : i32
    %add3A_1090 = vector.broadcast %add3A_1089 : i32 to vector<16xi32>
    %add3A_1091 = arith.addi %add3A_1090, %iota3A : vector<16xi32>
    tpu.vector_store_idx %arg21[%broadcast_in_dim3A_1088, %add3A_1091], %broadcast_in_dim3A_1 : memref<128x32xf32, #tpu.memory_space<vmem>>[vector<16xi32>, vector<16xi32>], vector<16xf32>,
    %broadcast_in_dim3A_1092 = arith.constant 93 : i32
    %broadcast_in_dim3A_1093 = vector.broadcast %broadcast_in_dim3A_1092 : i32 to vector<16xi32>
    %add3A_1094 = arith.constant 0 : i32
    %add3A_1095 = vector.broadcast %add3A_1094 : i32 to vector<16xi32>
    %add3A_1096 = arith.addi %add3A_1095, %iota3A : vector<16xi32>
    tpu.vector_store_idx %arg21[%broadcast_in_dim3A_1093, %add3A_1096], %broadcast_in_dim3A_1 : memref<128x32xf32, #tpu.memory_space<vmem>>[vector<16xi32>, vector<16xi32>], vector<16xf32>,
    %broadcast_in_dim3A_1097 = arith.constant 93 : i32
    %broadcast_in_dim3A_1098 = vector.broadcast %broadcast_in_dim3A_1097 : i32 to vector<16xi32>
    %add3A_1099 = arith.constant 16 : i32
    %add3A_1100 = vector.broadcast %add3A_1099 : i32 to vector<16xi32>
    %add3A_1101 = arith.addi %add3A_1100, %iota3A : vector<16xi32>
    tpu.vector_store_idx %arg21[%broadcast_in_dim3A_1098, %add3A_1101], %broadcast_in_dim3A_1 : memref<128x32xf32, #tpu.memory_space<vmem>>[vector<16xi32>, vector<16xi32>], vector<16xf32>,
    %broadcast_in_dim3A_1102 = arith.constant 94 : i32
    %broadcast_in_dim3A_1103 = vector.broadcast %broadcast_in_dim3A_1102 : i32 to vector<16xi32>
    %add3A_1104 = arith.constant 0 : i32
    %add3A_1105 = vector.broadcast %add3A_1104 : i32 to vector<16xi32>
    %add3A_1106 = arith.addi %add3A_1105, %iota3A : vector<16xi32>
    tpu.vector_store_idx %arg21[%broadcast_in_dim3A_1103, %add3A_1106], %broadcast_in_dim3A_1 : memref<128x32xf32, #tpu.memory_space<vmem>>[vector<16xi32>, vector<16xi32>], vector<16xf32>,
    %broadcast_in_dim3A_1107 = arith.constant 94 : i32
    %broadcast_in_dim3A_1108 = vector.broadcast %broadcast_in_dim3A_1107 : i32 to vector<16xi32>
    %add3A_1109 = arith.constant 16 : i32
    %add3A_1110 = vector.broadcast %add3A_1109 : i32 to vector<16xi32>
    %add3A_1111 = arith.addi %add3A_1110, %iota3A : vector<16xi32>
    tpu.vector_store_idx %arg21[%broadcast_in_dim3A_1108, %add3A_1111], %broadcast_in_dim3A_1 : memref<128x32xf32, #tpu.memory_space<vmem>>[vector<16xi32>, vector<16xi32>], vector<16xf32>,
    %broadcast_in_dim3A_1112 = arith.constant 95 : i32
    %broadcast_in_dim3A_1113 = vector.broadcast %broadcast_in_dim3A_1112 : i32 to vector<16xi32>
    %add3A_1114 = arith.constant 0 : i32
    %add3A_1115 = vector.broadcast %add3A_1114 : i32 to vector<16xi32>
    %add3A_1116 = arith.addi %add3A_1115, %iota3A : vector<16xi32>
    tpu.vector_store_idx %arg21[%broadcast_in_dim3A_1113, %add3A_1116], %broadcast_in_dim3A_1 : memref<128x32xf32, #tpu.memory_space<vmem>>[vector<16xi32>, vector<16xi32>], vector<16xf32>,
    %broadcast_in_dim3A_1117 = arith.constant 95 : i32
    %broadcast_in_dim3A_1118 = vector.broadcast %broadcast_in_dim3A_1117 : i32 to vector<16xi32>
    %add3A_1119 = arith.constant 16 : i32
    %add3A_1120 = vector.broadcast %add3A_1119 : i32 to vector<16xi32>
    %add3A_1121 = arith.addi %add3A_1120, %iota3A : vector<16xi32>
    tpu.vector_store_idx %arg21[%broadcast_in_dim3A_1118, %add3A_1121], %broadcast_in_dim3A_1 : memref<128x32xf32, #tpu.memory_space<vmem>>[vector<16xi32>, vector<16xi32>], vector<16xf32>,
    %broadcast_in_dim3A_1122 = arith.constant 96 : i32
    %broadcast_in_dim3A_1123 = vector.broadcast %broadcast_in_dim3A_1122 : i32 to vector<16xi32>
    %add3A_1124 = arith.constant 0 : i32
    %add3A_1125 = vector.broadcast %add3A_1124 : i32 to vector<16xi32>
    %add3A_1126 = arith.addi %add3A_1125, %iota3A : vector<16xi32>
    tpu.vector_store_idx %arg21[%broadcast_in_dim3A_1123, %add3A_1126], %broadcast_in_dim3A_1 : memref<128x32xf32, #tpu.memory_space<vmem>>[vector<16xi32>, vector<16xi32>], vector<16xf32>,
    %broadcast_in_dim3A_1127 = arith.constant 96 : i32
    %broadcast_in_dim3A_1128 = vector.broadcast %broadcast_in_dim3A_1127 : i32 to vector<16xi32>
    %add3A_1129 = arith.constant 16 : i32
    %add3A_1130 = vector.broadcast %add3A_1129 : i32 to vector<16xi32>
    %add3A_1131 = arith.addi %add3A_1130, %iota3A : vector<16xi32>
    tpu.vector_store_idx %arg21[%broadcast_in_dim3A_1128, %add3A_1131], %broadcast_in_dim3A_1 : memref<128x32xf32, #tpu.memory_space<vmem>>[vector<16xi32>, vector<16xi32>], vector<16xf32>,
    %broadcast_in_dim3A_1132 = arith.constant 97 : i32
    %broadcast_in_dim3A_1133 = vector.broadcast %broadcast_in_dim3A_1132 : i32 to vector<16xi32>
    %add3A_1134 = arith.constant 0 : i32
    %add3A_1135 = vector.broadcast %add3A_1134 : i32 to vector<16xi32>
    %add3A_1136 = arith.addi %add3A_1135, %iota3A : vector<16xi32>
    tpu.vector_store_idx %arg21[%broadcast_in_dim3A_1133, %add3A_1136], %broadcast_in_dim3A_1 : memref<128x32xf32, #tpu.memory_space<vmem>>[vector<16xi32>, vector<16xi32>], vector<16xf32>,
    %broadcast_in_dim3A_1137 = arith.constant 97 : i32
    %broadcast_in_dim3A_1138 = vector.broadcast %broadcast_in_dim3A_1137 : i32 to vector<16xi32>
    %add3A_1139 = arith.constant 16 : i32
    %add3A_1140 = vector.broadcast %add3A_1139 : i32 to vector<16xi32>
    %add3A_1141 = arith.addi %add3A_1140, %iota3A : vector<16xi32>
    tpu.vector_store_idx %arg21[%broadcast_in_dim3A_1138, %add3A_1141], %broadcast_in_dim3A_1 : memref<128x32xf32, #tpu.memory_space<vmem>>[vector<16xi32>, vector<16xi32>], vector<16xf32>,
    %broadcast_in_dim3A_1142 = arith.constant 98 : i32
    %broadcast_in_dim3A_1143 = vector.broadcast %broadcast_in_dim3A_1142 : i32 to vector<16xi32>
    %add3A_1144 = arith.constant 0 : i32
    %add3A_1145 = vector.broadcast %add3A_1144 : i32 to vector<16xi32>
    %add3A_1146 = arith.addi %add3A_1145, %iota3A : vector<16xi32>
    tpu.vector_store_idx %arg21[%broadcast_in_dim3A_1143, %add3A_1146], %broadcast_in_dim3A_1 : memref<128x32xf32, #tpu.memory_space<vmem>>[vector<16xi32>, vector<16xi32>], vector<16xf32>,
    %broadcast_in_dim3A_1147 = arith.constant 98 : i32
    %broadcast_in_dim3A_1148 = vector.broadcast %broadcast_in_dim3A_1147 : i32 to vector<16xi32>
    %add3A_1149 = arith.constant 16 : i32
    %add3A_1150 = vector.broadcast %add3A_1149 : i32 to vector<16xi32>
    %add3A_1151 = arith.addi %add3A_1150, %iota3A : vector<16xi32>
    tpu.vector_store_idx %arg21[%broadcast_in_dim3A_1148, %add3A_1151], %broadcast_in_dim3A_1 : memref<128x32xf32, #tpu.memory_space<vmem>>[vector<16xi32>, vector<16xi32>], vector<16xf32>,
    %broadcast_in_dim3A_1152 = arith.constant 99 : i32
    %broadcast_in_dim3A_1153 = vector.broadcast %broadcast_in_dim3A_1152 : i32 to vector<16xi32>
    %add3A_1154 = arith.constant 0 : i32
    %add3A_1155 = vector.broadcast %add3A_1154 : i32 to vector<16xi32>
    %add3A_1156 = arith.addi %add3A_1155, %iota3A : vector<16xi32>
    tpu.vector_store_idx %arg21[%broadcast_in_dim3A_1153, %add3A_1156], %broadcast_in_dim3A_1 : memref<128x32xf32, #tpu.memory_space<vmem>>[vector<16xi32>, vector<16xi32>], vector<16xf32>,
    %broadcast_in_dim3A_1157 = arith.constant 99 : i32
    %broadcast_in_dim3A_1158 = vector.broadcast %broadcast_in_dim3A_1157 : i32 to vector<16xi32>
    %add3A_1159 = arith.constant 16 : i32
    %add3A_1160 = vector.broadcast %add3A_1159 : i32 to vector<16xi32>
    %add3A_1161 = arith.addi %add3A_1160, %iota3A : vector<16xi32>
    tpu.vector_store_idx %arg21[%broadcast_in_dim3A_1158, %add3A_1161], %broadcast_in_dim3A_1 : memref<128x32xf32, #tpu.memory_space<vmem>>[vector<16xi32>, vector<16xi32>], vector<16xf32>,
    %broadcast_in_dim3A_1162 = arith.constant 100 : i32
    %broadcast_in_dim3A_1163 = vector.broadcast %broadcast_in_dim3A_1162 : i32 to vector<16xi32>
    %add3A_1164 = arith.constant 0 : i32
    %add3A_1165 = vector.broadcast %add3A_1164 : i32 to vector<16xi32>
    %add3A_1166 = arith.addi %add3A_1165, %iota3A : vector<16xi32>
    tpu.vector_store_idx %arg21[%broadcast_in_dim3A_1163, %add3A_1166], %broadcast_in_dim3A_1 : memref<128x32xf32, #tpu.memory_space<vmem>>[vector<16xi32>, vector<16xi32>], vector<16xf32>,
    %broadcast_in_dim3A_1167 = arith.constant 100 : i32
    %broadcast_in_dim3A_1168 = vector.broadcast %broadcast_in_dim3A_1167 : i32 to vector<16xi32>
    %add3A_1169 = arith.constant 16 : i32
    %add3A_1170 = vector.broadcast %add3A_1169 : i32 to vector<16xi32>
    %add3A_1171 = arith.addi %add3A_1170, %iota3A : vector<16xi32>
    tpu.vector_store_idx %arg21[%broadcast_in_dim3A_1168, %add3A_1171], %broadcast_in_dim3A_1 : memref<128x32xf32, #tpu.memory_space<vmem>>[vector<16xi32>, vector<16xi32>], vector<16xf32>,
    %broadcast_in_dim3A_1172 = arith.constant 101 : i32
    %broadcast_in_dim3A_1173 = vector.broadcast %broadcast_in_dim3A_1172 : i32 to vector<16xi32>
    %add3A_1174 = arith.constant 0 : i32
    %add3A_1175 = vector.broadcast %add3A_1174 : i32 to vector<16xi32>
    %add3A_1176 = arith.addi %add3A_1175, %iota3A : vector<16xi32>
    tpu.vector_store_idx %arg21[%broadcast_in_dim3A_1173, %add3A_1176], %broadcast_in_dim3A_1 : memref<128x32xf32, #tpu.memory_space<vmem>>[vector<16xi32>, vector<16xi32>], vector<16xf32>,
    %broadcast_in_dim3A_1177 = arith.constant 101 : i32
    %broadcast_in_dim3A_1178 = vector.broadcast %broadcast_in_dim3A_1177 : i32 to vector<16xi32>
    %add3A_1179 = arith.constant 16 : i32
    %add3A_1180 = vector.broadcast %add3A_1179 : i32 to vector<16xi32>
    %add3A_1181 = arith.addi %add3A_1180, %iota3A : vector<16xi32>
    tpu.vector_store_idx %arg21[%broadcast_in_dim3A_1178, %add3A_1181], %broadcast_in_dim3A_1 : memref<128x32xf32, #tpu.memory_space<vmem>>[vector<16xi32>, vector<16xi32>], vector<16xf32>,
    %broadcast_in_dim3A_1182 = arith.constant 102 : i32
    %broadcast_in_dim3A_1183 = vector.broadcast %broadcast_in_dim3A_1182 : i32 to vector<16xi32>
    %add3A_1184 = arith.constant 0 : i32
    %add3A_1185 = vector.broadcast %add3A_1184 : i32 to vector<16xi32>
    %add3A_1186 = arith.addi %add3A_1185, %iota3A : vector<16xi32>
    tpu.vector_store_idx %arg21[%broadcast_in_dim3A_1183, %add3A_1186], %broadcast_in_dim3A_1 : memref<128x32xf32, #tpu.memory_space<vmem>>[vector<16xi32>, vector<16xi32>], vector<16xf32>,
    %broadcast_in_dim3A_1187 = arith.constant 102 : i32
    %broadcast_in_dim3A_1188 = vector.broadcast %broadcast_in_dim3A_1187 : i32 to vector<16xi32>
    %add3A_1189 = arith.constant 16 : i32
    %add3A_1190 = vector.broadcast %add3A_1189 : i32 to vector<16xi32>
    %add3A_1191 = arith.addi %add3A_1190, %iota3A : vector<16xi32>
    tpu.vector_store_idx %arg21[%broadcast_in_dim3A_1188, %add3A_1191], %broadcast_in_dim3A_1 : memref<128x32xf32, #tpu.memory_space<vmem>>[vector<16xi32>, vector<16xi32>], vector<16xf32>,
    %broadcast_in_dim3A_1192 = arith.constant 103 : i32
    %broadcast_in_dim3A_1193 = vector.broadcast %broadcast_in_dim3A_1192 : i32 to vector<16xi32>
    %add3A_1194 = arith.constant 0 : i32
    %add3A_1195 = vector.broadcast %add3A_1194 : i32 to vector<16xi32>
    %add3A_1196 = arith.addi %add3A_1195, %iota3A : vector<16xi32>
    tpu.vector_store_idx %arg21[%broadcast_in_dim3A_1193, %add3A_1196], %broadcast_in_dim3A_1 : memref<128x32xf32, #tpu.memory_space<vmem>>[vector<16xi32>, vector<16xi32>], vector<16xf32>,
    %broadcast_in_dim3A_1197 = arith.constant 103 : i32
    %broadcast_in_dim3A_1198 = vector.broadcast %broadcast_in_dim3A_1197 : i32 to vector<16xi32>
    %add3A_1199 = arith.constant 16 : i32
    %add3A_1200 = vector.broadcast %add3A_1199 : i32 to vector<16xi32>
    %add3A_1201 = arith.addi %add3A_1200, %iota3A : vector<16xi32>
    tpu.vector_store_idx %arg21[%broadcast_in_dim3A_1198, %add3A_1201], %broadcast_in_dim3A_1 : memref<128x32xf32, #tpu.memory_space<vmem>>[vector<16xi32>, vector<16xi32>], vector<16xf32>,
    %broadcast_in_dim3A_1202 = arith.constant 104 : i32
    %broadcast_in_dim3A_1203 = vector.broadcast %broadcast_in_dim3A_1202 : i32 to vector<16xi32>
    %add3A_1204 = arith.constant 0 : i32
    %add3A_1205 = vector.broadcast %add3A_1204 : i32 to vector<16xi32>
    %add3A_1206 = arith.addi %add3A_1205, %iota3A : vector<16xi32>
    tpu.vector_store_idx %arg21[%broadcast_in_dim3A_1203, %add3A_1206], %broadcast_in_dim3A_1 : memref<128x32xf32, #tpu.memory_space<vmem>>[vector<16xi32>, vector<16xi32>], vector<16xf32>,
    %broadcast_in_dim3A_1207 = arith.constant 104 : i32
    %broadcast_in_dim3A_1208 = vector.broadcast %broadcast_in_dim3A_1207 : i32 to vector<16xi32>
    %add3A_1209 = arith.constant 16 : i32
    %add3A_1210 = vector.broadcast %add3A_1209 : i32 to vector<16xi32>
    %add3A_1211 = arith.addi %add3A_1210, %iota3A : vector<16xi32>
    tpu.vector_store_idx %arg21[%broadcast_in_dim3A_1208, %add3A_1211], %broadcast_in_dim3A_1 : memref<128x32xf32, #tpu.memory_space<vmem>>[vector<16xi32>, vector<16xi32>], vector<16xf32>,
    %broadcast_in_dim3A_1212 = arith.constant 105 : i32
    %broadcast_in_dim3A_1213 = vector.broadcast %broadcast_in_dim3A_1212 : i32 to vector<16xi32>
    %add3A_1214 = arith.constant 0 : i32
    %add3A_1215 = vector.broadcast %add3A_1214 : i32 to vector<16xi32>
    %add3A_1216 = arith.addi %add3A_1215, %iota3A : vector<16xi32>
    tpu.vector_store_idx %arg21[%broadcast_in_dim3A_1213, %add3A_1216], %broadcast_in_dim3A_1 : memref<128x32xf32, #tpu.memory_space<vmem>>[vector<16xi32>, vector<16xi32>], vector<16xf32>,
    %broadcast_in_dim3A_1217 = arith.constant 105 : i32
    %broadcast_in_dim3A_1218 = vector.broadcast %broadcast_in_dim3A_1217 : i32 to vector<16xi32>
    %add3A_1219 = arith.constant 16 : i32
    %add3A_1220 = vector.broadcast %add3A_1219 : i32 to vector<16xi32>
    %add3A_1221 = arith.addi %add3A_1220, %iota3A : vector<16xi32>
    tpu.vector_store_idx %arg21[%broadcast_in_dim3A_1218, %add3A_1221], %broadcast_in_dim3A_1 : memref<128x32xf32, #tpu.memory_space<vmem>>[vector<16xi32>, vector<16xi32>], vector<16xf32>,
    %broadcast_in_dim3A_1222 = arith.constant 106 : i32
    %broadcast_in_dim3A_1223 = vector.broadcast %broadcast_in_dim3A_1222 : i32 to vector<16xi32>
    %add3A_1224 = arith.constant 0 : i32
    %add3A_1225 = vector.broadcast %add3A_1224 : i32 to vector<16xi32>
    %add3A_1226 = arith.addi %add3A_1225, %iota3A : vector<16xi32>
    tpu.vector_store_idx %arg21[%broadcast_in_dim3A_1223, %add3A_1226], %broadcast_in_dim3A_1 : memref<128x32xf32, #tpu.memory_space<vmem>>[vector<16xi32>, vector<16xi32>], vector<16xf32>,
    %broadcast_in_dim3A_1227 = arith.constant 106 : i32
    %broadcast_in_dim3A_1228 = vector.broadcast %broadcast_in_dim3A_1227 : i32 to vector<16xi32>
    %add3A_1229 = arith.constant 16 : i32
    %add3A_1230 = vector.broadcast %add3A_1229 : i32 to vector<16xi32>
    %add3A_1231 = arith.addi %add3A_1230, %iota3A : vector<16xi32>
    tpu.vector_store_idx %arg21[%broadcast_in_dim3A_1228, %add3A_1231], %broadcast_in_dim3A_1 : memref<128x32xf32, #tpu.memory_space<vmem>>[vector<16xi32>, vector<16xi32>], vector<16xf32>,
    %broadcast_in_dim3A_1232 = arith.constant 107 : i32
    %broadcast_in_dim3A_1233 = vector.broadcast %broadcast_in_dim3A_1232 : i32 to vector<16xi32>
    %add3A_1234 = arith.constant 0 : i32
    %add3A_1235 = vector.broadcast %add3A_1234 : i32 to vector<16xi32>
    %add3A_1236 = arith.addi %add3A_1235, %iota3A : vector<16xi32>
    tpu.vector_store_idx %arg21[%broadcast_in_dim3A_1233, %add3A_1236], %broadcast_in_dim3A_1 : memref<128x32xf32, #tpu.memory_space<vmem>>[vector<16xi32>, vector<16xi32>], vector<16xf32>,
    %broadcast_in_dim3A_1237 = arith.constant 107 : i32
    %broadcast_in_dim3A_1238 = vector.broadcast %broadcast_in_dim3A_1237 : i32 to vector<16xi32>
    %add3A_1239 = arith.constant 16 : i32
    %add3A_1240 = vector.broadcast %add3A_1239 : i32 to vector<16xi32>
    %add3A_1241 = arith.addi %add3A_1240, %iota3A : vector<16xi32>
    tpu.vector_store_idx %arg21[%broadcast_in_dim3A_1238, %add3A_1241], %broadcast_in_dim3A_1 : memref<128x32xf32, #tpu.memory_space<vmem>>[vector<16xi32>, vector<16xi32>], vector<16xf32>,
    %broadcast_in_dim3A_1242 = arith.constant 108 : i32
    %broadcast_in_dim3A_1243 = vector.broadcast %broadcast_in_dim3A_1242 : i32 to vector<16xi32>
    %add3A_1244 = arith.constant 0 : i32
    %add3A_1245 = vector.broadcast %add3A_1244 : i32 to vector<16xi32>
    %add3A_1246 = arith.addi %add3A_1245, %iota3A : vector<16xi32>
    tpu.vector_store_idx %arg21[%broadcast_in_dim3A_1243, %add3A_1246], %broadcast_in_dim3A_1 : memref<128x32xf32, #tpu.memory_space<vmem>>[vector<16xi32>, vector<16xi32>], vector<16xf32>,
    %broadcast_in_dim3A_1247 = arith.constant 108 : i32
    %broadcast_in_dim3A_1248 = vector.broadcast %broadcast_in_dim3A_1247 : i32 to vector<16xi32>
    %add3A_1249 = arith.constant 16 : i32
    %add3A_1250 = vector.broadcast %add3A_1249 : i32 to vector<16xi32>
    %add3A_1251 = arith.addi %add3A_1250, %iota3A : vector<16xi32>
    tpu.vector_store_idx %arg21[%broadcast_in_dim3A_1248, %add3A_1251], %broadcast_in_dim3A_1 : memref<128x32xf32, #tpu.memory_space<vmem>>[vector<16xi32>, vector<16xi32>], vector<16xf32>,
    %broadcast_in_dim3A_1252 = arith.constant 109 : i32
    %broadcast_in_dim3A_1253 = vector.broadcast %broadcast_in_dim3A_1252 : i32 to vector<16xi32>
    %add3A_1254 = arith.constant 0 : i32
    %add3A_1255 = vector.broadcast %add3A_1254 : i32 to vector<16xi32>
    %add3A_1256 = arith.addi %add3A_1255, %iota3A : vector<16xi32>
    tpu.vector_store_idx %arg21[%broadcast_in_dim3A_1253, %add3A_1256], %broadcast_in_dim3A_1 : memref<128x32xf32, #tpu.memory_space<vmem>>[vector<16xi32>, vector<16xi32>], vector<16xf32>,
    %broadcast_in_dim3A_1257 = arith.constant 109 : i32
    %broadcast_in_dim3A_1258 = vector.broadcast %broadcast_in_dim3A_1257 : i32 to vector<16xi32>
    %add3A_1259 = arith.constant 16 : i32
    %add3A_1260 = vector.broadcast %add3A_1259 : i32 to vector<16xi32>
    %add3A_1261 = arith.addi %add3A_1260, %iota3A : vector<16xi32>
    tpu.vector_store_idx %arg21[%broadcast_in_dim3A_1258, %add3A_1261], %broadcast_in_dim3A_1 : memref<128x32xf32, #tpu.memory_space<vmem>>[vector<16xi32>, vector<16xi32>], vector<16xf32>,
    %broadcast_in_dim3A_1262 = arith.constant 110 : i32
    %broadcast_in_dim3A_1263 = vector.broadcast %broadcast_in_dim3A_1262 : i32 to vector<16xi32>
    %add3A_1264 = arith.constant 0 : i32
    %add3A_1265 = vector.broadcast %add3A_1264 : i32 to vector<16xi32>
    %add3A_1266 = arith.addi %add3A_1265, %iota3A : vector<16xi32>
    tpu.vector_store_idx %arg21[%broadcast_in_dim3A_1263, %add3A_1266], %broadcast_in_dim3A_1 : memref<128x32xf32, #tpu.memory_space<vmem>>[vector<16xi32>, vector<16xi32>], vector<16xf32>,
    %broadcast_in_dim3A_1267 = arith.constant 110 : i32
    %broadcast_in_dim3A_1268 = vector.broadcast %broadcast_in_dim3A_1267 : i32 to vector<16xi32>
    %add3A_1269 = arith.constant 16 : i32
    %add3A_1270 = vector.broadcast %add3A_1269 : i32 to vector<16xi32>
    %add3A_1271 = arith.addi %add3A_1270, %iota3A : vector<16xi32>
    tpu.vector_store_idx %arg21[%broadcast_in_dim3A_1268, %add3A_1271], %broadcast_in_dim3A_1 : memref<128x32xf32, #tpu.memory_space<vmem>>[vector<16xi32>, vector<16xi32>], vector<16xf32>,
    %broadcast_in_dim3A_1272 = arith.constant 111 : i32
    %broadcast_in_dim3A_1273 = vector.broadcast %broadcast_in_dim3A_1272 : i32 to vector<16xi32>
    %add3A_1274 = arith.constant 0 : i32
    %add3A_1275 = vector.broadcast %add3A_1274 : i32 to vector<16xi32>
    %add3A_1276 = arith.addi %add3A_1275, %iota3A : vector<16xi32>
    tpu.vector_store_idx %arg21[%broadcast_in_dim3A_1273, %add3A_1276], %broadcast_in_dim3A_1 : memref<128x32xf32, #tpu.memory_space<vmem>>[vector<16xi32>, vector<16xi32>], vector<16xf32>,
    %broadcast_in_dim3A_1277 = arith.constant 111 : i32
    %broadcast_in_dim3A_1278 = vector.broadcast %broadcast_in_dim3A_1277 : i32 to vector<16xi32>
    %add3A_1279 = arith.constant 16 : i32
    %add3A_1280 = vector.broadcast %add3A_1279 : i32 to vector<16xi32>
    %add3A_1281 = arith.addi %add3A_1280, %iota3A : vector<16xi32>
    tpu.vector_store_idx %arg21[%broadcast_in_dim3A_1278, %add3A_1281], %broadcast_in_dim3A_1 : memref<128x32xf32, #tpu.memory_space<vmem>>[vector<16xi32>, vector<16xi32>], vector<16xf32>,
    %broadcast_in_dim3A_1282 = arith.constant 112 : i32
    %broadcast_in_dim3A_1283 = vector.broadcast %broadcast_in_dim3A_1282 : i32 to vector<16xi32>
    %add3A_1284 = arith.constant 0 : i32
    %add3A_1285 = vector.broadcast %add3A_1284 : i32 to vector<16xi32>
    %add3A_1286 = arith.addi %add3A_1285, %iota3A : vector<16xi32>
    tpu.vector_store_idx %arg21[%broadcast_in_dim3A_1283, %add3A_1286], %broadcast_in_dim3A_1 : memref<128x32xf32, #tpu.memory_space<vmem>>[vector<16xi32>, vector<16xi32>], vector<16xf32>,
    %broadcast_in_dim3A_1287 = arith.constant 112 : i32
    %broadcast_in_dim3A_1288 = vector.broadcast %broadcast_in_dim3A_1287 : i32 to vector<16xi32>
    %add3A_1289 = arith.constant 16 : i32
    %add3A_1290 = vector.broadcast %add3A_1289 : i32 to vector<16xi32>
    %add3A_1291 = arith.addi %add3A_1290, %iota3A : vector<16xi32>
    tpu.vector_store_idx %arg21[%broadcast_in_dim3A_1288, %add3A_1291], %broadcast_in_dim3A_1 : memref<128x32xf32, #tpu.memory_space<vmem>>[vector<16xi32>, vector<16xi32>], vector<16xf32>,
    %broadcast_in_dim3A_1292 = arith.constant 113 : i32
    %broadcast_in_dim3A_1293 = vector.broadcast %broadcast_in_dim3A_1292 : i32 to vector<16xi32>
    %add3A_1294 = arith.constant 0 : i32
    %add3A_1295 = vector.broadcast %add3A_1294 : i32 to vector<16xi32>
    %add3A_1296 = arith.addi %add3A_1295, %iota3A : vector<16xi32>
    tpu.vector_store_idx %arg21[%broadcast_in_dim3A_1293, %add3A_1296], %broadcast_in_dim3A_1 : memref<128x32xf32, #tpu.memory_space<vmem>>[vector<16xi32>, vector<16xi32>], vector<16xf32>,
    %broadcast_in_dim3A_1297 = arith.constant 113 : i32
    %broadcast_in_dim3A_1298 = vector.broadcast %broadcast_in_dim3A_1297 : i32 to vector<16xi32>
    %add3A_1299 = arith.constant 16 : i32
    %add3A_1300 = vector.broadcast %add3A_1299 : i32 to vector<16xi32>
    %add3A_1301 = arith.addi %add3A_1300, %iota3A : vector<16xi32>
    tpu.vector_store_idx %arg21[%broadcast_in_dim3A_1298, %add3A_1301], %broadcast_in_dim3A_1 : memref<128x32xf32, #tpu.memory_space<vmem>>[vector<16xi32>, vector<16xi32>], vector<16xf32>,
    %broadcast_in_dim3A_1302 = arith.constant 114 : i32
    %broadcast_in_dim3A_1303 = vector.broadcast %broadcast_in_dim3A_1302 : i32 to vector<16xi32>
    %add3A_1304 = arith.constant 0 : i32
    %add3A_1305 = vector.broadcast %add3A_1304 : i32 to vector<16xi32>
    %add3A_1306 = arith.addi %add3A_1305, %iota3A : vector<16xi32>
    tpu.vector_store_idx %arg21[%broadcast_in_dim3A_1303, %add3A_1306], %broadcast_in_dim3A_1 : memref<128x32xf32, #tpu.memory_space<vmem>>[vector<16xi32>, vector<16xi32>], vector<16xf32>,
    %broadcast_in_dim3A_1307 = arith.constant 114 : i32
    %broadcast_in_dim3A_1308 = vector.broadcast %broadcast_in_dim3A_1307 : i32 to vector<16xi32>
    %add3A_1309 = arith.constant 16 : i32
    %add3A_1310 = vector.broadcast %add3A_1309 : i32 to vector<16xi32>
    %add3A_1311 = arith.addi %add3A_1310, %iota3A : vector<16xi32>
    tpu.vector_store_idx %arg21[%broadcast_in_dim3A_1308, %add3A_1311], %broadcast_in_dim3A_1 : memref<128x32xf32, #tpu.memory_space<vmem>>[vector<16xi32>, vector<16xi32>], vector<16xf32>,
    %broadcast_in_dim3A_1312 = arith.constant 115 : i32
    %broadcast_in_dim3A_1313 = vector.broadcast %broadcast_in_dim3A_1312 : i32 to vector<16xi32>
    %add3A_1314 = arith.constant 0 : i32
    %add3A_1315 = vector.broadcast %add3A_1314 : i32 to vector<16xi32>
    %add3A_1316 = arith.addi %add3A_1315, %iota3A : vector<16xi32>
    tpu.vector_store_idx %arg21[%broadcast_in_dim3A_1313, %add3A_1316], %broadcast_in_dim3A_1 : memref<128x32xf32, #tpu.memory_space<vmem>>[vector<16xi32>, vector<16xi32>], vector<16xf32>,
    %broadcast_in_dim3A_1317 = arith.constant 115 : i32
    %broadcast_in_dim3A_1318 = vector.broadcast %broadcast_in_dim3A_1317 : i32 to vector<16xi32>
    %add3A_1319 = arith.constant 16 : i32
    %add3A_1320 = vector.broadcast %add3A_1319 : i32 to vector<16xi32>
    %add3A_1321 = arith.addi %add3A_1320, %iota3A : vector<16xi32>
    tpu.vector_store_idx %arg21[%broadcast_in_dim3A_1318, %add3A_1321], %broadcast_in_dim3A_1 : memref<128x32xf32, #tpu.memory_space<vmem>>[vector<16xi32>, vector<16xi32>], vector<16xf32>,
    %broadcast_in_dim3A_1322 = arith.constant 116 : i32
    %broadcast_in_dim3A_1323 = vector.broadcast %broadcast_in_dim3A_1322 : i32 to vector<16xi32>
    %add3A_1324 = arith.constant 0 : i32
    %add3A_1325 = vector.broadcast %add3A_1324 : i32 to vector<16xi32>
    %add3A_1326 = arith.addi %add3A_1325, %iota3A : vector<16xi32>
    tpu.vector_store_idx %arg21[%broadcast_in_dim3A_1323, %add3A_1326], %broadcast_in_dim3A_1 : memref<128x32xf32, #tpu.memory_space<vmem>>[vector<16xi32>, vector<16xi32>], vector<16xf32>,
    %broadcast_in_dim3A_1327 = arith.constant 116 : i32
    %broadcast_in_dim3A_1328 = vector.broadcast %broadcast_in_dim3A_1327 : i32 to vector<16xi32>
    %add3A_1329 = arith.constant 16 : i32
    %add3A_1330 = vector.broadcast %add3A_1329 : i32 to vector<16xi32>
    %add3A_1331 = arith.addi %add3A_1330, %iota3A : vector<16xi32>
    tpu.vector_store_idx %arg21[%broadcast_in_dim3A_1328, %add3A_1331], %broadcast_in_dim3A_1 : memref<128x32xf32, #tpu.memory_space<vmem>>[vector<16xi32>, vector<16xi32>], vector<16xf32>,
    %broadcast_in_dim3A_1332 = arith.constant 117 : i32
    %broadcast_in_dim3A_1333 = vector.broadcast %broadcast_in_dim3A_1332 : i32 to vector<16xi32>
    %add3A_1334 = arith.constant 0 : i32
    %add3A_1335 = vector.broadcast %add3A_1334 : i32 to vector<16xi32>
    %add3A_1336 = arith.addi %add3A_1335, %iota3A : vector<16xi32>
    tpu.vector_store_idx %arg21[%broadcast_in_dim3A_1333, %add3A_1336], %broadcast_in_dim3A_1 : memref<128x32xf32, #tpu.memory_space<vmem>>[vector<16xi32>, vector<16xi32>], vector<16xf32>,
    %broadcast_in_dim3A_1337 = arith.constant 117 : i32
    %broadcast_in_dim3A_1338 = vector.broadcast %broadcast_in_dim3A_1337 : i32 to vector<16xi32>
    %add3A_1339 = arith.constant 16 : i32
    %add3A_1340 = vector.broadcast %add3A_1339 : i32 to vector<16xi32>
    %add3A_1341 = arith.addi %add3A_1340, %iota3A : vector<16xi32>
    tpu.vector_store_idx %arg21[%broadcast_in_dim3A_1338, %add3A_1341], %broadcast_in_dim3A_1 : memref<128x32xf32, #tpu.memory_space<vmem>>[vector<16xi32>, vector<16xi32>], vector<16xf32>,
    %broadcast_in_dim3A_1342 = arith.constant 118 : i32
    %broadcast_in_dim3A_1343 = vector.broadcast %broadcast_in_dim3A_1342 : i32 to vector<16xi32>
    %add3A_1344 = arith.constant 0 : i32
    %add3A_1345 = vector.broadcast %add3A_1344 : i32 to vector<16xi32>
    %add3A_1346 = arith.addi %add3A_1345, %iota3A : vector<16xi32>
    tpu.vector_store_idx %arg21[%broadcast_in_dim3A_1343, %add3A_1346], %broadcast_in_dim3A_1 : memref<128x32xf32, #tpu.memory_space<vmem>>[vector<16xi32>, vector<16xi32>], vector<16xf32>,
    %broadcast_in_dim3A_1347 = arith.constant 118 : i32
    %broadcast_in_dim3A_1348 = vector.broadcast %broadcast_in_dim3A_1347 : i32 to vector<16xi32>
    %add3A_1349 = arith.constant 16 : i32
    %add3A_1350 = vector.broadcast %add3A_1349 : i32 to vector<16xi32>
    %add3A_1351 = arith.addi %add3A_1350, %iota3A : vector<16xi32>
    tpu.vector_store_idx %arg21[%broadcast_in_dim3A_1348, %add3A_1351], %broadcast_in_dim3A_1 : memref<128x32xf32, #tpu.memory_space<vmem>>[vector<16xi32>, vector<16xi32>], vector<16xf32>,
    %broadcast_in_dim3A_1352 = arith.constant 119 : i32
    %broadcast_in_dim3A_1353 = vector.broadcast %broadcast_in_dim3A_1352 : i32 to vector<16xi32>
    %add3A_1354 = arith.constant 0 : i32
    %add3A_1355 = vector.broadcast %add3A_1354 : i32 to vector<16xi32>
    %add3A_1356 = arith.addi %add3A_1355, %iota3A : vector<16xi32>
    tpu.vector_store_idx %arg21[%broadcast_in_dim3A_1353, %add3A_1356], %broadcast_in_dim3A_1 : memref<128x32xf32, #tpu.memory_space<vmem>>[vector<16xi32>, vector<16xi32>], vector<16xf32>,
    %broadcast_in_dim3A_1357 = arith.constant 119 : i32
    %broadcast_in_dim3A_1358 = vector.broadcast %broadcast_in_dim3A_1357 : i32 to vector<16xi32>
    %add3A_1359 = arith.constant 16 : i32
    %add3A_1360 = vector.broadcast %add3A_1359 : i32 to vector<16xi32>
    %add3A_1361 = arith.addi %add3A_1360, %iota3A : vector<16xi32>
    tpu.vector_store_idx %arg21[%broadcast_in_dim3A_1358, %add3A_1361], %broadcast_in_dim3A_1 : memref<128x32xf32, #tpu.memory_space<vmem>>[vector<16xi32>, vector<16xi32>], vector<16xf32>,
    %broadcast_in_dim3A_1362 = arith.constant 120 : i32
    %broadcast_in_dim3A_1363 = vector.broadcast %broadcast_in_dim3A_1362 : i32 to vector<16xi32>
    %add3A_1364 = arith.constant 0 : i32
    %add3A_1365 = vector.broadcast %add3A_1364 : i32 to vector<16xi32>
    %add3A_1366 = arith.addi %add3A_1365, %iota3A : vector<16xi32>
    tpu.vector_store_idx %arg21[%broadcast_in_dim3A_1363, %add3A_1366], %broadcast_in_dim3A_1 : memref<128x32xf32, #tpu.memory_space<vmem>>[vector<16xi32>, vector<16xi32>], vector<16xf32>,
    %broadcast_in_dim3A_1367 = arith.constant 120 : i32
    %broadcast_in_dim3A_1368 = vector.broadcast %broadcast_in_dim3A_1367 : i32 to vector<16xi32>
    %add3A_1369 = arith.constant 16 : i32
    %add3A_1370 = vector.broadcast %add3A_1369 : i32 to vector<16xi32>
    %add3A_1371 = arith.addi %add3A_1370, %iota3A : vector<16xi32>
    tpu.vector_store_idx %arg21[%broadcast_in_dim3A_1368, %add3A_1371], %broadcast_in_dim3A_1 : memref<128x32xf32, #tpu.memory_space<vmem>>[vector<16xi32>, vector<16xi32>], vector<16xf32>,
    %broadcast_in_dim3A_1372 = arith.constant 121 : i32
    %broadcast_in_dim3A_1373 = vector.broadcast %broadcast_in_dim3A_1372 : i32 to vector<16xi32>
    %add3A_1374 = arith.constant 0 : i32
    %add3A_1375 = vector.broadcast %add3A_1374 : i32 to vector<16xi32>
    %add3A_1376 = arith.addi %add3A_1375, %iota3A : vector<16xi32>
    tpu.vector_store_idx %arg21[%broadcast_in_dim3A_1373, %add3A_1376], %broadcast_in_dim3A_1 : memref<128x32xf32, #tpu.memory_space<vmem>>[vector<16xi32>, vector<16xi32>], vector<16xf32>,
    %broadcast_in_dim3A_1377 = arith.constant 121 : i32
    %broadcast_in_dim3A_1378 = vector.broadcast %broadcast_in_dim3A_1377 : i32 to vector<16xi32>
    %add3A_1379 = arith.constant 16 : i32
    %add3A_1380 = vector.broadcast %add3A_1379 : i32 to vector<16xi32>
    %add3A_1381 = arith.addi %add3A_1380, %iota3A : vector<16xi32>
    tpu.vector_store_idx %arg21[%broadcast_in_dim3A_1378, %add3A_1381], %broadcast_in_dim3A_1 : memref<128x32xf32, #tpu.memory_space<vmem>>[vector<16xi32>, vector<16xi32>], vector<16xf32>,
    %broadcast_in_dim3A_1382 = arith.constant 122 : i32
    %broadcast_in_dim3A_1383 = vector.broadcast %broadcast_in_dim3A_1382 : i32 to vector<16xi32>
    %add3A_1384 = arith.constant 0 : i32
    %add3A_1385 = vector.broadcast %add3A_1384 : i32 to vector<16xi32>
    %add3A_1386 = arith.addi %add3A_1385, %iota3A : vector<16xi32>
    tpu.vector_store_idx %arg21[%broadcast_in_dim3A_1383, %add3A_1386], %broadcast_in_dim3A_1 : memref<128x32xf32, #tpu.memory_space<vmem>>[vector<16xi32>, vector<16xi32>], vector<16xf32>,
    %broadcast_in_dim3A_1387 = arith.constant 122 : i32
    %broadcast_in_dim3A_1388 = vector.broadcast %broadcast_in_dim3A_1387 : i32 to vector<16xi32>
    %add3A_1389 = arith.constant 16 : i32
    %add3A_1390 = vector.broadcast %add3A_1389 : i32 to vector<16xi32>
    %add3A_1391 = arith.addi %add3A_1390, %iota3A : vector<16xi32>
    tpu.vector_store_idx %arg21[%broadcast_in_dim3A_1388, %add3A_1391], %broadcast_in_dim3A_1 : memref<128x32xf32, #tpu.memory_space<vmem>>[vector<16xi32>, vector<16xi32>], vector<16xf32>,
    %broadcast_in_dim3A_1392 = arith.constant 123 : i32
    %broadcast_in_dim3A_1393 = vector.broadcast %broadcast_in_dim3A_1392 : i32 to vector<16xi32>
    %add3A_1394 = arith.constant 0 : i32
    %add3A_1395 = vector.broadcast %add3A_1394 : i32 to vector<16xi32>
    %add3A_1396 = arith.addi %add3A_1395, %iota3A : vector<16xi32>
    tpu.vector_store_idx %arg21[%broadcast_in_dim3A_1393, %add3A_1396], %broadcast_in_dim3A_1 : memref<128x32xf32, #tpu.memory_space<vmem>>[vector<16xi32>, vector<16xi32>], vector<16xf32>,
    %broadcast_in_dim3A_1397 = arith.constant 123 : i32
    %broadcast_in_dim3A_1398 = vector.broadcast %broadcast_in_dim3A_1397 : i32 to vector<16xi32>
    %add3A_1399 = arith.constant 16 : i32
    %add3A_1400 = vector.broadcast %add3A_1399 : i32 to vector<16xi32>
    %add3A_1401 = arith.addi %add3A_1400, %iota3A : vector<16xi32>
    tpu.vector_store_idx %arg21[%broadcast_in_dim3A_1398, %add3A_1401], %broadcast_in_dim3A_1 : memref<128x32xf32, #tpu.memory_space<vmem>>[vector<16xi32>, vector<16xi32>], vector<16xf32>,
    %broadcast_in_dim3A_1402 = arith.constant 124 : i32
    %broadcast_in_dim3A_1403 = vector.broadcast %broadcast_in_dim3A_1402 : i32 to vector<16xi32>
    %add3A_1404 = arith.constant 0 : i32
    %add3A_1405 = vector.broadcast %add3A_1404 : i32 to vector<16xi32>
    %add3A_1406 = arith.addi %add3A_1405, %iota3A : vector<16xi32>
    tpu.vector_store_idx %arg21[%broadcast_in_dim3A_1403, %add3A_1406], %broadcast_in_dim3A_1 : memref<128x32xf32, #tpu.memory_space<vmem>>[vector<16xi32>, vector<16xi32>], vector<16xf32>,
    %broadcast_in_dim3A_1407 = arith.constant 124 : i32
    %broadcast_in_dim3A_1408 = vector.broadcast %broadcast_in_dim3A_1407 : i32 to vector<16xi32>
    %add3A_1409 = arith.constant 16 : i32
    %add3A_1410 = vector.broadcast %add3A_1409 : i32 to vector<16xi32>
    %add3A_1411 = arith.addi %add3A_1410, %iota3A : vector<16xi32>
    tpu.vector_store_idx %arg21[%broadcast_in_dim3A_1408, %add3A_1411], %broadcast_in_dim3A_1 : memref<128x32xf32, #tpu.memory_space<vmem>>[vector<16xi32>, vector<16xi32>], vector<16xf32>,
    %broadcast_in_dim3A_1412 = arith.constant 125 : i32
    %broadcast_in_dim3A_1413 = vector.broadcast %broadcast_in_dim3A_1412 : i32 to vector<16xi32>
    %add3A_1414 = arith.constant 0 : i32
    %add3A_1415 = vector.broadcast %add3A_1414 : i32 to vector<16xi32>
    %add3A_1416 = arith.addi %add3A_1415, %iota3A : vector<16xi32>
    tpu.vector_store_idx %arg21[%broadcast_in_dim3A_1413, %add3A_1416], %broadcast_in_dim3A_1 : memref<128x32xf32, #tpu.memory_space<vmem>>[vector<16xi32>, vector<16xi32>], vector<16xf32>,
    %broadcast_in_dim3A_1417 = arith.constant 125 : i32
    %broadcast_in_dim3A_1418 = vector.broadcast %broadcast_in_dim3A_1417 : i32 to vector<16xi32>
    %add3A_1419 = arith.constant 16 : i32
    %add3A_1420 = vector.broadcast %add3A_1419 : i32 to vector<16xi32>
    %add3A_1421 = arith.addi %add3A_1420, %iota3A : vector<16xi32>
    tpu.vector_store_idx %arg21[%broadcast_in_dim3A_1418, %add3A_1421], %broadcast_in_dim3A_1 : memref<128x32xf32, #tpu.memory_space<vmem>>[vector<16xi32>, vector<16xi32>], vector<16xf32>,
    %broadcast_in_dim3A_1422 = arith.constant 126 : i32
    %broadcast_in_dim3A_1423 = vector.broadcast %broadcast_in_dim3A_1422 : i32 to vector<16xi32>
    %add3A_1424 = arith.constant 0 : i32
    %add3A_1425 = vector.broadcast %add3A_1424 : i32 to vector<16xi32>
    %add3A_1426 = arith.addi %add3A_1425, %iota3A : vector<16xi32>
    tpu.vector_store_idx %arg21[%broadcast_in_dim3A_1423, %add3A_1426], %broadcast_in_dim3A_1 : memref<128x32xf32, #tpu.memory_space<vmem>>[vector<16xi32>, vector<16xi32>], vector<16xf32>,
    %broadcast_in_dim3A_1427 = arith.constant 126 : i32
    %broadcast_in_dim3A_1428 = vector.broadcast %broadcast_in_dim3A_1427 : i32 to vector<16xi32>
    %add3A_1429 = arith.constant 16 : i32
    %add3A_1430 = vector.broadcast %add3A_1429 : i32 to vector<16xi32>
    %add3A_1431 = arith.addi %add3A_1430, %iota3A : vector<16xi32>
    tpu.vector_store_idx %arg21[%broadcast_in_dim3A_1428, %add3A_1431], %broadcast_in_dim3A_1 : memref<128x32xf32, #tpu.memory_space<vmem>>[vector<16xi32>, vector<16xi32>], vector<16xf32>,
    %broadcast_in_dim3A_1432 = arith.constant 127 : i32
    %broadcast_in_dim3A_1433 = vector.broadcast %broadcast_in_dim3A_1432 : i32 to vector<16xi32>
    %add3A_1434 = arith.constant 0 : i32
    %add3A_1435 = vector.broadcast %add3A_1434 : i32 to vector<16xi32>
    %add3A_1436 = arith.addi %add3A_1435, %iota3A : vector<16xi32>
    tpu.vector_store_idx %arg21[%broadcast_in_dim3A_1433, %add3A_1436], %broadcast_in_dim3A_1 : memref<128x32xf32, #tpu.memory_space<vmem>>[vector<16xi32>, vector<16xi32>], vector<16xf32>,
    %broadcast_in_dim3A_1437 = arith.constant 127 : i32
    %broadcast_in_dim3A_1438 = vector.broadcast %broadcast_in_dim3A_1437 : i32 to vector<16xi32>
    %add3A_1439 = arith.constant 16 : i32
    %add3A_1440 = vector.broadcast %add3A_1439 : i32 to vector<16xi32>
    %add3A_1441 = arith.addi %add3A_1440, %iota3A : vector<16xi32>
    tpu.vector_store_idx %arg21[%broadcast_in_dim3A_1438, %add3A_1441], %broadcast_in_dim3A_1 : memref<128x32xf32, #tpu.memory_space<vmem>>[vector<16xi32>, vector<16xi32>], vector<16xf32>,
    %mul3A_1442 = arith.constant 640 : i32
    %mul3A_1443 = arith.muli %arg1, %mul3A_1442 : i32
    %add3A_1444 = arith.constant 0 : i32
    %add3A_1445 = arith.addi %mul3A_1443, %add3A_1444 : i32
    "tpu.region"() ({
      %run_scoped3A = tpu.sem_alloc : memref<!tpu.dma_semaphore, #tpu.memory_space<semaphore_mem>>
      %dma_start3A = arith.constant 0 : i32
      %dma_start3A_1491 = tpu.memref_slice %arg25[%add3A_1445, %dma_start3A] : memref<10240x32xf32, #tpu.memory_space<vmem_shared>> -> memref<128x32xf32, #tpu.memory_space<vmem_shared>>
      %dma_start3A_1492 = arith.constant 0 : i32
      %dma_start3A_1493 = tpu.memref_slice %arg25[%add3A_1445, %dma_start3A_1492] : memref<10240x32xf32, #tpu.memory_space<vmem_shared>> -> memref<128x32xf32, #tpu.memory_space<vmem_shared>>
      tpu.enqueue_dma source(%arg21 : memref<128x32xf32, #tpu.memory_space<vmem>>) target(%dma_start3A_1493 : memref<128x32xf32, #tpu.memory_space<vmem_shared>>) target_semaphore(%run_scoped3A : memref<!tpu.dma_semaphore, #tpu.memory_space<semaphore_mem>>)
      %dma_wait3A = arith.constant 0 : i32
      %dma_wait3A_1494 = tpu.memref_slice %arg25[%add3A_1445, %dma_wait3A] : memref<10240x32xf32, #tpu.memory_space<vmem_shared>> -> memref<128x32xf32, #tpu.memory_space<vmem_shared>>
      %dma_wait3A_1495 = arith.constant 0 : i32
      %dma_wait3A_1496 = tpu.memref_slice %arg25[%add3A_1445, %dma_wait3A_1495] : memref<10240x32xf32, #tpu.memory_space<vmem_shared>> -> memref<128x32xf32, #tpu.memory_space<vmem_shared>>
      tpu.wait_dma2 semaphore(%run_scoped3A : memref<!tpu.dma_semaphore, #tpu.memory_space<semaphore_mem>>) src(%arg21 : memref<128x32xf32, #tpu.memory_space<vmem>>) dst(%dma_wait3A_1496 : memref<128x32xf32, #tpu.memory_space<vmem_shared>>)
      tpu.yield
    }) : () -> ()
    %mul3A_1446 = arith.constant 640 : i32
    %mul3A_1447 = arith.muli %arg1, %mul3A_1446 : i32
    %add3A_1448 = arith.constant 128 : i32
    %add3A_1449 = arith.addi %mul3A_1447, %add3A_1448 : i32
    "tpu.region"() ({
      %run_scoped3A = tpu.sem_alloc : memref<!tpu.dma_semaphore, #tpu.memory_space<semaphore_mem>>
      %dma_start3A = arith.constant 0 : i32
      %dma_start3A_1491 = tpu.memref_slice %arg25[%add3A_1449, %dma_start3A] : memref<10240x32xf32, #tpu.memory_space<vmem_shared>> -> memref<128x32xf32, #tpu.memory_space<vmem_shared>>
      %dma_start3A_1492 = arith.constant 0 : i32
      %dma_start3A_1493 = tpu.memref_slice %arg25[%add3A_1449, %dma_start3A_1492] : memref<10240x32xf32, #tpu.memory_space<vmem_shared>> -> memref<128x32xf32, #tpu.memory_space<vmem_shared>>
      tpu.enqueue_dma source(%arg21 : memref<128x32xf32, #tpu.memory_space<vmem>>) target(%dma_start3A_1493 : memref<128x32xf32, #tpu.memory_space<vmem_shared>>) target_semaphore(%run_scoped3A : memref<!tpu.dma_semaphore, #tpu.memory_space<semaphore_mem>>)
      %dma_wait3A = arith.constant 0 : i32
      %dma_wait3A_1494 = tpu.memref_slice %arg25[%add3A_1449, %dma_wait3A] : memref<10240x32xf32, #tpu.memory_space<vmem_shared>> -> memref<128x32xf32, #tpu.memory_space<vmem_shared>>
      %dma_wait3A_1495 = arith.constant 0 : i32
      %dma_wait3A_1496 = tpu.memref_slice %arg25[%add3A_1449, %dma_wait3A_1495] : memref<10240x32xf32, #tpu.memory_space<vmem_shared>> -> memref<128x32xf32, #tpu.memory_space<vmem_shared>>
      tpu.wait_dma2 semaphore(%run_scoped3A : memref<!tpu.dma_semaphore, #tpu.memory_space<semaphore_mem>>) src(%arg21 : memref<128x32xf32, #tpu.memory_space<vmem>>) dst(%dma_wait3A_1496 : memref<128x32xf32, #tpu.memory_space<vmem_shared>>)
      tpu.yield
    }) : () -> ()
    %mul3A_1450 = arith.constant 640 : i32
    %mul3A_1451 = arith.muli %arg1, %mul3A_1450 : i32
    %add3A_1452 = arith.constant 256 : i32
    %add3A_1453 = arith.addi %mul3A_1451, %add3A_1452 : i32
    "tpu.region"() ({
      %run_scoped3A = tpu.sem_alloc : memref<!tpu.dma_semaphore, #tpu.memory_space<semaphore_mem>>
      %dma_start3A = arith.constant 0 : i32
      %dma_start3A_1491 = tpu.memref_slice %arg25[%add3A_1453, %dma_start3A] : memref<10240x32xf32, #tpu.memory_space<vmem_shared>> -> memref<128x32xf32, #tpu.memory_space<vmem_shared>>
      %dma_start3A_1492 = arith.constant 0 : i32
      %dma_start3A_1493 = tpu.memref_slice %arg25[%add3A_1453, %dma_start3A_1492] : memref<10240x32xf32, #tpu.memory_space<vmem_shared>> -> memref<128x32xf32, #tpu.memory_space<vmem_shared>>
      tpu.enqueue_dma source(%arg21 : memref<128x32xf32, #tpu.memory_space<vmem>>) target(%dma_start3A_1493 : memref<128x32xf32, #tpu.memory_space<vmem_shared>>) target_semaphore(%run_scoped3A : memref<!tpu.dma_semaphore, #tpu.memory_space<semaphore_mem>>)
      %dma_wait3A = arith.constant 0 : i32
      %dma_wait3A_1494 = tpu.memref_slice %arg25[%add3A_1453, %dma_wait3A] : memref<10240x32xf32, #tpu.memory_space<vmem_shared>> -> memref<128x32xf32, #tpu.memory_space<vmem_shared>>
      %dma_wait3A_1495 = arith.constant 0 : i32
      %dma_wait3A_1496 = tpu.memref_slice %arg25[%add3A_1453, %dma_wait3A_1495] : memref<10240x32xf32, #tpu.memory_space<vmem_shared>> -> memref<128x32xf32, #tpu.memory_space<vmem_shared>>
      tpu.wait_dma2 semaphore(%run_scoped3A : memref<!tpu.dma_semaphore, #tpu.memory_space<semaphore_mem>>) src(%arg21 : memref<128x32xf32, #tpu.memory_space<vmem>>) dst(%dma_wait3A_1496 : memref<128x32xf32, #tpu.memory_space<vmem_shared>>)
      tpu.yield
    }) : () -> ()
    %mul3A_1454 = arith.constant 640 : i32
    %mul3A_1455 = arith.muli %arg1, %mul3A_1454 : i32
    %add3A_1456 = arith.constant 384 : i32
    %add3A_1457 = arith.addi %mul3A_1455, %add3A_1456 : i32
    "tpu.region"() ({
      %run_scoped3A = tpu.sem_alloc : memref<!tpu.dma_semaphore, #tpu.memory_space<semaphore_mem>>
      %dma_start3A = arith.constant 0 : i32
      %dma_start3A_1491 = tpu.memref_slice %arg25[%add3A_1457, %dma_start3A] : memref<10240x32xf32, #tpu.memory_space<vmem_shared>> -> memref<128x32xf32, #tpu.memory_space<vmem_shared>>
      %dma_start3A_1492 = arith.constant 0 : i32
      %dma_start3A_1493 = tpu.memref_slice %arg25[%add3A_1457, %dma_start3A_1492] : memref<10240x32xf32, #tpu.memory_space<vmem_shared>> -> memref<128x32xf32, #tpu.memory_space<vmem_shared>>
      tpu.enqueue_dma source(%arg21 : memref<128x32xf32, #tpu.memory_space<vmem>>) target(%dma_start3A_1493 : memref<128x32xf32, #tpu.memory_space<vmem_shared>>) target_semaphore(%run_scoped3A : memref<!tpu.dma_semaphore, #tpu.memory_space<semaphore_mem>>)
      %dma_wait3A = arith.constant 0 : i32
      %dma_wait3A_1494 = tpu.memref_slice %arg25[%add3A_1457, %dma_wait3A] : memref<10240x32xf32, #tpu.memory_space<vmem_shared>> -> memref<128x32xf32, #tpu.memory_space<vmem_shared>>
      %dma_wait3A_1495 = arith.constant 0 : i32
      %dma_wait3A_1496 = tpu.memref_slice %arg25[%add3A_1457, %dma_wait3A_1495] : memref<10240x32xf32, #tpu.memory_space<vmem_shared>> -> memref<128x32xf32, #tpu.memory_space<vmem_shared>>
      tpu.wait_dma2 semaphore(%run_scoped3A : memref<!tpu.dma_semaphore, #tpu.memory_space<semaphore_mem>>) src(%arg21 : memref<128x32xf32, #tpu.memory_space<vmem>>) dst(%dma_wait3A_1496 : memref<128x32xf32, #tpu.memory_space<vmem_shared>>)
      tpu.yield
    }) : () -> ()
    %mul3A_1458 = arith.constant 640 : i32
    %mul3A_1459 = arith.muli %arg1, %mul3A_1458 : i32
    %add3A_1460 = arith.constant 512 : i32
    %add3A_1461 = arith.addi %mul3A_1459, %add3A_1460 : i32
    "tpu.region"() ({
      %run_scoped3A = tpu.sem_alloc : memref<!tpu.dma_semaphore, #tpu.memory_space<semaphore_mem>>
      %dma_start3A = arith.constant 0 : i32
      %dma_start3A_1491 = tpu.memref_slice %arg25[%add3A_1461, %dma_start3A] : memref<10240x32xf32, #tpu.memory_space<vmem_shared>> -> memref<128x32xf32, #tpu.memory_space<vmem_shared>>
      %dma_start3A_1492 = arith.constant 0 : i32
      %dma_start3A_1493 = tpu.memref_slice %arg25[%add3A_1461, %dma_start3A_1492] : memref<10240x32xf32, #tpu.memory_space<vmem_shared>> -> memref<128x32xf32, #tpu.memory_space<vmem_shared>>
      tpu.enqueue_dma source(%arg21 : memref<128x32xf32, #tpu.memory_space<vmem>>) target(%dma_start3A_1493 : memref<128x32xf32, #tpu.memory_space<vmem_shared>>) target_semaphore(%run_scoped3A : memref<!tpu.dma_semaphore, #tpu.memory_space<semaphore_mem>>)
      %dma_wait3A = arith.constant 0 : i32
      %dma_wait3A_1494 = tpu.memref_slice %arg25[%add3A_1461, %dma_wait3A] : memref<10240x32xf32, #tpu.memory_space<vmem_shared>> -> memref<128x32xf32, #tpu.memory_space<vmem_shared>>
      %dma_wait3A_1495 = arith.constant 0 : i32
      %dma_wait3A_1496 = tpu.memref_slice %arg25[%add3A_1461, %dma_wait3A_1495] : memref<10240x32xf32, #tpu.memory_space<vmem_shared>> -> memref<128x32xf32, #tpu.memory_space<vmem_shared>>
      tpu.wait_dma2 semaphore(%run_scoped3A : memref<!tpu.dma_semaphore, #tpu.memory_space<semaphore_mem>>) src(%arg21 : memref<128x32xf32, #tpu.memory_space<vmem>>) dst(%dma_wait3A_1496 : memref<128x32xf32, #tpu.memory_space<vmem_shared>>)
      tpu.yield
    }) : () -> ()
    "tpu.region"() ({
      %run_scoped3A = tpu.sem_alloc : memref<!tpu.dma_semaphore, #tpu.memory_space<semaphore_mem>>
      tpu.enqueue_dma source(%arg2 : memref<10000xf32, #tpu.memory_space<hbm>>) target(%arg10 : memref<10000xf32, #tpu.memory_space<vmem>>) target_semaphore(%run_scoped3A : memref<!tpu.dma_semaphore, #tpu.memory_space<semaphore_mem>>)
      tpu.wait_dma2 semaphore(%run_scoped3A : memref<!tpu.dma_semaphore, #tpu.memory_space<semaphore_mem>>) src(%arg2 : memref<10000xf32, #tpu.memory_space<hbm>>) dst(%arg10 : memref<10000xf32, #tpu.memory_space<vmem>>)
      tpu.yield
    }) : () -> ()
    "tpu.region"() ({
      %run_scoped3A = tpu.sem_alloc : memref<!tpu.dma_semaphore, #tpu.memory_space<semaphore_mem>>
      tpu.enqueue_dma source(%arg3 : memref<10000xf32, #tpu.memory_space<hbm>>) target(%arg11 : memref<10000xf32, #tpu.memory_space<vmem>>) target_semaphore(%run_scoped3A : memref<!tpu.dma_semaphore, #tpu.memory_space<semaphore_mem>>)
      tpu.wait_dma2 semaphore(%run_scoped3A : memref<!tpu.dma_semaphore, #tpu.memory_space<semaphore_mem>>) src(%arg3 : memref<10000xf32, #tpu.memory_space<hbm>>) dst(%arg11 : memref<10000xf32, #tpu.memory_space<vmem>>)
      tpu.yield
    }) : () -> ()
    "tpu.region"() ({
      %run_scoped3A = tpu.sem_alloc : memref<!tpu.dma_semaphore, #tpu.memory_space<semaphore_mem>>
      %dma_start3A = tpu.memref_slice %arg5[%multiple_of3A] : memref<160000xi32, #tpu.memory_space<hbm>> -> memref<10000xi32, #tpu.memory_space<hbm>>
      %dma_start3A_1491 = tpu.memref_slice %arg5[%multiple_of3A] : memref<160000xi32, #tpu.memory_space<hbm>> -> memref<10000xi32, #tpu.memory_space<hbm>>
      tpu.enqueue_dma source(%dma_start3A_1491 : memref<10000xi32, #tpu.memory_space<hbm>>) target(%arg12 : memref<10000xi32, #tpu.memory_space<vmem>>) target_semaphore(%run_scoped3A : memref<!tpu.dma_semaphore, #tpu.memory_space<semaphore_mem>>)
      %dma_wait3A = tpu.memref_slice %arg5[%multiple_of3A] : memref<160000xi32, #tpu.memory_space<hbm>> -> memref<10000xi32, #tpu.memory_space<hbm>>
      %dma_wait3A_1492 = tpu.memref_slice %arg5[%multiple_of3A] : memref<160000xi32, #tpu.memory_space<hbm>> -> memref<10000xi32, #tpu.memory_space<hbm>>
      tpu.wait_dma2 semaphore(%run_scoped3A : memref<!tpu.dma_semaphore, #tpu.memory_space<semaphore_mem>>) src(%dma_wait3A_1492 : memref<10000xi32, #tpu.memory_space<hbm>>) dst(%arg12 : memref<10000xi32, #tpu.memory_space<vmem>>)
      tpu.yield
    }) : () -> ()
    "tpu.region"() ({
      %run_scoped3A = tpu.sem_alloc : memref<!tpu.dma_semaphore, #tpu.memory_space<semaphore_mem>>
      %dma_start3A = tpu.memref_slice %arg6[%multiple_of3A] : memref<160000xi32, #tpu.memory_space<hbm>> -> memref<10000xi32, #tpu.memory_space<hbm>>
      %dma_start3A_1491 = tpu.memref_slice %arg6[%multiple_of3A] : memref<160000xi32, #tpu.memory_space<hbm>> -> memref<10000xi32, #tpu.memory_space<hbm>>
      tpu.enqueue_dma source(%dma_start3A_1491 : memref<10000xi32, #tpu.memory_space<hbm>>) target(%arg13 : memref<10000xi32, #tpu.memory_space<vmem>>) target_semaphore(%run_scoped3A : memref<!tpu.dma_semaphore, #tpu.memory_space<semaphore_mem>>)
      %dma_wait3A = tpu.memref_slice %arg6[%multiple_of3A] : memref<160000xi32, #tpu.memory_space<hbm>> -> memref<10000xi32, #tpu.memory_space<hbm>>
      %dma_wait3A_1492 = tpu.memref_slice %arg6[%multiple_of3A] : memref<160000xi32, #tpu.memory_space<hbm>> -> memref<10000xi32, #tpu.memory_space<hbm>>
      tpu.wait_dma2 semaphore(%run_scoped3A : memref<!tpu.dma_semaphore, #tpu.memory_space<semaphore_mem>>) src(%dma_wait3A_1492 : memref<10000xi32, #tpu.memory_space<hbm>>) dst(%arg13 : memref<10000xi32, #tpu.memory_space<vmem>>)
      tpu.yield
    }) : () -> ()
    "tpu.region"() ({
      %run_scoped3A = tpu.sem_alloc : memref<!tpu.dma_semaphore, #tpu.memory_space<semaphore_mem>>
      %dma_start3A = tpu.memref_slice %arg4[%multiple_of3A] : memref<160000xf32, #tpu.memory_space<hbm>> -> memref<10000xf32, #tpu.memory_space<hbm>>
      %dma_start3A_1491 = tpu.memref_slice %arg4[%multiple_of3A] : memref<160000xf32, #tpu.memory_space<hbm>> -> memref<10000xf32, #tpu.memory_space<hbm>>
      tpu.enqueue_dma source(%dma_start3A_1491 : memref<10000xf32, #tpu.memory_space<hbm>>) target(%arg14 : memref<10000xf32, #tpu.memory_space<vmem>>) target_semaphore(%run_scoped3A : memref<!tpu.dma_semaphore, #tpu.memory_space<semaphore_mem>>)
      %dma_wait3A = tpu.memref_slice %arg4[%multiple_of3A] : memref<160000xf32, #tpu.memory_space<hbm>> -> memref<10000xf32, #tpu.memory_space<hbm>>
      %dma_wait3A_1492 = tpu.memref_slice %arg4[%multiple_of3A] : memref<160000xf32, #tpu.memory_space<hbm>> -> memref<10000xf32, #tpu.memory_space<hbm>>
      tpu.wait_dma2 semaphore(%run_scoped3A : memref<!tpu.dma_semaphore, #tpu.memory_space<semaphore_mem>>) src(%dma_wait3A_1492 : memref<10000xf32, #tpu.memory_space<hbm>>) dst(%arg14 : memref<10000xf32, #tpu.memory_space<vmem>>)
      tpu.yield
    }) : () -> ()
    %barrier3A = arith.constant 0 : index
    tpu.barrier barrier_id(%barrier3A)
    %scan3A = arith.constant 0 : i32
    %scan3A_1462 = arith.constant 625 : i32
    %scan3A_1463 = arith.addi %scan3A, %scan3A_1462 : i32
    %scan3A_1464 = arith.constant 1 : i32
    scf.for %scan3A_1491 = %scan3A to %scan3A_1463 step %scan3A_1464  : i32 {
      %mul3A_1492 = arith.constant 16 : i32
      %mul3A_1493 = arith.muli %scan3A_1491, %mul3A_1492 : i32
      %multiple_of3A_1494 = tpu.assume_multiple %mul3A_1493, 16 : i32
      %get3A = arith.index_cast %multiple_of3A_1494 : i32 to index
      %get3A_1495 = tpu.vector_load %arg12[%get3A] {strides = array<i32>} : memref<10000xi32, #tpu.memory_space<vmem>>, vector<16xi32>,
      %get3A_1496 = arith.index_cast %multiple_of3A_1494 : i32 to index
      %get3A_1497 = tpu.vector_load %arg13[%get3A_1496] {strides = array<i32>} : memref<10000xi32, #tpu.memory_space<vmem>>, vector<16xi32>,
      %get3A_1498 = arith.index_cast %multiple_of3A_1494 : i32 to index
      %get3A_1499 = tpu.vector_load %arg14[%get3A_1498] {strides = array<i32>} : memref<10000xf32, #tpu.memory_space<vmem>>, vector<16xf32>,
      %gather3A = tpu.vector_load_idx %arg10[%get3A_1495] : memref<10000xf32, #tpu.memory_space<vmem>>[vector<16xi32>], vector<16xf32>,
      %gather3A_1500 = tpu.vector_load_idx %arg11[%get3A_1497] : memref<10000xf32, #tpu.memory_space<vmem>>[vector<16xi32>], vector<16xf32>,
      %add3A_1501 = arith.addf %gather3A, %gather3A_1500 : vector<16xf32>
      %add3A_1502 = arith.addf %add3A_1501, %get3A_1499 : vector<16xf32>
      %exp3A = math.exp %add3A_1502 : vector<16xf32>
      %swap3A_1503 = arith.index_cast %multiple_of3A_1494 : i32 to index
      %swap3A_1504 = tpu.vector_load %arg15[%swap3A_1503] {strides = array<i32>} : memref<10000xf32, #tpu.memory_space<vmem>>, vector<16xf32>,
      tpu.vector_store %arg15[%swap3A_1503], %exp3A {strides = array<i32>} : memref<10000xf32, #tpu.memory_space<vmem>>, vector<16xf32>,
      %rem3A = arith.constant 25 : i32
      %rem3A_1505 = arith.remsi %scan3A_1491, %rem3A : i32
      %mul3A_1506 = arith.constant 16 : i32
      %mul3A_1507 = arith.muli %rem3A_1505, %mul3A_1506 : i32
      %add3A_1508 = vector.broadcast %mul3A_1507 : i32 to vector<16xi32>
      %add3A_1509 = arith.addi %add3A_1508, %iota3A : vector<16xi32>
      %mul3A_1510 = arith.constant 16 : i32
      %mul3A_1511 = arith.muli %rem3A_1505, %mul3A_1510 : i32
      %add3A_1512 = arith.constant 0 : i32
      %add3A_1513 = arith.addi %mul3A_1511, %add3A_1512 : i32
      %broadcast_in_dim3A_1514 = vector.broadcast %add3A_1513 : i32 to vector<16xi32>
      tpu.vector_store_idx %arg17[%broadcast_in_dim3A_1514, %iota3A], %broadcast_in_dim3A_1 : memref<400x16xf32, #tpu.memory_space<vmem>>[vector<16xi32>, vector<16xi32>], vector<16xf32>,
      %mul3A_1515 = arith.constant 16 : i32
      %mul3A_1516 = arith.muli %rem3A_1505, %mul3A_1515 : i32
      %add3A_1517 = arith.constant 1 : i32
      %add3A_1518 = arith.addi %mul3A_1516, %add3A_1517 : i32
      %broadcast_in_dim3A_1519 = vector.broadcast %add3A_1518 : i32 to vector<16xi32>
      tpu.vector_store_idx %arg17[%broadcast_in_dim3A_1519, %iota3A], %broadcast_in_dim3A_1 : memref<400x16xf32, #tpu.memory_space<vmem>>[vector<16xi32>, vector<16xi32>], vector<16xf32>,
      %mul3A_1520 = arith.constant 16 : i32
      %mul3A_1521 = arith.muli %rem3A_1505, %mul3A_1520 : i32
      %add3A_1522 = arith.constant 2 : i32
      %add3A_1523 = arith.addi %mul3A_1521, %add3A_1522 : i32
      %broadcast_in_dim3A_1524 = vector.broadcast %add3A_1523 : i32 to vector<16xi32>
      tpu.vector_store_idx %arg17[%broadcast_in_dim3A_1524, %iota3A], %broadcast_in_dim3A_1 : memref<400x16xf32, #tpu.memory_space<vmem>>[vector<16xi32>, vector<16xi32>], vector<16xf32>,
      %mul3A_1525 = arith.constant 16 : i32
      %mul3A_1526 = arith.muli %rem3A_1505, %mul3A_1525 : i32
      %add3A_1527 = arith.constant 3 : i32
      %add3A_1528 = arith.addi %mul3A_1526, %add3A_1527 : i32
      %broadcast_in_dim3A_1529 = vector.broadcast %add3A_1528 : i32 to vector<16xi32>
      tpu.vector_store_idx %arg17[%broadcast_in_dim3A_1529, %iota3A], %broadcast_in_dim3A_1 : memref<400x16xf32, #tpu.memory_space<vmem>>[vector<16xi32>, vector<16xi32>], vector<16xf32>,
      %mul3A_1530 = arith.constant 16 : i32
      %mul3A_1531 = arith.muli %rem3A_1505, %mul3A_1530 : i32
      %add3A_1532 = arith.constant 4 : i32
      %add3A_1533 = arith.addi %mul3A_1531, %add3A_1532 : i32
      %broadcast_in_dim3A_1534 = vector.broadcast %add3A_1533 : i32 to vector<16xi32>
      tpu.vector_store_idx %arg17[%broadcast_in_dim3A_1534, %iota3A], %broadcast_in_dim3A_1 : memref<400x16xf32, #tpu.memory_space<vmem>>[vector<16xi32>, vector<16xi32>], vector<16xf32>,
      %mul3A_1535 = arith.constant 16 : i32
      %mul3A_1536 = arith.muli %rem3A_1505, %mul3A_1535 : i32
      %add3A_1537 = arith.constant 5 : i32
      %add3A_1538 = arith.addi %mul3A_1536, %add3A_1537 : i32
      %broadcast_in_dim3A_1539 = vector.broadcast %add3A_1538 : i32 to vector<16xi32>
      tpu.vector_store_idx %arg17[%broadcast_in_dim3A_1539, %iota3A], %broadcast_in_dim3A_1 : memref<400x16xf32, #tpu.memory_space<vmem>>[vector<16xi32>, vector<16xi32>], vector<16xf32>,
      %mul3A_1540 = arith.constant 16 : i32
      %mul3A_1541 = arith.muli %rem3A_1505, %mul3A_1540 : i32
      %add3A_1542 = arith.constant 6 : i32
      %add3A_1543 = arith.addi %mul3A_1541, %add3A_1542 : i32
      %broadcast_in_dim3A_1544 = vector.broadcast %add3A_1543 : i32 to vector<16xi32>
      tpu.vector_store_idx %arg17[%broadcast_in_dim3A_1544, %iota3A], %broadcast_in_dim3A_1 : memref<400x16xf32, #tpu.memory_space<vmem>>[vector<16xi32>, vector<16xi32>], vector<16xf32>,
      %mul3A_1545 = arith.constant 16 : i32
      %mul3A_1546 = arith.muli %rem3A_1505, %mul3A_1545 : i32
      %add3A_1547 = arith.constant 7 : i32
      %add3A_1548 = arith.addi %mul3A_1546, %add3A_1547 : i32
      %broadcast_in_dim3A_1549 = vector.broadcast %add3A_1548 : i32 to vector<16xi32>
      tpu.vector_store_idx %arg17[%broadcast_in_dim3A_1549, %iota3A], %broadcast_in_dim3A_1 : memref<400x16xf32, #tpu.memory_space<vmem>>[vector<16xi32>, vector<16xi32>], vector<16xf32>,
      %mul3A_1550 = arith.constant 16 : i32
      %mul3A_1551 = arith.muli %rem3A_1505, %mul3A_1550 : i32
      %add3A_1552 = arith.constant 8 : i32
      %add3A_1553 = arith.addi %mul3A_1551, %add3A_1552 : i32
      %broadcast_in_dim3A_1554 = vector.broadcast %add3A_1553 : i32 to vector<16xi32>
      tpu.vector_store_idx %arg17[%broadcast_in_dim3A_1554, %iota3A], %broadcast_in_dim3A_1 : memref<400x16xf32, #tpu.memory_space<vmem>>[vector<16xi32>, vector<16xi32>], vector<16xf32>,
      %mul3A_1555 = arith.constant 16 : i32
      %mul3A_1556 = arith.muli %rem3A_1505, %mul3A_1555 : i32
      %add3A_1557 = arith.constant 9 : i32
      %add3A_1558 = arith.addi %mul3A_1556, %add3A_1557 : i32
      %broadcast_in_dim3A_1559 = vector.broadcast %add3A_1558 : i32 to vector<16xi32>
      tpu.vector_store_idx %arg17[%broadcast_in_dim3A_1559, %iota3A], %broadcast_in_dim3A_1 : memref<400x16xf32, #tpu.memory_space<vmem>>[vector<16xi32>, vector<16xi32>], vector<16xf32>,
      %mul3A_1560 = arith.constant 16 : i32
      %mul3A_1561 = arith.muli %rem3A_1505, %mul3A_1560 : i32
      %add3A_1562 = arith.constant 10 : i32
      %add3A_1563 = arith.addi %mul3A_1561, %add3A_1562 : i32
      %broadcast_in_dim3A_1564 = vector.broadcast %add3A_1563 : i32 to vector<16xi32>
      tpu.vector_store_idx %arg17[%broadcast_in_dim3A_1564, %iota3A], %broadcast_in_dim3A_1 : memref<400x16xf32, #tpu.memory_space<vmem>>[vector<16xi32>, vector<16xi32>], vector<16xf32>,
      %mul3A_1565 = arith.constant 16 : i32
      %mul3A_1566 = arith.muli %rem3A_1505, %mul3A_1565 : i32
      %add3A_1567 = arith.constant 11 : i32
      %add3A_1568 = arith.addi %mul3A_1566, %add3A_1567 : i32
      %broadcast_in_dim3A_1569 = vector.broadcast %add3A_1568 : i32 to vector<16xi32>
      tpu.vector_store_idx %arg17[%broadcast_in_dim3A_1569, %iota3A], %broadcast_in_dim3A_1 : memref<400x16xf32, #tpu.memory_space<vmem>>[vector<16xi32>, vector<16xi32>], vector<16xf32>,
      %mul3A_1570 = arith.constant 16 : i32
      %mul3A_1571 = arith.muli %rem3A_1505, %mul3A_1570 : i32
      %add3A_1572 = arith.constant 12 : i32
      %add3A_1573 = arith.addi %mul3A_1571, %add3A_1572 : i32
      %broadcast_in_dim3A_1574 = vector.broadcast %add3A_1573 : i32 to vector<16xi32>
      tpu.vector_store_idx %arg17[%broadcast_in_dim3A_1574, %iota3A], %broadcast_in_dim3A_1 : memref<400x16xf32, #tpu.memory_space<vmem>>[vector<16xi32>, vector<16xi32>], vector<16xf32>,
      %mul3A_1575 = arith.constant 16 : i32
      %mul3A_1576 = arith.muli %rem3A_1505, %mul3A_1575 : i32
      %add3A_1577 = arith.constant 13 : i32
      %add3A_1578 = arith.addi %mul3A_1576, %add3A_1577 : i32
      %broadcast_in_dim3A_1579 = vector.broadcast %add3A_1578 : i32 to vector<16xi32>
      tpu.vector_store_idx %arg17[%broadcast_in_dim3A_1579, %iota3A], %broadcast_in_dim3A_1 : memref<400x16xf32, #tpu.memory_space<vmem>>[vector<16xi32>, vector<16xi32>], vector<16xf32>,
      %mul3A_1580 = arith.constant 16 : i32
      %mul3A_1581 = arith.muli %rem3A_1505, %mul3A_1580 : i32
      %add3A_1582 = arith.constant 14 : i32
      %add3A_1583 = arith.addi %mul3A_1581, %add3A_1582 : i32
      %broadcast_in_dim3A_1584 = vector.broadcast %add3A_1583 : i32 to vector<16xi32>
      tpu.vector_store_idx %arg17[%broadcast_in_dim3A_1584, %iota3A], %broadcast_in_dim3A_1 : memref<400x16xf32, #tpu.memory_space<vmem>>[vector<16xi32>, vector<16xi32>], vector<16xf32>,
      %mul3A_1585 = arith.constant 16 : i32
      %mul3A_1586 = arith.muli %rem3A_1505, %mul3A_1585 : i32
      %add3A_1587 = arith.constant 15 : i32
      %add3A_1588 = arith.addi %mul3A_1586, %add3A_1587 : i32
      %broadcast_in_dim3A_1589 = vector.broadcast %add3A_1588 : i32 to vector<16xi32>
      tpu.vector_store_idx %arg17[%broadcast_in_dim3A_1589, %iota3A], %broadcast_in_dim3A_1 : memref<400x16xf32, #tpu.memory_space<vmem>>[vector<16xi32>, vector<16xi32>], vector<16xf32>,
      %and3A = arith.constant 15 : i32
      %and3A_1590 = vector.broadcast %and3A : i32 to vector<16xi32>
      %and3A_1591 = arith.andi %get3A_1497, %and3A_1590 : vector<16xi32>
      tpu.vector_store_idx %arg17[%add3A_1509, %and3A_1591], %exp3A : memref<400x16xf32, #tpu.memory_space<vmem>>[vector<16xi32>, vector<16xi32>], vector<16xf32>,
      %div3A = arith.constant 5 : i32
      %div3A_1592 = arith.divsi %rem3A_1505, %div3A : i32
      %broadcast_in_dim3A_1593 = vector.broadcast %div3A_1592 : i32 to vector<16xi32>
      %rem3A_1594 = arith.constant 5 : i32
      %rem3A_1595 = arith.remsi %rem3A_1505, %rem3A_1594 : i32
      %mul3A_1596 = arith.constant 16 : i32
      %mul3A_1597 = arith.muli %rem3A_1595, %mul3A_1596 : i32
      %add3A_1598 = vector.broadcast %mul3A_1597 : i32 to vector<16xi32>
      %add3A_1599 = arith.addi %add3A_1598, %iota3A : vector<16xi32>
      %shift_right_logical3A = arith.constant 4 : i32
      %shift_right_logical3A_1600 = vector.broadcast %shift_right_logical3A : i32 to vector<16xi32>
      %shift_right_logical3A_1601 = arith.shrui %get3A_1497, %shift_right_logical3A_1600 : vector<16xi32>
      tpu.vector_store_idx %arg18[%broadcast_in_dim3A_1593, %add3A_1599], %shift_right_logical3A_1601 : memref<5x80xi32, #tpu.memory_space<vmem>>[vector<16xi32>, vector<16xi32>], vector<16xi32>,
      %eq3A_1602 = arith.constant 24 : i32
      %eq3A_1603 = arith.cmpi eq, %rem3A_1505, %eq3A_1602 : i32
      %convert_element_type3A_1604 = arith.extui %eq3A_1603 : i1 to i32
      %cond3A_1605 = arith.constant 0 : i32
      %cond3A_1606 = arith.cmpi ne, %convert_element_type3A_1604, %cond3A_1605 : i32
      scf.if %cond3A_1606 {
        %run_scoped3A = arith.constant 0 : i32
        "tpu.region"() ({
          %run_scoped3A_1611 = tpu.sem_alloc : memref<!tpu.dma_semaphore, #tpu.memory_space<semaphore_mem>>
          %dma_start3A = arith.constant 0 : i32
          %dma_start3A_1612 = arith.constant 0 : i32
          %dma_start3A_1613 = tpu.memref_slice %arg17[%dma_start3A, %dma_start3A_1612] : memref<400x16xf32, #tpu.memory_space<vmem>> -> memref<80x16xf32, #tpu.memory_space<vmem>>
          %dma_start3A_1614 = arith.constant 0 : i32
          %dma_start3A_1615 = tpu.memref_slice %arg18[%run_scoped3A, %dma_start3A_1614] : memref<5x80xi32, #tpu.memory_space<vmem>> -> memref<1x80xi32, #tpu.memory_space<vmem>>
          %dma_start3A_1616 = tpu.memref_squeeze %dma_start3A_1615 : memref<1x80xi32, #tpu.memory_space<vmem>> -> memref<80xi32, #tpu.memory_space<vmem>>
          %dma_start3A_1617 = arith.constant 0 : i32
          %dma_start3A_1618 = arith.constant 0 : i32
          %dma_start3A_1619 = tpu.memref_slice %arg24[%dma_start3A_1617, %dma_start3A_1618] : memref<640x16xf32, #tpu.memory_space<vmem_shared>> -> memref<640x16xf32, #tpu.memory_space<vmem_shared>>
          tpu.enqueue_indirect_dma source(%dma_start3A_1613 : memref<80x16xf32, #tpu.memory_space<vmem>>) target(%dma_start3A_1619 : memref<640x16xf32, #tpu.memory_space<vmem_shared>>) offsets(%dma_start3A_1616 : memref<80xi32, #tpu.memory_space<vmem>>) semaphore(%run_scoped3A_1611 : memref<!tpu.dma_semaphore, #tpu.memory_space<semaphore_mem>>) {add = true}
          %dma_wait3A = arith.constant 0 : i32
          %dma_wait3A_1620 = arith.constant 0 : i32
          %dma_wait3A_1621 = tpu.memref_slice %arg17[%dma_wait3A, %dma_wait3A_1620] : memref<400x16xf32, #tpu.memory_space<vmem>> -> memref<80x16xf32, #tpu.memory_space<vmem>>
          %dma_wait3A_1622 = arith.constant 0 : i32
          %dma_wait3A_1623 = tpu.memref_slice %arg18[%run_scoped3A, %dma_wait3A_1622] : memref<5x80xi32, #tpu.memory_space<vmem>> -> memref<1x80xi32, #tpu.memory_space<vmem>>
          %dma_wait3A_1624 = tpu.memref_squeeze %dma_wait3A_1623 : memref<1x80xi32, #tpu.memory_space<vmem>> -> memref<80xi32, #tpu.memory_space<vmem>>
          %dma_wait3A_1625 = arith.constant 0 : i32
          %dma_wait3A_1626 = arith.constant 0 : i32
          %dma_wait3A_1627 = tpu.memref_slice %arg24[%dma_wait3A_1625, %dma_wait3A_1626] : memref<640x16xf32, #tpu.memory_space<vmem_shared>> -> memref<640x16xf32, #tpu.memory_space<vmem_shared>>
          tpu.wait_indirect_dma semaphore(%run_scoped3A_1611 : memref<!tpu.dma_semaphore, #tpu.memory_space<semaphore_mem>>) src(%dma_wait3A_1621 : memref<80x16xf32, #tpu.memory_space<vmem>>) dst(%dma_wait3A_1627 : memref<640x16xf32, #tpu.memory_space<vmem_shared>>)
          tpu.yield
        }) : () -> ()
        %run_scoped3A_1607 = arith.constant 1 : i32
        "tpu.region"() ({
          %run_scoped3A_1611 = tpu.sem_alloc : memref<!tpu.dma_semaphore, #tpu.memory_space<semaphore_mem>>
          %dma_start3A = arith.constant 80 : i32
          %dma_start3A_1612 = arith.constant 0 : i32
          %dma_start3A_1613 = tpu.memref_slice %arg17[%dma_start3A, %dma_start3A_1612] : memref<400x16xf32, #tpu.memory_space<vmem>> -> memref<80x16xf32, #tpu.memory_space<vmem>>
          %dma_start3A_1614 = arith.constant 0 : i32
          %dma_start3A_1615 = tpu.memref_slice %arg18[%run_scoped3A_1607, %dma_start3A_1614] : memref<5x80xi32, #tpu.memory_space<vmem>> -> memref<1x80xi32, #tpu.memory_space<vmem>>
          %dma_start3A_1616 = tpu.memref_squeeze %dma_start3A_1615 : memref<1x80xi32, #tpu.memory_space<vmem>> -> memref<80xi32, #tpu.memory_space<vmem>>
          %dma_start3A_1617 = arith.constant 0 : i32
          %dma_start3A_1618 = arith.constant 0 : i32
          %dma_start3A_1619 = tpu.memref_slice %arg24[%dma_start3A_1617, %dma_start3A_1618] : memref<640x16xf32, #tpu.memory_space<vmem_shared>> -> memref<640x16xf32, #tpu.memory_space<vmem_shared>>
          tpu.enqueue_indirect_dma source(%dma_start3A_1613 : memref<80x16xf32, #tpu.memory_space<vmem>>) target(%dma_start3A_1619 : memref<640x16xf32, #tpu.memory_space<vmem_shared>>) offsets(%dma_start3A_1616 : memref<80xi32, #tpu.memory_space<vmem>>) semaphore(%run_scoped3A_1611 : memref<!tpu.dma_semaphore, #tpu.memory_space<semaphore_mem>>) {add = true}
          %dma_wait3A = arith.constant 80 : i32
          %dma_wait3A_1620 = arith.constant 0 : i32
          %dma_wait3A_1621 = tpu.memref_slice %arg17[%dma_wait3A, %dma_wait3A_1620] : memref<400x16xf32, #tpu.memory_space<vmem>> -> memref<80x16xf32, #tpu.memory_space<vmem>>
          %dma_wait3A_1622 = arith.constant 0 : i32
          %dma_wait3A_1623 = tpu.memref_slice %arg18[%run_scoped3A_1607, %dma_wait3A_1622] : memref<5x80xi32, #tpu.memory_space<vmem>> -> memref<1x80xi32, #tpu.memory_space<vmem>>
          %dma_wait3A_1624 = tpu.memref_squeeze %dma_wait3A_1623 : memref<1x80xi32, #tpu.memory_space<vmem>> -> memref<80xi32, #tpu.memory_space<vmem>>
          %dma_wait3A_1625 = arith.constant 0 : i32
          %dma_wait3A_1626 = arith.constant 0 : i32
          %dma_wait3A_1627 = tpu.memref_slice %arg24[%dma_wait3A_1625, %dma_wait3A_1626] : memref<640x16xf32, #tpu.memory_space<vmem_shared>> -> memref<640x16xf32, #tpu.memory_space<vmem_shared>>
          tpu.wait_indirect_dma semaphore(%run_scoped3A_1611 : memref<!tpu.dma_semaphore, #tpu.memory_space<semaphore_mem>>) src(%dma_wait3A_1621 : memref<80x16xf32, #tpu.memory_space<vmem>>) dst(%dma_wait3A_1627 : memref<640x16xf32, #tpu.memory_space<vmem_shared>>)
          tpu.yield
        }) : () -> ()
        %run_scoped3A_1608 = arith.constant 2 : i32
        "tpu.region"() ({
          %run_scoped3A_1611 = tpu.sem_alloc : memref<!tpu.dma_semaphore, #tpu.memory_space<semaphore_mem>>
          %dma_start3A = arith.constant 160 : i32
          %dma_start3A_1612 = arith.constant 0 : i32
          %dma_start3A_1613 = tpu.memref_slice %arg17[%dma_start3A, %dma_start3A_1612] : memref<400x16xf32, #tpu.memory_space<vmem>> -> memref<80x16xf32, #tpu.memory_space<vmem>>
          %dma_start3A_1614 = arith.constant 0 : i32
          %dma_start3A_1615 = tpu.memref_slice %arg18[%run_scoped3A_1608, %dma_start3A_1614] : memref<5x80xi32, #tpu.memory_space<vmem>> -> memref<1x80xi32, #tpu.memory_space<vmem>>
          %dma_start3A_1616 = tpu.memref_squeeze %dma_start3A_1615 : memref<1x80xi32, #tpu.memory_space<vmem>> -> memref<80xi32, #tpu.memory_space<vmem>>
          %dma_start3A_1617 = arith.constant 0 : i32
          %dma_start3A_1618 = arith.constant 0 : i32
          %dma_start3A_1619 = tpu.memref_slice %arg24[%dma_start3A_1617, %dma_start3A_1618] : memref<640x16xf32, #tpu.memory_space<vmem_shared>> -> memref<640x16xf32, #tpu.memory_space<vmem_shared>>
          tpu.enqueue_indirect_dma source(%dma_start3A_1613 : memref<80x16xf32, #tpu.memory_space<vmem>>) target(%dma_start3A_1619 : memref<640x16xf32, #tpu.memory_space<vmem_shared>>) offsets(%dma_start3A_1616 : memref<80xi32, #tpu.memory_space<vmem>>) semaphore(%run_scoped3A_1611 : memref<!tpu.dma_semaphore, #tpu.memory_space<semaphore_mem>>) {add = true}
          %dma_wait3A = arith.constant 160 : i32
          %dma_wait3A_1620 = arith.constant 0 : i32
          %dma_wait3A_1621 = tpu.memref_slice %arg17[%dma_wait3A, %dma_wait3A_1620] : memref<400x16xf32, #tpu.memory_space<vmem>> -> memref<80x16xf32, #tpu.memory_space<vmem>>
          %dma_wait3A_1622 = arith.constant 0 : i32
          %dma_wait3A_1623 = tpu.memref_slice %arg18[%run_scoped3A_1608, %dma_wait3A_1622] : memref<5x80xi32, #tpu.memory_space<vmem>> -> memref<1x80xi32, #tpu.memory_space<vmem>>
          %dma_wait3A_1624 = tpu.memref_squeeze %dma_wait3A_1623 : memref<1x80xi32, #tpu.memory_space<vmem>> -> memref<80xi32, #tpu.memory_space<vmem>>
          %dma_wait3A_1625 = arith.constant 0 : i32
          %dma_wait3A_1626 = arith.constant 0 : i32
          %dma_wait3A_1627 = tpu.memref_slice %arg24[%dma_wait3A_1625, %dma_wait3A_1626] : memref<640x16xf32, #tpu.memory_space<vmem_shared>> -> memref<640x16xf32, #tpu.memory_space<vmem_shared>>
          tpu.wait_indirect_dma semaphore(%run_scoped3A_1611 : memref<!tpu.dma_semaphore, #tpu.memory_space<semaphore_mem>>) src(%dma_wait3A_1621 : memref<80x16xf32, #tpu.memory_space<vmem>>) dst(%dma_wait3A_1627 : memref<640x16xf32, #tpu.memory_space<vmem_shared>>)
          tpu.yield
        }) : () -> ()
        %run_scoped3A_1609 = arith.constant 3 : i32
        "tpu.region"() ({
          %run_scoped3A_1611 = tpu.sem_alloc : memref<!tpu.dma_semaphore, #tpu.memory_space<semaphore_mem>>
          %dma_start3A = arith.constant 240 : i32
          %dma_start3A_1612 = arith.constant 0 : i32
          %dma_start3A_1613 = tpu.memref_slice %arg17[%dma_start3A, %dma_start3A_1612] : memref<400x16xf32, #tpu.memory_space<vmem>> -> memref<80x16xf32, #tpu.memory_space<vmem>>
          %dma_start3A_1614 = arith.constant 0 : i32
          %dma_start3A_1615 = tpu.memref_slice %arg18[%run_scoped3A_1609, %dma_start3A_1614] : memref<5x80xi32, #tpu.memory_space<vmem>> -> memref<1x80xi32, #tpu.memory_space<vmem>>
          %dma_start3A_1616 = tpu.memref_squeeze %dma_start3A_1615 : memref<1x80xi32, #tpu.memory_space<vmem>> -> memref<80xi32, #tpu.memory_space<vmem>>
          %dma_start3A_1617 = arith.constant 0 : i32
          %dma_start3A_1618 = arith.constant 0 : i32
          %dma_start3A_1619 = tpu.memref_slice %arg24[%dma_start3A_1617, %dma_start3A_1618] : memref<640x16xf32, #tpu.memory_space<vmem_shared>> -> memref<640x16xf32, #tpu.memory_space<vmem_shared>>
          tpu.enqueue_indirect_dma source(%dma_start3A_1613 : memref<80x16xf32, #tpu.memory_space<vmem>>) target(%dma_start3A_1619 : memref<640x16xf32, #tpu.memory_space<vmem_shared>>) offsets(%dma_start3A_1616 : memref<80xi32, #tpu.memory_space<vmem>>) semaphore(%run_scoped3A_1611 : memref<!tpu.dma_semaphore, #tpu.memory_space<semaphore_mem>>) {add = true}
          %dma_wait3A = arith.constant 240 : i32
          %dma_wait3A_1620 = arith.constant 0 : i32
          %dma_wait3A_1621 = tpu.memref_slice %arg17[%dma_wait3A, %dma_wait3A_1620] : memref<400x16xf32, #tpu.memory_space<vmem>> -> memref<80x16xf32, #tpu.memory_space<vmem>>
          %dma_wait3A_1622 = arith.constant 0 : i32
          %dma_wait3A_1623 = tpu.memref_slice %arg18[%run_scoped3A_1609, %dma_wait3A_1622] : memref<5x80xi32, #tpu.memory_space<vmem>> -> memref<1x80xi32, #tpu.memory_space<vmem>>
          %dma_wait3A_1624 = tpu.memref_squeeze %dma_wait3A_1623 : memref<1x80xi32, #tpu.memory_space<vmem>> -> memref<80xi32, #tpu.memory_space<vmem>>
          %dma_wait3A_1625 = arith.constant 0 : i32
          %dma_wait3A_1626 = arith.constant 0 : i32
          %dma_wait3A_1627 = tpu.memref_slice %arg24[%dma_wait3A_1625, %dma_wait3A_1626] : memref<640x16xf32, #tpu.memory_space<vmem_shared>> -> memref<640x16xf32, #tpu.memory_space<vmem_shared>>
          tpu.wait_indirect_dma semaphore(%run_scoped3A_1611 : memref<!tpu.dma_semaphore, #tpu.memory_space<semaphore_mem>>) src(%dma_wait3A_1621 : memref<80x16xf32, #tpu.memory_space<vmem>>) dst(%dma_wait3A_1627 : memref<640x16xf32, #tpu.memory_space<vmem_shared>>)
          tpu.yield
        }) : () -> ()
        %run_scoped3A_1610 = arith.constant 4 : i32
        "tpu.region"() ({
          %run_scoped3A_1611 = tpu.sem_alloc : memref<!tpu.dma_semaphore, #tpu.memory_space<semaphore_mem>>
          %dma_start3A = arith.constant 320 : i32
          %dma_start3A_1612 = arith.constant 0 : i32
          %dma_start3A_1613 = tpu.memref_slice %arg17[%dma_start3A, %dma_start3A_1612] : memref<400x16xf32, #tpu.memory_space<vmem>> -> memref<80x16xf32, #tpu.memory_space<vmem>>
          %dma_start3A_1614 = arith.constant 0 : i32
          %dma_start3A_1615 = tpu.memref_slice %arg18[%run_scoped3A_1610, %dma_start3A_1614] : memref<5x80xi32, #tpu.memory_space<vmem>> -> memref<1x80xi32, #tpu.memory_space<vmem>>
          %dma_start3A_1616 = tpu.memref_squeeze %dma_start3A_1615 : memref<1x80xi32, #tpu.memory_space<vmem>> -> memref<80xi32, #tpu.memory_space<vmem>>
          %dma_start3A_1617 = arith.constant 0 : i32
          %dma_start3A_1618 = arith.constant 0 : i32
          %dma_start3A_1619 = tpu.memref_slice %arg24[%dma_start3A_1617, %dma_start3A_1618] : memref<640x16xf32, #tpu.memory_space<vmem_shared>> -> memref<640x16xf32, #tpu.memory_space<vmem_shared>>
          tpu.enqueue_indirect_dma source(%dma_start3A_1613 : memref<80x16xf32, #tpu.memory_space<vmem>>) target(%dma_start3A_1619 : memref<640x16xf32, #tpu.memory_space<vmem_shared>>) offsets(%dma_start3A_1616 : memref<80xi32, #tpu.memory_space<vmem>>) semaphore(%run_scoped3A_1611 : memref<!tpu.dma_semaphore, #tpu.memory_space<semaphore_mem>>) {add = true}
          %dma_wait3A = arith.constant 320 : i32
          %dma_wait3A_1620 = arith.constant 0 : i32
          %dma_wait3A_1621 = tpu.memref_slice %arg17[%dma_wait3A, %dma_wait3A_1620] : memref<400x16xf32, #tpu.memory_space<vmem>> -> memref<80x16xf32, #tpu.memory_space<vmem>>
          %dma_wait3A_1622 = arith.constant 0 : i32
          %dma_wait3A_1623 = tpu.memref_slice %arg18[%run_scoped3A_1610, %dma_wait3A_1622] : memref<5x80xi32, #tpu.memory_space<vmem>> -> memref<1x80xi32, #tpu.memory_space<vmem>>
          %dma_wait3A_1624 = tpu.memref_squeeze %dma_wait3A_1623 : memref<1x80xi32, #tpu.memory_space<vmem>> -> memref<80xi32, #tpu.memory_space<vmem>>
          %dma_wait3A_1625 = arith.constant 0 : i32
          %dma_wait3A_1626 = arith.constant 0 : i32
          %dma_wait3A_1627 = tpu.memref_slice %arg24[%dma_wait3A_1625, %dma_wait3A_1626] : memref<640x16xf32, #tpu.memory_space<vmem_shared>> -> memref<640x16xf32, #tpu.memory_space<vmem_shared>>
          tpu.wait_indirect_dma semaphore(%run_scoped3A_1611 : memref<!tpu.dma_semaphore, #tpu.memory_space<semaphore_mem>>) src(%dma_wait3A_1621 : memref<80x16xf32, #tpu.memory_space<vmem>>) dst(%dma_wait3A_1627 : memref<640x16xf32, #tpu.memory_space<vmem_shared>>)
          tpu.yield
        }) : () -> ()
      } else {
      }
    }
    %scan3A_1465 = arith.constant 625 : i32
    %barrier3A_1466 = arith.constant 0 : index
    tpu.barrier barrier_id(%barrier3A_1466)
    "tpu.region"() ({
      %run_scoped3A = tpu.sem_alloc : memref<!tpu.dma_semaphore, #tpu.memory_space<semaphore_mem>>
      %dma_start3A = arith.constant 0 : i32
      %dma_start3A_1491 = arith.constant 0 : i32
      %dma_start3A_1492 = tpu.memref_slice %arg24[%dma_start3A, %dma_start3A_1491] : memref<640x16xf32, #tpu.memory_space<vmem_shared>> -> memref<640x16xf32, #tpu.memory_space<vmem_shared>>
      %dma_start3A_1493 = arith.constant 0 : i32
      %dma_start3A_1494 = arith.constant 0 : i32
      %dma_start3A_1495 = tpu.memref_slice %arg24[%dma_start3A_1493, %dma_start3A_1494] : memref<640x16xf32, #tpu.memory_space<vmem_shared>> -> memref<640x16xf32, #tpu.memory_space<vmem_shared>>
      tpu.enqueue_dma source(%dma_start3A_1495 : memref<640x16xf32, #tpu.memory_space<vmem_shared>>) target(%arg16 : memref<640x16xf32, #tpu.memory_space<vmem>>) target_semaphore(%run_scoped3A : memref<!tpu.dma_semaphore, #tpu.memory_space<semaphore_mem>>)
      %dma_wait3A = arith.constant 0 : i32
      %dma_wait3A_1496 = arith.constant 0 : i32
      %dma_wait3A_1497 = tpu.memref_slice %arg24[%dma_wait3A, %dma_wait3A_1496] : memref<640x16xf32, #tpu.memory_space<vmem_shared>> -> memref<640x16xf32, #tpu.memory_space<vmem_shared>>
      %dma_wait3A_1498 = arith.constant 0 : i32
      %dma_wait3A_1499 = arith.constant 0 : i32
      %dma_wait3A_1500 = tpu.memref_slice %arg24[%dma_wait3A_1498, %dma_wait3A_1499] : memref<640x16xf32, #tpu.memory_space<vmem_shared>> -> memref<640x16xf32, #tpu.memory_space<vmem_shared>>
      tpu.wait_dma2 semaphore(%run_scoped3A : memref<!tpu.dma_semaphore, #tpu.memory_space<semaphore_mem>>) src(%dma_wait3A_1500 : memref<640x16xf32, #tpu.memory_space<vmem_shared>>) dst(%arg16 : memref<640x16xf32, #tpu.memory_space<vmem>>)
      tpu.yield
    }) : () -> ()
    %mul3A_1467 = arith.constant 5008 : i32
    %mul3A_1468 = arith.muli %arg0, %mul3A_1467 : i32
    %multiple_of3A_1469 = tpu.assume_multiple %mul3A_1468, 16 : i32
    %sub3A = arith.constant 313 : i32
    %sub3A_1470 = arith.subi %sub3A, %arg0 : i32
    %while3A = arith.constant 0 : i32
    %while3A_1471 = arith.subi %sub3A_1470, %while3A : i32
    %while3A_1472 = arith.addi %while3A, %while3A_1471 : i32
    %while3A_1473 = arith.constant 1 : i32
    %while3A_1474 = arith.divsi %while3A_1471, %while3A_1473 : i32
    %while3A_1475 = arith.muli %while3A_1474, %while3A_1473 : i32
    %while3A_1476 = arith.addi %while3A, %while3A_1475 : i32
    %while3A_1477 = arith.constant 1 : i32
    scf.for %while3A_1491 = %while3A to %while3A_1476 step %while3A_1477  : i32 {
      %mul3A_1492 = arith.constant 16 : i32
      %mul3A_1493 = arith.muli %while3A_1491, %mul3A_1492 : i32
      %add3A_1494 = arith.addi %multiple_of3A_1469, %mul3A_1493 : i32
      %multiple_of3A_1495 = tpu.assume_multiple %add3A_1494, 16 : i32
      %get3A = arith.index_cast %multiple_of3A_1495 : i32 to index
      %get3A_1496 = tpu.vector_load %arg13[%get3A] {strides = array<i32>} : memref<10000xi32, #tpu.memory_space<vmem>>, vector<16xi32>,
      %get3A_1497 = arith.index_cast %multiple_of3A_1495 : i32 to index
      %get3A_1498 = tpu.vector_load %arg15[%get3A_1497] {strides = array<i32>} : memref<10000xf32, #tpu.memory_space<vmem>>, vector<16xf32>,
      %shift_right_logical3A = arith.constant 4 : i32
      %shift_right_logical3A_1499 = vector.broadcast %shift_right_logical3A : i32 to vector<16xi32>
      %shift_right_logical3A_1500 = arith.shrui %get3A_1496, %shift_right_logical3A_1499 : vector<16xi32>
      %and3A = arith.constant 15 : i32
      %and3A_1501 = vector.broadcast %and3A : i32 to vector<16xi32>
      %and3A_1502 = arith.andi %get3A_1496, %and3A_1501 : vector<16xi32>
      %gather3A = tpu.vector_load_idx %arg16[%shift_right_logical3A_1500, %and3A_1502] : memref<640x16xf32, #tpu.memory_space<vmem>>[vector<16xi32>, vector<16xi32>], vector<16xf32>,
      %div3A = arith.divf %get3A_1498, %gather3A : vector<16xf32>
      %swap3A_1503 = arith.index_cast %multiple_of3A_1495 : i32 to index
      %swap3A_1504 = tpu.vector_load %arg14[%swap3A_1503] {strides = array<i32>} : memref<10000xf32, #tpu.memory_space<vmem>>, vector<16xf32>,
      tpu.vector_store %arg14[%swap3A_1503], %div3A {strides = array<i32>} : memref<10000xf32, #tpu.memory_space<vmem>>, vector<16xf32>,
      %rem3A = arith.constant 8 : i32
      %rem3A_1505 = arith.remsi %while3A_1491, %rem3A : i32
      %eq3A_1506 = arith.constant 0 : i32
      %eq3A_1507 = arith.cmpi eq, %rem3A_1505, %eq3A_1506 : i32
      %convert_element_type3A_1508 = arith.extui %eq3A_1507 : i1 to i32
      %cond3A_1509 = arith.constant 0 : i32
      %cond3A_1510 = arith.cmpi ne, %convert_element_type3A_1508, %cond3A_1509 : i32
      scf.if %cond3A_1510 {
        %add3A_1539 = arith.addi %multiple_of3A, %multiple_of3A_1495 : i32
        "tpu.region"() ({
          %run_scoped3A = tpu.sem_alloc : memref<!tpu.dma_semaphore, #tpu.memory_space<semaphore_mem>>
          %dma_start3A = arith.constant 0 : i32
          %dma_start3A_1540 = tpu.memref_slice %arg7[%add3A_1539, %dma_start3A] : memref<160000x16xf32, #tpu.memory_space<hbm>> -> memref<128x16xf32, #tpu.memory_space<hbm>>
          %dma_start3A_1541 = arith.constant 0 : i32
          %dma_start3A_1542 = tpu.memref_slice %arg7[%add3A_1539, %dma_start3A_1541] : memref<160000x16xf32, #tpu.memory_space<hbm>> -> memref<128x16xf32, #tpu.memory_space<hbm>>
          tpu.enqueue_dma source(%dma_start3A_1542 : memref<128x16xf32, #tpu.memory_space<hbm>>) target(%arg20 : memref<128x16xf32, #tpu.memory_space<vmem>>) target_semaphore(%run_scoped3A : memref<!tpu.dma_semaphore, #tpu.memory_space<semaphore_mem>>)
          %dma_wait3A = arith.constant 0 : i32
          %dma_wait3A_1543 = tpu.memref_slice %arg7[%add3A_1539, %dma_wait3A] : memref<160000x16xf32, #tpu.memory_space<hbm>> -> memref<128x16xf32, #tpu.memory_space<hbm>>
          %dma_wait3A_1544 = arith.constant 0 : i32
          %dma_wait3A_1545 = tpu.memref_slice %arg7[%add3A_1539, %dma_wait3A_1544] : memref<160000x16xf32, #tpu.memory_space<hbm>> -> memref<128x16xf32, #tpu.memory_space<hbm>>
          tpu.wait_dma2 semaphore(%run_scoped3A : memref<!tpu.dma_semaphore, #tpu.memory_space<semaphore_mem>>) src(%dma_wait3A_1545 : memref<128x16xf32, #tpu.memory_space<hbm>>) dst(%arg20 : memref<128x16xf32, #tpu.memory_space<vmem>>)
          tpu.yield
        }) : () -> ()
      } else {
      }
      %scan3A_1511 = arith.constant 0 : i32
      %scan3A_1512 = arith.constant 16 : i32
      %scan3A_1513 = arith.addi %scan3A_1511, %scan3A_1512 : i32
      %scan3A_1514 = arith.constant 1 : i32
      scf.for %scan3A_1539 = %scan3A_1511 to %scan3A_1513 step %scan3A_1514  : i32 {
        %mul3A_1540 = arith.constant 16 : i32
        %mul3A_1541 = arith.muli %rem3A_1505, %mul3A_1540 : i32
        %add3A_1542 = arith.addi %mul3A_1541, %scan3A_1539 : i32
        %broadcast_in_dim3A_1543 = vector.broadcast %add3A_1542 : i32 to vector<16xi32>
        %add3A_1544 = arith.addi %multiple_of3A_1495, %scan3A_1539 : i32
        %broadcast_in_dim3A_1545 = vector.broadcast %add3A_1544 : i32 to vector<16xi32>
        %gather3A_1546 = tpu.vector_load_idx %arg14[%broadcast_in_dim3A_1545] : memref<10000xf32, #tpu.memory_space<vmem>>[vector<16xi32>], vector<16xf32>,
        %gather3A_1547 = tpu.vector_load_idx %arg20[%broadcast_in_dim3A_1543, %iota3A] : memref<128x16xf32, #tpu.memory_space<vmem>>[vector<16xi32>, vector<16xi32>], vector<16xf32>,
        %mul3A_1548 = arith.mulf %gather3A_1547, %gather3A_1546 : vector<16xf32>
        tpu.vector_store_idx %arg21[%broadcast_in_dim3A_1543, %iota3A], %mul3A_1548 : memref<128x32xf32, #tpu.memory_space<vmem>>[vector<16xi32>, vector<16xi32>], vector<16xf32>,
      }
      %scan3A_1515 = arith.constant 16 : i32
      %mul3A_1516 = arith.constant 16 : i32
      %mul3A_1517 = arith.muli %rem3A_1505, %mul3A_1516 : i32
      %add3A_1518 = vector.broadcast %mul3A_1517 : i32 to vector<16xi32>
      %add3A_1519 = arith.addi %add3A_1518, %iota3A : vector<16xi32>
      %broadcast_in_dim3A_1520 = arith.constant 16 : i32
      %broadcast_in_dim3A_1521 = vector.broadcast %broadcast_in_dim3A_1520 : i32 to vector<16xi32>
      tpu.vector_store_idx %arg21[%add3A_1519, %broadcast_in_dim3A_1521], %div3A : memref<128x32xf32, #tpu.memory_space<vmem>>[vector<16xi32>, vector<16xi32>], vector<16xf32>,
      %mul3A_1522 = arith.constant 16 : i32
      %mul3A_1523 = arith.muli %rem3A_1505, %mul3A_1522 : i32
      %add3A_1524 = vector.broadcast %mul3A_1523 : i32 to vector<16xi32>
      %add3A_1525 = arith.addi %add3A_1524, %iota3A : vector<16xi32>
      tpu.vector_store_idx %arg22[%add3A_1525], %get3A_1496 : memref<128xi32, #tpu.memory_space<vmem>>[vector<16xi32>], vector<16xi32>,
      tpu.vector_store_idx %arg23[%iota3A], %get3A_1496 : memref<16xi32, #tpu.memory_space<vmem>>[vector<16xi32>], vector<16xi32>,
      %eq3A_1526 = arith.constant 7 : i32
      %eq3A_1527 = arith.cmpi eq, %rem3A_1505, %eq3A_1526 : i32
      %convert_element_type3A_1528 = arith.extui %eq3A_1527 : i1 to i32
      %cond3A_1529 = arith.constant 0 : i32
      %cond3A_1530 = arith.cmpi ne, %convert_element_type3A_1528, %cond3A_1529 : i32
      scf.if %cond3A_1530 {
        "tpu.region"() ({
          %run_scoped3A = tpu.sem_alloc : memref<!tpu.dma_semaphore, #tpu.memory_space<semaphore_mem>>
          %dma_start3A = arith.constant 0 : i32
          %dma_start3A_1539 = arith.constant 0 : i32
          %dma_start3A_1540 = tpu.memref_slice %arg25[%dma_start3A, %dma_start3A_1539] : memref<10240x32xf32, #tpu.memory_space<vmem_shared>> -> memref<10240x32xf32, #tpu.memory_space<vmem_shared>>
          tpu.enqueue_indirect_dma source(%arg21 : memref<128x32xf32, #tpu.memory_space<vmem>>) target(%dma_start3A_1540 : memref<10240x32xf32, #tpu.memory_space<vmem_shared>>) offsets(%arg22 : memref<128xi32, #tpu.memory_space<vmem>>) semaphore(%run_scoped3A : memref<!tpu.dma_semaphore, #tpu.memory_space<semaphore_mem>>) {add = true}
          %dma_wait3A = arith.constant 0 : i32
          %dma_wait3A_1541 = arith.constant 0 : i32
          %dma_wait3A_1542 = tpu.memref_slice %arg25[%dma_wait3A, %dma_wait3A_1541] : memref<10240x32xf32, #tpu.memory_space<vmem_shared>> -> memref<10240x32xf32, #tpu.memory_space<vmem_shared>>
          tpu.wait_indirect_dma semaphore(%run_scoped3A : memref<!tpu.dma_semaphore, #tpu.memory_space<semaphore_mem>>) src(%arg21 : memref<128x32xf32, #tpu.memory_space<vmem>>) dst(%dma_wait3A_1542 : memref<10240x32xf32, #tpu.memory_space<vmem_shared>>)
          tpu.yield
        }) : () -> ()
      } else {
      }
      %sub3A_1531 = arith.constant 1 : i32
      %sub3A_1532 = arith.subi %sub3A_1470, %sub3A_1531 : i32
      %eq3A_1533 = arith.cmpi eq, %while3A_1491, %sub3A_1532 : i32
      %ne3A = arith.constant 7 : i32
      %ne3A_1534 = arith.cmpi ne, %rem3A_1505, %ne3A : i32
      %and3A_1535 = arith.andi %eq3A_1533, %ne3A_1534 : i1
      %convert_element_type3A_1536 = arith.extui %and3A_1535 : i1 to i32
      %cond3A_1537 = arith.constant 0 : i32
      %cond3A_1538 = arith.cmpi ne, %convert_element_type3A_1536, %cond3A_1537 : i32
      scf.if %cond3A_1538 {
        "tpu.region"() ({
          %run_scoped3A = tpu.sem_alloc : memref<!tpu.dma_semaphore, #tpu.memory_space<semaphore_mem>>
          %dma_start3A = arith.constant 0 : i32
          %dma_start3A_1539 = arith.constant 0 : i32
          %dma_start3A_1540 = tpu.memref_slice %arg21[%dma_start3A, %dma_start3A_1539] : memref<128x32xf32, #tpu.memory_space<vmem>> -> memref<16x32xf32, #tpu.memory_space<vmem>>
          %dma_start3A_1541 = arith.constant 0 : i32
          %dma_start3A_1542 = arith.constant 0 : i32
          %dma_start3A_1543 = tpu.memref_slice %arg25[%dma_start3A_1541, %dma_start3A_1542] : memref<10240x32xf32, #tpu.memory_space<vmem_shared>> -> memref<10240x32xf32, #tpu.memory_space<vmem_shared>>
          tpu.enqueue_indirect_dma source(%dma_start3A_1540 : memref<16x32xf32, #tpu.memory_space<vmem>>) target(%dma_start3A_1543 : memref<10240x32xf32, #tpu.memory_space<vmem_shared>>) offsets(%arg23 : memref<16xi32, #tpu.memory_space<vmem>>) semaphore(%run_scoped3A : memref<!tpu.dma_semaphore, #tpu.memory_space<semaphore_mem>>) {add = true}
          %dma_wait3A = arith.constant 0 : i32
          %dma_wait3A_1544 = arith.constant 0 : i32
          %dma_wait3A_1545 = tpu.memref_slice %arg21[%dma_wait3A, %dma_wait3A_1544] : memref<128x32xf32, #tpu.memory_space<vmem>> -> memref<16x32xf32, #tpu.memory_space<vmem>>
          %dma_wait3A_1546 = arith.constant 0 : i32
          %dma_wait3A_1547 = arith.constant 0 : i32
          %dma_wait3A_1548 = tpu.memref_slice %arg25[%dma_wait3A_1546, %dma_wait3A_1547] : memref<10240x32xf32, #tpu.memory_space<vmem_shared>> -> memref<10240x32xf32, #tpu.memory_space<vmem_shared>>
          tpu.wait_indirect_dma semaphore(%run_scoped3A : memref<!tpu.dma_semaphore, #tpu.memory_space<semaphore_mem>>) src(%dma_wait3A_1545 : memref<16x32xf32, #tpu.memory_space<vmem>>) dst(%dma_wait3A_1548 : memref<10240x32xf32, #tpu.memory_space<vmem_shared>>)
          tpu.yield
        }) : () -> ()
      } else {
      }
    }
    %while3A_1478 = arith.constant 1 : i32
    scf.for %while3A_1491 = %while3A_1476 to %while3A_1472 step %while3A_1478  : i32 {
      %mul3A_1492 = arith.constant 16 : i32
      %mul3A_1493 = arith.muli %while3A_1491, %mul3A_1492 : i32
      %add3A_1494 = arith.addi %multiple_of3A_1469, %mul3A_1493 : i32
      %multiple_of3A_1495 = tpu.assume_multiple %add3A_1494, 16 : i32
      %get3A = arith.index_cast %multiple_of3A_1495 : i32 to index
      %get3A_1496 = tpu.vector_load %arg13[%get3A] {strides = array<i32>} : memref<10000xi32, #tpu.memory_space<vmem>>, vector<16xi32>,
      %get3A_1497 = arith.index_cast %multiple_of3A_1495 : i32 to index
      %get3A_1498 = tpu.vector_load %arg15[%get3A_1497] {strides = array<i32>} : memref<10000xf32, #tpu.memory_space<vmem>>, vector<16xf32>,
      %shift_right_logical3A = arith.constant 4 : i32
      %shift_right_logical3A_1499 = vector.broadcast %shift_right_logical3A : i32 to vector<16xi32>
      %shift_right_logical3A_1500 = arith.shrui %get3A_1496, %shift_right_logical3A_1499 : vector<16xi32>
      %and3A = arith.constant 15 : i32
      %and3A_1501 = vector.broadcast %and3A : i32 to vector<16xi32>
      %and3A_1502 = arith.andi %get3A_1496, %and3A_1501 : vector<16xi32>
      %gather3A = tpu.vector_load_idx %arg16[%shift_right_logical3A_1500, %and3A_1502] : memref<640x16xf32, #tpu.memory_space<vmem>>[vector<16xi32>, vector<16xi32>], vector<16xf32>,
      %div3A = arith.divf %get3A_1498, %gather3A : vector<16xf32>
      %swap3A_1503 = arith.index_cast %multiple_of3A_1495 : i32 to index
      %swap3A_1504 = tpu.vector_load %arg14[%swap3A_1503] {strides = array<i32>} : memref<10000xf32, #tpu.memory_space<vmem>>, vector<16xf32>,
      tpu.vector_store %arg14[%swap3A_1503], %div3A {strides = array<i32>} : memref<10000xf32, #tpu.memory_space<vmem>>, vector<16xf32>,
      %rem3A = arith.constant 8 : i32
      %rem3A_1505 = arith.remsi %while3A_1491, %rem3A : i32
      %eq3A_1506 = arith.constant 0 : i32
      %eq3A_1507 = arith.cmpi eq, %rem3A_1505, %eq3A_1506 : i32
      %convert_element_type3A_1508 = arith.extui %eq3A_1507 : i1 to i32
      %cond3A_1509 = arith.constant 0 : i32
      %cond3A_1510 = arith.cmpi ne, %convert_element_type3A_1508, %cond3A_1509 : i32
      scf.if %cond3A_1510 {
        %add3A_1539 = arith.addi %multiple_of3A, %multiple_of3A_1495 : i32
        "tpu.region"() ({
          %run_scoped3A = tpu.sem_alloc : memref<!tpu.dma_semaphore, #tpu.memory_space<semaphore_mem>>
          %dma_start3A = arith.constant 0 : i32
          %dma_start3A_1540 = tpu.memref_slice %arg7[%add3A_1539, %dma_start3A] : memref<160000x16xf32, #tpu.memory_space<hbm>> -> memref<128x16xf32, #tpu.memory_space<hbm>>
          %dma_start3A_1541 = arith.constant 0 : i32
          %dma_start3A_1542 = tpu.memref_slice %arg7[%add3A_1539, %dma_start3A_1541] : memref<160000x16xf32, #tpu.memory_space<hbm>> -> memref<128x16xf32, #tpu.memory_space<hbm>>
          tpu.enqueue_dma source(%dma_start3A_1542 : memref<128x16xf32, #tpu.memory_space<hbm>>) target(%arg20 : memref<128x16xf32, #tpu.memory_space<vmem>>) target_semaphore(%run_scoped3A : memref<!tpu.dma_semaphore, #tpu.memory_space<semaphore_mem>>)
          %dma_wait3A = arith.constant 0 : i32
          %dma_wait3A_1543 = tpu.memref_slice %arg7[%add3A_1539, %dma_wait3A] : memref<160000x16xf32, #tpu.memory_space<hbm>> -> memref<128x16xf32, #tpu.memory_space<hbm>>
          %dma_wait3A_1544 = arith.constant 0 : i32
          %dma_wait3A_1545 = tpu.memref_slice %arg7[%add3A_1539, %dma_wait3A_1544] : memref<160000x16xf32, #tpu.memory_space<hbm>> -> memref<128x16xf32, #tpu.memory_space<hbm>>
          tpu.wait_dma2 semaphore(%run_scoped3A : memref<!tpu.dma_semaphore, #tpu.memory_space<semaphore_mem>>) src(%dma_wait3A_1545 : memref<128x16xf32, #tpu.memory_space<hbm>>) dst(%arg20 : memref<128x16xf32, #tpu.memory_space<vmem>>)
          tpu.yield
        }) : () -> ()
      } else {
      }
      %scan3A_1511 = arith.constant 0 : i32
      %scan3A_1512 = arith.constant 16 : i32
      %scan3A_1513 = arith.addi %scan3A_1511, %scan3A_1512 : i32
      %scan3A_1514 = arith.constant 1 : i32
      scf.for %scan3A_1539 = %scan3A_1511 to %scan3A_1513 step %scan3A_1514  : i32 {
        %mul3A_1540 = arith.constant 16 : i32
        %mul3A_1541 = arith.muli %rem3A_1505, %mul3A_1540 : i32
        %add3A_1542 = arith.addi %mul3A_1541, %scan3A_1539 : i32
        %broadcast_in_dim3A_1543 = vector.broadcast %add3A_1542 : i32 to vector<16xi32>
        %add3A_1544 = arith.addi %multiple_of3A_1495, %scan3A_1539 : i32
        %broadcast_in_dim3A_1545 = vector.broadcast %add3A_1544 : i32 to vector<16xi32>
        %gather3A_1546 = tpu.vector_load_idx %arg14[%broadcast_in_dim3A_1545] : memref<10000xf32, #tpu.memory_space<vmem>>[vector<16xi32>], vector<16xf32>,
        %gather3A_1547 = tpu.vector_load_idx %arg20[%broadcast_in_dim3A_1543, %iota3A] : memref<128x16xf32, #tpu.memory_space<vmem>>[vector<16xi32>, vector<16xi32>], vector<16xf32>,
        %mul3A_1548 = arith.mulf %gather3A_1547, %gather3A_1546 : vector<16xf32>
        tpu.vector_store_idx %arg21[%broadcast_in_dim3A_1543, %iota3A], %mul3A_1548 : memref<128x32xf32, #tpu.memory_space<vmem>>[vector<16xi32>, vector<16xi32>], vector<16xf32>,
      }
      %scan3A_1515 = arith.constant 16 : i32
      %mul3A_1516 = arith.constant 16 : i32
      %mul3A_1517 = arith.muli %rem3A_1505, %mul3A_1516 : i32
      %add3A_1518 = vector.broadcast %mul3A_1517 : i32 to vector<16xi32>
      %add3A_1519 = arith.addi %add3A_1518, %iota3A : vector<16xi32>
      %broadcast_in_dim3A_1520 = arith.constant 16 : i32
      %broadcast_in_dim3A_1521 = vector.broadcast %broadcast_in_dim3A_1520 : i32 to vector<16xi32>
      tpu.vector_store_idx %arg21[%add3A_1519, %broadcast_in_dim3A_1521], %div3A : memref<128x32xf32, #tpu.memory_space<vmem>>[vector<16xi32>, vector<16xi32>], vector<16xf32>,
      %mul3A_1522 = arith.constant 16 : i32
      %mul3A_1523 = arith.muli %rem3A_1505, %mul3A_1522 : i32
      %add3A_1524 = vector.broadcast %mul3A_1523 : i32 to vector<16xi32>
      %add3A_1525 = arith.addi %add3A_1524, %iota3A : vector<16xi32>
      tpu.vector_store_idx %arg22[%add3A_1525], %get3A_1496 : memref<128xi32, #tpu.memory_space<vmem>>[vector<16xi32>], vector<16xi32>,
      tpu.vector_store_idx %arg23[%iota3A], %get3A_1496 : memref<16xi32, #tpu.memory_space<vmem>>[vector<16xi32>], vector<16xi32>,
      %eq3A_1526 = arith.constant 7 : i32
      %eq3A_1527 = arith.cmpi eq, %rem3A_1505, %eq3A_1526 : i32
      %convert_element_type3A_1528 = arith.extui %eq3A_1527 : i1 to i32
      %cond3A_1529 = arith.constant 0 : i32
      %cond3A_1530 = arith.cmpi ne, %convert_element_type3A_1528, %cond3A_1529 : i32
      scf.if %cond3A_1530 {
        "tpu.region"() ({
          %run_scoped3A = tpu.sem_alloc : memref<!tpu.dma_semaphore, #tpu.memory_space<semaphore_mem>>
          %dma_start3A = arith.constant 0 : i32
          %dma_start3A_1539 = arith.constant 0 : i32
          %dma_start3A_1540 = tpu.memref_slice %arg25[%dma_start3A, %dma_start3A_1539] : memref<10240x32xf32, #tpu.memory_space<vmem_shared>> -> memref<10240x32xf32, #tpu.memory_space<vmem_shared>>
          tpu.enqueue_indirect_dma source(%arg21 : memref<128x32xf32, #tpu.memory_space<vmem>>) target(%dma_start3A_1540 : memref<10240x32xf32, #tpu.memory_space<vmem_shared>>) offsets(%arg22 : memref<128xi32, #tpu.memory_space<vmem>>) semaphore(%run_scoped3A : memref<!tpu.dma_semaphore, #tpu.memory_space<semaphore_mem>>) {add = true}
          %dma_wait3A = arith.constant 0 : i32
          %dma_wait3A_1541 = arith.constant 0 : i32
          %dma_wait3A_1542 = tpu.memref_slice %arg25[%dma_wait3A, %dma_wait3A_1541] : memref<10240x32xf32, #tpu.memory_space<vmem_shared>> -> memref<10240x32xf32, #tpu.memory_space<vmem_shared>>
          tpu.wait_indirect_dma semaphore(%run_scoped3A : memref<!tpu.dma_semaphore, #tpu.memory_space<semaphore_mem>>) src(%arg21 : memref<128x32xf32, #tpu.memory_space<vmem>>) dst(%dma_wait3A_1542 : memref<10240x32xf32, #tpu.memory_space<vmem_shared>>)
          tpu.yield
        }) : () -> ()
      } else {
      }
      %sub3A_1531 = arith.constant 1 : i32
      %sub3A_1532 = arith.subi %sub3A_1470, %sub3A_1531 : i32
      %eq3A_1533 = arith.cmpi eq, %while3A_1491, %sub3A_1532 : i32
      %ne3A = arith.constant 7 : i32
      %ne3A_1534 = arith.cmpi ne, %rem3A_1505, %ne3A : i32
      %and3A_1535 = arith.andi %eq3A_1533, %ne3A_1534 : i1
      %convert_element_type3A_1536 = arith.extui %and3A_1535 : i1 to i32
      %cond3A_1537 = arith.constant 0 : i32
      %cond3A_1538 = arith.cmpi ne, %convert_element_type3A_1536, %cond3A_1537 : i32
      scf.if %cond3A_1538 {
        "tpu.region"() ({
          %run_scoped3A = tpu.sem_alloc : memref<!tpu.dma_semaphore, #tpu.memory_space<semaphore_mem>>
          %dma_start3A = arith.constant 0 : i32
          %dma_start3A_1539 = arith.constant 0 : i32
          %dma_start3A_1540 = tpu.memref_slice %arg21[%dma_start3A, %dma_start3A_1539] : memref<128x32xf32, #tpu.memory_space<vmem>> -> memref<16x32xf32, #tpu.memory_space<vmem>>
          %dma_start3A_1541 = arith.constant 0 : i32
          %dma_start3A_1542 = arith.constant 0 : i32
          %dma_start3A_1543 = tpu.memref_slice %arg25[%dma_start3A_1541, %dma_start3A_1542] : memref<10240x32xf32, #tpu.memory_space<vmem_shared>> -> memref<10240x32xf32, #tpu.memory_space<vmem_shared>>
          tpu.enqueue_indirect_dma source(%dma_start3A_1540 : memref<16x32xf32, #tpu.memory_space<vmem>>) target(%dma_start3A_1543 : memref<10240x32xf32, #tpu.memory_space<vmem_shared>>) offsets(%arg23 : memref<16xi32, #tpu.memory_space<vmem>>) semaphore(%run_scoped3A : memref<!tpu.dma_semaphore, #tpu.memory_space<semaphore_mem>>) {add = true}
          %dma_wait3A = arith.constant 0 : i32
          %dma_wait3A_1544 = arith.constant 0 : i32
          %dma_wait3A_1545 = tpu.memref_slice %arg21[%dma_wait3A, %dma_wait3A_1544] : memref<128x32xf32, #tpu.memory_space<vmem>> -> memref<16x32xf32, #tpu.memory_space<vmem>>
          %dma_wait3A_1546 = arith.constant 0 : i32
          %dma_wait3A_1547 = arith.constant 0 : i32
          %dma_wait3A_1548 = tpu.memref_slice %arg25[%dma_wait3A_1546, %dma_wait3A_1547] : memref<10240x32xf32, #tpu.memory_space<vmem_shared>> -> memref<10240x32xf32, #tpu.memory_space<vmem_shared>>
          tpu.wait_indirect_dma semaphore(%run_scoped3A : memref<!tpu.dma_semaphore, #tpu.memory_space<semaphore_mem>>) src(%dma_wait3A_1545 : memref<16x32xf32, #tpu.memory_space<vmem>>) dst(%dma_wait3A_1548 : memref<10240x32xf32, #tpu.memory_space<vmem_shared>>)
          tpu.yield
        }) : () -> ()
      } else {
      }
    }
    %eq3A = arith.constant 0 : i32
    %eq3A_1479 = arith.cmpi eq, %arg0, %eq3A : i32
    %convert_element_type3A = arith.extui %eq3A_1479 : i1 to i32
    %cond3A = arith.constant 0 : i32
    %cond3A_1480 = arith.cmpi ne, %convert_element_type3A, %cond3A : i32
    scf.if %cond3A_1480 {
      "tpu.region"() ({
        %run_scoped3A = tpu.sem_alloc : memref<!tpu.dma_semaphore, #tpu.memory_space<semaphore_mem>>
        %dma_start3A = arith.constant 0 : i32
        %dma_start3A_1491 = tpu.memref_slice %arg14[%dma_start3A] : memref<10000xf32, #tpu.memory_space<vmem>> -> memref<5008xf32, #tpu.memory_space<vmem>>
        %dma_start3A_1492 = tpu.memref_slice %arg8[%multiple_of3A] : memref<160000xf32, #tpu.memory_space<hbm>> -> memref<5008xf32, #tpu.memory_space<hbm>>
        %dma_start3A_1493 = tpu.memref_slice %arg8[%multiple_of3A] : memref<160000xf32, #tpu.memory_space<hbm>> -> memref<5008xf32, #tpu.memory_space<hbm>>
        %dma_start3A_1494 = arith.constant 0 : i32
        %dma_start3A_1495 = tpu.memref_slice %arg14[%dma_start3A_1494] : memref<10000xf32, #tpu.memory_space<vmem>> -> memref<5008xf32, #tpu.memory_space<vmem>>
        tpu.enqueue_dma source(%dma_start3A_1495 : memref<5008xf32, #tpu.memory_space<vmem>>) target(%dma_start3A_1493 : memref<5008xf32, #tpu.memory_space<hbm>>) target_semaphore(%run_scoped3A : memref<!tpu.dma_semaphore, #tpu.memory_space<semaphore_mem>>)
        %dma_wait3A = arith.constant 0 : i32
        %dma_wait3A_1496 = tpu.memref_slice %arg14[%dma_wait3A] : memref<10000xf32, #tpu.memory_space<vmem>> -> memref<5008xf32, #tpu.memory_space<vmem>>
        %dma_wait3A_1497 = tpu.memref_slice %arg8[%multiple_of3A] : memref<160000xf32, #tpu.memory_space<hbm>> -> memref<5008xf32, #tpu.memory_space<hbm>>
        %dma_wait3A_1498 = tpu.memref_slice %arg8[%multiple_of3A] : memref<160000xf32, #tpu.memory_space<hbm>> -> memref<5008xf32, #tpu.memory_space<hbm>>
        %dma_wait3A_1499 = arith.constant 0 : i32
        %dma_wait3A_1500 = tpu.memref_slice %arg14[%dma_wait3A_1499] : memref<10000xf32, #tpu.memory_space<vmem>> -> memref<5008xf32, #tpu.memory_space<vmem>>
        tpu.wait_dma2 semaphore(%run_scoped3A : memref<!tpu.dma_semaphore, #tpu.memory_space<semaphore_mem>>) src(%dma_wait3A_1500 : memref<5008xf32, #tpu.memory_space<vmem>>) dst(%dma_wait3A_1498 : memref<5008xf32, #tpu.memory_space<hbm>>)
        tpu.yield
      }) : () -> ()
    } else {
    }
    %eq3A_1481 = arith.constant 1 : i32
    %eq3A_1482 = arith.cmpi eq, %arg0, %eq3A_1481 : i32
    %convert_element_type3A_1483 = arith.extui %eq3A_1482 : i1 to i32
    %cond3A_1484 = arith.constant 0 : i32
    %cond3A_1485 = arith.cmpi ne, %convert_element_type3A_1483, %cond3A_1484 : i32
    scf.if %cond3A_1485 {
      %add3A_1491 = arith.constant 5008 : i32
      %add3A_1492 = arith.addi %multiple_of3A, %add3A_1491 : i32
      "tpu.region"() ({
        %run_scoped3A = tpu.sem_alloc : memref<!tpu.dma_semaphore, #tpu.memory_space<semaphore_mem>>
        %dma_start3A = arith.constant 5008 : i32
        %dma_start3A_1493 = tpu.memref_slice %arg14[%dma_start3A] : memref<10000xf32, #tpu.memory_space<vmem>> -> memref<4992xf32, #tpu.memory_space<vmem>>
        %dma_start3A_1494 = tpu.memref_slice %arg8[%add3A_1492] : memref<160000xf32, #tpu.memory_space<hbm>> -> memref<4992xf32, #tpu.memory_space<hbm>>
        %dma_start3A_1495 = tpu.memref_slice %arg8[%add3A_1492] : memref<160000xf32, #tpu.memory_space<hbm>> -> memref<4992xf32, #tpu.memory_space<hbm>>
        %dma_start3A_1496 = arith.constant 5008 : i32
        %dma_start3A_1497 = tpu.memref_slice %arg14[%dma_start3A_1496] : memref<10000xf32, #tpu.memory_space<vmem>> -> memref<4992xf32, #tpu.memory_space<vmem>>
        tpu.enqueue_dma source(%dma_start3A_1497 : memref<4992xf32, #tpu.memory_space<vmem>>) target(%dma_start3A_1495 : memref<4992xf32, #tpu.memory_space<hbm>>) target_semaphore(%run_scoped3A : memref<!tpu.dma_semaphore, #tpu.memory_space<semaphore_mem>>)
        %dma_wait3A = arith.constant 5008 : i32
        %dma_wait3A_1498 = tpu.memref_slice %arg14[%dma_wait3A] : memref<10000xf32, #tpu.memory_space<vmem>> -> memref<4992xf32, #tpu.memory_space<vmem>>
        %dma_wait3A_1499 = tpu.memref_slice %arg8[%add3A_1492] : memref<160000xf32, #tpu.memory_space<hbm>> -> memref<4992xf32, #tpu.memory_space<hbm>>
        %dma_wait3A_1500 = tpu.memref_slice %arg8[%add3A_1492] : memref<160000xf32, #tpu.memory_space<hbm>> -> memref<4992xf32, #tpu.memory_space<hbm>>
        %dma_wait3A_1501 = arith.constant 5008 : i32
        %dma_wait3A_1502 = tpu.memref_slice %arg14[%dma_wait3A_1501] : memref<10000xf32, #tpu.memory_space<vmem>> -> memref<4992xf32, #tpu.memory_space<vmem>>
        tpu.wait_dma2 semaphore(%run_scoped3A : memref<!tpu.dma_semaphore, #tpu.memory_space<semaphore_mem>>) src(%dma_wait3A_1502 : memref<4992xf32, #tpu.memory_space<vmem>>) dst(%dma_wait3A_1500 : memref<4992xf32, #tpu.memory_space<hbm>>)
        tpu.yield
      }) : () -> ()
    } else {
    }
    %barrier3A_1486 = arith.constant 0 : index
    tpu.barrier barrier_id(%barrier3A_1486)
    %mul3A_1487 = arith.constant 640 : i32
    %mul3A_1488 = arith.muli %arg1, %mul3A_1487 : i32
    %mul3A_1489 = arith.constant 640 : i32
    %mul3A_1490 = arith.muli %arg1, %mul3A_1489 : i32
    "tpu.region"() ({
      %run_scoped3A = tpu.sem_alloc : memref<!tpu.dma_semaphore, #tpu.memory_space<semaphore_mem>>
      %dma_start3A = arith.constant 0 : i32
      %dma_start3A_1491 = arith.constant 0 : i32
      %dma_start3A_1492 = tpu.memref_slice %arg9[%arg0, %dma_start3A, %dma_start3A_1491] : memref<2x10240x32xf32, #tpu.memory_space<hbm>> -> memref<1x10240x32xf32, #tpu.memory_space<hbm>>
      %dma_start3A_1493 = tpu.memref_squeeze %dma_start3A_1492 : memref<1x10240x32xf32, #tpu.memory_space<hbm>> -> memref<10240x32xf32, #tpu.memory_space<hbm>>
      %dma_start3A_1494 = arith.constant 0 : i32
      %dma_start3A_1495 = tpu.memref_slice %dma_start3A_1493[%mul3A_1490, %dma_start3A_1494] : memref<10240x32xf32, #tpu.memory_space<hbm>> -> memref<640x32xf32, #tpu.memory_space<hbm>>
      %dma_start3A_1496 = arith.constant 0 : i32
      %dma_start3A_1497 = tpu.memref_slice %arg25[%mul3A_1488, %dma_start3A_1496] : memref<10240x32xf32, #tpu.memory_space<vmem_shared>> -> memref<640x32xf32, #tpu.memory_space<vmem_shared>>
      tpu.enqueue_dma source(%dma_start3A_1497 : memref<640x32xf32, #tpu.memory_space<vmem_shared>>) target(%dma_start3A_1495 : memref<640x32xf32, #tpu.memory_space<hbm>>) target_semaphore(%run_scoped3A : memref<!tpu.dma_semaphore, #tpu.memory_space<semaphore_mem>>)
      %dma_wait3A = arith.constant 0 : i32
      %dma_wait3A_1498 = arith.constant 0 : i32
      %dma_wait3A_1499 = tpu.memref_slice %arg9[%arg0, %dma_wait3A, %dma_wait3A_1498] : memref<2x10240x32xf32, #tpu.memory_space<hbm>> -> memref<1x10240x32xf32, #tpu.memory_space<hbm>>
      %dma_wait3A_1500 = tpu.memref_squeeze %dma_wait3A_1499 : memref<1x10240x32xf32, #tpu.memory_space<hbm>> -> memref<10240x32xf32, #tpu.memory_space<hbm>>
      %dma_wait3A_1501 = arith.constant 0 : i32
      %dma_wait3A_1502 = tpu.memref_slice %dma_wait3A_1500[%mul3A_1490, %dma_wait3A_1501] : memref<10240x32xf32, #tpu.memory_space<hbm>> -> memref<640x32xf32, #tpu.memory_space<hbm>>
      %dma_wait3A_1503 = arith.constant 0 : i32
      %dma_wait3A_1504 = tpu.memref_slice %arg25[%mul3A_1488, %dma_wait3A_1503] : memref<10240x32xf32, #tpu.memory_space<vmem_shared>> -> memref<640x32xf32, #tpu.memory_space<vmem_shared>>
      tpu.wait_dma2 semaphore(%run_scoped3A : memref<!tpu.dma_semaphore, #tpu.memory_space<semaphore_mem>>) src(%dma_wait3A_1504 : memref<640x32xf32, #tpu.memory_space<vmem_shared>>) dst(%dma_wait3A_1502 : memref<640x32xf32, #tpu.memory_space<hbm>>)
      tpu.yield
    }) : () -> ()
    return
  }
}

#map = affine_map<(d0, d1) -> (0, 0)>
#map1 = affine_map<(d0, d1) -> (0)>
#map2 = affine_map<(d0, d1) -> (0, 0, 0)>
module attributes {stable_mosaic.version = 14 : i64} {
  func.func @_agg_body(%arg0: i32, %arg1: i32, %arg2: memref<20000x128xf32, #tpu.memory_space<hbm>>, %arg3: memref<160000xf32, #tpu.memory_space<hbm>>, %arg4: memref<160000xi32, #tpu.memory_space<hbm>>, %arg5: memref<160000xi32, #tpu.memory_space<hbm>>, %arg6: memref<2x10000x128xf32, #tpu.memory_space<hbm>>, %arg7: memref<3x80x128xf32, #tpu.memory_space<vmem>>, %arg8: memref<5x80xi32, #tpu.memory_space<vmem>>, %arg9: memref<5x80xi32, #tpu.memory_space<vmem>>, %arg10: memref<5x80xf32, #tpu.memory_space<vmem>>, %arg11: memref<10000x128xf32, #tpu.memory_space<vmem_shared>>, %arg12: memref<!tpu.dma_semaphore, #tpu.memory_space<semaphore_mem>>, %arg13: memref<!tpu.dma_semaphore, #tpu.memory_space<semaphore_mem>>, %arg14: memref<!tpu.dma_semaphore, #tpu.memory_space<semaphore_mem>>, %arg15: memref<!tpu.dma_semaphore, #tpu.memory_space<semaphore_mem>>, %arg16: memref<!tpu.dma_semaphore, #tpu.memory_space<semaphore_mem>>) attributes {dimension_semantics = [#tpu.dimension_semantics<core_parallel>, #tpu.dimension_semantics<subcore_parallel>], iteration_bounds = array<i64: 2, 16>, scalar_prefetch = 0 : i64, scratch_operands = 10 : i64, tpu.core_type = #tpu.core_type<sc_vector_subcore>, window_params = [{transform_indices = #map}, {transform_indices = #map1}, {transform_indices = #map1}, {transform_indices = #map1}, {transform_indices = #map2}]} {
    %mul3A = arith.constant 10000 : i32
    %mul3A_0 = arith.muli %arg1, %mul3A : i32
    %multiple_of3A = tpu.assume_multiple %mul3A_0, 8 : i32
    %iota3A = tpu.iota {dimensions = array<i32: 0>} : vector<16xi32>
    %broadcast_in_dim3A = arith.constant 0.000000e+00 : f32
    %broadcast_in_dim3A_1 = vector.broadcast %broadcast_in_dim3A : f32 to vector<16xf32>
    %mul3A_2 = arith.constant 10000 : i32
    %mul3A_3 = arith.muli %arg0, %mul3A_2 : i32
    %scan3A = arith.constant 0 : i32
    %scan3A_4 = arith.constant 80 : i32
    %scan3A_5 = arith.addi %scan3A, %scan3A_4 : i32
    %scan3A_6 = arith.constant 1 : i32
    scf.for %scan3A_246 = %scan3A to %scan3A_5 step %scan3A_6  : i32 {
      %broadcast_in_dim3A_247 = arith.constant 0 : i32
      %broadcast_in_dim3A_248 = vector.broadcast %broadcast_in_dim3A_247 : i32 to vector<16xi32>
      %broadcast_in_dim3A_249 = vector.broadcast %scan3A_246 : i32 to vector<16xi32>
      %add3A_250 = arith.constant 0 : i32
      %add3A_251 = vector.broadcast %add3A_250 : i32 to vector<16xi32>
      %add3A_252 = arith.addi %add3A_251, %iota3A : vector<16xi32>
      tpu.vector_store_idx %arg7[%broadcast_in_dim3A_248, %broadcast_in_dim3A_249, %add3A_252], %broadcast_in_dim3A_1 : memref<3x80x128xf32, #tpu.memory_space<vmem>>[vector<16xi32>, vector<16xi32>, vector<16xi32>], vector<16xf32>,
      %broadcast_in_dim3A_253 = arith.constant 0 : i32
      %broadcast_in_dim3A_254 = vector.broadcast %broadcast_in_dim3A_253 : i32 to vector<16xi32>
      %broadcast_in_dim3A_255 = vector.broadcast %scan3A_246 : i32 to vector<16xi32>
      %add3A_256 = arith.constant 16 : i32
      %add3A_257 = vector.broadcast %add3A_256 : i32 to vector<16xi32>
      %add3A_258 = arith.addi %add3A_257, %iota3A : vector<16xi32>
      tpu.vector_store_idx %arg7[%broadcast_in_dim3A_254, %broadcast_in_dim3A_255, %add3A_258], %broadcast_in_dim3A_1 : memref<3x80x128xf32, #tpu.memory_space<vmem>>[vector<16xi32>, vector<16xi32>, vector<16xi32>], vector<16xf32>,
      %broadcast_in_dim3A_259 = arith.constant 0 : i32
      %broadcast_in_dim3A_260 = vector.broadcast %broadcast_in_dim3A_259 : i32 to vector<16xi32>
      %broadcast_in_dim3A_261 = vector.broadcast %scan3A_246 : i32 to vector<16xi32>
      %add3A_262 = arith.constant 32 : i32
      %add3A_263 = vector.broadcast %add3A_262 : i32 to vector<16xi32>
      %add3A_264 = arith.addi %add3A_263, %iota3A : vector<16xi32>
      tpu.vector_store_idx %arg7[%broadcast_in_dim3A_260, %broadcast_in_dim3A_261, %add3A_264], %broadcast_in_dim3A_1 : memref<3x80x128xf32, #tpu.memory_space<vmem>>[vector<16xi32>, vector<16xi32>, vector<16xi32>], vector<16xf32>,
      %broadcast_in_dim3A_265 = arith.constant 0 : i32
      %broadcast_in_dim3A_266 = vector.broadcast %broadcast_in_dim3A_265 : i32 to vector<16xi32>
      %broadcast_in_dim3A_267 = vector.broadcast %scan3A_246 : i32 to vector<16xi32>
      %add3A_268 = arith.constant 48 : i32
      %add3A_269 = vector.broadcast %add3A_268 : i32 to vector<16xi32>
      %add3A_270 = arith.addi %add3A_269, %iota3A : vector<16xi32>
      tpu.vector_store_idx %arg7[%broadcast_in_dim3A_266, %broadcast_in_dim3A_267, %add3A_270], %broadcast_in_dim3A_1 : memref<3x80x128xf32, #tpu.memory_space<vmem>>[vector<16xi32>, vector<16xi32>, vector<16xi32>], vector<16xf32>,
      %broadcast_in_dim3A_271 = arith.constant 0 : i32
      %broadcast_in_dim3A_272 = vector.broadcast %broadcast_in_dim3A_271 : i32 to vector<16xi32>
      %broadcast_in_dim3A_273 = vector.broadcast %scan3A_246 : i32 to vector<16xi32>
      %add3A_274 = arith.constant 64 : i32
      %add3A_275 = vector.broadcast %add3A_274 : i32 to vector<16xi32>
      %add3A_276 = arith.addi %add3A_275, %iota3A : vector<16xi32>
      tpu.vector_store_idx %arg7[%broadcast_in_dim3A_272, %broadcast_in_dim3A_273, %add3A_276], %broadcast_in_dim3A_1 : memref<3x80x128xf32, #tpu.memory_space<vmem>>[vector<16xi32>, vector<16xi32>, vector<16xi32>], vector<16xf32>,
      %broadcast_in_dim3A_277 = arith.constant 0 : i32
      %broadcast_in_dim3A_278 = vector.broadcast %broadcast_in_dim3A_277 : i32 to vector<16xi32>
      %broadcast_in_dim3A_279 = vector.broadcast %scan3A_246 : i32 to vector<16xi32>
      %add3A_280 = arith.constant 80 : i32
      %add3A_281 = vector.broadcast %add3A_280 : i32 to vector<16xi32>
      %add3A_282 = arith.addi %add3A_281, %iota3A : vector<16xi32>
      tpu.vector_store_idx %arg7[%broadcast_in_dim3A_278, %broadcast_in_dim3A_279, %add3A_282], %broadcast_in_dim3A_1 : memref<3x80x128xf32, #tpu.memory_space<vmem>>[vector<16xi32>, vector<16xi32>, vector<16xi32>], vector<16xf32>,
      %broadcast_in_dim3A_283 = arith.constant 0 : i32
      %broadcast_in_dim3A_284 = vector.broadcast %broadcast_in_dim3A_283 : i32 to vector<16xi32>
      %broadcast_in_dim3A_285 = vector.broadcast %scan3A_246 : i32 to vector<16xi32>
      %add3A_286 = arith.constant 96 : i32
      %add3A_287 = vector.broadcast %add3A_286 : i32 to vector<16xi32>
      %add3A_288 = arith.addi %add3A_287, %iota3A : vector<16xi32>
      tpu.vector_store_idx %arg7[%broadcast_in_dim3A_284, %broadcast_in_dim3A_285, %add3A_288], %broadcast_in_dim3A_1 : memref<3x80x128xf32, #tpu.memory_space<vmem>>[vector<16xi32>, vector<16xi32>, vector<16xi32>], vector<16xf32>,
      %broadcast_in_dim3A_289 = arith.constant 0 : i32
      %broadcast_in_dim3A_290 = vector.broadcast %broadcast_in_dim3A_289 : i32 to vector<16xi32>
      %broadcast_in_dim3A_291 = vector.broadcast %scan3A_246 : i32 to vector<16xi32>
      %add3A_292 = arith.constant 112 : i32
      %add3A_293 = vector.broadcast %add3A_292 : i32 to vector<16xi32>
      %add3A_294 = arith.addi %add3A_293, %iota3A : vector<16xi32>
      tpu.vector_store_idx %arg7[%broadcast_in_dim3A_290, %broadcast_in_dim3A_291, %add3A_294], %broadcast_in_dim3A_1 : memref<3x80x128xf32, #tpu.memory_space<vmem>>[vector<16xi32>, vector<16xi32>, vector<16xi32>], vector<16xf32>,
    }
    %scan3A_7 = arith.constant 80 : i32
    %mul3A_8 = arith.constant 625 : i32
    %mul3A_9 = arith.muli %arg1, %mul3A_8 : i32
    %add3A = arith.constant 0 : i32
    %add3A_10 = arith.addi %mul3A_9, %add3A : i32
    %run_scoped3A = arith.constant 0 : i32
    "tpu.region"() ({
      %run_scoped3A_246 = tpu.sem_alloc : memref<!tpu.dma_semaphore, #tpu.memory_space<semaphore_mem>>
      %dma_start3A_247 = arith.constant 0 : i32
      %dma_start3A_248 = arith.constant 0 : i32
      %dma_start3A_249 = tpu.memref_slice %arg7[%run_scoped3A, %dma_start3A_247, %dma_start3A_248] : memref<3x80x128xf32, #tpu.memory_space<vmem>> -> memref<1x80x128xf32, #tpu.memory_space<vmem>>
      %dma_start3A_250 = tpu.memref_squeeze %dma_start3A_249 : memref<1x80x128xf32, #tpu.memory_space<vmem>> -> memref<80x128xf32, #tpu.memory_space<vmem>>
      %dma_start3A_251 = arith.constant 0 : i32
      %dma_start3A_252 = tpu.memref_slice %arg11[%add3A_10, %dma_start3A_251] : memref<10000x128xf32, #tpu.memory_space<vmem_shared>> -> memref<80x128xf32, #tpu.memory_space<vmem_shared>>
      %dma_start3A_253 = arith.constant 0 : i32
      %dma_start3A_254 = tpu.memref_slice %arg11[%add3A_10, %dma_start3A_253] : memref<10000x128xf32, #tpu.memory_space<vmem_shared>> -> memref<80x128xf32, #tpu.memory_space<vmem_shared>>
      %dma_start3A_255 = arith.constant 0 : i32
      %dma_start3A_256 = arith.constant 0 : i32
      %dma_start3A_257 = tpu.memref_slice %arg7[%run_scoped3A, %dma_start3A_255, %dma_start3A_256] : memref<3x80x128xf32, #tpu.memory_space<vmem>> -> memref<1x80x128xf32, #tpu.memory_space<vmem>>
      %dma_start3A_258 = tpu.memref_squeeze %dma_start3A_257 : memref<1x80x128xf32, #tpu.memory_space<vmem>> -> memref<80x128xf32, #tpu.memory_space<vmem>>
      tpu.enqueue_dma source(%dma_start3A_258 : memref<80x128xf32, #tpu.memory_space<vmem>>) target(%dma_start3A_254 : memref<80x128xf32, #tpu.memory_space<vmem_shared>>) target_semaphore(%run_scoped3A_246 : memref<!tpu.dma_semaphore, #tpu.memory_space<semaphore_mem>>)
      %dma_wait3A_259 = arith.constant 0 : i32
      %dma_wait3A_260 = arith.constant 0 : i32
      %dma_wait3A_261 = tpu.memref_slice %arg7[%run_scoped3A, %dma_wait3A_259, %dma_wait3A_260] : memref<3x80x128xf32, #tpu.memory_space<vmem>> -> memref<1x80x128xf32, #tpu.memory_space<vmem>>
      %dma_wait3A_262 = tpu.memref_squeeze %dma_wait3A_261 : memref<1x80x128xf32, #tpu.memory_space<vmem>> -> memref<80x128xf32, #tpu.memory_space<vmem>>
      %dma_wait3A_263 = arith.constant 0 : i32
      %dma_wait3A_264 = tpu.memref_slice %arg11[%add3A_10, %dma_wait3A_263] : memref<10000x128xf32, #tpu.memory_space<vmem_shared>> -> memref<80x128xf32, #tpu.memory_space<vmem_shared>>
      %dma_wait3A_265 = arith.constant 0 : i32
      %dma_wait3A_266 = tpu.memref_slice %arg11[%add3A_10, %dma_wait3A_265] : memref<10000x128xf32, #tpu.memory_space<vmem_shared>> -> memref<80x128xf32, #tpu.memory_space<vmem_shared>>
      %dma_wait3A_267 = arith.constant 0 : i32
      %dma_wait3A_268 = arith.constant 0 : i32
      %dma_wait3A_269 = tpu.memref_slice %arg7[%run_scoped3A, %dma_wait3A_267, %dma_wait3A_268] : memref<3x80x128xf32, #tpu.memory_space<vmem>> -> memref<1x80x128xf32, #tpu.memory_space<vmem>>
      %dma_wait3A_270 = tpu.memref_squeeze %dma_wait3A_269 : memref<1x80x128xf32, #tpu.memory_space<vmem>> -> memref<80x128xf32, #tpu.memory_space<vmem>>
      tpu.wait_dma2 semaphore(%run_scoped3A_246 : memref<!tpu.dma_semaphore, #tpu.memory_space<semaphore_mem>>) src(%dma_wait3A_270 : memref<80x128xf32, #tpu.memory_space<vmem>>) dst(%dma_wait3A_266 : memref<80x128xf32, #tpu.memory_space<vmem_shared>>)
      tpu.yield
    }) : () -> ()
    %mul3A_11 = arith.constant 625 : i32
    %mul3A_12 = arith.muli %arg1, %mul3A_11 : i32
    %add3A_13 = arith.constant 80 : i32
    %add3A_14 = arith.addi %mul3A_12, %add3A_13 : i32
    %run_scoped3A_15 = arith.constant 0 : i32
    "tpu.region"() ({
      %run_scoped3A_246 = tpu.sem_alloc : memref<!tpu.dma_semaphore, #tpu.memory_space<semaphore_mem>>
      %dma_start3A_247 = arith.constant 0 : i32
      %dma_start3A_248 = arith.constant 0 : i32
      %dma_start3A_249 = tpu.memref_slice %arg7[%run_scoped3A_15, %dma_start3A_247, %dma_start3A_248] : memref<3x80x128xf32, #tpu.memory_space<vmem>> -> memref<1x80x128xf32, #tpu.memory_space<vmem>>
      %dma_start3A_250 = tpu.memref_squeeze %dma_start3A_249 : memref<1x80x128xf32, #tpu.memory_space<vmem>> -> memref<80x128xf32, #tpu.memory_space<vmem>>
      %dma_start3A_251 = arith.constant 0 : i32
      %dma_start3A_252 = tpu.memref_slice %arg11[%add3A_14, %dma_start3A_251] : memref<10000x128xf32, #tpu.memory_space<vmem_shared>> -> memref<80x128xf32, #tpu.memory_space<vmem_shared>>
      %dma_start3A_253 = arith.constant 0 : i32
      %dma_start3A_254 = tpu.memref_slice %arg11[%add3A_14, %dma_start3A_253] : memref<10000x128xf32, #tpu.memory_space<vmem_shared>> -> memref<80x128xf32, #tpu.memory_space<vmem_shared>>
      %dma_start3A_255 = arith.constant 0 : i32
      %dma_start3A_256 = arith.constant 0 : i32
      %dma_start3A_257 = tpu.memref_slice %arg7[%run_scoped3A_15, %dma_start3A_255, %dma_start3A_256] : memref<3x80x128xf32, #tpu.memory_space<vmem>> -> memref<1x80x128xf32, #tpu.memory_space<vmem>>
      %dma_start3A_258 = tpu.memref_squeeze %dma_start3A_257 : memref<1x80x128xf32, #tpu.memory_space<vmem>> -> memref<80x128xf32, #tpu.memory_space<vmem>>
      tpu.enqueue_dma source(%dma_start3A_258 : memref<80x128xf32, #tpu.memory_space<vmem>>) target(%dma_start3A_254 : memref<80x128xf32, #tpu.memory_space<vmem_shared>>) target_semaphore(%run_scoped3A_246 : memref<!tpu.dma_semaphore, #tpu.memory_space<semaphore_mem>>)
      %dma_wait3A_259 = arith.constant 0 : i32
      %dma_wait3A_260 = arith.constant 0 : i32
      %dma_wait3A_261 = tpu.memref_slice %arg7[%run_scoped3A_15, %dma_wait3A_259, %dma_wait3A_260] : memref<3x80x128xf32, #tpu.memory_space<vmem>> -> memref<1x80x128xf32, #tpu.memory_space<vmem>>
      %dma_wait3A_262 = tpu.memref_squeeze %dma_wait3A_261 : memref<1x80x128xf32, #tpu.memory_space<vmem>> -> memref<80x128xf32, #tpu.memory_space<vmem>>
      %dma_wait3A_263 = arith.constant 0 : i32
      %dma_wait3A_264 = tpu.memref_slice %arg11[%add3A_14, %dma_wait3A_263] : memref<10000x128xf32, #tpu.memory_space<vmem_shared>> -> memref<80x128xf32, #tpu.memory_space<vmem_shared>>
      %dma_wait3A_265 = arith.constant 0 : i32
      %dma_wait3A_266 = tpu.memref_slice %arg11[%add3A_14, %dma_wait3A_265] : memref<10000x128xf32, #tpu.memory_space<vmem_shared>> -> memref<80x128xf32, #tpu.memory_space<vmem_shared>>
      %dma_wait3A_267 = arith.constant 0 : i32
      %dma_wait3A_268 = arith.constant 0 : i32
      %dma_wait3A_269 = tpu.memref_slice %arg7[%run_scoped3A_15, %dma_wait3A_267, %dma_wait3A_268] : memref<3x80x128xf32, #tpu.memory_space<vmem>> -> memref<1x80x128xf32, #tpu.memory_space<vmem>>
      %dma_wait3A_270 = tpu.memref_squeeze %dma_wait3A_269 : memref<1x80x128xf32, #tpu.memory_space<vmem>> -> memref<80x128xf32, #tpu.memory_space<vmem>>
      tpu.wait_dma2 semaphore(%run_scoped3A_246 : memref<!tpu.dma_semaphore, #tpu.memory_space<semaphore_mem>>) src(%dma_wait3A_270 : memref<80x128xf32, #tpu.memory_space<vmem>>) dst(%dma_wait3A_266 : memref<80x128xf32, #tpu.memory_space<vmem_shared>>)
      tpu.yield
    }) : () -> ()
    %mul3A_16 = arith.constant 625 : i32
    %mul3A_17 = arith.muli %arg1, %mul3A_16 : i32
    %add3A_18 = arith.constant 160 : i32
    %add3A_19 = arith.addi %mul3A_17, %add3A_18 : i32
    %run_scoped3A_20 = arith.constant 0 : i32
    "tpu.region"() ({
      %run_scoped3A_246 = tpu.sem_alloc : memref<!tpu.dma_semaphore, #tpu.memory_space<semaphore_mem>>
      %dma_start3A_247 = arith.constant 0 : i32
      %dma_start3A_248 = arith.constant 0 : i32
      %dma_start3A_249 = tpu.memref_slice %arg7[%run_scoped3A_20, %dma_start3A_247, %dma_start3A_248] : memref<3x80x128xf32, #tpu.memory_space<vmem>> -> memref<1x80x128xf32, #tpu.memory_space<vmem>>
      %dma_start3A_250 = tpu.memref_squeeze %dma_start3A_249 : memref<1x80x128xf32, #tpu.memory_space<vmem>> -> memref<80x128xf32, #tpu.memory_space<vmem>>
      %dma_start3A_251 = arith.constant 0 : i32
      %dma_start3A_252 = tpu.memref_slice %arg11[%add3A_19, %dma_start3A_251] : memref<10000x128xf32, #tpu.memory_space<vmem_shared>> -> memref<80x128xf32, #tpu.memory_space<vmem_shared>>
      %dma_start3A_253 = arith.constant 0 : i32
      %dma_start3A_254 = tpu.memref_slice %arg11[%add3A_19, %dma_start3A_253] : memref<10000x128xf32, #tpu.memory_space<vmem_shared>> -> memref<80x128xf32, #tpu.memory_space<vmem_shared>>
      %dma_start3A_255 = arith.constant 0 : i32
      %dma_start3A_256 = arith.constant 0 : i32
      %dma_start3A_257 = tpu.memref_slice %arg7[%run_scoped3A_20, %dma_start3A_255, %dma_start3A_256] : memref<3x80x128xf32, #tpu.memory_space<vmem>> -> memref<1x80x128xf32, #tpu.memory_space<vmem>>
      %dma_start3A_258 = tpu.memref_squeeze %dma_start3A_257 : memref<1x80x128xf32, #tpu.memory_space<vmem>> -> memref<80x128xf32, #tpu.memory_space<vmem>>
      tpu.enqueue_dma source(%dma_start3A_258 : memref<80x128xf32, #tpu.memory_space<vmem>>) target(%dma_start3A_254 : memref<80x128xf32, #tpu.memory_space<vmem_shared>>) target_semaphore(%run_scoped3A_246 : memref<!tpu.dma_semaphore, #tpu.memory_space<semaphore_mem>>)
      %dma_wait3A_259 = arith.constant 0 : i32
      %dma_wait3A_260 = arith.constant 0 : i32
      %dma_wait3A_261 = tpu.memref_slice %arg7[%run_scoped3A_20, %dma_wait3A_259, %dma_wait3A_260] : memref<3x80x128xf32, #tpu.memory_space<vmem>> -> memref<1x80x128xf32, #tpu.memory_space<vmem>>
      %dma_wait3A_262 = tpu.memref_squeeze %dma_wait3A_261 : memref<1x80x128xf32, #tpu.memory_space<vmem>> -> memref<80x128xf32, #tpu.memory_space<vmem>>
      %dma_wait3A_263 = arith.constant 0 : i32
      %dma_wait3A_264 = tpu.memref_slice %arg11[%add3A_19, %dma_wait3A_263] : memref<10000x128xf32, #tpu.memory_space<vmem_shared>> -> memref<80x128xf32, #tpu.memory_space<vmem_shared>>
      %dma_wait3A_265 = arith.constant 0 : i32
      %dma_wait3A_266 = tpu.memref_slice %arg11[%add3A_19, %dma_wait3A_265] : memref<10000x128xf32, #tpu.memory_space<vmem_shared>> -> memref<80x128xf32, #tpu.memory_space<vmem_shared>>
      %dma_wait3A_267 = arith.constant 0 : i32
      %dma_wait3A_268 = arith.constant 0 : i32
      %dma_wait3A_269 = tpu.memref_slice %arg7[%run_scoped3A_20, %dma_wait3A_267, %dma_wait3A_268] : memref<3x80x128xf32, #tpu.memory_space<vmem>> -> memref<1x80x128xf32, #tpu.memory_space<vmem>>
      %dma_wait3A_270 = tpu.memref_squeeze %dma_wait3A_269 : memref<1x80x128xf32, #tpu.memory_space<vmem>> -> memref<80x128xf32, #tpu.memory_space<vmem>>
      tpu.wait_dma2 semaphore(%run_scoped3A_246 : memref<!tpu.dma_semaphore, #tpu.memory_space<semaphore_mem>>) src(%dma_wait3A_270 : memref<80x128xf32, #tpu.memory_space<vmem>>) dst(%dma_wait3A_266 : memref<80x128xf32, #tpu.memory_space<vmem_shared>>)
      tpu.yield
    }) : () -> ()
    %mul3A_21 = arith.constant 625 : i32
    %mul3A_22 = arith.muli %arg1, %mul3A_21 : i32
    %add3A_23 = arith.constant 240 : i32
    %add3A_24 = arith.addi %mul3A_22, %add3A_23 : i32
    %run_scoped3A_25 = arith.constant 0 : i32
    "tpu.region"() ({
      %run_scoped3A_246 = tpu.sem_alloc : memref<!tpu.dma_semaphore, #tpu.memory_space<semaphore_mem>>
      %dma_start3A_247 = arith.constant 0 : i32
      %dma_start3A_248 = arith.constant 0 : i32
      %dma_start3A_249 = tpu.memref_slice %arg7[%run_scoped3A_25, %dma_start3A_247, %dma_start3A_248] : memref<3x80x128xf32, #tpu.memory_space<vmem>> -> memref<1x80x128xf32, #tpu.memory_space<vmem>>
      %dma_start3A_250 = tpu.memref_squeeze %dma_start3A_249 : memref<1x80x128xf32, #tpu.memory_space<vmem>> -> memref<80x128xf32, #tpu.memory_space<vmem>>
      %dma_start3A_251 = arith.constant 0 : i32
      %dma_start3A_252 = tpu.memref_slice %arg11[%add3A_24, %dma_start3A_251] : memref<10000x128xf32, #tpu.memory_space<vmem_shared>> -> memref<80x128xf32, #tpu.memory_space<vmem_shared>>
      %dma_start3A_253 = arith.constant 0 : i32
      %dma_start3A_254 = tpu.memref_slice %arg11[%add3A_24, %dma_start3A_253] : memref<10000x128xf32, #tpu.memory_space<vmem_shared>> -> memref<80x128xf32, #tpu.memory_space<vmem_shared>>
      %dma_start3A_255 = arith.constant 0 : i32
      %dma_start3A_256 = arith.constant 0 : i32
      %dma_start3A_257 = tpu.memref_slice %arg7[%run_scoped3A_25, %dma_start3A_255, %dma_start3A_256] : memref<3x80x128xf32, #tpu.memory_space<vmem>> -> memref<1x80x128xf32, #tpu.memory_space<vmem>>
      %dma_start3A_258 = tpu.memref_squeeze %dma_start3A_257 : memref<1x80x128xf32, #tpu.memory_space<vmem>> -> memref<80x128xf32, #tpu.memory_space<vmem>>
      tpu.enqueue_dma source(%dma_start3A_258 : memref<80x128xf32, #tpu.memory_space<vmem>>) target(%dma_start3A_254 : memref<80x128xf32, #tpu.memory_space<vmem_shared>>) target_semaphore(%run_scoped3A_246 : memref<!tpu.dma_semaphore, #tpu.memory_space<semaphore_mem>>)
      %dma_wait3A_259 = arith.constant 0 : i32
      %dma_wait3A_260 = arith.constant 0 : i32
      %dma_wait3A_261 = tpu.memref_slice %arg7[%run_scoped3A_25, %dma_wait3A_259, %dma_wait3A_260] : memref<3x80x128xf32, #tpu.memory_space<vmem>> -> memref<1x80x128xf32, #tpu.memory_space<vmem>>
      %dma_wait3A_262 = tpu.memref_squeeze %dma_wait3A_261 : memref<1x80x128xf32, #tpu.memory_space<vmem>> -> memref<80x128xf32, #tpu.memory_space<vmem>>
      %dma_wait3A_263 = arith.constant 0 : i32
      %dma_wait3A_264 = tpu.memref_slice %arg11[%add3A_24, %dma_wait3A_263] : memref<10000x128xf32, #tpu.memory_space<vmem_shared>> -> memref<80x128xf32, #tpu.memory_space<vmem_shared>>
      %dma_wait3A_265 = arith.constant 0 : i32
      %dma_wait3A_266 = tpu.memref_slice %arg11[%add3A_24, %dma_wait3A_265] : memref<10000x128xf32, #tpu.memory_space<vmem_shared>> -> memref<80x128xf32, #tpu.memory_space<vmem_shared>>
      %dma_wait3A_267 = arith.constant 0 : i32
      %dma_wait3A_268 = arith.constant 0 : i32
      %dma_wait3A_269 = tpu.memref_slice %arg7[%run_scoped3A_25, %dma_wait3A_267, %dma_wait3A_268] : memref<3x80x128xf32, #tpu.memory_space<vmem>> -> memref<1x80x128xf32, #tpu.memory_space<vmem>>
      %dma_wait3A_270 = tpu.memref_squeeze %dma_wait3A_269 : memref<1x80x128xf32, #tpu.memory_space<vmem>> -> memref<80x128xf32, #tpu.memory_space<vmem>>
      tpu.wait_dma2 semaphore(%run_scoped3A_246 : memref<!tpu.dma_semaphore, #tpu.memory_space<semaphore_mem>>) src(%dma_wait3A_270 : memref<80x128xf32, #tpu.memory_space<vmem>>) dst(%dma_wait3A_266 : memref<80x128xf32, #tpu.memory_space<vmem_shared>>)
      tpu.yield
    }) : () -> ()
    %mul3A_26 = arith.constant 625 : i32
    %mul3A_27 = arith.muli %arg1, %mul3A_26 : i32
    %add3A_28 = arith.constant 320 : i32
    %add3A_29 = arith.addi %mul3A_27, %add3A_28 : i32
    %run_scoped3A_30 = arith.constant 0 : i32
    "tpu.region"() ({
      %run_scoped3A_246 = tpu.sem_alloc : memref<!tpu.dma_semaphore, #tpu.memory_space<semaphore_mem>>
      %dma_start3A_247 = arith.constant 0 : i32
      %dma_start3A_248 = arith.constant 0 : i32
      %dma_start3A_249 = tpu.memref_slice %arg7[%run_scoped3A_30, %dma_start3A_247, %dma_start3A_248] : memref<3x80x128xf32, #tpu.memory_space<vmem>> -> memref<1x80x128xf32, #tpu.memory_space<vmem>>
      %dma_start3A_250 = tpu.memref_squeeze %dma_start3A_249 : memref<1x80x128xf32, #tpu.memory_space<vmem>> -> memref<80x128xf32, #tpu.memory_space<vmem>>
      %dma_start3A_251 = arith.constant 0 : i32
      %dma_start3A_252 = tpu.memref_slice %arg11[%add3A_29, %dma_start3A_251] : memref<10000x128xf32, #tpu.memory_space<vmem_shared>> -> memref<80x128xf32, #tpu.memory_space<vmem_shared>>
      %dma_start3A_253 = arith.constant 0 : i32
      %dma_start3A_254 = tpu.memref_slice %arg11[%add3A_29, %dma_start3A_253] : memref<10000x128xf32, #tpu.memory_space<vmem_shared>> -> memref<80x128xf32, #tpu.memory_space<vmem_shared>>
      %dma_start3A_255 = arith.constant 0 : i32
      %dma_start3A_256 = arith.constant 0 : i32
      %dma_start3A_257 = tpu.memref_slice %arg7[%run_scoped3A_30, %dma_start3A_255, %dma_start3A_256] : memref<3x80x128xf32, #tpu.memory_space<vmem>> -> memref<1x80x128xf32, #tpu.memory_space<vmem>>
      %dma_start3A_258 = tpu.memref_squeeze %dma_start3A_257 : memref<1x80x128xf32, #tpu.memory_space<vmem>> -> memref<80x128xf32, #tpu.memory_space<vmem>>
      tpu.enqueue_dma source(%dma_start3A_258 : memref<80x128xf32, #tpu.memory_space<vmem>>) target(%dma_start3A_254 : memref<80x128xf32, #tpu.memory_space<vmem_shared>>) target_semaphore(%run_scoped3A_246 : memref<!tpu.dma_semaphore, #tpu.memory_space<semaphore_mem>>)
      %dma_wait3A_259 = arith.constant 0 : i32
      %dma_wait3A_260 = arith.constant 0 : i32
      %dma_wait3A_261 = tpu.memref_slice %arg7[%run_scoped3A_30, %dma_wait3A_259, %dma_wait3A_260] : memref<3x80x128xf32, #tpu.memory_space<vmem>> -> memref<1x80x128xf32, #tpu.memory_space<vmem>>
      %dma_wait3A_262 = tpu.memref_squeeze %dma_wait3A_261 : memref<1x80x128xf32, #tpu.memory_space<vmem>> -> memref<80x128xf32, #tpu.memory_space<vmem>>
      %dma_wait3A_263 = arith.constant 0 : i32
      %dma_wait3A_264 = tpu.memref_slice %arg11[%add3A_29, %dma_wait3A_263] : memref<10000x128xf32, #tpu.memory_space<vmem_shared>> -> memref<80x128xf32, #tpu.memory_space<vmem_shared>>
      %dma_wait3A_265 = arith.constant 0 : i32
      %dma_wait3A_266 = tpu.memref_slice %arg11[%add3A_29, %dma_wait3A_265] : memref<10000x128xf32, #tpu.memory_space<vmem_shared>> -> memref<80x128xf32, #tpu.memory_space<vmem_shared>>
      %dma_wait3A_267 = arith.constant 0 : i32
      %dma_wait3A_268 = arith.constant 0 : i32
      %dma_wait3A_269 = tpu.memref_slice %arg7[%run_scoped3A_30, %dma_wait3A_267, %dma_wait3A_268] : memref<3x80x128xf32, #tpu.memory_space<vmem>> -> memref<1x80x128xf32, #tpu.memory_space<vmem>>
      %dma_wait3A_270 = tpu.memref_squeeze %dma_wait3A_269 : memref<1x80x128xf32, #tpu.memory_space<vmem>> -> memref<80x128xf32, #tpu.memory_space<vmem>>
      tpu.wait_dma2 semaphore(%run_scoped3A_246 : memref<!tpu.dma_semaphore, #tpu.memory_space<semaphore_mem>>) src(%dma_wait3A_270 : memref<80x128xf32, #tpu.memory_space<vmem>>) dst(%dma_wait3A_266 : memref<80x128xf32, #tpu.memory_space<vmem_shared>>)
      tpu.yield
    }) : () -> ()
    %mul3A_31 = arith.constant 625 : i32
    %mul3A_32 = arith.muli %arg1, %mul3A_31 : i32
    %add3A_33 = arith.constant 400 : i32
    %add3A_34 = arith.addi %mul3A_32, %add3A_33 : i32
    %run_scoped3A_35 = arith.constant 0 : i32
    "tpu.region"() ({
      %run_scoped3A_246 = tpu.sem_alloc : memref<!tpu.dma_semaphore, #tpu.memory_space<semaphore_mem>>
      %dma_start3A_247 = arith.constant 0 : i32
      %dma_start3A_248 = arith.constant 0 : i32
      %dma_start3A_249 = tpu.memref_slice %arg7[%run_scoped3A_35, %dma_start3A_247, %dma_start3A_248] : memref<3x80x128xf32, #tpu.memory_space<vmem>> -> memref<1x80x128xf32, #tpu.memory_space<vmem>>
      %dma_start3A_250 = tpu.memref_squeeze %dma_start3A_249 : memref<1x80x128xf32, #tpu.memory_space<vmem>> -> memref<80x128xf32, #tpu.memory_space<vmem>>
      %dma_start3A_251 = arith.constant 0 : i32
      %dma_start3A_252 = tpu.memref_slice %arg11[%add3A_34, %dma_start3A_251] : memref<10000x128xf32, #tpu.memory_space<vmem_shared>> -> memref<80x128xf32, #tpu.memory_space<vmem_shared>>
      %dma_start3A_253 = arith.constant 0 : i32
      %dma_start3A_254 = tpu.memref_slice %arg11[%add3A_34, %dma_start3A_253] : memref<10000x128xf32, #tpu.memory_space<vmem_shared>> -> memref<80x128xf32, #tpu.memory_space<vmem_shared>>
      %dma_start3A_255 = arith.constant 0 : i32
      %dma_start3A_256 = arith.constant 0 : i32
      %dma_start3A_257 = tpu.memref_slice %arg7[%run_scoped3A_35, %dma_start3A_255, %dma_start3A_256] : memref<3x80x128xf32, #tpu.memory_space<vmem>> -> memref<1x80x128xf32, #tpu.memory_space<vmem>>
      %dma_start3A_258 = tpu.memref_squeeze %dma_start3A_257 : memref<1x80x128xf32, #tpu.memory_space<vmem>> -> memref<80x128xf32, #tpu.memory_space<vmem>>
      tpu.enqueue_dma source(%dma_start3A_258 : memref<80x128xf32, #tpu.memory_space<vmem>>) target(%dma_start3A_254 : memref<80x128xf32, #tpu.memory_space<vmem_shared>>) target_semaphore(%run_scoped3A_246 : memref<!tpu.dma_semaphore, #tpu.memory_space<semaphore_mem>>)
      %dma_wait3A_259 = arith.constant 0 : i32
      %dma_wait3A_260 = arith.constant 0 : i32
      %dma_wait3A_261 = tpu.memref_slice %arg7[%run_scoped3A_35, %dma_wait3A_259, %dma_wait3A_260] : memref<3x80x128xf32, #tpu.memory_space<vmem>> -> memref<1x80x128xf32, #tpu.memory_space<vmem>>
      %dma_wait3A_262 = tpu.memref_squeeze %dma_wait3A_261 : memref<1x80x128xf32, #tpu.memory_space<vmem>> -> memref<80x128xf32, #tpu.memory_space<vmem>>
      %dma_wait3A_263 = arith.constant 0 : i32
      %dma_wait3A_264 = tpu.memref_slice %arg11[%add3A_34, %dma_wait3A_263] : memref<10000x128xf32, #tpu.memory_space<vmem_shared>> -> memref<80x128xf32, #tpu.memory_space<vmem_shared>>
      %dma_wait3A_265 = arith.constant 0 : i32
      %dma_wait3A_266 = tpu.memref_slice %arg11[%add3A_34, %dma_wait3A_265] : memref<10000x128xf32, #tpu.memory_space<vmem_shared>> -> memref<80x128xf32, #tpu.memory_space<vmem_shared>>
      %dma_wait3A_267 = arith.constant 0 : i32
      %dma_wait3A_268 = arith.constant 0 : i32
      %dma_wait3A_269 = tpu.memref_slice %arg7[%run_scoped3A_35, %dma_wait3A_267, %dma_wait3A_268] : memref<3x80x128xf32, #tpu.memory_space<vmem>> -> memref<1x80x128xf32, #tpu.memory_space<vmem>>
      %dma_wait3A_270 = tpu.memref_squeeze %dma_wait3A_269 : memref<1x80x128xf32, #tpu.memory_space<vmem>> -> memref<80x128xf32, #tpu.memory_space<vmem>>
      tpu.wait_dma2 semaphore(%run_scoped3A_246 : memref<!tpu.dma_semaphore, #tpu.memory_space<semaphore_mem>>) src(%dma_wait3A_270 : memref<80x128xf32, #tpu.memory_space<vmem>>) dst(%dma_wait3A_266 : memref<80x128xf32, #tpu.memory_space<vmem_shared>>)
      tpu.yield
    }) : () -> ()
    %mul3A_36 = arith.constant 625 : i32
    %mul3A_37 = arith.muli %arg1, %mul3A_36 : i32
    %add3A_38 = arith.constant 480 : i32
    %add3A_39 = arith.addi %mul3A_37, %add3A_38 : i32
    %run_scoped3A_40 = arith.constant 0 : i32
    "tpu.region"() ({
      %run_scoped3A_246 = tpu.sem_alloc : memref<!tpu.dma_semaphore, #tpu.memory_space<semaphore_mem>>
      %dma_start3A_247 = arith.constant 0 : i32
      %dma_start3A_248 = arith.constant 0 : i32
      %dma_start3A_249 = tpu.memref_slice %arg7[%run_scoped3A_40, %dma_start3A_247, %dma_start3A_248] : memref<3x80x128xf32, #tpu.memory_space<vmem>> -> memref<1x80x128xf32, #tpu.memory_space<vmem>>
      %dma_start3A_250 = tpu.memref_squeeze %dma_start3A_249 : memref<1x80x128xf32, #tpu.memory_space<vmem>> -> memref<80x128xf32, #tpu.memory_space<vmem>>
      %dma_start3A_251 = arith.constant 0 : i32
      %dma_start3A_252 = tpu.memref_slice %arg11[%add3A_39, %dma_start3A_251] : memref<10000x128xf32, #tpu.memory_space<vmem_shared>> -> memref<80x128xf32, #tpu.memory_space<vmem_shared>>
      %dma_start3A_253 = arith.constant 0 : i32
      %dma_start3A_254 = tpu.memref_slice %arg11[%add3A_39, %dma_start3A_253] : memref<10000x128xf32, #tpu.memory_space<vmem_shared>> -> memref<80x128xf32, #tpu.memory_space<vmem_shared>>
      %dma_start3A_255 = arith.constant 0 : i32
      %dma_start3A_256 = arith.constant 0 : i32
      %dma_start3A_257 = tpu.memref_slice %arg7[%run_scoped3A_40, %dma_start3A_255, %dma_start3A_256] : memref<3x80x128xf32, #tpu.memory_space<vmem>> -> memref<1x80x128xf32, #tpu.memory_space<vmem>>
      %dma_start3A_258 = tpu.memref_squeeze %dma_start3A_257 : memref<1x80x128xf32, #tpu.memory_space<vmem>> -> memref<80x128xf32, #tpu.memory_space<vmem>>
      tpu.enqueue_dma source(%dma_start3A_258 : memref<80x128xf32, #tpu.memory_space<vmem>>) target(%dma_start3A_254 : memref<80x128xf32, #tpu.memory_space<vmem_shared>>) target_semaphore(%run_scoped3A_246 : memref<!tpu.dma_semaphore, #tpu.memory_space<semaphore_mem>>)
      %dma_wait3A_259 = arith.constant 0 : i32
      %dma_wait3A_260 = arith.constant 0 : i32
      %dma_wait3A_261 = tpu.memref_slice %arg7[%run_scoped3A_40, %dma_wait3A_259, %dma_wait3A_260] : memref<3x80x128xf32, #tpu.memory_space<vmem>> -> memref<1x80x128xf32, #tpu.memory_space<vmem>>
      %dma_wait3A_262 = tpu.memref_squeeze %dma_wait3A_261 : memref<1x80x128xf32, #tpu.memory_space<vmem>> -> memref<80x128xf32, #tpu.memory_space<vmem>>
      %dma_wait3A_263 = arith.constant 0 : i32
      %dma_wait3A_264 = tpu.memref_slice %arg11[%add3A_39, %dma_wait3A_263] : memref<10000x128xf32, #tpu.memory_space<vmem_shared>> -> memref<80x128xf32, #tpu.memory_space<vmem_shared>>
      %dma_wait3A_265 = arith.constant 0 : i32
      %dma_wait3A_266 = tpu.memref_slice %arg11[%add3A_39, %dma_wait3A_265] : memref<10000x128xf32, #tpu.memory_space<vmem_shared>> -> memref<80x128xf32, #tpu.memory_space<vmem_shared>>
      %dma_wait3A_267 = arith.constant 0 : i32
      %dma_wait3A_268 = arith.constant 0 : i32
      %dma_wait3A_269 = tpu.memref_slice %arg7[%run_scoped3A_40, %dma_wait3A_267, %dma_wait3A_268] : memref<3x80x128xf32, #tpu.memory_space<vmem>> -> memref<1x80x128xf32, #tpu.memory_space<vmem>>
      %dma_wait3A_270 = tpu.memref_squeeze %dma_wait3A_269 : memref<1x80x128xf32, #tpu.memory_space<vmem>> -> memref<80x128xf32, #tpu.memory_space<vmem>>
      tpu.wait_dma2 semaphore(%run_scoped3A_246 : memref<!tpu.dma_semaphore, #tpu.memory_space<semaphore_mem>>) src(%dma_wait3A_270 : memref<80x128xf32, #tpu.memory_space<vmem>>) dst(%dma_wait3A_266 : memref<80x128xf32, #tpu.memory_space<vmem_shared>>)
      tpu.yield
    }) : () -> ()
    %mul3A_41 = arith.constant 625 : i32
    %mul3A_42 = arith.muli %arg1, %mul3A_41 : i32
    %add3A_43 = arith.constant 625 : i32
    %add3A_44 = arith.addi %mul3A_42, %add3A_43 : i32
    %sub3A = arith.constant 65 : i32
    %sub3A_45 = arith.subi %add3A_44, %sub3A : i32
    %run_scoped3A_46 = arith.constant 0 : i32
    "tpu.region"() ({
      %run_scoped3A_246 = tpu.sem_alloc : memref<!tpu.dma_semaphore, #tpu.memory_space<semaphore_mem>>
      %dma_start3A_247 = arith.constant 0 : i32
      %dma_start3A_248 = arith.constant 0 : i32
      %dma_start3A_249 = tpu.memref_slice %arg7[%run_scoped3A_46, %dma_start3A_247, %dma_start3A_248] : memref<3x80x128xf32, #tpu.memory_space<vmem>> -> memref<1x80x128xf32, #tpu.memory_space<vmem>>
      %dma_start3A_250 = tpu.memref_squeeze %dma_start3A_249 : memref<1x80x128xf32, #tpu.memory_space<vmem>> -> memref<80x128xf32, #tpu.memory_space<vmem>>
      %dma_start3A_251 = arith.constant 0 : i32
      %dma_start3A_252 = arith.constant 0 : i32
      %dma_start3A_253 = tpu.memref_slice %dma_start3A_250[%dma_start3A_251, %dma_start3A_252] : memref<80x128xf32, #tpu.memory_space<vmem>> -> memref<65x128xf32, #tpu.memory_space<vmem>>
      %dma_start3A_254 = arith.constant 0 : i32
      %dma_start3A_255 = tpu.memref_slice %arg11[%sub3A_45, %dma_start3A_254] : memref<10000x128xf32, #tpu.memory_space<vmem_shared>> -> memref<65x128xf32, #tpu.memory_space<vmem_shared>>
      %dma_start3A_256 = arith.constant 0 : i32
      %dma_start3A_257 = tpu.memref_slice %arg11[%sub3A_45, %dma_start3A_256] : memref<10000x128xf32, #tpu.memory_space<vmem_shared>> -> memref<65x128xf32, #tpu.memory_space<vmem_shared>>
      %dma_start3A_258 = arith.constant 0 : i32
      %dma_start3A_259 = arith.constant 0 : i32
      %dma_start3A_260 = tpu.memref_slice %arg7[%run_scoped3A_46, %dma_start3A_258, %dma_start3A_259] : memref<3x80x128xf32, #tpu.memory_space<vmem>> -> memref<1x80x128xf32, #tpu.memory_space<vmem>>
      %dma_start3A_261 = tpu.memref_squeeze %dma_start3A_260 : memref<1x80x128xf32, #tpu.memory_space<vmem>> -> memref<80x128xf32, #tpu.memory_space<vmem>>
      %dma_start3A_262 = arith.constant 0 : i32
      %dma_start3A_263 = arith.constant 0 : i32
      %dma_start3A_264 = tpu.memref_slice %dma_start3A_261[%dma_start3A_262, %dma_start3A_263] : memref<80x128xf32, #tpu.memory_space<vmem>> -> memref<65x128xf32, #tpu.memory_space<vmem>>
      tpu.enqueue_dma source(%dma_start3A_264 : memref<65x128xf32, #tpu.memory_space<vmem>>) target(%dma_start3A_257 : memref<65x128xf32, #tpu.memory_space<vmem_shared>>) target_semaphore(%run_scoped3A_246 : memref<!tpu.dma_semaphore, #tpu.memory_space<semaphore_mem>>)
      %dma_wait3A_265 = arith.constant 0 : i32
      %dma_wait3A_266 = arith.constant 0 : i32
      %dma_wait3A_267 = tpu.memref_slice %arg7[%run_scoped3A_46, %dma_wait3A_265, %dma_wait3A_266] : memref<3x80x128xf32, #tpu.memory_space<vmem>> -> memref<1x80x128xf32, #tpu.memory_space<vmem>>
      %dma_wait3A_268 = tpu.memref_squeeze %dma_wait3A_267 : memref<1x80x128xf32, #tpu.memory_space<vmem>> -> memref<80x128xf32, #tpu.memory_space<vmem>>
      %dma_wait3A_269 = arith.constant 0 : i32
      %dma_wait3A_270 = arith.constant 0 : i32
      %dma_wait3A_271 = tpu.memref_slice %dma_wait3A_268[%dma_wait3A_269, %dma_wait3A_270] : memref<80x128xf32, #tpu.memory_space<vmem>> -> memref<65x128xf32, #tpu.memory_space<vmem>>
      %dma_wait3A_272 = arith.constant 0 : i32
      %dma_wait3A_273 = tpu.memref_slice %arg11[%sub3A_45, %dma_wait3A_272] : memref<10000x128xf32, #tpu.memory_space<vmem_shared>> -> memref<65x128xf32, #tpu.memory_space<vmem_shared>>
      %dma_wait3A_274 = arith.constant 0 : i32
      %dma_wait3A_275 = tpu.memref_slice %arg11[%sub3A_45, %dma_wait3A_274] : memref<10000x128xf32, #tpu.memory_space<vmem_shared>> -> memref<65x128xf32, #tpu.memory_space<vmem_shared>>
      %dma_wait3A_276 = arith.constant 0 : i32
      %dma_wait3A_277 = arith.constant 0 : i32
      %dma_wait3A_278 = tpu.memref_slice %arg7[%run_scoped3A_46, %dma_wait3A_276, %dma_wait3A_277] : memref<3x80x128xf32, #tpu.memory_space<vmem>> -> memref<1x80x128xf32, #tpu.memory_space<vmem>>
      %dma_wait3A_279 = tpu.memref_squeeze %dma_wait3A_278 : memref<1x80x128xf32, #tpu.memory_space<vmem>> -> memref<80x128xf32, #tpu.memory_space<vmem>>
      %dma_wait3A_280 = arith.constant 0 : i32
      %dma_wait3A_281 = arith.constant 0 : i32
      %dma_wait3A_282 = tpu.memref_slice %dma_wait3A_279[%dma_wait3A_280, %dma_wait3A_281] : memref<80x128xf32, #tpu.memory_space<vmem>> -> memref<65x128xf32, #tpu.memory_space<vmem>>
      tpu.wait_dma2 semaphore(%run_scoped3A_246 : memref<!tpu.dma_semaphore, #tpu.memory_space<semaphore_mem>>) src(%dma_wait3A_282 : memref<65x128xf32, #tpu.memory_space<vmem>>) dst(%dma_wait3A_275 : memref<65x128xf32, #tpu.memory_space<vmem_shared>>)
      tpu.yield
    }) : () -> ()
    %barrier3A = arith.constant 0 : index
    tpu.barrier barrier_id(%barrier3A)
    %add3A_47 = arith.constant 0 : i32
    %add3A_48 = arith.addi %multiple_of3A, %add3A_47 : i32
    %multiple_of3A_49 = tpu.assume_multiple %add3A_48, 8 : i32
    %rem3A = arith.constant 0 : i32
    %rem3A_50 = arith.constant 5 : i32
    %rem3A_51 = arith.remsi %rem3A, %rem3A_50 : i32
    %dma_start3A = arith.constant 0 : i32
    %dma_start3A_52 = tpu.memref_slice %arg8[%rem3A_51, %dma_start3A] : memref<5x80xi32, #tpu.memory_space<vmem>> -> memref<1x80xi32, #tpu.memory_space<vmem>>
    %dma_start3A_53 = tpu.memref_squeeze %dma_start3A_52 : memref<1x80xi32, #tpu.memory_space<vmem>> -> memref<80xi32, #tpu.memory_space<vmem>>
    %dma_start3A_54 = tpu.memref_slice %arg4[%multiple_of3A_49] : memref<160000xi32, #tpu.memory_space<hbm>> -> memref<80xi32, #tpu.memory_space<hbm>>
    %dma_start3A_55 = arith.constant 0 : i32
    %dma_start3A_56 = tpu.memref_slice %arg8[%rem3A_51, %dma_start3A_55] : memref<5x80xi32, #tpu.memory_space<vmem>> -> memref<1x80xi32, #tpu.memory_space<vmem>>
    %dma_start3A_57 = tpu.memref_squeeze %dma_start3A_56 : memref<1x80xi32, #tpu.memory_space<vmem>> -> memref<80xi32, #tpu.memory_space<vmem>>
    %dma_start3A_58 = tpu.memref_slice %arg4[%multiple_of3A_49] : memref<160000xi32, #tpu.memory_space<hbm>> -> memref<80xi32, #tpu.memory_space<hbm>>
    tpu.enqueue_dma source(%dma_start3A_58 : memref<80xi32, #tpu.memory_space<hbm>>) target(%dma_start3A_57 : memref<80xi32, #tpu.memory_space<vmem>>) target_semaphore(%arg12 : memref<!tpu.dma_semaphore, #tpu.memory_space<semaphore_mem>>)
    %dma_start3A_59 = arith.constant 0 : i32
    %dma_start3A_60 = tpu.memref_slice %arg9[%rem3A_51, %dma_start3A_59] : memref<5x80xi32, #tpu.memory_space<vmem>> -> memref<1x80xi32, #tpu.memory_space<vmem>>
    %dma_start3A_61 = tpu.memref_squeeze %dma_start3A_60 : memref<1x80xi32, #tpu.memory_space<vmem>> -> memref<80xi32, #tpu.memory_space<vmem>>
    %dma_start3A_62 = tpu.memref_slice %arg5[%multiple_of3A_49] : memref<160000xi32, #tpu.memory_space<hbm>> -> memref<80xi32, #tpu.memory_space<hbm>>
    %dma_start3A_63 = arith.constant 0 : i32
    %dma_start3A_64 = tpu.memref_slice %arg9[%rem3A_51, %dma_start3A_63] : memref<5x80xi32, #tpu.memory_space<vmem>> -> memref<1x80xi32, #tpu.memory_space<vmem>>
    %dma_start3A_65 = tpu.memref_squeeze %dma_start3A_64 : memref<1x80xi32, #tpu.memory_space<vmem>> -> memref<80xi32, #tpu.memory_space<vmem>>
    %dma_start3A_66 = tpu.memref_slice %arg5[%multiple_of3A_49] : memref<160000xi32, #tpu.memory_space<hbm>> -> memref<80xi32, #tpu.memory_space<hbm>>
    tpu.enqueue_dma source(%dma_start3A_66 : memref<80xi32, #tpu.memory_space<hbm>>) target(%dma_start3A_65 : memref<80xi32, #tpu.memory_space<vmem>>) target_semaphore(%arg13 : memref<!tpu.dma_semaphore, #tpu.memory_space<semaphore_mem>>)
    %dma_start3A_67 = arith.constant 0 : i32
    %dma_start3A_68 = tpu.memref_slice %arg10[%rem3A_51, %dma_start3A_67] : memref<5x80xf32, #tpu.memory_space<vmem>> -> memref<1x80xf32, #tpu.memory_space<vmem>>
    %dma_start3A_69 = tpu.memref_squeeze %dma_start3A_68 : memref<1x80xf32, #tpu.memory_space<vmem>> -> memref<80xf32, #tpu.memory_space<vmem>>
    %dma_start3A_70 = tpu.memref_slice %arg3[%multiple_of3A_49] : memref<160000xf32, #tpu.memory_space<hbm>> -> memref<80xf32, #tpu.memory_space<hbm>>
    %dma_start3A_71 = arith.constant 0 : i32
    %dma_start3A_72 = tpu.memref_slice %arg10[%rem3A_51, %dma_start3A_71] : memref<5x80xf32, #tpu.memory_space<vmem>> -> memref<1x80xf32, #tpu.memory_space<vmem>>
    %dma_start3A_73 = tpu.memref_squeeze %dma_start3A_72 : memref<1x80xf32, #tpu.memory_space<vmem>> -> memref<80xf32, #tpu.memory_space<vmem>>
    %dma_start3A_74 = tpu.memref_slice %arg3[%multiple_of3A_49] : memref<160000xf32, #tpu.memory_space<hbm>> -> memref<80xf32, #tpu.memory_space<hbm>>
    tpu.enqueue_dma source(%dma_start3A_74 : memref<80xf32, #tpu.memory_space<hbm>>) target(%dma_start3A_73 : memref<80xf32, #tpu.memory_space<vmem>>) target_semaphore(%arg14 : memref<!tpu.dma_semaphore, #tpu.memory_space<semaphore_mem>>)
    %add3A_75 = arith.constant 80 : i32
    %add3A_76 = arith.addi %multiple_of3A, %add3A_75 : i32
    %multiple_of3A_77 = tpu.assume_multiple %add3A_76, 8 : i32
    %rem3A_78 = arith.constant 1 : i32
    %rem3A_79 = arith.constant 5 : i32
    %rem3A_80 = arith.remsi %rem3A_78, %rem3A_79 : i32
    %dma_start3A_81 = arith.constant 0 : i32
    %dma_start3A_82 = tpu.memref_slice %arg8[%rem3A_80, %dma_start3A_81] : memref<5x80xi32, #tpu.memory_space<vmem>> -> memref<1x80xi32, #tpu.memory_space<vmem>>
    %dma_start3A_83 = tpu.memref_squeeze %dma_start3A_82 : memref<1x80xi32, #tpu.memory_space<vmem>> -> memref<80xi32, #tpu.memory_space<vmem>>
    %dma_start3A_84 = tpu.memref_slice %arg4[%multiple_of3A_77] : memref<160000xi32, #tpu.memory_space<hbm>> -> memref<80xi32, #tpu.memory_space<hbm>>
    %dma_start3A_85 = arith.constant 0 : i32
    %dma_start3A_86 = tpu.memref_slice %arg8[%rem3A_80, %dma_start3A_85] : memref<5x80xi32, #tpu.memory_space<vmem>> -> memref<1x80xi32, #tpu.memory_space<vmem>>
    %dma_start3A_87 = tpu.memref_squeeze %dma_start3A_86 : memref<1x80xi32, #tpu.memory_space<vmem>> -> memref<80xi32, #tpu.memory_space<vmem>>
    %dma_start3A_88 = tpu.memref_slice %arg4[%multiple_of3A_77] : memref<160000xi32, #tpu.memory_space<hbm>> -> memref<80xi32, #tpu.memory_space<hbm>>
    tpu.enqueue_dma source(%dma_start3A_88 : memref<80xi32, #tpu.memory_space<hbm>>) target(%dma_start3A_87 : memref<80xi32, #tpu.memory_space<vmem>>) target_semaphore(%arg12 : memref<!tpu.dma_semaphore, #tpu.memory_space<semaphore_mem>>)
    %dma_start3A_89 = arith.constant 0 : i32
    %dma_start3A_90 = tpu.memref_slice %arg9[%rem3A_80, %dma_start3A_89] : memref<5x80xi32, #tpu.memory_space<vmem>> -> memref<1x80xi32, #tpu.memory_space<vmem>>
    %dma_start3A_91 = tpu.memref_squeeze %dma_start3A_90 : memref<1x80xi32, #tpu.memory_space<vmem>> -> memref<80xi32, #tpu.memory_space<vmem>>
    %dma_start3A_92 = tpu.memref_slice %arg5[%multiple_of3A_77] : memref<160000xi32, #tpu.memory_space<hbm>> -> memref<80xi32, #tpu.memory_space<hbm>>
    %dma_start3A_93 = arith.constant 0 : i32
    %dma_start3A_94 = tpu.memref_slice %arg9[%rem3A_80, %dma_start3A_93] : memref<5x80xi32, #tpu.memory_space<vmem>> -> memref<1x80xi32, #tpu.memory_space<vmem>>
    %dma_start3A_95 = tpu.memref_squeeze %dma_start3A_94 : memref<1x80xi32, #tpu.memory_space<vmem>> -> memref<80xi32, #tpu.memory_space<vmem>>
    %dma_start3A_96 = tpu.memref_slice %arg5[%multiple_of3A_77] : memref<160000xi32, #tpu.memory_space<hbm>> -> memref<80xi32, #tpu.memory_space<hbm>>
    tpu.enqueue_dma source(%dma_start3A_96 : memref<80xi32, #tpu.memory_space<hbm>>) target(%dma_start3A_95 : memref<80xi32, #tpu.memory_space<vmem>>) target_semaphore(%arg13 : memref<!tpu.dma_semaphore, #tpu.memory_space<semaphore_mem>>)
    %dma_start3A_97 = arith.constant 0 : i32
    %dma_start3A_98 = tpu.memref_slice %arg10[%rem3A_80, %dma_start3A_97] : memref<5x80xf32, #tpu.memory_space<vmem>> -> memref<1x80xf32, #tpu.memory_space<vmem>>
    %dma_start3A_99 = tpu.memref_squeeze %dma_start3A_98 : memref<1x80xf32, #tpu.memory_space<vmem>> -> memref<80xf32, #tpu.memory_space<vmem>>
    %dma_start3A_100 = tpu.memref_slice %arg3[%multiple_of3A_77] : memref<160000xf32, #tpu.memory_space<hbm>> -> memref<80xf32, #tpu.memory_space<hbm>>
    %dma_start3A_101 = arith.constant 0 : i32
    %dma_start3A_102 = tpu.memref_slice %arg10[%rem3A_80, %dma_start3A_101] : memref<5x80xf32, #tpu.memory_space<vmem>> -> memref<1x80xf32, #tpu.memory_space<vmem>>
    %dma_start3A_103 = tpu.memref_squeeze %dma_start3A_102 : memref<1x80xf32, #tpu.memory_space<vmem>> -> memref<80xf32, #tpu.memory_space<vmem>>
    %dma_start3A_104 = tpu.memref_slice %arg3[%multiple_of3A_77] : memref<160000xf32, #tpu.memory_space<hbm>> -> memref<80xf32, #tpu.memory_space<hbm>>
    tpu.enqueue_dma source(%dma_start3A_104 : memref<80xf32, #tpu.memory_space<hbm>>) target(%dma_start3A_103 : memref<80xf32, #tpu.memory_space<vmem>>) target_semaphore(%arg14 : memref<!tpu.dma_semaphore, #tpu.memory_space<semaphore_mem>>)
    %add3A_105 = arith.constant 0 : i32
    %add3A_106 = arith.addi %multiple_of3A, %add3A_105 : i32
    %multiple_of3A_107 = tpu.assume_multiple %add3A_106, 8 : i32
    %rem3A_108 = arith.constant 0 : i32
    %rem3A_109 = arith.constant 5 : i32
    %rem3A_110 = arith.remsi %rem3A_108, %rem3A_109 : i32
    %dma_wait3A = arith.constant 0 : i32
    %dma_wait3A_111 = tpu.memref_slice %arg8[%rem3A_110, %dma_wait3A] : memref<5x80xi32, #tpu.memory_space<vmem>> -> memref<1x80xi32, #tpu.memory_space<vmem>>
    %dma_wait3A_112 = tpu.memref_squeeze %dma_wait3A_111 : memref<1x80xi32, #tpu.memory_space<vmem>> -> memref<80xi32, #tpu.memory_space<vmem>>
    %dma_wait3A_113 = tpu.memref_slice %arg4[%multiple_of3A_107] : memref<160000xi32, #tpu.memory_space<hbm>> -> memref<80xi32, #tpu.memory_space<hbm>>
    %dma_wait3A_114 = arith.constant 0 : i32
    %dma_wait3A_115 = tpu.memref_slice %arg8[%rem3A_110, %dma_wait3A_114] : memref<5x80xi32, #tpu.memory_space<vmem>> -> memref<1x80xi32, #tpu.memory_space<vmem>>
    %dma_wait3A_116 = tpu.memref_squeeze %dma_wait3A_115 : memref<1x80xi32, #tpu.memory_space<vmem>> -> memref<80xi32, #tpu.memory_space<vmem>>
    %dma_wait3A_117 = tpu.memref_slice %arg4[%multiple_of3A_107] : memref<160000xi32, #tpu.memory_space<hbm>> -> memref<80xi32, #tpu.memory_space<hbm>>
    tpu.wait_dma2 semaphore(%arg12 : memref<!tpu.dma_semaphore, #tpu.memory_space<semaphore_mem>>) src(%dma_wait3A_117 : memref<80xi32, #tpu.memory_space<hbm>>) dst(%dma_wait3A_116 : memref<80xi32, #tpu.memory_space<vmem>>)
    %dma_wait3A_118 = arith.constant 0 : i32
    %dma_wait3A_119 = tpu.memref_slice %arg9[%rem3A_110, %dma_wait3A_118] : memref<5x80xi32, #tpu.memory_space<vmem>> -> memref<1x80xi32, #tpu.memory_space<vmem>>
    %dma_wait3A_120 = tpu.memref_squeeze %dma_wait3A_119 : memref<1x80xi32, #tpu.memory_space<vmem>> -> memref<80xi32, #tpu.memory_space<vmem>>
    %dma_wait3A_121 = tpu.memref_slice %arg5[%multiple_of3A_107] : memref<160000xi32, #tpu.memory_space<hbm>> -> memref<80xi32, #tpu.memory_space<hbm>>
    %dma_wait3A_122 = arith.constant 0 : i32
    %dma_wait3A_123 = tpu.memref_slice %arg9[%rem3A_110, %dma_wait3A_122] : memref<5x80xi32, #tpu.memory_space<vmem>> -> memref<1x80xi32, #tpu.memory_space<vmem>>
    %dma_wait3A_124 = tpu.memref_squeeze %dma_wait3A_123 : memref<1x80xi32, #tpu.memory_space<vmem>> -> memref<80xi32, #tpu.memory_space<vmem>>
    %dma_wait3A_125 = tpu.memref_slice %arg5[%multiple_of3A_107] : memref<160000xi32, #tpu.memory_space<hbm>> -> memref<80xi32, #tpu.memory_space<hbm>>
    tpu.wait_dma2 semaphore(%arg13 : memref<!tpu.dma_semaphore, #tpu.memory_space<semaphore_mem>>) src(%dma_wait3A_125 : memref<80xi32, #tpu.memory_space<hbm>>) dst(%dma_wait3A_124 : memref<80xi32, #tpu.memory_space<vmem>>)
    %dma_wait3A_126 = arith.constant 0 : i32
    %dma_wait3A_127 = tpu.memref_slice %arg10[%rem3A_110, %dma_wait3A_126] : memref<5x80xf32, #tpu.memory_space<vmem>> -> memref<1x80xf32, #tpu.memory_space<vmem>>
    %dma_wait3A_128 = tpu.memref_squeeze %dma_wait3A_127 : memref<1x80xf32, #tpu.memory_space<vmem>> -> memref<80xf32, #tpu.memory_space<vmem>>
    %dma_wait3A_129 = tpu.memref_slice %arg3[%multiple_of3A_107] : memref<160000xf32, #tpu.memory_space<hbm>> -> memref<80xf32, #tpu.memory_space<hbm>>
    %dma_wait3A_130 = arith.constant 0 : i32
    %dma_wait3A_131 = tpu.memref_slice %arg10[%rem3A_110, %dma_wait3A_130] : memref<5x80xf32, #tpu.memory_space<vmem>> -> memref<1x80xf32, #tpu.memory_space<vmem>>
    %dma_wait3A_132 = tpu.memref_squeeze %dma_wait3A_131 : memref<1x80xf32, #tpu.memory_space<vmem>> -> memref<80xf32, #tpu.memory_space<vmem>>
    %dma_wait3A_133 = tpu.memref_slice %arg3[%multiple_of3A_107] : memref<160000xf32, #tpu.memory_space<hbm>> -> memref<80xf32, #tpu.memory_space<hbm>>
    tpu.wait_dma2 semaphore(%arg14 : memref<!tpu.dma_semaphore, #tpu.memory_space<semaphore_mem>>) src(%dma_wait3A_133 : memref<80xf32, #tpu.memory_space<hbm>>) dst(%dma_wait3A_132 : memref<80xf32, #tpu.memory_space<vmem>>)
    %broadcast_in_dim3A_134 = vector.broadcast %rem3A_110 : i32 to vector<16xi32>
    %add3A_135 = arith.constant 0 : i32
    %add3A_136 = vector.broadcast %add3A_135 : i32 to vector<16xi32>
    %add3A_137 = arith.addi %add3A_136, %iota3A : vector<16xi32>
    %gather3A = tpu.vector_load_idx %arg8[%broadcast_in_dim3A_134, %add3A_137] : memref<5x80xi32, #tpu.memory_space<vmem>>[vector<16xi32>, vector<16xi32>], vector<16xi32>,
    %broadcast_in_dim3A_138 = vector.broadcast %rem3A_110 : i32 to vector<16xi32>
    %add3A_139 = arith.constant 0 : i32
    %add3A_140 = vector.broadcast %add3A_139 : i32 to vector<16xi32>
    %add3A_141 = arith.addi %add3A_140, %iota3A : vector<16xi32>
    %add3A_142 = vector.broadcast %mul3A_3 : i32 to vector<16xi32>
    %add3A_143 = arith.addi %gather3A, %add3A_142 : vector<16xi32>
    tpu.vector_store_idx %arg8[%broadcast_in_dim3A_138, %add3A_141], %add3A_143 : memref<5x80xi32, #tpu.memory_space<vmem>>[vector<16xi32>, vector<16xi32>], vector<16xi32>,
    %broadcast_in_dim3A_144 = vector.broadcast %rem3A_110 : i32 to vector<16xi32>
    %add3A_145 = arith.constant 16 : i32
    %add3A_146 = vector.broadcast %add3A_145 : i32 to vector<16xi32>
    %add3A_147 = arith.addi %add3A_146, %iota3A : vector<16xi32>
    %gather3A_148 = tpu.vector_load_idx %arg8[%broadcast_in_dim3A_144, %add3A_147] : memref<5x80xi32, #tpu.memory_space<vmem>>[vector<16xi32>, vector<16xi32>], vector<16xi32>,
    %broadcast_in_dim3A_149 = vector.broadcast %rem3A_110 : i32 to vector<16xi32>
    %add3A_150 = arith.constant 16 : i32
    %add3A_151 = vector.broadcast %add3A_150 : i32 to vector<16xi32>
    %add3A_152 = arith.addi %add3A_151, %iota3A : vector<16xi32>
    %add3A_153 = vector.broadcast %mul3A_3 : i32 to vector<16xi32>
    %add3A_154 = arith.addi %gather3A_148, %add3A_153 : vector<16xi32>
    tpu.vector_store_idx %arg8[%broadcast_in_dim3A_149, %add3A_152], %add3A_154 : memref<5x80xi32, #tpu.memory_space<vmem>>[vector<16xi32>, vector<16xi32>], vector<16xi32>,
    %broadcast_in_dim3A_155 = vector.broadcast %rem3A_110 : i32 to vector<16xi32>
    %add3A_156 = arith.constant 32 : i32
    %add3A_157 = vector.broadcast %add3A_156 : i32 to vector<16xi32>
    %add3A_158 = arith.addi %add3A_157, %iota3A : vector<16xi32>
    %gather3A_159 = tpu.vector_load_idx %arg8[%broadcast_in_dim3A_155, %add3A_158] : memref<5x80xi32, #tpu.memory_space<vmem>>[vector<16xi32>, vector<16xi32>], vector<16xi32>,
    %broadcast_in_dim3A_160 = vector.broadcast %rem3A_110 : i32 to vector<16xi32>
    %add3A_161 = arith.constant 32 : i32
    %add3A_162 = vector.broadcast %add3A_161 : i32 to vector<16xi32>
    %add3A_163 = arith.addi %add3A_162, %iota3A : vector<16xi32>
    %add3A_164 = vector.broadcast %mul3A_3 : i32 to vector<16xi32>
    %add3A_165 = arith.addi %gather3A_159, %add3A_164 : vector<16xi32>
    tpu.vector_store_idx %arg8[%broadcast_in_dim3A_160, %add3A_163], %add3A_165 : memref<5x80xi32, #tpu.memory_space<vmem>>[vector<16xi32>, vector<16xi32>], vector<16xi32>,
    %broadcast_in_dim3A_166 = vector.broadcast %rem3A_110 : i32 to vector<16xi32>
    %add3A_167 = arith.constant 48 : i32
    %add3A_168 = vector.broadcast %add3A_167 : i32 to vector<16xi32>
    %add3A_169 = arith.addi %add3A_168, %iota3A : vector<16xi32>
    %gather3A_170 = tpu.vector_load_idx %arg8[%broadcast_in_dim3A_166, %add3A_169] : memref<5x80xi32, #tpu.memory_space<vmem>>[vector<16xi32>, vector<16xi32>], vector<16xi32>,
    %broadcast_in_dim3A_171 = vector.broadcast %rem3A_110 : i32 to vector<16xi32>
    %add3A_172 = arith.constant 48 : i32
    %add3A_173 = vector.broadcast %add3A_172 : i32 to vector<16xi32>
    %add3A_174 = arith.addi %add3A_173, %iota3A : vector<16xi32>
    %add3A_175 = vector.broadcast %mul3A_3 : i32 to vector<16xi32>
    %add3A_176 = arith.addi %gather3A_170, %add3A_175 : vector<16xi32>
    tpu.vector_store_idx %arg8[%broadcast_in_dim3A_171, %add3A_174], %add3A_176 : memref<5x80xi32, #tpu.memory_space<vmem>>[vector<16xi32>, vector<16xi32>], vector<16xi32>,
    %broadcast_in_dim3A_177 = vector.broadcast %rem3A_110 : i32 to vector<16xi32>
    %add3A_178 = arith.constant 64 : i32
    %add3A_179 = vector.broadcast %add3A_178 : i32 to vector<16xi32>
    %add3A_180 = arith.addi %add3A_179, %iota3A : vector<16xi32>
    %gather3A_181 = tpu.vector_load_idx %arg8[%broadcast_in_dim3A_177, %add3A_180] : memref<5x80xi32, #tpu.memory_space<vmem>>[vector<16xi32>, vector<16xi32>], vector<16xi32>,
    %broadcast_in_dim3A_182 = vector.broadcast %rem3A_110 : i32 to vector<16xi32>
    %add3A_183 = arith.constant 64 : i32
    %add3A_184 = vector.broadcast %add3A_183 : i32 to vector<16xi32>
    %add3A_185 = arith.addi %add3A_184, %iota3A : vector<16xi32>
    %add3A_186 = vector.broadcast %mul3A_3 : i32 to vector<16xi32>
    %add3A_187 = arith.addi %gather3A_181, %add3A_186 : vector<16xi32>
    tpu.vector_store_idx %arg8[%broadcast_in_dim3A_182, %add3A_185], %add3A_187 : memref<5x80xi32, #tpu.memory_space<vmem>>[vector<16xi32>, vector<16xi32>], vector<16xi32>,
    %rem3A_188 = arith.constant 0 : i32
    %rem3A_189 = arith.constant 5 : i32
    %rem3A_190 = arith.remsi %rem3A_188, %rem3A_189 : i32
    %rem3A_191 = arith.constant 0 : i32
    %rem3A_192 = arith.constant 3 : i32
    %rem3A_193 = arith.remsi %rem3A_191, %rem3A_192 : i32
    %dma_start3A_194 = arith.constant 0 : i32
    %dma_start3A_195 = arith.constant 0 : i32
    %dma_start3A_196 = tpu.memref_slice %arg7[%rem3A_193, %dma_start3A_194, %dma_start3A_195] : memref<3x80x128xf32, #tpu.memory_space<vmem>> -> memref<1x80x128xf32, #tpu.memory_space<vmem>>
    %dma_start3A_197 = tpu.memref_squeeze %dma_start3A_196 : memref<1x80x128xf32, #tpu.memory_space<vmem>> -> memref<80x128xf32, #tpu.memory_space<vmem>>
    %dma_start3A_198 = arith.constant 0 : i32
    %dma_start3A_199 = tpu.memref_slice %arg8[%rem3A_190, %dma_start3A_198] : memref<5x80xi32, #tpu.memory_space<vmem>> -> memref<1x80xi32, #tpu.memory_space<vmem>>
    %dma_start3A_200 = tpu.memref_squeeze %dma_start3A_199 : memref<1x80xi32, #tpu.memory_space<vmem>> -> memref<80xi32, #tpu.memory_space<vmem>>
    %dma_start3A_201 = arith.constant 0 : i32
    %dma_start3A_202 = arith.constant 0 : i32
    %dma_start3A_203 = tpu.memref_slice %arg2[%dma_start3A_201, %dma_start3A_202] : memref<20000x128xf32, #tpu.memory_space<hbm>> -> memref<20000x128xf32, #tpu.memory_space<hbm>>
    tpu.enqueue_indirect_dma source(%dma_start3A_203 : memref<20000x128xf32, #tpu.memory_space<hbm>>) target(%dma_start3A_197 : memref<80x128xf32, #tpu.memory_space<vmem>>) offsets(%dma_start3A_200 : memref<80xi32, #tpu.memory_space<vmem>>) semaphore(%arg15 : memref<!tpu.dma_semaphore, #tpu.memory_space<semaphore_mem>>)
    %scan3A_204 = arith.constant 0 : i32
    %scan3A_205 = arith.constant 125 : i32
    %scan3A_206 = arith.addi %scan3A_204, %scan3A_205 : i32
    %scan3A_207 = arith.constant 1 : i32
    scf.for %scan3A_246 = %scan3A_204 to %scan3A_206 step %scan3A_207  : i32 {
      %ge3A = arith.constant 2 : i32
      %ge3A_247 = arith.cmpi sge, %scan3A_246, %ge3A : i32
      %convert_element_type3A = arith.extui %ge3A_247 : i1 to i32
      %cond3A = arith.constant 0 : i32
      %cond3A_248 = arith.cmpi ne, %convert_element_type3A, %cond3A : i32
      scf.if %cond3A_248 {
        %sub3A_308 = arith.constant 2 : i32
        %sub3A_309 = arith.subi %scan3A_246, %sub3A_308 : i32
        %rem3A_310 = arith.constant 3 : i32
        %rem3A_311 = arith.remsi %sub3A_309, %rem3A_310 : i32
        %rem3A_312 = arith.constant 5 : i32
        %rem3A_313 = arith.remsi %sub3A_309, %rem3A_312 : i32
        %dma_wait3A_314 = arith.constant 0 : i32
        %dma_wait3A_315 = arith.constant 0 : i32
        %dma_wait3A_316 = tpu.memref_slice %arg7[%rem3A_311, %dma_wait3A_314, %dma_wait3A_315] : memref<3x80x128xf32, #tpu.memory_space<vmem>> -> memref<1x80x128xf32, #tpu.memory_space<vmem>>
        %dma_wait3A_317 = tpu.memref_squeeze %dma_wait3A_316 : memref<1x80x128xf32, #tpu.memory_space<vmem>> -> memref<80x128xf32, #tpu.memory_space<vmem>>
        %dma_wait3A_318 = arith.constant 0 : i32
        %dma_wait3A_319 = tpu.memref_slice %arg9[%rem3A_313, %dma_wait3A_318] : memref<5x80xi32, #tpu.memory_space<vmem>> -> memref<1x80xi32, #tpu.memory_space<vmem>>
        %dma_wait3A_320 = tpu.memref_squeeze %dma_wait3A_319 : memref<1x80xi32, #tpu.memory_space<vmem>> -> memref<80xi32, #tpu.memory_space<vmem>>
        %dma_wait3A_321 = arith.constant 0 : i32
        %dma_wait3A_322 = arith.constant 0 : i32
        %dma_wait3A_323 = tpu.memref_slice %arg11[%dma_wait3A_321, %dma_wait3A_322] : memref<10000x128xf32, #tpu.memory_space<vmem_shared>> -> memref<10000x128xf32, #tpu.memory_space<vmem_shared>>
        tpu.wait_indirect_dma semaphore(%arg16 : memref<!tpu.dma_semaphore, #tpu.memory_space<semaphore_mem>>) src(%dma_wait3A_317 : memref<80x128xf32, #tpu.memory_space<vmem>>) dst(%dma_wait3A_323 : memref<10000x128xf32, #tpu.memory_space<vmem_shared>>)
      } else {
      }
      %add3A_249 = arith.constant 1 : i32
      %add3A_250 = arith.addi %scan3A_246, %add3A_249 : i32
      %lt3A = arith.constant 125 : i32
      %lt3A_251 = arith.cmpi slt, %add3A_250, %lt3A : i32
      %convert_element_type3A_252 = arith.extui %lt3A_251 : i1 to i32
      %cond3A_253 = arith.constant 0 : i32
      %cond3A_254 = arith.cmpi ne, %convert_element_type3A_252, %cond3A_253 : i32
      scf.if %cond3A_254 {
        %add3A_308 = arith.constant 1 : i32
        %add3A_309 = arith.addi %scan3A_246, %add3A_308 : i32
        %mul3A_310 = arith.constant 80 : i32
        %mul3A_311 = arith.muli %add3A_309, %mul3A_310 : i32
        %add3A_312 = arith.addi %multiple_of3A, %mul3A_311 : i32
        %multiple_of3A_313 = tpu.assume_multiple %add3A_312, 8 : i32
        %rem3A_314 = arith.constant 5 : i32
        %rem3A_315 = arith.remsi %add3A_309, %rem3A_314 : i32
        %dma_wait3A_316 = arith.constant 0 : i32
        %dma_wait3A_317 = tpu.memref_slice %arg8[%rem3A_315, %dma_wait3A_316] : memref<5x80xi32, #tpu.memory_space<vmem>> -> memref<1x80xi32, #tpu.memory_space<vmem>>
        %dma_wait3A_318 = tpu.memref_squeeze %dma_wait3A_317 : memref<1x80xi32, #tpu.memory_space<vmem>> -> memref<80xi32, #tpu.memory_space<vmem>>
        %dma_wait3A_319 = tpu.memref_slice %arg4[%multiple_of3A_313] : memref<160000xi32, #tpu.memory_space<hbm>> -> memref<80xi32, #tpu.memory_space<hbm>>
        %dma_wait3A_320 = arith.constant 0 : i32
        %dma_wait3A_321 = tpu.memref_slice %arg8[%rem3A_315, %dma_wait3A_320] : memref<5x80xi32, #tpu.memory_space<vmem>> -> memref<1x80xi32, #tpu.memory_space<vmem>>
        %dma_wait3A_322 = tpu.memref_squeeze %dma_wait3A_321 : memref<1x80xi32, #tpu.memory_space<vmem>> -> memref<80xi32, #tpu.memory_space<vmem>>
        %dma_wait3A_323 = tpu.memref_slice %arg4[%multiple_of3A_313] : memref<160000xi32, #tpu.memory_space<hbm>> -> memref<80xi32, #tpu.memory_space<hbm>>
        tpu.wait_dma2 semaphore(%arg12 : memref<!tpu.dma_semaphore, #tpu.memory_space<semaphore_mem>>) src(%dma_wait3A_323 : memref<80xi32, #tpu.memory_space<hbm>>) dst(%dma_wait3A_322 : memref<80xi32, #tpu.memory_space<vmem>>)
        %dma_wait3A_324 = arith.constant 0 : i32
        %dma_wait3A_325 = tpu.memref_slice %arg9[%rem3A_315, %dma_wait3A_324] : memref<5x80xi32, #tpu.memory_space<vmem>> -> memref<1x80xi32, #tpu.memory_space<vmem>>
        %dma_wait3A_326 = tpu.memref_squeeze %dma_wait3A_325 : memref<1x80xi32, #tpu.memory_space<vmem>> -> memref<80xi32, #tpu.memory_space<vmem>>
        %dma_wait3A_327 = tpu.memref_slice %arg5[%multiple_of3A_313] : memref<160000xi32, #tpu.memory_space<hbm>> -> memref<80xi32, #tpu.memory_space<hbm>>
        %dma_wait3A_328 = arith.constant 0 : i32
        %dma_wait3A_329 = tpu.memref_slice %arg9[%rem3A_315, %dma_wait3A_328] : memref<5x80xi32, #tpu.memory_space<vmem>> -> memref<1x80xi32, #tpu.memory_space<vmem>>
        %dma_wait3A_330 = tpu.memref_squeeze %dma_wait3A_329 : memref<1x80xi32, #tpu.memory_space<vmem>> -> memref<80xi32, #tpu.memory_space<vmem>>
        %dma_wait3A_331 = tpu.memref_slice %arg5[%multiple_of3A_313] : memref<160000xi32, #tpu.memory_space<hbm>> -> memref<80xi32, #tpu.memory_space<hbm>>
        tpu.wait_dma2 semaphore(%arg13 : memref<!tpu.dma_semaphore, #tpu.memory_space<semaphore_mem>>) src(%dma_wait3A_331 : memref<80xi32, #tpu.memory_space<hbm>>) dst(%dma_wait3A_330 : memref<80xi32, #tpu.memory_space<vmem>>)
        %dma_wait3A_332 = arith.constant 0 : i32
        %dma_wait3A_333 = tpu.memref_slice %arg10[%rem3A_315, %dma_wait3A_332] : memref<5x80xf32, #tpu.memory_space<vmem>> -> memref<1x80xf32, #tpu.memory_space<vmem>>
        %dma_wait3A_334 = tpu.memref_squeeze %dma_wait3A_333 : memref<1x80xf32, #tpu.memory_space<vmem>> -> memref<80xf32, #tpu.memory_space<vmem>>
        %dma_wait3A_335 = tpu.memref_slice %arg3[%multiple_of3A_313] : memref<160000xf32, #tpu.memory_space<hbm>> -> memref<80xf32, #tpu.memory_space<hbm>>
        %dma_wait3A_336 = arith.constant 0 : i32
        %dma_wait3A_337 = tpu.memref_slice %arg10[%rem3A_315, %dma_wait3A_336] : memref<5x80xf32, #tpu.memory_space<vmem>> -> memref<1x80xf32, #tpu.memory_space<vmem>>
        %dma_wait3A_338 = tpu.memref_squeeze %dma_wait3A_337 : memref<1x80xf32, #tpu.memory_space<vmem>> -> memref<80xf32, #tpu.memory_space<vmem>>
        %dma_wait3A_339 = tpu.memref_slice %arg3[%multiple_of3A_313] : memref<160000xf32, #tpu.memory_space<hbm>> -> memref<80xf32, #tpu.memory_space<hbm>>
        tpu.wait_dma2 semaphore(%arg14 : memref<!tpu.dma_semaphore, #tpu.memory_space<semaphore_mem>>) src(%dma_wait3A_339 : memref<80xf32, #tpu.memory_space<hbm>>) dst(%dma_wait3A_338 : memref<80xf32, #tpu.memory_space<vmem>>)
        %broadcast_in_dim3A_340 = vector.broadcast %rem3A_315 : i32 to vector<16xi32>
        %add3A_341 = arith.constant 0 : i32
        %add3A_342 = vector.broadcast %add3A_341 : i32 to vector<16xi32>
        %add3A_343 = arith.addi %add3A_342, %iota3A : vector<16xi32>
        %gather3A_344 = tpu.vector_load_idx %arg8[%broadcast_in_dim3A_340, %add3A_343] : memref<5x80xi32, #tpu.memory_space<vmem>>[vector<16xi32>, vector<16xi32>], vector<16xi32>,
        %broadcast_in_dim3A_345 = vector.broadcast %rem3A_315 : i32 to vector<16xi32>
        %add3A_346 = arith.constant 0 : i32
        %add3A_347 = vector.broadcast %add3A_346 : i32 to vector<16xi32>
        %add3A_348 = arith.addi %add3A_347, %iota3A : vector<16xi32>
        %add3A_349 = vector.broadcast %mul3A_3 : i32 to vector<16xi32>
        %add3A_350 = arith.addi %gather3A_344, %add3A_349 : vector<16xi32>
        tpu.vector_store_idx %arg8[%broadcast_in_dim3A_345, %add3A_348], %add3A_350 : memref<5x80xi32, #tpu.memory_space<vmem>>[vector<16xi32>, vector<16xi32>], vector<16xi32>,
        %broadcast_in_dim3A_351 = vector.broadcast %rem3A_315 : i32 to vector<16xi32>
        %add3A_352 = arith.constant 16 : i32
        %add3A_353 = vector.broadcast %add3A_352 : i32 to vector<16xi32>
        %add3A_354 = arith.addi %add3A_353, %iota3A : vector<16xi32>
        %gather3A_355 = tpu.vector_load_idx %arg8[%broadcast_in_dim3A_351, %add3A_354] : memref<5x80xi32, #tpu.memory_space<vmem>>[vector<16xi32>, vector<16xi32>], vector<16xi32>,
        %broadcast_in_dim3A_356 = vector.broadcast %rem3A_315 : i32 to vector<16xi32>
        %add3A_357 = arith.constant 16 : i32
        %add3A_358 = vector.broadcast %add3A_357 : i32 to vector<16xi32>
        %add3A_359 = arith.addi %add3A_358, %iota3A : vector<16xi32>
        %add3A_360 = vector.broadcast %mul3A_3 : i32 to vector<16xi32>
        %add3A_361 = arith.addi %gather3A_355, %add3A_360 : vector<16xi32>
        tpu.vector_store_idx %arg8[%broadcast_in_dim3A_356, %add3A_359], %add3A_361 : memref<5x80xi32, #tpu.memory_space<vmem>>[vector<16xi32>, vector<16xi32>], vector<16xi32>,
        %broadcast_in_dim3A_362 = vector.broadcast %rem3A_315 : i32 to vector<16xi32>
        %add3A_363 = arith.constant 32 : i32
        %add3A_364 = vector.broadcast %add3A_363 : i32 to vector<16xi32>
        %add3A_365 = arith.addi %add3A_364, %iota3A : vector<16xi32>
        %gather3A_366 = tpu.vector_load_idx %arg8[%broadcast_in_dim3A_362, %add3A_365] : memref<5x80xi32, #tpu.memory_space<vmem>>[vector<16xi32>, vector<16xi32>], vector<16xi32>,
        %broadcast_in_dim3A_367 = vector.broadcast %rem3A_315 : i32 to vector<16xi32>
        %add3A_368 = arith.constant 32 : i32
        %add3A_369 = vector.broadcast %add3A_368 : i32 to vector<16xi32>
        %add3A_370 = arith.addi %add3A_369, %iota3A : vector<16xi32>
        %add3A_371 = vector.broadcast %mul3A_3 : i32 to vector<16xi32>
        %add3A_372 = arith.addi %gather3A_366, %add3A_371 : vector<16xi32>
        tpu.vector_store_idx %arg8[%broadcast_in_dim3A_367, %add3A_370], %add3A_372 : memref<5x80xi32, #tpu.memory_space<vmem>>[vector<16xi32>, vector<16xi32>], vector<16xi32>,
        %broadcast_in_dim3A_373 = vector.broadcast %rem3A_315 : i32 to vector<16xi32>
        %add3A_374 = arith.constant 48 : i32
        %add3A_375 = vector.broadcast %add3A_374 : i32 to vector<16xi32>
        %add3A_376 = arith.addi %add3A_375, %iota3A : vector<16xi32>
        %gather3A_377 = tpu.vector_load_idx %arg8[%broadcast_in_dim3A_373, %add3A_376] : memref<5x80xi32, #tpu.memory_space<vmem>>[vector<16xi32>, vector<16xi32>], vector<16xi32>,
        %broadcast_in_dim3A_378 = vector.broadcast %rem3A_315 : i32 to vector<16xi32>
        %add3A_379 = arith.constant 48 : i32
        %add3A_380 = vector.broadcast %add3A_379 : i32 to vector<16xi32>
        %add3A_381 = arith.addi %add3A_380, %iota3A : vector<16xi32>
        %add3A_382 = vector.broadcast %mul3A_3 : i32 to vector<16xi32>
        %add3A_383 = arith.addi %gather3A_377, %add3A_382 : vector<16xi32>
        tpu.vector_store_idx %arg8[%broadcast_in_dim3A_378, %add3A_381], %add3A_383 : memref<5x80xi32, #tpu.memory_space<vmem>>[vector<16xi32>, vector<16xi32>], vector<16xi32>,
        %broadcast_in_dim3A_384 = vector.broadcast %rem3A_315 : i32 to vector<16xi32>
        %add3A_385 = arith.constant 64 : i32
        %add3A_386 = vector.broadcast %add3A_385 : i32 to vector<16xi32>
        %add3A_387 = arith.addi %add3A_386, %iota3A : vector<16xi32>
        %gather3A_388 = tpu.vector_load_idx %arg8[%broadcast_in_dim3A_384, %add3A_387] : memref<5x80xi32, #tpu.memory_space<vmem>>[vector<16xi32>, vector<16xi32>], vector<16xi32>,
        %broadcast_in_dim3A_389 = vector.broadcast %rem3A_315 : i32 to vector<16xi32>
        %add3A_390 = arith.constant 64 : i32
        %add3A_391 = vector.broadcast %add3A_390 : i32 to vector<16xi32>
        %add3A_392 = arith.addi %add3A_391, %iota3A : vector<16xi32>
        %add3A_393 = vector.broadcast %mul3A_3 : i32 to vector<16xi32>
        %add3A_394 = arith.addi %gather3A_388, %add3A_393 : vector<16xi32>
        tpu.vector_store_idx %arg8[%broadcast_in_dim3A_389, %add3A_392], %add3A_394 : memref<5x80xi32, #tpu.memory_space<vmem>>[vector<16xi32>, vector<16xi32>], vector<16xi32>,
      } else {
      }
      %rem3A_255 = arith.constant 5 : i32
      %rem3A_256 = arith.remsi %scan3A_246, %rem3A_255 : i32
      %rem3A_257 = arith.constant 3 : i32
      %rem3A_258 = arith.remsi %scan3A_246, %rem3A_257 : i32
      %dma_wait3A_259 = arith.constant 0 : i32
      %dma_wait3A_260 = arith.constant 0 : i32
      %dma_wait3A_261 = tpu.memref_slice %arg7[%rem3A_258, %dma_wait3A_259, %dma_wait3A_260] : memref<3x80x128xf32, #tpu.memory_space<vmem>> -> memref<1x80x128xf32, #tpu.memory_space<vmem>>
      %dma_wait3A_262 = tpu.memref_squeeze %dma_wait3A_261 : memref<1x80x128xf32, #tpu.memory_space<vmem>> -> memref<80x128xf32, #tpu.memory_space<vmem>>
      %dma_wait3A_263 = arith.constant 0 : i32
      %dma_wait3A_264 = tpu.memref_slice %arg8[%rem3A_256, %dma_wait3A_263] : memref<5x80xi32, #tpu.memory_space<vmem>> -> memref<1x80xi32, #tpu.memory_space<vmem>>
      %dma_wait3A_265 = tpu.memref_squeeze %dma_wait3A_264 : memref<1x80xi32, #tpu.memory_space<vmem>> -> memref<80xi32, #tpu.memory_space<vmem>>
      %dma_wait3A_266 = arith.constant 0 : i32
      %dma_wait3A_267 = arith.constant 0 : i32
      %dma_wait3A_268 = tpu.memref_slice %arg2[%dma_wait3A_266, %dma_wait3A_267] : memref<20000x128xf32, #tpu.memory_space<hbm>> -> memref<20000x128xf32, #tpu.memory_space<hbm>>
      tpu.wait_indirect_dma semaphore(%arg15 : memref<!tpu.dma_semaphore, #tpu.memory_space<semaphore_mem>>) src(%dma_wait3A_268 : memref<20000x128xf32, #tpu.memory_space<hbm>>) dst(%dma_wait3A_262 : memref<80x128xf32, #tpu.memory_space<vmem>>)
      %add3A_269 = arith.constant 1 : i32
      %add3A_270 = arith.addi %scan3A_246, %add3A_269 : i32
      %lt3A_271 = arith.constant 125 : i32
      %lt3A_272 = arith.cmpi slt, %add3A_270, %lt3A_271 : i32
      %convert_element_type3A_273 = arith.extui %lt3A_272 : i1 to i32
      %cond3A_274 = arith.constant 0 : i32
      %cond3A_275 = arith.cmpi ne, %convert_element_type3A_273, %cond3A_274 : i32
      scf.if %cond3A_275 {
        %add3A_308 = arith.constant 1 : i32
        %add3A_309 = arith.addi %scan3A_246, %add3A_308 : i32
        %rem3A_310 = arith.constant 5 : i32
        %rem3A_311 = arith.remsi %add3A_309, %rem3A_310 : i32
        %rem3A_312 = arith.constant 3 : i32
        %rem3A_313 = arith.remsi %add3A_309, %rem3A_312 : i32
        %dma_start3A_314 = arith.constant 0 : i32
        %dma_start3A_315 = arith.constant 0 : i32
        %dma_start3A_316 = tpu.memref_slice %arg7[%rem3A_313, %dma_start3A_314, %dma_start3A_315] : memref<3x80x128xf32, #tpu.memory_space<vmem>> -> memref<1x80x128xf32, #tpu.memory_space<vmem>>
        %dma_start3A_317 = tpu.memref_squeeze %dma_start3A_316 : memref<1x80x128xf32, #tpu.memory_space<vmem>> -> memref<80x128xf32, #tpu.memory_space<vmem>>
        %dma_start3A_318 = arith.constant 0 : i32
        %dma_start3A_319 = tpu.memref_slice %arg8[%rem3A_311, %dma_start3A_318] : memref<5x80xi32, #tpu.memory_space<vmem>> -> memref<1x80xi32, #tpu.memory_space<vmem>>
        %dma_start3A_320 = tpu.memref_squeeze %dma_start3A_319 : memref<1x80xi32, #tpu.memory_space<vmem>> -> memref<80xi32, #tpu.memory_space<vmem>>
        %dma_start3A_321 = arith.constant 0 : i32
        %dma_start3A_322 = arith.constant 0 : i32
        %dma_start3A_323 = tpu.memref_slice %arg2[%dma_start3A_321, %dma_start3A_322] : memref<20000x128xf32, #tpu.memory_space<hbm>> -> memref<20000x128xf32, #tpu.memory_space<hbm>>
        tpu.enqueue_indirect_dma source(%dma_start3A_323 : memref<20000x128xf32, #tpu.memory_space<hbm>>) target(%dma_start3A_317 : memref<80x128xf32, #tpu.memory_space<vmem>>) offsets(%dma_start3A_320 : memref<80xi32, #tpu.memory_space<vmem>>) semaphore(%arg15 : memref<!tpu.dma_semaphore, #tpu.memory_space<semaphore_mem>>)
      } else {
      }
      %add3A_276 = arith.constant 2 : i32
      %add3A_277 = arith.addi %scan3A_246, %add3A_276 : i32
      %lt3A_278 = arith.constant 125 : i32
      %lt3A_279 = arith.cmpi slt, %add3A_277, %lt3A_278 : i32
      %convert_element_type3A_280 = arith.extui %lt3A_279 : i1 to i32
      %cond3A_281 = arith.constant 0 : i32
      %cond3A_282 = arith.cmpi ne, %convert_element_type3A_280, %cond3A_281 : i32
      scf.if %cond3A_282 {
        %add3A_308 = arith.constant 2 : i32
        %add3A_309 = arith.addi %scan3A_246, %add3A_308 : i32
        %mul3A_310 = arith.constant 80 : i32
        %mul3A_311 = arith.muli %add3A_309, %mul3A_310 : i32
        %add3A_312 = arith.addi %multiple_of3A, %mul3A_311 : i32
        %multiple_of3A_313 = tpu.assume_multiple %add3A_312, 8 : i32
        %rem3A_314 = arith.constant 5 : i32
        %rem3A_315 = arith.remsi %add3A_309, %rem3A_314 : i32
        %dma_start3A_316 = arith.constant 0 : i32
        %dma_start3A_317 = tpu.memref_slice %arg8[%rem3A_315, %dma_start3A_316] : memref<5x80xi32, #tpu.memory_space<vmem>> -> memref<1x80xi32, #tpu.memory_space<vmem>>
        %dma_start3A_318 = tpu.memref_squeeze %dma_start3A_317 : memref<1x80xi32, #tpu.memory_space<vmem>> -> memref<80xi32, #tpu.memory_space<vmem>>
        %dma_start3A_319 = tpu.memref_slice %arg4[%multiple_of3A_313] : memref<160000xi32, #tpu.memory_space<hbm>> -> memref<80xi32, #tpu.memory_space<hbm>>
        %dma_start3A_320 = arith.constant 0 : i32
        %dma_start3A_321 = tpu.memref_slice %arg8[%rem3A_315, %dma_start3A_320] : memref<5x80xi32, #tpu.memory_space<vmem>> -> memref<1x80xi32, #tpu.memory_space<vmem>>
        %dma_start3A_322 = tpu.memref_squeeze %dma_start3A_321 : memref<1x80xi32, #tpu.memory_space<vmem>> -> memref<80xi32, #tpu.memory_space<vmem>>
        %dma_start3A_323 = tpu.memref_slice %arg4[%multiple_of3A_313] : memref<160000xi32, #tpu.memory_space<hbm>> -> memref<80xi32, #tpu.memory_space<hbm>>
        tpu.enqueue_dma source(%dma_start3A_323 : memref<80xi32, #tpu.memory_space<hbm>>) target(%dma_start3A_322 : memref<80xi32, #tpu.memory_space<vmem>>) target_semaphore(%arg12 : memref<!tpu.dma_semaphore, #tpu.memory_space<semaphore_mem>>)
        %dma_start3A_324 = arith.constant 0 : i32
        %dma_start3A_325 = tpu.memref_slice %arg9[%rem3A_315, %dma_start3A_324] : memref<5x80xi32, #tpu.memory_space<vmem>> -> memref<1x80xi32, #tpu.memory_space<vmem>>
        %dma_start3A_326 = tpu.memref_squeeze %dma_start3A_325 : memref<1x80xi32, #tpu.memory_space<vmem>> -> memref<80xi32, #tpu.memory_space<vmem>>
        %dma_start3A_327 = tpu.memref_slice %arg5[%multiple_of3A_313] : memref<160000xi32, #tpu.memory_space<hbm>> -> memref<80xi32, #tpu.memory_space<hbm>>
        %dma_start3A_328 = arith.constant 0 : i32
        %dma_start3A_329 = tpu.memref_slice %arg9[%rem3A_315, %dma_start3A_328] : memref<5x80xi32, #tpu.memory_space<vmem>> -> memref<1x80xi32, #tpu.memory_space<vmem>>
        %dma_start3A_330 = tpu.memref_squeeze %dma_start3A_329 : memref<1x80xi32, #tpu.memory_space<vmem>> -> memref<80xi32, #tpu.memory_space<vmem>>
        %dma_start3A_331 = tpu.memref_slice %arg5[%multiple_of3A_313] : memref<160000xi32, #tpu.memory_space<hbm>> -> memref<80xi32, #tpu.memory_space<hbm>>
        tpu.enqueue_dma source(%dma_start3A_331 : memref<80xi32, #tpu.memory_space<hbm>>) target(%dma_start3A_330 : memref<80xi32, #tpu.memory_space<vmem>>) target_semaphore(%arg13 : memref<!tpu.dma_semaphore, #tpu.memory_space<semaphore_mem>>)
        %dma_start3A_332 = arith.constant 0 : i32
        %dma_start3A_333 = tpu.memref_slice %arg10[%rem3A_315, %dma_start3A_332] : memref<5x80xf32, #tpu.memory_space<vmem>> -> memref<1x80xf32, #tpu.memory_space<vmem>>
        %dma_start3A_334 = tpu.memref_squeeze %dma_start3A_333 : memref<1x80xf32, #tpu.memory_space<vmem>> -> memref<80xf32, #tpu.memory_space<vmem>>
        %dma_start3A_335 = tpu.memref_slice %arg3[%multiple_of3A_313] : memref<160000xf32, #tpu.memory_space<hbm>> -> memref<80xf32, #tpu.memory_space<hbm>>
        %dma_start3A_336 = arith.constant 0 : i32
        %dma_start3A_337 = tpu.memref_slice %arg10[%rem3A_315, %dma_start3A_336] : memref<5x80xf32, #tpu.memory_space<vmem>> -> memref<1x80xf32, #tpu.memory_space<vmem>>
        %dma_start3A_338 = tpu.memref_squeeze %dma_start3A_337 : memref<1x80xf32, #tpu.memory_space<vmem>> -> memref<80xf32, #tpu.memory_space<vmem>>
        %dma_start3A_339 = tpu.memref_slice %arg3[%multiple_of3A_313] : memref<160000xf32, #tpu.memory_space<hbm>> -> memref<80xf32, #tpu.memory_space<hbm>>
        tpu.enqueue_dma source(%dma_start3A_339 : memref<80xf32, #tpu.memory_space<hbm>>) target(%dma_start3A_338 : memref<80xf32, #tpu.memory_space<vmem>>) target_semaphore(%arg14 : memref<!tpu.dma_semaphore, #tpu.memory_space<semaphore_mem>>)
      } else {
      }
      %rem3A_283 = arith.constant 3 : i32
      %rem3A_284 = arith.remsi %scan3A_246, %rem3A_283 : i32
      %rem3A_285 = arith.constant 5 : i32
      %rem3A_286 = arith.remsi %scan3A_246, %rem3A_285 : i32
      %broadcast_in_dim3A_287 = vector.broadcast %rem3A_284 : i32 to vector<16xi32>
      %broadcast_in_dim3A_288 = vector.broadcast %rem3A_286 : i32 to vector<16xi32>
      %scan3A_289 = arith.constant 0 : i32
      %scan3A_290 = arith.constant 20 : i32
      %scan3A_291 = arith.addi %scan3A_289, %scan3A_290 : i32
      %scan3A_292 = arith.constant 1 : i32
      scf.for %scan3A_308 = %scan3A_289 to %scan3A_291 step %scan3A_292  : i32 {
        %mul3A_309 = arith.constant 4 : i32
        %mul3A_310 = arith.muli %scan3A_308, %mul3A_309 : i32
        %add3A_311 = arith.constant 0 : i32
        %add3A_312 = arith.addi %mul3A_310, %add3A_311 : i32
        %broadcast_in_dim3A_313 = vector.broadcast %add3A_312 : i32 to vector<16xi32>
        %gather3A_314 = tpu.vector_load_idx %arg10[%broadcast_in_dim3A_288, %broadcast_in_dim3A_313] : memref<5x80xf32, #tpu.memory_space<vmem>>[vector<16xi32>, vector<16xi32>], vector<16xf32>,
        %add3A_315 = arith.constant 0 : i32
        %add3A_316 = vector.broadcast %add3A_315 : i32 to vector<16xi32>
        %add3A_317 = arith.addi %add3A_316, %iota3A : vector<16xi32>
        %gather3A_318 = tpu.vector_load_idx %arg7[%broadcast_in_dim3A_287, %broadcast_in_dim3A_313, %add3A_317] : memref<3x80x128xf32, #tpu.memory_space<vmem>>[vector<16xi32>, vector<16xi32>, vector<16xi32>], vector<16xf32>,
        %add3A_319 = arith.constant 0 : i32
        %add3A_320 = vector.broadcast %add3A_319 : i32 to vector<16xi32>
        %add3A_321 = arith.addi %add3A_320, %iota3A : vector<16xi32>
        %mul3A_322 = arith.mulf %gather3A_318, %gather3A_314 : vector<16xf32>
        tpu.vector_store_idx %arg7[%broadcast_in_dim3A_287, %broadcast_in_dim3A_313, %add3A_321], %mul3A_322 : memref<3x80x128xf32, #tpu.memory_space<vmem>>[vector<16xi32>, vector<16xi32>, vector<16xi32>], vector<16xf32>,
        %add3A_323 = arith.constant 16 : i32
        %add3A_324 = vector.broadcast %add3A_323 : i32 to vector<16xi32>
        %add3A_325 = arith.addi %add3A_324, %iota3A : vector<16xi32>
        %gather3A_326 = tpu.vector_load_idx %arg7[%broadcast_in_dim3A_287, %broadcast_in_dim3A_313, %add3A_325] : memref<3x80x128xf32, #tpu.memory_space<vmem>>[vector<16xi32>, vector<16xi32>, vector<16xi32>], vector<16xf32>,
        %add3A_327 = arith.constant 16 : i32
        %add3A_328 = vector.broadcast %add3A_327 : i32 to vector<16xi32>
        %add3A_329 = arith.addi %add3A_328, %iota3A : vector<16xi32>
        %mul3A_330 = arith.mulf %gather3A_326, %gather3A_314 : vector<16xf32>
        tpu.vector_store_idx %arg7[%broadcast_in_dim3A_287, %broadcast_in_dim3A_313, %add3A_329], %mul3A_330 : memref<3x80x128xf32, #tpu.memory_space<vmem>>[vector<16xi32>, vector<16xi32>, vector<16xi32>], vector<16xf32>,
        %add3A_331 = arith.constant 32 : i32
        %add3A_332 = vector.broadcast %add3A_331 : i32 to vector<16xi32>
        %add3A_333 = arith.addi %add3A_332, %iota3A : vector<16xi32>
        %gather3A_334 = tpu.vector_load_idx %arg7[%broadcast_in_dim3A_287, %broadcast_in_dim3A_313, %add3A_333] : memref<3x80x128xf32, #tpu.memory_space<vmem>>[vector<16xi32>, vector<16xi32>, vector<16xi32>], vector<16xf32>,
        %add3A_335 = arith.constant 32 : i32
        %add3A_336 = vector.broadcast %add3A_335 : i32 to vector<16xi32>
        %add3A_337 = arith.addi %add3A_336, %iota3A : vector<16xi32>
        %mul3A_338 = arith.mulf %gather3A_334, %gather3A_314 : vector<16xf32>
        tpu.vector_store_idx %arg7[%broadcast_in_dim3A_287, %broadcast_in_dim3A_313, %add3A_337], %mul3A_338 : memref<3x80x128xf32, #tpu.memory_space<vmem>>[vector<16xi32>, vector<16xi32>, vector<16xi32>], vector<16xf32>,
        %add3A_339 = arith.constant 48 : i32
        %add3A_340 = vector.broadcast %add3A_339 : i32 to vector<16xi32>
        %add3A_341 = arith.addi %add3A_340, %iota3A : vector<16xi32>
        %gather3A_342 = tpu.vector_load_idx %arg7[%broadcast_in_dim3A_287, %broadcast_in_dim3A_313, %add3A_341] : memref<3x80x128xf32, #tpu.memory_space<vmem>>[vector<16xi32>, vector<16xi32>, vector<16xi32>], vector<16xf32>,
        %add3A_343 = arith.constant 48 : i32
        %add3A_344 = vector.broadcast %add3A_343 : i32 to vector<16xi32>
        %add3A_345 = arith.addi %add3A_344, %iota3A : vector<16xi32>
        %mul3A_346 = arith.mulf %gather3A_342, %gather3A_314 : vector<16xf32>
        tpu.vector_store_idx %arg7[%broadcast_in_dim3A_287, %broadcast_in_dim3A_313, %add3A_345], %mul3A_346 : memref<3x80x128xf32, #tpu.memory_space<vmem>>[vector<16xi32>, vector<16xi32>, vector<16xi32>], vector<16xf32>,
        %add3A_347 = arith.constant 64 : i32
        %add3A_348 = vector.broadcast %add3A_347 : i32 to vector<16xi32>
        %add3A_349 = arith.addi %add3A_348, %iota3A : vector<16xi32>
        %gather3A_350 = tpu.vector_load_idx %arg7[%broadcast_in_dim3A_287, %broadcast_in_dim3A_313, %add3A_349] : memref<3x80x128xf32, #tpu.memory_space<vmem>>[vector<16xi32>, vector<16xi32>, vector<16xi32>], vector<16xf32>,
        %add3A_351 = arith.constant 64 : i32
        %add3A_352 = vector.broadcast %add3A_351 : i32 to vector<16xi32>
        %add3A_353 = arith.addi %add3A_352, %iota3A : vector<16xi32>
        %mul3A_354 = arith.mulf %gather3A_350, %gather3A_314 : vector<16xf32>
        tpu.vector_store_idx %arg7[%broadcast_in_dim3A_287, %broadcast_in_dim3A_313, %add3A_353], %mul3A_354 : memref<3x80x128xf32, #tpu.memory_space<vmem>>[vector<16xi32>, vector<16xi32>, vector<16xi32>], vector<16xf32>,
        %add3A_355 = arith.constant 80 : i32
        %add3A_356 = vector.broadcast %add3A_355 : i32 to vector<16xi32>
        %add3A_357 = arith.addi %add3A_356, %iota3A : vector<16xi32>
        %gather3A_358 = tpu.vector_load_idx %arg7[%broadcast_in_dim3A_287, %broadcast_in_dim3A_313, %add3A_357] : memref<3x80x128xf32, #tpu.memory_space<vmem>>[vector<16xi32>, vector<16xi32>, vector<16xi32>], vector<16xf32>,
        %add3A_359 = arith.constant 80 : i32
        %add3A_360 = vector.broadcast %add3A_359 : i32 to vector<16xi32>
        %add3A_361 = arith.addi %add3A_360, %iota3A : vector<16xi32>
        %mul3A_362 = arith.mulf %gather3A_358, %gather3A_314 : vector<16xf32>
        tpu.vector_store_idx %arg7[%broadcast_in_dim3A_287, %broadcast_in_dim3A_313, %add3A_361], %mul3A_362 : memref<3x80x128xf32, #tpu.memory_space<vmem>>[vector<16xi32>, vector<16xi32>, vector<16xi32>], vector<16xf32>,
        %add3A_363 = arith.constant 96 : i32
        %add3A_364 = vector.broadcast %add3A_363 : i32 to vector<16xi32>
        %add3A_365 = arith.addi %add3A_364, %iota3A : vector<16xi32>
        %gather3A_366 = tpu.vector_load_idx %arg7[%broadcast_in_dim3A_287, %broadcast_in_dim3A_313, %add3A_365] : memref<3x80x128xf32, #tpu.memory_space<vmem>>[vector<16xi32>, vector<16xi32>, vector<16xi32>], vector<16xf32>,
        %add3A_367 = arith.constant 96 : i32
        %add3A_368 = vector.broadcast %add3A_367 : i32 to vector<16xi32>
        %add3A_369 = arith.addi %add3A_368, %iota3A : vector<16xi32>
        %mul3A_370 = arith.mulf %gather3A_366, %gather3A_314 : vector<16xf32>
        tpu.vector_store_idx %arg7[%broadcast_in_dim3A_287, %broadcast_in_dim3A_313, %add3A_369], %mul3A_370 : memref<3x80x128xf32, #tpu.memory_space<vmem>>[vector<16xi32>, vector<16xi32>, vector<16xi32>], vector<16xf32>,
        %add3A_371 = arith.constant 112 : i32
        %add3A_372 = vector.broadcast %add3A_371 : i32 to vector<16xi32>
        %add3A_373 = arith.addi %add3A_372, %iota3A : vector<16xi32>
        %gather3A_374 = tpu.vector_load_idx %arg7[%broadcast_in_dim3A_287, %broadcast_in_dim3A_313, %add3A_373] : memref<3x80x128xf32, #tpu.memory_space<vmem>>[vector<16xi32>, vector<16xi32>, vector<16xi32>], vector<16xf32>,
        %add3A_375 = arith.constant 112 : i32
        %add3A_376 = vector.broadcast %add3A_375 : i32 to vector<16xi32>
        %add3A_377 = arith.addi %add3A_376, %iota3A : vector<16xi32>
        %mul3A_378 = arith.mulf %gather3A_374, %gather3A_314 : vector<16xf32>
        tpu.vector_store_idx %arg7[%broadcast_in_dim3A_287, %broadcast_in_dim3A_313, %add3A_377], %mul3A_378 : memref<3x80x128xf32, #tpu.memory_space<vmem>>[vector<16xi32>, vector<16xi32>, vector<16xi32>], vector<16xf32>,
        %mul3A_379 = arith.constant 4 : i32
        %mul3A_380 = arith.muli %scan3A_308, %mul3A_379 : i32
        %add3A_381 = arith.constant 1 : i32
        %add3A_382 = arith.addi %mul3A_380, %add3A_381 : i32
        %broadcast_in_dim3A_383 = vector.broadcast %add3A_382 : i32 to vector<16xi32>
        %gather3A_384 = tpu.vector_load_idx %arg10[%broadcast_in_dim3A_288, %broadcast_in_dim3A_383] : memref<5x80xf32, #tpu.memory_space<vmem>>[vector<16xi32>, vector<16xi32>], vector<16xf32>,
        %add3A_385 = arith.constant 0 : i32
        %add3A_386 = vector.broadcast %add3A_385 : i32 to vector<16xi32>
        %add3A_387 = arith.addi %add3A_386, %iota3A : vector<16xi32>
        %gather3A_388 = tpu.vector_load_idx %arg7[%broadcast_in_dim3A_287, %broadcast_in_dim3A_383, %add3A_387] : memref<3x80x128xf32, #tpu.memory_space<vmem>>[vector<16xi32>, vector<16xi32>, vector<16xi32>], vector<16xf32>,
        %add3A_389 = arith.constant 0 : i32
        %add3A_390 = vector.broadcast %add3A_389 : i32 to vector<16xi32>
        %add3A_391 = arith.addi %add3A_390, %iota3A : vector<16xi32>
        %mul3A_392 = arith.mulf %gather3A_388, %gather3A_384 : vector<16xf32>
        tpu.vector_store_idx %arg7[%broadcast_in_dim3A_287, %broadcast_in_dim3A_383, %add3A_391], %mul3A_392 : memref<3x80x128xf32, #tpu.memory_space<vmem>>[vector<16xi32>, vector<16xi32>, vector<16xi32>], vector<16xf32>,
        %add3A_393 = arith.constant 16 : i32
        %add3A_394 = vector.broadcast %add3A_393 : i32 to vector<16xi32>
        %add3A_395 = arith.addi %add3A_394, %iota3A : vector<16xi32>
        %gather3A_396 = tpu.vector_load_idx %arg7[%broadcast_in_dim3A_287, %broadcast_in_dim3A_383, %add3A_395] : memref<3x80x128xf32, #tpu.memory_space<vmem>>[vector<16xi32>, vector<16xi32>, vector<16xi32>], vector<16xf32>,
        %add3A_397 = arith.constant 16 : i32
        %add3A_398 = vector.broadcast %add3A_397 : i32 to vector<16xi32>
        %add3A_399 = arith.addi %add3A_398, %iota3A : vector<16xi32>
        %mul3A_400 = arith.mulf %gather3A_396, %gather3A_384 : vector<16xf32>
        tpu.vector_store_idx %arg7[%broadcast_in_dim3A_287, %broadcast_in_dim3A_383, %add3A_399], %mul3A_400 : memref<3x80x128xf32, #tpu.memory_space<vmem>>[vector<16xi32>, vector<16xi32>, vector<16xi32>], vector<16xf32>,
        %add3A_401 = arith.constant 32 : i32
        %add3A_402 = vector.broadcast %add3A_401 : i32 to vector<16xi32>
        %add3A_403 = arith.addi %add3A_402, %iota3A : vector<16xi32>
        %gather3A_404 = tpu.vector_load_idx %arg7[%broadcast_in_dim3A_287, %broadcast_in_dim3A_383, %add3A_403] : memref<3x80x128xf32, #tpu.memory_space<vmem>>[vector<16xi32>, vector<16xi32>, vector<16xi32>], vector<16xf32>,
        %add3A_405 = arith.constant 32 : i32
        %add3A_406 = vector.broadcast %add3A_405 : i32 to vector<16xi32>
        %add3A_407 = arith.addi %add3A_406, %iota3A : vector<16xi32>
        %mul3A_408 = arith.mulf %gather3A_404, %gather3A_384 : vector<16xf32>
        tpu.vector_store_idx %arg7[%broadcast_in_dim3A_287, %broadcast_in_dim3A_383, %add3A_407], %mul3A_408 : memref<3x80x128xf32, #tpu.memory_space<vmem>>[vector<16xi32>, vector<16xi32>, vector<16xi32>], vector<16xf32>,
        %add3A_409 = arith.constant 48 : i32
        %add3A_410 = vector.broadcast %add3A_409 : i32 to vector<16xi32>
        %add3A_411 = arith.addi %add3A_410, %iota3A : vector<16xi32>
        %gather3A_412 = tpu.vector_load_idx %arg7[%broadcast_in_dim3A_287, %broadcast_in_dim3A_383, %add3A_411] : memref<3x80x128xf32, #tpu.memory_space<vmem>>[vector<16xi32>, vector<16xi32>, vector<16xi32>], vector<16xf32>,
        %add3A_413 = arith.constant 48 : i32
        %add3A_414 = vector.broadcast %add3A_413 : i32 to vector<16xi32>
        %add3A_415 = arith.addi %add3A_414, %iota3A : vector<16xi32>
        %mul3A_416 = arith.mulf %gather3A_412, %gather3A_384 : vector<16xf32>
        tpu.vector_store_idx %arg7[%broadcast_in_dim3A_287, %broadcast_in_dim3A_383, %add3A_415], %mul3A_416 : memref<3x80x128xf32, #tpu.memory_space<vmem>>[vector<16xi32>, vector<16xi32>, vector<16xi32>], vector<16xf32>,
        %add3A_417 = arith.constant 64 : i32
        %add3A_418 = vector.broadcast %add3A_417 : i32 to vector<16xi32>
        %add3A_419 = arith.addi %add3A_418, %iota3A : vector<16xi32>
        %gather3A_420 = tpu.vector_load_idx %arg7[%broadcast_in_dim3A_287, %broadcast_in_dim3A_383, %add3A_419] : memref<3x80x128xf32, #tpu.memory_space<vmem>>[vector<16xi32>, vector<16xi32>, vector<16xi32>], vector<16xf32>,
        %add3A_421 = arith.constant 64 : i32
        %add3A_422 = vector.broadcast %add3A_421 : i32 to vector<16xi32>
        %add3A_423 = arith.addi %add3A_422, %iota3A : vector<16xi32>
        %mul3A_424 = arith.mulf %gather3A_420, %gather3A_384 : vector<16xf32>
        tpu.vector_store_idx %arg7[%broadcast_in_dim3A_287, %broadcast_in_dim3A_383, %add3A_423], %mul3A_424 : memref<3x80x128xf32, #tpu.memory_space<vmem>>[vector<16xi32>, vector<16xi32>, vector<16xi32>], vector<16xf32>,
        %add3A_425 = arith.constant 80 : i32
        %add3A_426 = vector.broadcast %add3A_425 : i32 to vector<16xi32>
        %add3A_427 = arith.addi %add3A_426, %iota3A : vector<16xi32>
        %gather3A_428 = tpu.vector_load_idx %arg7[%broadcast_in_dim3A_287, %broadcast_in_dim3A_383, %add3A_427] : memref<3x80x128xf32, #tpu.memory_space<vmem>>[vector<16xi32>, vector<16xi32>, vector<16xi32>], vector<16xf32>,
        %add3A_429 = arith.constant 80 : i32
        %add3A_430 = vector.broadcast %add3A_429 : i32 to vector<16xi32>
        %add3A_431 = arith.addi %add3A_430, %iota3A : vector<16xi32>
        %mul3A_432 = arith.mulf %gather3A_428, %gather3A_384 : vector<16xf32>
        tpu.vector_store_idx %arg7[%broadcast_in_dim3A_287, %broadcast_in_dim3A_383, %add3A_431], %mul3A_432 : memref<3x80x128xf32, #tpu.memory_space<vmem>>[vector<16xi32>, vector<16xi32>, vector<16xi32>], vector<16xf32>,
        %add3A_433 = arith.constant 96 : i32
        %add3A_434 = vector.broadcast %add3A_433 : i32 to vector<16xi32>
        %add3A_435 = arith.addi %add3A_434, %iota3A : vector<16xi32>
        %gather3A_436 = tpu.vector_load_idx %arg7[%broadcast_in_dim3A_287, %broadcast_in_dim3A_383, %add3A_435] : memref<3x80x128xf32, #tpu.memory_space<vmem>>[vector<16xi32>, vector<16xi32>, vector<16xi32>], vector<16xf32>,
        %add3A_437 = arith.constant 96 : i32
        %add3A_438 = vector.broadcast %add3A_437 : i32 to vector<16xi32>
        %add3A_439 = arith.addi %add3A_438, %iota3A : vector<16xi32>
        %mul3A_440 = arith.mulf %gather3A_436, %gather3A_384 : vector<16xf32>
        tpu.vector_store_idx %arg7[%broadcast_in_dim3A_287, %broadcast_in_dim3A_383, %add3A_439], %mul3A_440 : memref<3x80x128xf32, #tpu.memory_space<vmem>>[vector<16xi32>, vector<16xi32>, vector<16xi32>], vector<16xf32>,
        %add3A_441 = arith.constant 112 : i32
        %add3A_442 = vector.broadcast %add3A_441 : i32 to vector<16xi32>
        %add3A_443 = arith.addi %add3A_442, %iota3A : vector<16xi32>
        %gather3A_444 = tpu.vector_load_idx %arg7[%broadcast_in_dim3A_287, %broadcast_in_dim3A_383, %add3A_443] : memref<3x80x128xf32, #tpu.memory_space<vmem>>[vector<16xi32>, vector<16xi32>, vector<16xi32>], vector<16xf32>,
        %add3A_445 = arith.constant 112 : i32
        %add3A_446 = vector.broadcast %add3A_445 : i32 to vector<16xi32>
        %add3A_447 = arith.addi %add3A_446, %iota3A : vector<16xi32>
        %mul3A_448 = arith.mulf %gather3A_444, %gather3A_384 : vector<16xf32>
        tpu.vector_store_idx %arg7[%broadcast_in_dim3A_287, %broadcast_in_dim3A_383, %add3A_447], %mul3A_448 : memref<3x80x128xf32, #tpu.memory_space<vmem>>[vector<16xi32>, vector<16xi32>, vector<16xi32>], vector<16xf32>,
        %mul3A_449 = arith.constant 4 : i32
        %mul3A_450 = arith.muli %scan3A_308, %mul3A_449 : i32
        %add3A_451 = arith.constant 2 : i32
        %add3A_452 = arith.addi %mul3A_450, %add3A_451 : i32
        %broadcast_in_dim3A_453 = vector.broadcast %add3A_452 : i32 to vector<16xi32>
        %gather3A_454 = tpu.vector_load_idx %arg10[%broadcast_in_dim3A_288, %broadcast_in_dim3A_453] : memref<5x80xf32, #tpu.memory_space<vmem>>[vector<16xi32>, vector<16xi32>], vector<16xf32>,
        %add3A_455 = arith.constant 0 : i32
        %add3A_456 = vector.broadcast %add3A_455 : i32 to vector<16xi32>
        %add3A_457 = arith.addi %add3A_456, %iota3A : vector<16xi32>
        %gather3A_458 = tpu.vector_load_idx %arg7[%broadcast_in_dim3A_287, %broadcast_in_dim3A_453, %add3A_457] : memref<3x80x128xf32, #tpu.memory_space<vmem>>[vector<16xi32>, vector<16xi32>, vector<16xi32>], vector<16xf32>,
        %add3A_459 = arith.constant 0 : i32
        %add3A_460 = vector.broadcast %add3A_459 : i32 to vector<16xi32>
        %add3A_461 = arith.addi %add3A_460, %iota3A : vector<16xi32>
        %mul3A_462 = arith.mulf %gather3A_458, %gather3A_454 : vector<16xf32>
        tpu.vector_store_idx %arg7[%broadcast_in_dim3A_287, %broadcast_in_dim3A_453, %add3A_461], %mul3A_462 : memref<3x80x128xf32, #tpu.memory_space<vmem>>[vector<16xi32>, vector<16xi32>, vector<16xi32>], vector<16xf32>,
        %add3A_463 = arith.constant 16 : i32
        %add3A_464 = vector.broadcast %add3A_463 : i32 to vector<16xi32>
        %add3A_465 = arith.addi %add3A_464, %iota3A : vector<16xi32>
        %gather3A_466 = tpu.vector_load_idx %arg7[%broadcast_in_dim3A_287, %broadcast_in_dim3A_453, %add3A_465] : memref<3x80x128xf32, #tpu.memory_space<vmem>>[vector<16xi32>, vector<16xi32>, vector<16xi32>], vector<16xf32>,
        %add3A_467 = arith.constant 16 : i32
        %add3A_468 = vector.broadcast %add3A_467 : i32 to vector<16xi32>
        %add3A_469 = arith.addi %add3A_468, %iota3A : vector<16xi32>
        %mul3A_470 = arith.mulf %gather3A_466, %gather3A_454 : vector<16xf32>
        tpu.vector_store_idx %arg7[%broadcast_in_dim3A_287, %broadcast_in_dim3A_453, %add3A_469], %mul3A_470 : memref<3x80x128xf32, #tpu.memory_space<vmem>>[vector<16xi32>, vector<16xi32>, vector<16xi32>], vector<16xf32>,
        %add3A_471 = arith.constant 32 : i32
        %add3A_472 = vector.broadcast %add3A_471 : i32 to vector<16xi32>
        %add3A_473 = arith.addi %add3A_472, %iota3A : vector<16xi32>
        %gather3A_474 = tpu.vector_load_idx %arg7[%broadcast_in_dim3A_287, %broadcast_in_dim3A_453, %add3A_473] : memref<3x80x128xf32, #tpu.memory_space<vmem>>[vector<16xi32>, vector<16xi32>, vector<16xi32>], vector<16xf32>,
        %add3A_475 = arith.constant 32 : i32
        %add3A_476 = vector.broadcast %add3A_475 : i32 to vector<16xi32>
        %add3A_477 = arith.addi %add3A_476, %iota3A : vector<16xi32>
        %mul3A_478 = arith.mulf %gather3A_474, %gather3A_454 : vector<16xf32>
        tpu.vector_store_idx %arg7[%broadcast_in_dim3A_287, %broadcast_in_dim3A_453, %add3A_477], %mul3A_478 : memref<3x80x128xf32, #tpu.memory_space<vmem>>[vector<16xi32>, vector<16xi32>, vector<16xi32>], vector<16xf32>,
        %add3A_479 = arith.constant 48 : i32
        %add3A_480 = vector.broadcast %add3A_479 : i32 to vector<16xi32>
        %add3A_481 = arith.addi %add3A_480, %iota3A : vector<16xi32>
        %gather3A_482 = tpu.vector_load_idx %arg7[%broadcast_in_dim3A_287, %broadcast_in_dim3A_453, %add3A_481] : memref<3x80x128xf32, #tpu.memory_space<vmem>>[vector<16xi32>, vector<16xi32>, vector<16xi32>], vector<16xf32>,
        %add3A_483 = arith.constant 48 : i32
        %add3A_484 = vector.broadcast %add3A_483 : i32 to vector<16xi32>
        %add3A_485 = arith.addi %add3A_484, %iota3A : vector<16xi32>
        %mul3A_486 = arith.mulf %gather3A_482, %gather3A_454 : vector<16xf32>
        tpu.vector_store_idx %arg7[%broadcast_in_dim3A_287, %broadcast_in_dim3A_453, %add3A_485], %mul3A_486 : memref<3x80x128xf32, #tpu.memory_space<vmem>>[vector<16xi32>, vector<16xi32>, vector<16xi32>], vector<16xf32>,
        %add3A_487 = arith.constant 64 : i32
        %add3A_488 = vector.broadcast %add3A_487 : i32 to vector<16xi32>
        %add3A_489 = arith.addi %add3A_488, %iota3A : vector<16xi32>
        %gather3A_490 = tpu.vector_load_idx %arg7[%broadcast_in_dim3A_287, %broadcast_in_dim3A_453, %add3A_489] : memref<3x80x128xf32, #tpu.memory_space<vmem>>[vector<16xi32>, vector<16xi32>, vector<16xi32>], vector<16xf32>,
        %add3A_491 = arith.constant 64 : i32
        %add3A_492 = vector.broadcast %add3A_491 : i32 to vector<16xi32>
        %add3A_493 = arith.addi %add3A_492, %iota3A : vector<16xi32>
        %mul3A_494 = arith.mulf %gather3A_490, %gather3A_454 : vector<16xf32>
        tpu.vector_store_idx %arg7[%broadcast_in_dim3A_287, %broadcast_in_dim3A_453, %add3A_493], %mul3A_494 : memref<3x80x128xf32, #tpu.memory_space<vmem>>[vector<16xi32>, vector<16xi32>, vector<16xi32>], vector<16xf32>,
        %add3A_495 = arith.constant 80 : i32
        %add3A_496 = vector.broadcast %add3A_495 : i32 to vector<16xi32>
        %add3A_497 = arith.addi %add3A_496, %iota3A : vector<16xi32>
        %gather3A_498 = tpu.vector_load_idx %arg7[%broadcast_in_dim3A_287, %broadcast_in_dim3A_453, %add3A_497] : memref<3x80x128xf32, #tpu.memory_space<vmem>>[vector<16xi32>, vector<16xi32>, vector<16xi32>], vector<16xf32>,
        %add3A_499 = arith.constant 80 : i32
        %add3A_500 = vector.broadcast %add3A_499 : i32 to vector<16xi32>
        %add3A_501 = arith.addi %add3A_500, %iota3A : vector<16xi32>
        %mul3A_502 = arith.mulf %gather3A_498, %gather3A_454 : vector<16xf32>
        tpu.vector_store_idx %arg7[%broadcast_in_dim3A_287, %broadcast_in_dim3A_453, %add3A_501], %mul3A_502 : memref<3x80x128xf32, #tpu.memory_space<vmem>>[vector<16xi32>, vector<16xi32>, vector<16xi32>], vector<16xf32>,
        %add3A_503 = arith.constant 96 : i32
        %add3A_504 = vector.broadcast %add3A_503 : i32 to vector<16xi32>
        %add3A_505 = arith.addi %add3A_504, %iota3A : vector<16xi32>
        %gather3A_506 = tpu.vector_load_idx %arg7[%broadcast_in_dim3A_287, %broadcast_in_dim3A_453, %add3A_505] : memref<3x80x128xf32, #tpu.memory_space<vmem>>[vector<16xi32>, vector<16xi32>, vector<16xi32>], vector<16xf32>,
        %add3A_507 = arith.constant 96 : i32
        %add3A_508 = vector.broadcast %add3A_507 : i32 to vector<16xi32>
        %add3A_509 = arith.addi %add3A_508, %iota3A : vector<16xi32>
        %mul3A_510 = arith.mulf %gather3A_506, %gather3A_454 : vector<16xf32>
        tpu.vector_store_idx %arg7[%broadcast_in_dim3A_287, %broadcast_in_dim3A_453, %add3A_509], %mul3A_510 : memref<3x80x128xf32, #tpu.memory_space<vmem>>[vector<16xi32>, vector<16xi32>, vector<16xi32>], vector<16xf32>,
        %add3A_511 = arith.constant 112 : i32
        %add3A_512 = vector.broadcast %add3A_511 : i32 to vector<16xi32>
        %add3A_513 = arith.addi %add3A_512, %iota3A : vector<16xi32>
        %gather3A_514 = tpu.vector_load_idx %arg7[%broadcast_in_dim3A_287, %broadcast_in_dim3A_453, %add3A_513] : memref<3x80x128xf32, #tpu.memory_space<vmem>>[vector<16xi32>, vector<16xi32>, vector<16xi32>], vector<16xf32>,
        %add3A_515 = arith.constant 112 : i32
        %add3A_516 = vector.broadcast %add3A_515 : i32 to vector<16xi32>
        %add3A_517 = arith.addi %add3A_516, %iota3A : vector<16xi32>
        %mul3A_518 = arith.mulf %gather3A_514, %gather3A_454 : vector<16xf32>
        tpu.vector_store_idx %arg7[%broadcast_in_dim3A_287, %broadcast_in_dim3A_453, %add3A_517], %mul3A_518 : memref<3x80x128xf32, #tpu.memory_space<vmem>>[vector<16xi32>, vector<16xi32>, vector<16xi32>], vector<16xf32>,
        %mul3A_519 = arith.constant 4 : i32
        %mul3A_520 = arith.muli %scan3A_308, %mul3A_519 : i32
        %add3A_521 = arith.constant 3 : i32
        %add3A_522 = arith.addi %mul3A_520, %add3A_521 : i32
        %broadcast_in_dim3A_523 = vector.broadcast %add3A_522 : i32 to vector<16xi32>
        %gather3A_524 = tpu.vector_load_idx %arg10[%broadcast_in_dim3A_288, %broadcast_in_dim3A_523] : memref<5x80xf32, #tpu.memory_space<vmem>>[vector<16xi32>, vector<16xi32>], vector<16xf32>,
        %add3A_525 = arith.constant 0 : i32
        %add3A_526 = vector.broadcast %add3A_525 : i32 to vector<16xi32>
        %add3A_527 = arith.addi %add3A_526, %iota3A : vector<16xi32>
        %gather3A_528 = tpu.vector_load_idx %arg7[%broadcast_in_dim3A_287, %broadcast_in_dim3A_523, %add3A_527] : memref<3x80x128xf32, #tpu.memory_space<vmem>>[vector<16xi32>, vector<16xi32>, vector<16xi32>], vector<16xf32>,
        %add3A_529 = arith.constant 0 : i32
        %add3A_530 = vector.broadcast %add3A_529 : i32 to vector<16xi32>
        %add3A_531 = arith.addi %add3A_530, %iota3A : vector<16xi32>
        %mul3A_532 = arith.mulf %gather3A_528, %gather3A_524 : vector<16xf32>
        tpu.vector_store_idx %arg7[%broadcast_in_dim3A_287, %broadcast_in_dim3A_523, %add3A_531], %mul3A_532 : memref<3x80x128xf32, #tpu.memory_space<vmem>>[vector<16xi32>, vector<16xi32>, vector<16xi32>], vector<16xf32>,
        %add3A_533 = arith.constant 16 : i32
        %add3A_534 = vector.broadcast %add3A_533 : i32 to vector<16xi32>
        %add3A_535 = arith.addi %add3A_534, %iota3A : vector<16xi32>
        %gather3A_536 = tpu.vector_load_idx %arg7[%broadcast_in_dim3A_287, %broadcast_in_dim3A_523, %add3A_535] : memref<3x80x128xf32, #tpu.memory_space<vmem>>[vector<16xi32>, vector<16xi32>, vector<16xi32>], vector<16xf32>,
        %add3A_537 = arith.constant 16 : i32
        %add3A_538 = vector.broadcast %add3A_537 : i32 to vector<16xi32>
        %add3A_539 = arith.addi %add3A_538, %iota3A : vector<16xi32>
        %mul3A_540 = arith.mulf %gather3A_536, %gather3A_524 : vector<16xf32>
        tpu.vector_store_idx %arg7[%broadcast_in_dim3A_287, %broadcast_in_dim3A_523, %add3A_539], %mul3A_540 : memref<3x80x128xf32, #tpu.memory_space<vmem>>[vector<16xi32>, vector<16xi32>, vector<16xi32>], vector<16xf32>,
        %add3A_541 = arith.constant 32 : i32
        %add3A_542 = vector.broadcast %add3A_541 : i32 to vector<16xi32>
        %add3A_543 = arith.addi %add3A_542, %iota3A : vector<16xi32>
        %gather3A_544 = tpu.vector_load_idx %arg7[%broadcast_in_dim3A_287, %broadcast_in_dim3A_523, %add3A_543] : memref<3x80x128xf32, #tpu.memory_space<vmem>>[vector<16xi32>, vector<16xi32>, vector<16xi32>], vector<16xf32>,
        %add3A_545 = arith.constant 32 : i32
        %add3A_546 = vector.broadcast %add3A_545 : i32 to vector<16xi32>
        %add3A_547 = arith.addi %add3A_546, %iota3A : vector<16xi32>
        %mul3A_548 = arith.mulf %gather3A_544, %gather3A_524 : vector<16xf32>
        tpu.vector_store_idx %arg7[%broadcast_in_dim3A_287, %broadcast_in_dim3A_523, %add3A_547], %mul3A_548 : memref<3x80x128xf32, #tpu.memory_space<vmem>>[vector<16xi32>, vector<16xi32>, vector<16xi32>], vector<16xf32>,
        %add3A_549 = arith.constant 48 : i32
        %add3A_550 = vector.broadcast %add3A_549 : i32 to vector<16xi32>
        %add3A_551 = arith.addi %add3A_550, %iota3A : vector<16xi32>
        %gather3A_552 = tpu.vector_load_idx %arg7[%broadcast_in_dim3A_287, %broadcast_in_dim3A_523, %add3A_551] : memref<3x80x128xf32, #tpu.memory_space<vmem>>[vector<16xi32>, vector<16xi32>, vector<16xi32>], vector<16xf32>,
        %add3A_553 = arith.constant 48 : i32
        %add3A_554 = vector.broadcast %add3A_553 : i32 to vector<16xi32>
        %add3A_555 = arith.addi %add3A_554, %iota3A : vector<16xi32>
        %mul3A_556 = arith.mulf %gather3A_552, %gather3A_524 : vector<16xf32>
        tpu.vector_store_idx %arg7[%broadcast_in_dim3A_287, %broadcast_in_dim3A_523, %add3A_555], %mul3A_556 : memref<3x80x128xf32, #tpu.memory_space<vmem>>[vector<16xi32>, vector<16xi32>, vector<16xi32>], vector<16xf32>,
        %add3A_557 = arith.constant 64 : i32
        %add3A_558 = vector.broadcast %add3A_557 : i32 to vector<16xi32>
        %add3A_559 = arith.addi %add3A_558, %iota3A : vector<16xi32>
        %gather3A_560 = tpu.vector_load_idx %arg7[%broadcast_in_dim3A_287, %broadcast_in_dim3A_523, %add3A_559] : memref<3x80x128xf32, #tpu.memory_space<vmem>>[vector<16xi32>, vector<16xi32>, vector<16xi32>], vector<16xf32>,
        %add3A_561 = arith.constant 64 : i32
        %add3A_562 = vector.broadcast %add3A_561 : i32 to vector<16xi32>
        %add3A_563 = arith.addi %add3A_562, %iota3A : vector<16xi32>
        %mul3A_564 = arith.mulf %gather3A_560, %gather3A_524 : vector<16xf32>
        tpu.vector_store_idx %arg7[%broadcast_in_dim3A_287, %broadcast_in_dim3A_523, %add3A_563], %mul3A_564 : memref<3x80x128xf32, #tpu.memory_space<vmem>>[vector<16xi32>, vector<16xi32>, vector<16xi32>], vector<16xf32>,
        %add3A_565 = arith.constant 80 : i32
        %add3A_566 = vector.broadcast %add3A_565 : i32 to vector<16xi32>
        %add3A_567 = arith.addi %add3A_566, %iota3A : vector<16xi32>
        %gather3A_568 = tpu.vector_load_idx %arg7[%broadcast_in_dim3A_287, %broadcast_in_dim3A_523, %add3A_567] : memref<3x80x128xf32, #tpu.memory_space<vmem>>[vector<16xi32>, vector<16xi32>, vector<16xi32>], vector<16xf32>,
        %add3A_569 = arith.constant 80 : i32
        %add3A_570 = vector.broadcast %add3A_569 : i32 to vector<16xi32>
        %add3A_571 = arith.addi %add3A_570, %iota3A : vector<16xi32>
        %mul3A_572 = arith.mulf %gather3A_568, %gather3A_524 : vector<16xf32>
        tpu.vector_store_idx %arg7[%broadcast_in_dim3A_287, %broadcast_in_dim3A_523, %add3A_571], %mul3A_572 : memref<3x80x128xf32, #tpu.memory_space<vmem>>[vector<16xi32>, vector<16xi32>, vector<16xi32>], vector<16xf32>,
        %add3A_573 = arith.constant 96 : i32
        %add3A_574 = vector.broadcast %add3A_573 : i32 to vector<16xi32>
        %add3A_575 = arith.addi %add3A_574, %iota3A : vector<16xi32>
        %gather3A_576 = tpu.vector_load_idx %arg7[%broadcast_in_dim3A_287, %broadcast_in_dim3A_523, %add3A_575] : memref<3x80x128xf32, #tpu.memory_space<vmem>>[vector<16xi32>, vector<16xi32>, vector<16xi32>], vector<16xf32>,
        %add3A_577 = arith.constant 96 : i32
        %add3A_578 = vector.broadcast %add3A_577 : i32 to vector<16xi32>
        %add3A_579 = arith.addi %add3A_578, %iota3A : vector<16xi32>
        %mul3A_580 = arith.mulf %gather3A_576, %gather3A_524 : vector<16xf32>
        tpu.vector_store_idx %arg7[%broadcast_in_dim3A_287, %broadcast_in_dim3A_523, %add3A_579], %mul3A_580 : memref<3x80x128xf32, #tpu.memory_space<vmem>>[vector<16xi32>, vector<16xi32>, vector<16xi32>], vector<16xf32>,
        %add3A_581 = arith.constant 112 : i32
        %add3A_582 = vector.broadcast %add3A_581 : i32 to vector<16xi32>
        %add3A_583 = arith.addi %add3A_582, %iota3A : vector<16xi32>
        %gather3A_584 = tpu.vector_load_idx %arg7[%broadcast_in_dim3A_287, %broadcast_in_dim3A_523, %add3A_583] : memref<3x80x128xf32, #tpu.memory_space<vmem>>[vector<16xi32>, vector<16xi32>, vector<16xi32>], vector<16xf32>,
        %add3A_585 = arith.constant 112 : i32
        %add3A_586 = vector.broadcast %add3A_585 : i32 to vector<16xi32>
        %add3A_587 = arith.addi %add3A_586, %iota3A : vector<16xi32>
        %mul3A_588 = arith.mulf %gather3A_584, %gather3A_524 : vector<16xf32>
        tpu.vector_store_idx %arg7[%broadcast_in_dim3A_287, %broadcast_in_dim3A_523, %add3A_587], %mul3A_588 : memref<3x80x128xf32, #tpu.memory_space<vmem>>[vector<16xi32>, vector<16xi32>, vector<16xi32>], vector<16xf32>,
      }
      %scan3A_293 = arith.constant 20 : i32
      %rem3A_294 = arith.constant 3 : i32
      %rem3A_295 = arith.remsi %scan3A_246, %rem3A_294 : i32
      %rem3A_296 = arith.constant 5 : i32
      %rem3A_297 = arith.remsi %scan3A_246, %rem3A_296 : i32
      %dma_start3A_298 = arith.constant 0 : i32
      %dma_start3A_299 = arith.constant 0 : i32
      %dma_start3A_300 = tpu.memref_slice %arg7[%rem3A_295, %dma_start3A_298, %dma_start3A_299] : memref<3x80x128xf32, #tpu.memory_space<vmem>> -> memref<1x80x128xf32, #tpu.memory_space<vmem>>
      %dma_start3A_301 = tpu.memref_squeeze %dma_start3A_300 : memref<1x80x128xf32, #tpu.memory_space<vmem>> -> memref<80x128xf32, #tpu.memory_space<vmem>>
      %dma_start3A_302 = arith.constant 0 : i32
      %dma_start3A_303 = tpu.memref_slice %arg9[%rem3A_297, %dma_start3A_302] : memref<5x80xi32, #tpu.memory_space<vmem>> -> memref<1x80xi32, #tpu.memory_space<vmem>>
      %dma_start3A_304 = tpu.memref_squeeze %dma_start3A_303 : memref<1x80xi32, #tpu.memory_space<vmem>> -> memref<80xi32, #tpu.memory_space<vmem>>
      %dma_start3A_305 = arith.constant 0 : i32
      %dma_start3A_306 = arith.constant 0 : i32
      %dma_start3A_307 = tpu.memref_slice %arg11[%dma_start3A_305, %dma_start3A_306] : memref<10000x128xf32, #tpu.memory_space<vmem_shared>> -> memref<10000x128xf32, #tpu.memory_space<vmem_shared>>
      tpu.enqueue_indirect_dma source(%dma_start3A_301 : memref<80x128xf32, #tpu.memory_space<vmem>>) target(%dma_start3A_307 : memref<10000x128xf32, #tpu.memory_space<vmem_shared>>) offsets(%dma_start3A_304 : memref<80xi32, #tpu.memory_space<vmem>>) semaphore(%arg16 : memref<!tpu.dma_semaphore, #tpu.memory_space<semaphore_mem>>) {add = true}
    }
    %scan3A_208 = arith.constant 125 : i32
    %rem3A_209 = arith.constant 123 : i32
    %rem3A_210 = arith.constant 3 : i32
    %rem3A_211 = arith.remsi %rem3A_209, %rem3A_210 : i32
    %rem3A_212 = arith.constant 123 : i32
    %rem3A_213 = arith.constant 5 : i32
    %rem3A_214 = arith.remsi %rem3A_212, %rem3A_213 : i32
    %dma_wait3A_215 = arith.constant 0 : i32
    %dma_wait3A_216 = arith.constant 0 : i32
    %dma_wait3A_217 = tpu.memref_slice %arg7[%rem3A_211, %dma_wait3A_215, %dma_wait3A_216] : memref<3x80x128xf32, #tpu.memory_space<vmem>> -> memref<1x80x128xf32, #tpu.memory_space<vmem>>
    %dma_wait3A_218 = tpu.memref_squeeze %dma_wait3A_217 : memref<1x80x128xf32, #tpu.memory_space<vmem>> -> memref<80x128xf32, #tpu.memory_space<vmem>>
    %dma_wait3A_219 = arith.constant 0 : i32
    %dma_wait3A_220 = tpu.memref_slice %arg9[%rem3A_214, %dma_wait3A_219] : memref<5x80xi32, #tpu.memory_space<vmem>> -> memref<1x80xi32, #tpu.memory_space<vmem>>
    %dma_wait3A_221 = tpu.memref_squeeze %dma_wait3A_220 : memref<1x80xi32, #tpu.memory_space<vmem>> -> memref<80xi32, #tpu.memory_space<vmem>>
    %dma_wait3A_222 = arith.constant 0 : i32
    %dma_wait3A_223 = arith.constant 0 : i32
    %dma_wait3A_224 = tpu.memref_slice %arg11[%dma_wait3A_222, %dma_wait3A_223] : memref<10000x128xf32, #tpu.memory_space<vmem_shared>> -> memref<10000x128xf32, #tpu.memory_space<vmem_shared>>
    tpu.wait_indirect_dma semaphore(%arg16 : memref<!tpu.dma_semaphore, #tpu.memory_space<semaphore_mem>>) src(%dma_wait3A_218 : memref<80x128xf32, #tpu.memory_space<vmem>>) dst(%dma_wait3A_224 : memref<10000x128xf32, #tpu.memory_space<vmem_shared>>)
    %rem3A_225 = arith.constant 124 : i32
    %rem3A_226 = arith.constant 3 : i32
    %rem3A_227 = arith.remsi %rem3A_225, %rem3A_226 : i32
    %rem3A_228 = arith.constant 124 : i32
    %rem3A_229 = arith.constant 5 : i32
    %rem3A_230 = arith.remsi %rem3A_228, %rem3A_229 : i32
    %dma_wait3A_231 = arith.constant 0 : i32
    %dma_wait3A_232 = arith.constant 0 : i32
    %dma_wait3A_233 = tpu.memref_slice %arg7[%rem3A_227, %dma_wait3A_231, %dma_wait3A_232] : memref<3x80x128xf32, #tpu.memory_space<vmem>> -> memref<1x80x128xf32, #tpu.memory_space<vmem>>
    %dma_wait3A_234 = tpu.memref_squeeze %dma_wait3A_233 : memref<1x80x128xf32, #tpu.memory_space<vmem>> -> memref<80x128xf32, #tpu.memory_space<vmem>>
    %dma_wait3A_235 = arith.constant 0 : i32
    %dma_wait3A_236 = tpu.memref_slice %arg9[%rem3A_230, %dma_wait3A_235] : memref<5x80xi32, #tpu.memory_space<vmem>> -> memref<1x80xi32, #tpu.memory_space<vmem>>
    %dma_wait3A_237 = tpu.memref_squeeze %dma_wait3A_236 : memref<1x80xi32, #tpu.memory_space<vmem>> -> memref<80xi32, #tpu.memory_space<vmem>>
    %dma_wait3A_238 = arith.constant 0 : i32
    %dma_wait3A_239 = arith.constant 0 : i32
    %dma_wait3A_240 = tpu.memref_slice %arg11[%dma_wait3A_238, %dma_wait3A_239] : memref<10000x128xf32, #tpu.memory_space<vmem_shared>> -> memref<10000x128xf32, #tpu.memory_space<vmem_shared>>
    tpu.wait_indirect_dma semaphore(%arg16 : memref<!tpu.dma_semaphore, #tpu.memory_space<semaphore_mem>>) src(%dma_wait3A_234 : memref<80x128xf32, #tpu.memory_space<vmem>>) dst(%dma_wait3A_240 : memref<10000x128xf32, #tpu.memory_space<vmem_shared>>)
    %barrier3A_241 = arith.constant 0 : index
    tpu.barrier barrier_id(%barrier3A_241)
    %mul3A_242 = arith.constant 625 : i32
    %mul3A_243 = arith.muli %arg1, %mul3A_242 : i32
    %mul3A_244 = arith.constant 625 : i32
    %mul3A_245 = arith.muli %arg1, %mul3A_244 : i32
    "tpu.region"() ({
      %run_scoped3A_246 = tpu.sem_alloc : memref<!tpu.dma_semaphore, #tpu.memory_space<semaphore_mem>>
      %dma_start3A_247 = arith.constant 0 : i32
      %dma_start3A_248 = arith.constant 0 : i32
      %dma_start3A_249 = tpu.memref_slice %arg6[%arg0, %dma_start3A_247, %dma_start3A_248] : memref<2x10000x128xf32, #tpu.memory_space<hbm>> -> memref<1x10000x128xf32, #tpu.memory_space<hbm>>
      %dma_start3A_250 = tpu.memref_squeeze %dma_start3A_249 : memref<1x10000x128xf32, #tpu.memory_space<hbm>> -> memref<10000x128xf32, #tpu.memory_space<hbm>>
      %dma_start3A_251 = arith.constant 0 : i32
      %dma_start3A_252 = tpu.memref_slice %dma_start3A_250[%mul3A_245, %dma_start3A_251] : memref<10000x128xf32, #tpu.memory_space<hbm>> -> memref<625x128xf32, #tpu.memory_space<hbm>>
      %dma_start3A_253 = arith.constant 0 : i32
      %dma_start3A_254 = tpu.memref_slice %arg11[%mul3A_243, %dma_start3A_253] : memref<10000x128xf32, #tpu.memory_space<vmem_shared>> -> memref<625x128xf32, #tpu.memory_space<vmem_shared>>
      tpu.enqueue_dma source(%dma_start3A_254 : memref<625x128xf32, #tpu.memory_space<vmem_shared>>) target(%dma_start3A_252 : memref<625x128xf32, #tpu.memory_space<hbm>>) target_semaphore(%run_scoped3A_246 : memref<!tpu.dma_semaphore, #tpu.memory_space<semaphore_mem>>)
      %dma_wait3A_255 = arith.constant 0 : i32
      %dma_wait3A_256 = arith.constant 0 : i32
      %dma_wait3A_257 = tpu.memref_slice %arg6[%arg0, %dma_wait3A_255, %dma_wait3A_256] : memref<2x10000x128xf32, #tpu.memory_space<hbm>> -> memref<1x10000x128xf32, #tpu.memory_space<hbm>>
      %dma_wait3A_258 = tpu.memref_squeeze %dma_wait3A_257 : memref<1x10000x128xf32, #tpu.memory_space<hbm>> -> memref<10000x128xf32, #tpu.memory_space<hbm>>
      %dma_wait3A_259 = arith.constant 0 : i32
      %dma_wait3A_260 = tpu.memref_slice %dma_wait3A_258[%mul3A_245, %dma_wait3A_259] : memref<10000x128xf32, #tpu.memory_space<hbm>> -> memref<625x128xf32, #tpu.memory_space<hbm>>
      %dma_wait3A_261 = arith.constant 0 : i32
      %dma_wait3A_262 = tpu.memref_slice %arg11[%mul3A_243, %dma_wait3A_261] : memref<10000x128xf32, #tpu.memory_space<vmem_shared>> -> memref<625x128xf32, #tpu.memory_space<vmem_shared>>
      tpu.wait_dma2 semaphore(%run_scoped3A_246 : memref<!tpu.dma_semaphore, #tpu.memory_space<semaphore_mem>>) src(%dma_wait3A_262 : memref<625x128xf32, #tpu.memory_space<vmem_shared>>) dst(%dma_wait3A_260 : memref<625x128xf32, #tpu.memory_space<hbm>>)
      tpu.yield
    }) : () -> ()
    return
  }
}

module attributes {stable_mosaic.version = 14 : i64} {
  func.func @_node_kernel(%arg0: i32, %arg1: memref<1000x256xf32, #tpu.memory_space<vmem>>, %arg2: memref<1000x256xf32, #tpu.memory_space<vmem>>, %arg3: memref<256x256xf32, #tpu.memory_space<vmem>>, %arg4: memref<1x256xf32, #tpu.memory_space<vmem>>, %arg5: memref<256x256xf32, #tpu.memory_space<vmem>>, %arg6: memref<1x256xf32, #tpu.memory_space<vmem>>, %arg7: memref<256x256xf32, #tpu.memory_space<vmem>>, %arg8: memref<256x1xf32, #tpu.memory_space<vmem>>, %arg9: memref<256x1xf32, #tpu.memory_space<vmem>>, %arg10: memref<16x256xf32, #tpu.memory_space<vmem>>, %arg11: memref<1x256xf32, #tpu.memory_space<vmem>>, %arg12: memref<1x256xf32, #tpu.memory_space<vmem>>, %arg13: memref<512x256xf32, #tpu.memory_space<vmem>>, %arg14: memref<1000x1xf32, #tpu.memory_space<vmem>>, %arg15: memref<1000x1xf32, #tpu.memory_space<vmem>>, %arg16: memref<2x1000x128xf32, #tpu.memory_space<vmem>>, %arg17: memref<16x256xf32, #tpu.memory_space<vmem>>, %arg18: memref<1x256xf32, #tpu.memory_space<vmem>>) attributes {dimension_semantics = [#tpu.dimension_semantics<arbitrary>], iteration_bounds = array<i64: 10>, scalar_prefetch = 0 : i64, scratch_operands = 0 : i64, tpu.core_type = #tpu.core_type<tc>, window_params = [{transform_indices = @transform_0, window_bounds = array<i64: 1000, 256>}, {transform_indices = @transform_1, window_bounds = array<i64: 1000, 256>}, {pipeline_mode = #tpu.pipeline_mode<synchronous>, transform_indices = @transform_2, window_bounds = array<i64: 256, 256>}, {pipeline_mode = #tpu.pipeline_mode<synchronous>, transform_indices = @transform_3, window_bounds = array<i64: 1, 256>}, {pipeline_mode = #tpu.pipeline_mode<synchronous>, transform_indices = @transform_4, window_bounds = array<i64: 256, 256>}, {pipeline_mode = #tpu.pipeline_mode<synchronous>, transform_indices = @transform_5, window_bounds = array<i64: 1, 256>}, {pipeline_mode = #tpu.pipeline_mode<synchronous>, transform_indices = @transform_6, window_bounds = array<i64: 256, 256>}, {pipeline_mode = #tpu.pipeline_mode<synchronous>, transform_indices = @transform_7, window_bounds = array<i64: 256, 1>}, {pipeline_mode = #tpu.pipeline_mode<synchronous>, transform_indices = @transform_8, window_bounds = array<i64: 256, 1>}, {pipeline_mode = #tpu.pipeline_mode<synchronous>, transform_indices = @transform_9, window_bounds = array<i64: 16, 256>}, {pipeline_mode = #tpu.pipeline_mode<synchronous>, transform_indices = @transform_10, window_bounds = array<i64: 1, 256>}, {pipeline_mode = #tpu.pipeline_mode<synchronous>, transform_indices = @transform_11, window_bounds = array<i64: 1, 256>}, {pipeline_mode = #tpu.pipeline_mode<synchronous>, transform_indices = @transform_12, window_bounds = array<i64: 512, 256>}, {transform_indices = @transform_13, window_bounds = array<i64: 1000, 1>}, {transform_indices = @transform_14, window_bounds = array<i64: 1000, 1>}, {transform_indices = @transform_15, window_bounds = array<i64: 2, 1000, 128>}, {pipeline_mode = #tpu.pipeline_mode<synchronous>, transform_indices = @transform_16, window_bounds = array<i64: 16, 256>}, {pipeline_mode = #tpu.pipeline_mode<synchronous>, transform_indices = @transform_17, window_bounds = array<i64: 1, 256>}]} {
    %get3A = arith.constant 0 : index
    %get3A_0 = arith.constant 0 : index
    %get3A_1 = vector.load %arg1[%get3A, %get3A_0] : memref<1000x256xf32, #tpu.memory_space<vmem>>, vector<1000x256xf32>
    %get3A_2 = arith.constant 0 : index
    %get3A_3 = arith.constant 0 : index
    %get3A_4 = vector.load %arg3[%get3A_2, %get3A_3] : memref<256x256xf32, #tpu.memory_space<vmem>>, vector<256x256xf32>
    %dot_general3A = arith.constant dense<0.000000e+00> : vector<1000x256xf32>
    %dot_general3A_5 = tpu.matmul %get3A_1, %get3A_4, %dot_general3A {dimension_numbers = #tpu.dot_dimension_numbers<[1], [0], [0], [1], [0, 0, 1, 1], [], []>, transpose_lhs_hint = false} : vector<1000x256xf32>, vector<256x256xf32>, vector<1000x256xf32> -> vector<1000x256xf32>
    %get3A_6 = arith.constant 0 : index
    %get3A_7 = arith.constant 0 : index
    %get3A_8 = vector.load %arg4[%get3A_6, %get3A_7] : memref<1x256xf32, #tpu.memory_space<vmem>>, vector<1x256xf32>
    %add3A = vector.broadcast %get3A_8 : vector<1x256xf32> to vector<1000x256xf32>
    %add3A_9 = arith.addf %dot_general3A_5, %add3A : vector<1000x256xf32>
    %tanh3A = math.tanh %add3A_9 : vector<1000x256xf32>
    %get3A_10 = arith.constant 0 : index
    %get3A_11 = arith.constant 0 : index
    %get3A_12 = vector.load %arg8[%get3A_10, %get3A_11] : memref<256x1xf32, #tpu.memory_space<vmem>>, vector<256x1xf32>
    %dot_general3A_13 = arith.constant dense<0.000000e+00> : vector<1000x1xf32>
    %dot_general3A_14 = tpu.matmul %tanh3A, %get3A_12, %dot_general3A_13 {dimension_numbers = #tpu.dot_dimension_numbers<[1], [0], [0], [1], [0, 0, 1, 1], [], []>, transpose_lhs_hint = false} : vector<1000x256xf32>, vector<256x1xf32>, vector<1000x1xf32> -> vector<1000x1xf32>
    %swap3A = arith.constant 0 : index
    %swap3A_15 = arith.constant 0 : index
    %swap3A_16 = vector.load %arg14[%swap3A, %swap3A_15] : memref<1000x1xf32, #tpu.memory_space<vmem>>, vector<1000x1xf32>
    tpu.vector_store %arg14[%swap3A, %swap3A_15], %dot_general3A_14 {strides = array<i32>} : memref<1000x1xf32, #tpu.memory_space<vmem>>, vector<1000x1xf32>,
    %get3A_17 = arith.constant 0 : index
    %get3A_18 = arith.constant 0 : index
    %get3A_19 = vector.load %arg7[%get3A_17, %get3A_18] : memref<256x256xf32, #tpu.memory_space<vmem>>, vector<256x256xf32>
    %dot_general3A_20 = arith.constant dense<0.000000e+00> : vector<1000x256xf32>
    %dot_general3A_21 = tpu.matmul %add3A_9, %get3A_19, %dot_general3A_20 {dimension_numbers = #tpu.dot_dimension_numbers<[1], [0], [0], [1], [0, 0, 1, 1], [], []>, transpose_lhs_hint = false} : vector<1000x256xf32>, vector<256x256xf32>, vector<1000x256xf32> -> vector<1000x256xf32>
    %slice3A = vector.extract_strided_slice %dot_general3A_21 {offsets = [0, 0], sizes = [1000, 128], strides = [1, 1]} : vector<1000x256xf32> to vector<1000x128xf32>
    %swap3A_22 = arith.constant 0 : index
    %swap3A_23 = arith.constant 0 : index
    %swap3A_24 = arith.constant 0 : index
    %swap3A_25 = vector.load %arg16[%swap3A_22, %swap3A_23, %swap3A_24] : memref<2x1000x128xf32, #tpu.memory_space<vmem>>, vector<1x1000x128xf32>
    %swap3A_26 = vector.shape_cast %swap3A_25 : vector<1x1000x128xf32> to vector<1000x128xf32>
    %swap3A_27 = vector.shape_cast %slice3A : vector<1000x128xf32> to vector<1x1000x128xf32>
    tpu.vector_store %arg16[%swap3A_22, %swap3A_23, %swap3A_24], %swap3A_27 {strides = array<i32>} : memref<2x1000x128xf32, #tpu.memory_space<vmem>>, vector<1x1000x128xf32>,
    %slice3A_28 = vector.extract_strided_slice %dot_general3A_21 {offsets = [0, 128], sizes = [1000, 128], strides = [1, 1]} : vector<1000x256xf32> to vector<1000x128xf32>
    %swap3A_29 = arith.constant 1 : index
    %swap3A_30 = arith.constant 0 : index
    %swap3A_31 = arith.constant 0 : index
    %swap3A_32 = vector.load %arg16[%swap3A_29, %swap3A_30, %swap3A_31] : memref<2x1000x128xf32, #tpu.memory_space<vmem>>, vector<1x1000x128xf32>
    %swap3A_33 = vector.shape_cast %swap3A_32 : vector<1x1000x128xf32> to vector<1000x128xf32>
    %swap3A_34 = vector.shape_cast %slice3A_28 : vector<1000x128xf32> to vector<1x1000x128xf32>
    tpu.vector_store %arg16[%swap3A_29, %swap3A_30, %swap3A_31], %swap3A_34 {strides = array<i32>} : memref<2x1000x128xf32, #tpu.memory_space<vmem>>, vector<1x1000x128xf32>,
    %get3A_35 = arith.constant 0 : index
    %get3A_36 = arith.constant 0 : index
    %get3A_37 = vector.load %arg2[%get3A_35, %get3A_36] : memref<1000x256xf32, #tpu.memory_space<vmem>>, vector<1000x256xf32>
    %get3A_38 = arith.constant 0 : index
    %get3A_39 = arith.constant 0 : index
    %get3A_40 = vector.load %arg5[%get3A_38, %get3A_39] : memref<256x256xf32, #tpu.memory_space<vmem>>, vector<256x256xf32>
    %dot_general3A_41 = arith.constant dense<0.000000e+00> : vector<1000x256xf32>
    %dot_general3A_42 = tpu.matmul %get3A_37, %get3A_40, %dot_general3A_41 {dimension_numbers = #tpu.dot_dimension_numbers<[1], [0], [0], [1], [0, 0, 1, 1], [], []>, transpose_lhs_hint = false} : vector<1000x256xf32>, vector<256x256xf32>, vector<1000x256xf32> -> vector<1000x256xf32>
    %get3A_43 = arith.constant 0 : index
    %get3A_44 = arith.constant 0 : index
    %get3A_45 = vector.load %arg6[%get3A_43, %get3A_44] : memref<1x256xf32, #tpu.memory_space<vmem>>, vector<1x256xf32>
    %add3A_46 = vector.broadcast %get3A_45 : vector<1x256xf32> to vector<1000x256xf32>
    %add3A_47 = arith.addf %dot_general3A_42, %add3A_46 : vector<1000x256xf32>
    %tanh3A_48 = math.tanh %add3A_47 : vector<1000x256xf32>
    %get3A_49 = arith.constant 0 : index
    %get3A_50 = arith.constant 0 : index
    %get3A_51 = vector.load %arg9[%get3A_49, %get3A_50] : memref<256x1xf32, #tpu.memory_space<vmem>>, vector<256x1xf32>
    %dot_general3A_52 = arith.constant dense<0.000000e+00> : vector<1000x1xf32>
    %dot_general3A_53 = tpu.matmul %tanh3A_48, %get3A_51, %dot_general3A_52 {dimension_numbers = #tpu.dot_dimension_numbers<[1], [0], [0], [1], [0, 0, 1, 1], [], []>, transpose_lhs_hint = false} : vector<1000x256xf32>, vector<256x1xf32>, vector<1000x1xf32> -> vector<1000x1xf32>
    %swap3A_54 = arith.constant 0 : index
    %swap3A_55 = arith.constant 0 : index
    %swap3A_56 = vector.load %arg15[%swap3A_54, %swap3A_55] : memref<1000x1xf32, #tpu.memory_space<vmem>>, vector<1000x1xf32>
    tpu.vector_store %arg15[%swap3A_54, %swap3A_55], %dot_general3A_53 {strides = array<i32>} : memref<1000x1xf32, #tpu.memory_space<vmem>>, vector<1000x1xf32>,
    %eq3A = arith.constant 0 : i32
    %eq3A_57 = arith.cmpi eq, %arg0, %eq3A : i32
    %convert_element_type3A = arith.extui %eq3A_57 : i1 to i32
    %cond3A = arith.constant 0 : i32
    %cond3A_58 = arith.cmpi ne, %convert_element_type3A, %cond3A : i32
    scf.if %cond3A_58 {
      %get3A_59 = arith.constant 256 : index
      %get3A_60 = arith.constant 0 : index
      %get3A_61 = vector.load %arg13[%get3A_59, %get3A_60] : memref<512x256xf32, #tpu.memory_space<vmem>>, vector<256x256xf32>
      %get3A_62 = arith.constant 0 : index
      %get3A_63 = arith.constant 0 : index
      %get3A_64 = vector.load %arg10[%get3A_62, %get3A_63] : memref<16x256xf32, #tpu.memory_space<vmem>>, vector<16x256xf32>
      %get3A_65 = arith.constant 0 : index
      %get3A_66 = arith.constant 0 : index
      %get3A_67 = vector.load %arg7[%get3A_65, %get3A_66] : memref<256x256xf32, #tpu.memory_space<vmem>>, vector<256x256xf32>
      %dot_general3A_68 = arith.constant dense<0.000000e+00> : vector<16x256xf32>
      %dot_general3A_69 = tpu.matmul %get3A_64, %get3A_67, %dot_general3A_68 {dimension_numbers = #tpu.dot_dimension_numbers<[1], [0], [0], [1], [0, 0, 1, 1], [], []>, transpose_lhs_hint = false} : vector<16x256xf32>, vector<256x256xf32>, vector<16x256xf32> -> vector<16x256xf32>
      %dot_general3A_70 = arith.constant dense<0.000000e+00> : vector<16x256xf32>
      %dot_general3A_71 = tpu.matmul %dot_general3A_69, %get3A_61, %dot_general3A_70 {dimension_numbers = #tpu.dot_dimension_numbers<[1], [0], [0], [1], [0, 0, 1, 1], [], []>, transpose_lhs_hint = false} : vector<16x256xf32>, vector<256x256xf32>, vector<16x256xf32> -> vector<16x256xf32>
      %swap3A_72 = arith.constant 0 : index
      %swap3A_73 = arith.constant 0 : index
      %swap3A_74 = vector.load %arg17[%swap3A_72, %swap3A_73] : memref<16x256xf32, #tpu.memory_space<vmem>>, vector<16x256xf32>
      tpu.vector_store %arg17[%swap3A_72, %swap3A_73], %dot_general3A_71 {strides = array<i32>} : memref<16x256xf32, #tpu.memory_space<vmem>>, vector<16x256xf32>,
      %get3A_75 = arith.constant 0 : index
      %get3A_76 = arith.constant 0 : index
      %get3A_77 = vector.load %arg11[%get3A_75, %get3A_76] : memref<1x256xf32, #tpu.memory_space<vmem>>, vector<1x256xf32>
      %get3A_78 = arith.constant 0 : index
      %get3A_79 = arith.constant 0 : index
      %get3A_80 = vector.load %arg7[%get3A_78, %get3A_79] : memref<256x256xf32, #tpu.memory_space<vmem>>, vector<256x256xf32>
      %dot_general3A_81 = arith.constant dense<0.000000e+00> : vector<1x256xf32>
      %dot_general3A_82 = tpu.matmul %get3A_77, %get3A_80, %dot_general3A_81 {dimension_numbers = #tpu.dot_dimension_numbers<[1], [0], [0], [1], [0, 0, 1, 1], [], []>, transpose_lhs_hint = false} : vector<1x256xf32>, vector<256x256xf32>, vector<1x256xf32> -> vector<1x256xf32>
      %get3A_83 = arith.constant 0 : index
      %get3A_84 = arith.constant 0 : index
      %get3A_85 = vector.load %arg12[%get3A_83, %get3A_84] : memref<1x256xf32, #tpu.memory_space<vmem>>, vector<1x256xf32>
      %add3A_86 = arith.addf %dot_general3A_82, %get3A_85 : vector<1x256xf32>
      %dot_general3A_87 = arith.constant dense<0.000000e+00> : vector<1x256xf32>
      %dot_general3A_88 = tpu.matmul %add3A_86, %get3A_61, %dot_general3A_87 {dimension_numbers = #tpu.dot_dimension_numbers<[1], [0], [0], [1], [0, 0, 1, 1], [], []>, transpose_lhs_hint = false} : vector<1x256xf32>, vector<256x256xf32>, vector<1x256xf32> -> vector<1x256xf32>
      %swap3A_89 = arith.constant 0 : index
      %swap3A_90 = arith.constant 0 : index
      %swap3A_91 = vector.load %arg18[%swap3A_89, %swap3A_90] : memref<1x256xf32, #tpu.memory_space<vmem>>, vector<1x256xf32>
      tpu.vector_store %arg18[%swap3A_89, %swap3A_90], %dot_general3A_88 {strides = array<i32>} : memref<1x256xf32, #tpu.memory_space<vmem>>, vector<1x256xf32>,
    } else {
    }
    return
  }
  func.func @transform_0(%arg0: i32) -> (i32, i32) {
    %c0_i32 = arith.constant 0 : i32
    %c0_i32_0 = arith.constant 0 : i32
    return %arg0, %c0_i32 : i32, i32
  }
  func.func @transform_1(%arg0: i32) -> (i32, i32) {
    %c0_i32 = arith.constant 0 : i32
    %c0_i32_0 = arith.constant 0 : i32
    return %arg0, %c0_i32 : i32, i32
  }
  func.func @transform_2(%arg0: i32) -> (i32, i32) {
    %c0_i32 = arith.constant 0 : i32
    %c0_i32_0 = arith.constant 0 : i32
    %c0_i32_1 = arith.constant 0 : i32
    return %c0_i32, %c0_i32_0 : i32, i32
  }
  func.func @transform_3(%arg0: i32) -> (i32, i32) {
    %c0_i32 = arith.constant 0 : i32
    %c0_i32_0 = arith.constant 0 : i32
    %c0_i32_1 = arith.constant 0 : i32
    return %c0_i32, %c0_i32_0 : i32, i32
  }
  func.func @transform_4(%arg0: i32) -> (i32, i32) {
    %c0_i32 = arith.constant 0 : i32
    %c0_i32_0 = arith.constant 0 : i32
    %c0_i32_1 = arith.constant 0 : i32
    return %c0_i32, %c0_i32_0 : i32, i32
  }
  func.func @transform_5(%arg0: i32) -> (i32, i32) {
    %c0_i32 = arith.constant 0 : i32
    %c0_i32_0 = arith.constant 0 : i32
    %c0_i32_1 = arith.constant 0 : i32
    return %c0_i32, %c0_i32_0 : i32, i32
  }
  func.func @transform_6(%arg0: i32) -> (i32, i32) {
    %c0_i32 = arith.constant 0 : i32
    %c0_i32_0 = arith.constant 0 : i32
    %c0_i32_1 = arith.constant 0 : i32
    return %c0_i32, %c0_i32_0 : i32, i32
  }
  func.func @transform_7(%arg0: i32) -> (i32, i32) {
    %c0_i32 = arith.constant 0 : i32
    %c0_i32_0 = arith.constant 0 : i32
    %c0_i32_1 = arith.constant 0 : i32
    return %c0_i32, %c0_i32_0 : i32, i32
  }
  func.func @transform_8(%arg0: i32) -> (i32, i32) {
    %c0_i32 = arith.constant 0 : i32
    %c0_i32_0 = arith.constant 0 : i32
    %c0_i32_1 = arith.constant 0 : i32
    return %c0_i32, %c0_i32_0 : i32, i32
  }
  func.func @transform_9(%arg0: i32) -> (i32, i32) {
    %c0_i32 = arith.constant 0 : i32
    %c0_i32_0 = arith.constant 0 : i32
    %c0_i32_1 = arith.constant 0 : i32
    return %c0_i32, %c0_i32_0 : i32, i32
  }
  func.func @transform_10(%arg0: i32) -> (i32, i32) {
    %c0_i32 = arith.constant 0 : i32
    %c0_i32_0 = arith.constant 0 : i32
    %c0_i32_1 = arith.constant 0 : i32
    return %c0_i32, %c0_i32_0 : i32, i32
  }
  func.func @transform_11(%arg0: i32) -> (i32, i32) {
    %c0_i32 = arith.constant 0 : i32
    %c0_i32_0 = arith.constant 0 : i32
    %c0_i32_1 = arith.constant 0 : i32
    return %c0_i32, %c0_i32_0 : i32, i32
  }
  func.func @transform_12(%arg0: i32) -> (i32, i32) {
    %c0_i32 = arith.constant 0 : i32
    %c0_i32_0 = arith.constant 0 : i32
    %c0_i32_1 = arith.constant 0 : i32
    return %c0_i32, %c0_i32_0 : i32, i32
  }
  func.func @transform_13(%arg0: i32) -> (i32, i32) {
    %c0_i32 = arith.constant 0 : i32
    %c0_i32_0 = arith.constant 0 : i32
    return %arg0, %c0_i32 : i32, i32
  }
  func.func @transform_14(%arg0: i32) -> (i32, i32) {
    %c0_i32 = arith.constant 0 : i32
    %c0_i32_0 = arith.constant 0 : i32
    return %arg0, %c0_i32 : i32, i32
  }
  func.func @transform_15(%arg0: i32) -> (i32, i32, i32) {
    %c0_i32 = arith.constant 0 : i32
    %c0_i32_0 = arith.constant 0 : i32
    %c0_i32_1 = arith.constant 0 : i32
    return %c0_i32, %arg0, %c0_i32_0 : i32, i32, i32
  }
  func.func @transform_16(%arg0: i32) -> (i32, i32) {
    %c0_i32 = arith.constant 0 : i32
    %c0_i32_0 = arith.constant 0 : i32
    %c0_i32_1 = arith.constant 0 : i32
    return %c0_i32, %c0_i32_0 : i32, i32
  }
  func.func @transform_17(%arg0: i32) -> (i32, i32) {
    %c0_i32 = arith.constant 0 : i32
    %c0_i32_0 = arith.constant 0 : i32
    %c0_i32_1 = arith.constant 0 : i32
    return %c0_i32, %c0_i32_0 : i32, i32
  }
}

module attributes {stable_mosaic.version = 14 : i64} {
  func.func @_edge_kernel(%arg0: i32, %arg1: memref<2000x16xf32, #tpu.memory_space<vmem>>, %arg2: memref<16x256xf32, #tpu.memory_space<vmem>>, %arg3: memref<1x256xf32, #tpu.memory_space<vmem>>, %arg4: memref<256x1xf32, #tpu.memory_space<vmem>>, %arg5: memref<1x1xf32, #tpu.memory_space<vmem>>, %arg6: memref<2000x1xf32, #tpu.memory_space<vmem>>) attributes {dimension_semantics = [#tpu.dimension_semantics<arbitrary>], iteration_bounds = array<i64: 80>, scalar_prefetch = 0 : i64, scratch_operands = 0 : i64, tpu.core_type = #tpu.core_type<tc>, window_params = [{transform_indices = @transform_0, window_bounds = array<i64: 2000, 16>}, {pipeline_mode = #tpu.pipeline_mode<synchronous>, transform_indices = @transform_1, window_bounds = array<i64: 16, 256>}, {pipeline_mode = #tpu.pipeline_mode<synchronous>, transform_indices = @transform_2, window_bounds = array<i64: 1, 256>}, {pipeline_mode = #tpu.pipeline_mode<synchronous>, transform_indices = @transform_3, window_bounds = array<i64: 256, 1>}, {pipeline_mode = #tpu.pipeline_mode<synchronous>, transform_indices = @transform_4, window_bounds = array<i64: 1, 1>}, {transform_indices = @transform_5, window_bounds = array<i64: 2000, 1>}]} {
    %get3A = arith.constant 0 : index
    %get3A_0 = arith.constant 0 : index
    %get3A_1 = vector.load %arg1[%get3A, %get3A_0] : memref<2000x16xf32, #tpu.memory_space<vmem>>, vector<2000x16xf32>
    %get3A_2 = arith.constant 0 : index
    %get3A_3 = arith.constant 0 : index
    %get3A_4 = vector.load %arg2[%get3A_2, %get3A_3] : memref<16x256xf32, #tpu.memory_space<vmem>>, vector<16x256xf32>
    %dot_general3A = arith.constant dense<0.000000e+00> : vector<2000x256xf32>
    %dot_general3A_5 = tpu.matmul %get3A_1, %get3A_4, %dot_general3A {dimension_numbers = #tpu.dot_dimension_numbers<[1], [0], [0], [1], [0, 0, 1, 1], [], []>, transpose_lhs_hint = false} : vector<2000x16xf32>, vector<16x256xf32>, vector<2000x256xf32> -> vector<2000x256xf32>
    %get3A_6 = arith.constant 0 : index
    %get3A_7 = arith.constant 0 : index
    %get3A_8 = vector.load %arg3[%get3A_6, %get3A_7] : memref<1x256xf32, #tpu.memory_space<vmem>>, vector<1x256xf32>
    %add3A = vector.broadcast %get3A_8 : vector<1x256xf32> to vector<2000x256xf32>
    %add3A_9 = arith.addf %dot_general3A_5, %add3A : vector<2000x256xf32>
    %tanh3A = math.tanh %add3A_9 : vector<2000x256xf32>
    %get3A_10 = arith.constant 0 : index
    %get3A_11 = arith.constant 0 : index
    %get3A_12 = vector.load %arg4[%get3A_10, %get3A_11] : memref<256x1xf32, #tpu.memory_space<vmem>>, vector<256x1xf32>
    %dot_general3A_13 = arith.constant dense<0.000000e+00> : vector<2000x1xf32>
    %dot_general3A_14 = tpu.matmul %tanh3A, %get3A_12, %dot_general3A_13 {dimension_numbers = #tpu.dot_dimension_numbers<[1], [0], [0], [1], [0, 0, 1, 1], [], []>, transpose_lhs_hint = false} : vector<2000x256xf32>, vector<256x1xf32>, vector<2000x1xf32> -> vector<2000x1xf32>
    %get3A_15 = arith.constant 0 : index
    %get3A_16 = arith.constant 0 : index
    %get3A_17 = vector.load %arg5[%get3A_15, %get3A_16] : memref<1x1xf32, #tpu.memory_space<vmem>>, vector<1x1xf32>
    %add3A_18 = vector.broadcast %get3A_17 : vector<1x1xf32> to vector<2000x1xf32>
    %add3A_19 = arith.addf %dot_general3A_14, %add3A_18 : vector<2000x1xf32>
    %swap3A = arith.constant 0 : index
    %swap3A_20 = arith.constant 0 : index
    %swap3A_21 = vector.load %arg6[%swap3A, %swap3A_20] : memref<2000x1xf32, #tpu.memory_space<vmem>>, vector<2000x1xf32>
    tpu.vector_store %arg6[%swap3A, %swap3A_20], %add3A_19 {strides = array<i32>} : memref<2000x1xf32, #tpu.memory_space<vmem>>, vector<2000x1xf32>,
    return
  }
  func.func @transform_0(%arg0: i32) -> (i32, i32) {
    %c0_i32 = arith.constant 0 : i32
    %c0_i32_0 = arith.constant 0 : i32
    return %arg0, %c0_i32 : i32, i32
  }
  func.func @transform_1(%arg0: i32) -> (i32, i32) {
    %c0_i32 = arith.constant 0 : i32
    %c0_i32_0 = arith.constant 0 : i32
    %c0_i32_1 = arith.constant 0 : i32
    return %c0_i32, %c0_i32_0 : i32, i32
  }
  func.func @transform_2(%arg0: i32) -> (i32, i32) {
    %c0_i32 = arith.constant 0 : i32
    %c0_i32_0 = arith.constant 0 : i32
    %c0_i32_1 = arith.constant 0 : i32
    return %c0_i32, %c0_i32_0 : i32, i32
  }
  func.func @transform_3(%arg0: i32) -> (i32, i32) {
    %c0_i32 = arith.constant 0 : i32
    %c0_i32_0 = arith.constant 0 : i32
    %c0_i32_1 = arith.constant 0 : i32
    return %c0_i32, %c0_i32_0 : i32, i32
  }
  func.func @transform_4(%arg0: i32) -> (i32, i32) {
    %c0_i32 = arith.constant 0 : i32
    %c0_i32_0 = arith.constant 0 : i32
    %c0_i32_1 = arith.constant 0 : i32
    return %c0_i32, %c0_i32_0 : i32, i32
  }
  func.func @transform_5(%arg0: i32) -> (i32, i32) {
    %c0_i32 = arith.constant 0 : i32
    %c0_i32_0 = arith.constant 0 : i32
    return %arg0, %c0_i32 : i32, i32
  }
}

module attributes {stable_mosaic.version = 14 : i64} {
  func.func @_out_kernel(%arg0: i32, %arg1: memref<1000x256xf32, #tpu.memory_space<vmem>>, %arg2: memref<2x1000x128xf32, #tpu.memory_space<vmem>>, %arg3: memref<2x1000x32xf32, #tpu.memory_space<vmem>>, %arg4: memref<512x256xf32, #tpu.memory_space<vmem>>, %arg5: memref<16x256xf32, #tpu.memory_space<vmem>>, %arg6: memref<1x256xf32, #tpu.memory_space<vmem>>, %arg7: memref<1x256xf32, #tpu.memory_space<vmem>>, %arg8: memref<1x256xf32, #tpu.memory_space<vmem>>, %arg9: memref<1x256xf32, #tpu.memory_space<vmem>>, %arg10: memref<1000x256xf32, #tpu.memory_space<vmem>>) attributes {dimension_semantics = [#tpu.dimension_semantics<arbitrary>], iteration_bounds = array<i64: 10>, scalar_prefetch = 0 : i64, scratch_operands = 0 : i64, tpu.core_type = #tpu.core_type<tc>, window_params = [{transform_indices = @transform_0, window_bounds = array<i64: 1000, 256>}, {transform_indices = @transform_1, window_bounds = array<i64: 2, 1000, 128>}, {transform_indices = @transform_2, window_bounds = array<i64: 2, 1000, 32>}, {pipeline_mode = #tpu.pipeline_mode<synchronous>, transform_indices = @transform_3, window_bounds = array<i64: 512, 256>}, {pipeline_mode = #tpu.pipeline_mode<synchronous>, transform_indices = @transform_4, window_bounds = array<i64: 16, 256>}, {pipeline_mode = #tpu.pipeline_mode<synchronous>, transform_indices = @transform_5, window_bounds = array<i64: 1, 256>}, {pipeline_mode = #tpu.pipeline_mode<synchronous>, transform_indices = @transform_6, window_bounds = array<i64: 1, 256>}, {pipeline_mode = #tpu.pipeline_mode<synchronous>, transform_indices = @transform_7, window_bounds = array<i64: 1, 256>}, {pipeline_mode = #tpu.pipeline_mode<synchronous>, transform_indices = @transform_8, window_bounds = array<i64: 1, 256>}, {transform_indices = @transform_9, window_bounds = array<i64: 1000, 256>}]} {
    %get3A = arith.constant 0 : index
    %get3A_0 = arith.constant 0 : index
    %get3A_1 = vector.load %arg4[%get3A, %get3A_0] : memref<512x256xf32, #tpu.memory_space<vmem>>, vector<512x256xf32>
    %get3A_2 = arith.constant 0 : index
    %get3A_3 = arith.constant 0 : index
    %get3A_4 = arith.constant 0 : index
    %get3A_5 = vector.load %arg2[%get3A_2, %get3A_3, %get3A_4] : memref<2x1000x128xf32, #tpu.memory_space<vmem>>, vector<1x1000x128xf32>
    %get3A_6 = vector.shape_cast %get3A_5 : vector<1x1000x128xf32> to vector<1000x128xf32>
    %get3A_7 = arith.constant 1 : index
    %get3A_8 = arith.constant 0 : index
    %get3A_9 = arith.constant 0 : index
    %get3A_10 = vector.load %arg2[%get3A_7, %get3A_8, %get3A_9] : memref<2x1000x128xf32, #tpu.memory_space<vmem>>, vector<1x1000x128xf32>
    %get3A_11 = vector.shape_cast %get3A_10 : vector<1x1000x128xf32> to vector<1000x128xf32>
    %get3A_12 = arith.constant 0 : index
    %get3A_13 = arith.constant 0 : index
    %get3A_14 = arith.constant 0 : index
    %get3A_15 = vector.load %arg3[%get3A_12, %get3A_13, %get3A_14] : memref<2x1000x32xf32, #tpu.memory_space<vmem>>, vector<1x1000x32xf32>
    %get3A_16 = vector.shape_cast %get3A_15 : vector<1x1000x32xf32> to vector<1000x32xf32>
    %get3A_17 = arith.constant 1 : index
    %get3A_18 = arith.constant 0 : index
    %get3A_19 = arith.constant 0 : index
    %get3A_20 = vector.load %arg3[%get3A_17, %get3A_18, %get3A_19] : memref<2x1000x32xf32, #tpu.memory_space<vmem>>, vector<1x1000x32xf32>
    %get3A_21 = vector.shape_cast %get3A_20 : vector<1x1000x32xf32> to vector<1000x32xf32>
    %add3A = arith.addf %get3A_16, %get3A_21 : vector<1000x32xf32>
    %get3A_22 = arith.constant 0 : index
    %get3A_23 = arith.constant 0 : index
    %get3A_24 = vector.load %arg1[%get3A_22, %get3A_23] : memref<1000x256xf32, #tpu.memory_space<vmem>>, vector<1000x256xf32>
    %slice3A = vector.extract_strided_slice %get3A_1 {offsets = [0, 0], sizes = [256, 256], strides = [1, 1]} : vector<512x256xf32> to vector<256x256xf32>
    %dot_general3A = arith.constant dense<0.000000e+00> : vector<1000x256xf32>
    %dot_general3A_25 = tpu.matmul %get3A_24, %slice3A, %dot_general3A {dimension_numbers = #tpu.dot_dimension_numbers<[1], [0], [0], [1], [0, 0, 1, 1], [], []>, transpose_lhs_hint = false} : vector<1000x256xf32>, vector<256x256xf32>, vector<1000x256xf32> -> vector<1000x256xf32>
    %slice3A_26 = vector.extract_strided_slice %get3A_1 {offsets = [256, 0], sizes = [128, 256], strides = [1, 1]} : vector<512x256xf32> to vector<128x256xf32>
    %dot_general3A_27 = arith.constant dense<0.000000e+00> : vector<1000x256xf32>
    %dot_general3A_28 = tpu.matmul %get3A_6, %slice3A_26, %dot_general3A_27 {dimension_numbers = #tpu.dot_dimension_numbers<[1], [0], [0], [1], [0, 0, 1, 1], [], []>, transpose_lhs_hint = false} : vector<1000x128xf32>, vector<128x256xf32>, vector<1000x256xf32> -> vector<1000x256xf32>
    %add3A_29 = arith.addf %dot_general3A_25, %dot_general3A_28 : vector<1000x256xf32>
    %slice3A_30 = vector.extract_strided_slice %get3A_1 {offsets = [384, 0], sizes = [128, 256], strides = [1, 1]} : vector<512x256xf32> to vector<128x256xf32>
    %dot_general3A_31 = arith.constant dense<0.000000e+00> : vector<1000x256xf32>
    %dot_general3A_32 = tpu.matmul %get3A_11, %slice3A_30, %dot_general3A_31 {dimension_numbers = #tpu.dot_dimension_numbers<[1], [0], [0], [1], [0, 0, 1, 1], [], []>, transpose_lhs_hint = false} : vector<1000x128xf32>, vector<128x256xf32>, vector<1000x256xf32> -> vector<1000x256xf32>
    %add3A_33 = arith.addf %add3A_29, %dot_general3A_32 : vector<1000x256xf32>
    %slice3A_34 = vector.extract_strided_slice %add3A {offsets = [0, 0], sizes = [1000, 16], strides = [1, 1]} : vector<1000x32xf32> to vector<1000x16xf32>
    %get3A_35 = arith.constant 0 : index
    %get3A_36 = arith.constant 0 : index
    %get3A_37 = vector.load %arg5[%get3A_35, %get3A_36] : memref<16x256xf32, #tpu.memory_space<vmem>>, vector<16x256xf32>
    %dot_general3A_38 = arith.constant dense<0.000000e+00> : vector<1000x256xf32>
    %dot_general3A_39 = tpu.matmul %slice3A_34, %get3A_37, %dot_general3A_38 {dimension_numbers = #tpu.dot_dimension_numbers<[1], [0], [0], [1], [0, 0, 1, 1], [], []>, transpose_lhs_hint = false} : vector<1000x16xf32>, vector<16x256xf32>, vector<1000x256xf32> -> vector<1000x256xf32>
    %add3A_40 = arith.addf %add3A_33, %dot_general3A_39 : vector<1000x256xf32>
    %slice3A_41 = vector.extract_strided_slice %add3A {offsets = [0, 16], sizes = [1000, 1], strides = [1, 1]} : vector<1000x32xf32> to vector<1000x1xf32>
    %get3A_42 = arith.constant 0 : index
    %get3A_43 = arith.constant 0 : index
    %get3A_44 = vector.load %arg6[%get3A_42, %get3A_43] : memref<1x256xf32, #tpu.memory_space<vmem>>, vector<1x256xf32>
    %mul3A = vector.broadcast %slice3A_41 : vector<1000x1xf32> to vector<1000x256xf32>
    %mul3A_45 = vector.broadcast %get3A_44 : vector<1x256xf32> to vector<1000x256xf32>
    %mul3A_46 = arith.mulf %mul3A, %mul3A_45 : vector<1000x256xf32>
    %add3A_47 = arith.addf %add3A_40, %mul3A_46 : vector<1000x256xf32>
    %get3A_48 = arith.constant 0 : index
    %get3A_49 = arith.constant 0 : index
    %get3A_50 = vector.load %arg7[%get3A_48, %get3A_49] : memref<1x256xf32, #tpu.memory_space<vmem>>, vector<1x256xf32>
    %add3A_51 = vector.broadcast %get3A_50 : vector<1x256xf32> to vector<1000x256xf32>
    %add3A_52 = arith.addf %add3A_47, %add3A_51 : vector<1000x256xf32>
    %get3A_53 = arith.constant 0 : index
    %get3A_54 = arith.constant 0 : index
    %get3A_55 = vector.load %arg1[%get3A_53, %get3A_54] : memref<1000x256xf32, #tpu.memory_space<vmem>>, vector<1000x256xf32>
    %add3A_56 = arith.addf %get3A_55, %add3A_52 : vector<1000x256xf32>
    %reduce_sum3A = arith.constant dense<0.000000e+00> : vector<1000xf32>
    %reduce_sum3A_57 = vector.multi_reduction <add>, %add3A_56, %reduce_sum3A [1] : vector<1000x256xf32> to vector<1000xf32>
    %broadcast_in_dim3A = vector.shape_cast %reduce_sum3A_57 : vector<1000xf32> to vector<1000x1xf32>
    %div3A = arith.constant 2.560000e+02 : f32
    %div3A_58 = vector.broadcast %div3A : f32 to vector<1000x1xf32>
    %div3A_59 = arith.divf %broadcast_in_dim3A, %div3A_58 : vector<1000x1xf32>
    %sub3A = vector.broadcast %div3A_59 : vector<1000x1xf32> to vector<1000x256xf32>
    %sub3A_60 = arith.subf %add3A_56, %sub3A : vector<1000x256xf32>
    %mul3A_61 = arith.mulf %sub3A_60, %sub3A_60 : vector<1000x256xf32>
    %reduce_sum3A_62 = arith.constant dense<0.000000e+00> : vector<1000xf32>
    %reduce_sum3A_63 = vector.multi_reduction <add>, %mul3A_61, %reduce_sum3A_62 [1] : vector<1000x256xf32> to vector<1000xf32>
    %broadcast_in_dim3A_64 = vector.shape_cast %reduce_sum3A_63 : vector<1000xf32> to vector<1000x1xf32>
    %div3A_65 = arith.constant 2.560000e+02 : f32
    %div3A_66 = vector.broadcast %div3A_65 : f32 to vector<1000x1xf32>
    %div3A_67 = arith.divf %broadcast_in_dim3A_64, %div3A_66 : vector<1000x1xf32>
    %add3A_68 = arith.constant 9.99999974E-6 : f32
    %add3A_69 = vector.broadcast %add3A_68 : f32 to vector<1000x1xf32>
    %add3A_70 = arith.addf %div3A_67, %add3A_69 : vector<1000x1xf32>
    %rsqrt3A = math.rsqrt %add3A_70 : vector<1000x1xf32>
    %mul3A_71 = vector.broadcast %rsqrt3A : vector<1000x1xf32> to vector<1000x256xf32>
    %mul3A_72 = arith.mulf %sub3A_60, %mul3A_71 : vector<1000x256xf32>
    %get3A_73 = arith.constant 0 : index
    %get3A_74 = arith.constant 0 : index
    %get3A_75 = vector.load %arg8[%get3A_73, %get3A_74] : memref<1x256xf32, #tpu.memory_space<vmem>>, vector<1x256xf32>
    %mul3A_76 = vector.broadcast %get3A_75 : vector<1x256xf32> to vector<1000x256xf32>
    %mul3A_77 = arith.mulf %mul3A_72, %mul3A_76 : vector<1000x256xf32>
    %get3A_78 = arith.constant 0 : index
    %get3A_79 = arith.constant 0 : index
    %get3A_80 = vector.load %arg9[%get3A_78, %get3A_79] : memref<1x256xf32, #tpu.memory_space<vmem>>, vector<1x256xf32>
    %add3A_81 = vector.broadcast %get3A_80 : vector<1x256xf32> to vector<1000x256xf32>
    %add3A_82 = arith.addf %mul3A_77, %add3A_81 : vector<1000x256xf32>
    %swap3A = arith.constant 0 : index
    %swap3A_83 = arith.constant 0 : index
    %swap3A_84 = vector.load %arg10[%swap3A, %swap3A_83] : memref<1000x256xf32, #tpu.memory_space<vmem>>, vector<1000x256xf32>
    tpu.vector_store %arg10[%swap3A, %swap3A_83], %add3A_82 {strides = array<i32>} : memref<1000x256xf32, #tpu.memory_space<vmem>>, vector<1000x256xf32>,
    return
  }
  func.func @transform_0(%arg0: i32) -> (i32, i32) {
    %c0_i32 = arith.constant 0 : i32
    %c0_i32_0 = arith.constant 0 : i32
    return %arg0, %c0_i32 : i32, i32
  }
  func.func @transform_1(%arg0: i32) -> (i32, i32, i32) {
    %c0_i32 = arith.constant 0 : i32
    %c0_i32_0 = arith.constant 0 : i32
    %c0_i32_1 = arith.constant 0 : i32
    return %c0_i32, %arg0, %c0_i32_0 : i32, i32, i32
  }
  func.func @transform_2(%arg0: i32) -> (i32, i32, i32) {
    %c0_i32 = arith.constant 0 : i32
    %c0_i32_0 = arith.constant 0 : i32
    %c0_i32_1 = arith.constant 0 : i32
    return %c0_i32, %arg0, %c0_i32_0 : i32, i32, i32
  }
  func.func @transform_3(%arg0: i32) -> (i32, i32) {
    %c0_i32 = arith.constant 0 : i32
    %c0_i32_0 = arith.constant 0 : i32
    %c0_i32_1 = arith.constant 0 : i32
    return %c0_i32, %c0_i32_0 : i32, i32
  }
  func.func @transform_4(%arg0: i32) -> (i32, i32) {
    %c0_i32 = arith.constant 0 : i32
    %c0_i32_0 = arith.constant 0 : i32
    %c0_i32_1 = arith.constant 0 : i32
    return %c0_i32, %c0_i32_0 : i32, i32
  }
  func.func @transform_5(%arg0: i32) -> (i32, i32) {
    %c0_i32 = arith.constant 0 : i32
    %c0_i32_0 = arith.constant 0 : i32
    %c0_i32_1 = arith.constant 0 : i32
    return %c0_i32, %c0_i32_0 : i32, i32
  }
  func.func @transform_6(%arg0: i32) -> (i32, i32) {
    %c0_i32 = arith.constant 0 : i32
    %c0_i32_0 = arith.constant 0 : i32
    %c0_i32_1 = arith.constant 0 : i32
    return %c0_i32, %c0_i32_0 : i32, i32
  }
  func.func @transform_7(%arg0: i32) -> (i32, i32) {
    %c0_i32 = arith.constant 0 : i32
    %c0_i32_0 = arith.constant 0 : i32
    %c0_i32_1 = arith.constant 0 : i32
    return %c0_i32, %c0_i32_0 : i32, i32
  }
  func.func @transform_8(%arg0: i32) -> (i32, i32) {
    %c0_i32 = arith.constant 0 : i32
    %c0_i32_0 = arith.constant 0 : i32
    %c0_i32_1 = arith.constant 0 : i32
    return %c0_i32, %c0_i32_0 : i32, i32
  }
  func.func @transform_9(%arg0: i32) -> (i32, i32) {
    %c0_i32 = arith.constant 0 : i32
    %c0_i32_0 = arith.constant 0 : i32
    return %arg0, %c0_i32 : i32, i32
  }
}

</mosaic_0001>

<sc_bundles>
// kernel: kernel.10.cloned.1.call-start
scs
__scs_entry_jumppad:
0x0: {  	(pc) =	sbr.rel $0x88, $3  }
0x1: {  	(tag) =	ssettag $0x0;
	lr =	simm.s32 $0x1  }
0x2: {  	[smem:$0x3F8F] =	sst lr;
	_ =	strace $0xD0000000  }
0x3: {  	_ = 	snop  }
0x4: {  	_ = 	snop  }
0x5: {  	_ = 	snop  }
0x6: {  	_ = 	snop  }
0x7: {  	_ = 	snop  }
__scs_overlays_trampoline_lowered:
0x8: {  	[smem:$0x3F9E] =	sst s0  }
0x9: {  	[smem:$0x3F9F] =	sst s1  }
0xa: {  	[smem:$0x3FA0] =	sst s2  }
0xb: {  	[smem:$0x3FA1] =	sst s3  }
0xc: {  	[smem:$0x3FA2] =	sst s4  }
0xd: {  	[smem:$0x3FA3] =	sst s5  }
0xe: {  	[smem:$0x3FA4] =	sst s6  }
0xf: {  	[smem:$0x3FA5] =	sst s7  }
0x10: {  	[smem:$0x3FA6] =	sst s8  }
0x11: {  	[smem:$0x3FA7] =	sst s9;
	s0 =	simm.s32 @!p0 $0x0  }
0x12: {  	s1 =	sld [smem:$0x3F8D];
	s0 =	simm.s32 @p0 $0x1  }
0x13: {  	[smem:$0x3FA8] =	sst s0;
	s0 =	simm.s32 @!p1 $0x0  }
0x14: {  	s2 =	sld [smem:$0x3F8C];
	s0 =	simm.s32 @p1 $0x1  }
0x15: {  	[smem:$0x3FA9] =	sst s0;
	s0 =	simm.s32 @!p2 $0x0  }
0x16: {  	s3 =	sld [smem:$0x3FDB];
	s0 =	simm.s32 @p2 $0x1  }
0x17: {  	s4 =	simm.s32 $0x1BF5;
	[smem:$0x3FAB] =	sst s0  }
0x18: {  	s0 =	sld [smem:$0x3F8E];
	_ =	swait.ge [sflag:s4], $0x0  }
0x19: {  	s7 =	sld [smem:$0x3F8F]  }
0x1a: {  	s8 =	sadd.s32 $0xFFFFE003, lr  }
0x1b: {  	s9 =	sadd.s32 $0xFFFFFEF7, lr;
	s5 =	simm.s32 $0xFFFFFFFF;
	p2 =	slt.u32 s8, $0xFFFFF086  }
0x1c: {  	p1 =	slt.u32 s9, $0xF7A;
	s5 =	simm.s32 @!p2 $0x0  }
0x1d: {  	s5 =	simm.s32 @p1 $0x1;
	p0 =	seq.s32 s7, s2  }
0x1e: {  	s7 =	smul.u32 @!p0 $0xF7A, s2;
	p2 =	seq.s32 @!p0 s5, $0x0  }
0x1f: {  	s9 =	smul.u32 $0xF7A, s1;
	s8 =	simm.s32 @!p0 $0x1BF5;
	p2 =	por !p2, p0  }
0x20: {  	[sflag:s8] =	ssyncset.s32 @!p0 $0xFFFFF086;
	s6 =	sadd.s32 @!p0 s3, s7;
	s7 =	simm.s32 @!p0 $0x108  }
0x21: {  	s3 =	sadd.s32 s3, s9;
	s6 =	sadd.s32 @!p0 $0x88, s6;
	s7 =	simm.s32 @p2 $0x1082  }
0x22: {  	[simem:s7], [sflag:s8] =	dma.local @!p0 [hbm:s6], $0xF7A  }
0x23: {  	s9 =	sor.u32 $0xD0000000, s2;
	s6 =	simm.s32 $0x108;
	_ =	swait.ge @!p0 [sflag:s8], $0x0  }
0x24: {  	s3 =	sadd.s32 $0x88, s3;
	s6 =	simm.s32 @!p1 $0x1082;
	[sflag:s4] =	ssyncset.s32 $0xFFFFF086  }
0x25: {  	[simem:s6], [sflag:s4] =	dma.local [hbm:s3], $0xF7A  }
0x26: {  	[smem:$0x3F8F] =	sst s1;
	(tag) =	ssettag s2;
	_ =	strace s9  }
0x27: {  	s1 =	sld [smem:$0x3F9F]  }
0x28: {  	s2 =	sld [smem:$0x3FA0]  }
0x29: {  	s4 =	sld [smem:$0x3FA2]  }
0x2a: {  	p0 =	seq.s32 s5, $0x0;
	s5 =	sld [smem:$0x3FA3]  }
0x2b: {  	s6 =	sld [smem:$0x3FA4]  }
0x2c: {  	s7 =	sld [smem:$0x3FA5]  }
0x2d: {  	s3 =	simm.s32 $0x108;
	s8 =	sld [smem:$0x3FA6]  }
0x2e: {  	s3 =	simm.s32 @!p0 $0x1082;
	s9 =	sld [smem:$0x3FA7]  }
0x2f: {  	lr =	sadd.s32 s0, s3;
	s0 =	sld [smem:$0x3F9E]  }
0x30: {  	s3 =	sld [smem:$0x3FA1]  }
0x31: {  	[smem:$0x3FAA] =	sst s10  }
0x32: {  	s10 =	sld [smem:$0x3FA8];
	_ =	sdelay $0x3  }
0x33: {  	p0 =	seq.s32 s10, $0x1;
	s10 =	sld [smem:$0x3FAA];
	_ =	sdelay $0x3  }
0x34: {  	[smem:$0x3FAA] =	sst s10  }
0x35: {  	s10 =	sld [smem:$0x3FA9];
	_ =	sdelay $0x3  }
0x36: {  	p1 =	seq.s32 s10, $0x1;
	s10 =	sld [smem:$0x3FAA];
	_ =	sdelay $0x3  }
0x37: {  	[smem:$0x3FAA] =	sst s10  }
0x38: {  	s10 =	sld [smem:$0x3FAB]  }
0x39: {  	_ = 	snop;
	(pc) =	sbr.ind lr, $3  }
0x3a: {  	_ = 	snop  }
0x3b: {  	_ = 	snop  }
0x3c: {  	p2 =	seq.s32 s10, $0x1;
	s10 =	sld [smem:$0x3FAA]  }
0x3d: {  	_ =	shalt  }
0x3e: {  	_ =	shalt  }
0x3f: {  	_ =	shalt  }
0x40: {  	_ =	shalt  }
0x41: {  	_ =	shalt  }
0x42: {  	_ =	shalt  }
0x43: {  	_ =	shalt  }
0x44: {  	_ =	shalt  }
0x45: {  	_ =	shalt  }
0x46: {  	_ =	shalt  }
0x47: {  	_ =	shalt  }
0x48: {  	_ =	shalt  }
0x49: {  	_ =	shalt  }
0x4a: {  	_ =	shalt  }
0x4b: {  	_ =	shalt  }
0x4c: {  	_ =	shalt  }
0x4d: {  	_ =	shalt  }
0x4e: {  	_ =	shalt  }
0x4f: {  	_ =	shalt  }
0x50: {  	_ =	shalt  }
0x51: {  	_ =	shalt  }
0x52: {  	_ =	shalt  }
0x53: {  	_ =	shalt  }
0x54: {  	_ =	shalt  }
0x55: {  	_ =	shalt  }
0x56: {  	_ =	shalt  }
0x57: {  	_ =	shalt  }
0x58: {  	_ =	shalt  }
0x59: {  	_ =	shalt  }
0x5a: {  	_ =	shalt  }
0x5b: {  	_ =	shalt  }
0x5c: {  	_ =	shalt  }
0x5d: {  	_ =	shalt  }
0x5e: {  	_ =	shalt  }
0x5f: {  	_ =	shalt  }
0x60: {  	_ =	shalt  }
0x61: {  	_ =	shalt  }
0x62: {  	_ =	shalt  }
0x63: {  	_ =	shalt  }
0x64: {  	_ =	shalt  }
0x65: {  	_ =	shalt  }
0x66: {  	_ =	shalt  }
0x67: {  	_ =	shalt  }
0x68: {  	_ =	shalt  }
0x69: {  	_ =	shalt  }
0x6a: {  	_ =	shalt  }
0x6b: {  	_ =	shalt  }
0x6c: {  	_ =	shalt  }
0x6d: {  	_ =	shalt  }
0x6e: {  	_ =	shalt  }
0x6f: {  	_ =	shalt  }
0x70: {  	_ =	shalt  }
0x71: {  	_ =	shalt  }
0x72: {  	_ =	shalt  }
0x73: {  	_ =	shalt  }
0x74: {  	_ =	shalt  }
0x75: {  	_ =	shalt  }
0x76: {  	_ =	shalt  }
0x77: {  	_ =	shalt  }
0x78: {  	_ =	shalt  }
0x79: {  	_ =	shalt  }
0x7a: {  	_ =	shalt  }
0x7b: {  	_ =	shalt  }
0x7c: {  	_ =	shalt  }
0x7d: {  	_ =	shalt  }
0x7e: {  	_ =	shalt  }
0x7f: {  	_ =	shalt  }
0x80: {  	_ =	shalt  }
0x81: {  	_ =	shalt  }
0x82: {  	_ =	shalt  }
0x83: {  	_ =	shalt  }
0x84: {  	_ =	shalt  }
0x85: {  	_ =	shalt  }
0x86: {  	_ =	shalt  }
0x87: {  	_ =	shalt  }
.Lfunc_end0:
.L_simem_size_0:
called_computation.1_lowered:
.L_overlay_start_0:
0x88: {  	s2 =	sld [smem:$0x3FD9]  }
0x89: {  	s3 =	sld [smem:$0x3FFE];
	_ =	sdelay $0x1  }
0x8a: {  	s1 =	srdreg.scid  }
0x8b: {  	s0 =	sand.u32 $0x1, s1  }
0x8c: {  	s17 =	sshll.u32 s0, $0xA;
	s2 =	sadd.s32 s3, s2  }
0x8d: {  	s2 =	sadd.s32 s2, s17  }
0x8e: {  	[smem:$0x3FB6] =	sst s2  }
0x8f: {  	_ = 	snop  }
0x90: {  	s2 =	sld [smem:$0x3FD0];
	(tm) =	ssettm $0x1  }
0x91: {  	s18 =	sld [smem:$0x3FFB];
	_ =	sdelay $0x3  }
0x92: {  	_ =	strace s18  }
0x93: {  	s3 =	sld [smem:$0x3FFC];
	_ =	sdelay $0x3  }
0x94: {  	_ =	strace s3  }
0x95: {  	s3 =	sld [smem:$0x3FFD];
	_ =	sdelay $0x3  }
0x96: {  	_ =	strace s3  }
0x97: {  	_ =	strace $0x8FFFFFFF  }
0x98: {  	s19 =	sld [smem:$0x3FDB];
	_ =	sdelay $0x1  }
0x99: {  	s4 =	simm.s32 $_scs_section_size  }
0x9a: {  	s5 =	simm.s32 $_size__tile_overlayer_lowered;
	s6 =	simm.s32 $_tile_overlayer_lowered  }
0x9b: {  	s22 =	simm.s32 $0x1BFF;
	s21 =	sshll.u32 s6, $0x1;
	s3 =	sadd.s32 s4, s19  }
0x9c: {  	s7 =	simm.s32 $0x0;
	s20 =	sshll.u32 s5, $0x1;
	s5 =	sadd.s32 s21, s3  }
0x9d: {  	[timem:s7], [sflag:s22] =	dma.local [hbm:s5], s20  }
0x9e: {  	_ =	swait.ge [sflag:s22], s20  }
0x9f: {  	s4 =	ssub.s32 $0x0, s20;
	[sflag:s22] =	ssyncset.done $0x0  }
0xa0: {  	[sflag:s22] =	ssyncadd.s32 s4;
	_ =	sdelay $0x1  }
0xa1: {  	s23 =	simm.s32 $0x1B8B  }
0xa2: {  	_ =	swait.ge [sflag:s23], $0x1  }
0xa3: {  	[sflag:s23] =	ssyncset.done $0x0  }
0xa4: {  	s25 =	simm.s32 $0x1B8E;
	s24 =	sld [smem:$0x3FFE];
	[sflag:s23] =	ssyncadd.s32 $0xFFFFFFFF  }
0xa5: {  	s26 =	simm.s32 $execute0_lowered;
	[smem:$0x3FD2] =	sst s25  }
0xa6: {  	s5 =	sshll.u32 s26, $0x1;
	_ =	strace $0x80000049;
	[dreg:$0x1] =	wrdreg $0xFFFFFFFF  }
0xa7: {  	s28 =	simm.s32 $_size_execute0_lowered;
	s3 =	sadd.s32 s3, s5;
	[dreg:$0x0] =	wrdreg $0x0  }
0xa8: {  	s5 =	sshll.u32 s28, $0x1;
	[dreg:$0x2] =	wrdreg s3  }
0xa9: {  	[dreg:$0x3] =	wrdreg s5  }
0xaa: {  	[dreg:$0x4] =	wrdreg $0xC0  }
0xab: {  	_ =	task [dreg:s7], $0x5FFFF  }
0xac: {  	[dreg:$0x1] =	wrdreg $0xFFFFFFFF  }
0xad: {  	[dreg:$0x0] =	wrdreg $0x60  }
0xae: {  	[dreg:$0x2] =	wrdreg s2  }
0xaf: {  	[dreg:$0x3] =	wrdreg s24  }
0xb0: {  	[dreg:$0x4] =	wrdreg $0x7CB00  }
0xb1: {  	[dreg:$0x5] =	wrdreg $0x9  }
0xb2: {  	_ =	task.clear_ibuf [dreg:s7], $0x6FFFF;
	_ =	strace $0x90000049  }
0xb3: {  	s29 =	simm.s32 $0x9;
	_ =	strace $0x8000004B  }
0xb4: {  	_ =	swait.ge [sflag:s29], $0x1  }
0xb5: {  	[sflag:s29] =	ssyncadd.s32 $0xFFFFFFFF  }
0xb6: {  	_ =	strace $0x9000004B  }
0xb7: {  	_ =	sfence  }
0xb8: {  	s30 =	sld [smem:$0x0];
	_ =	sdelay $0x2  }
0xb9: {  	s31 =	sshll.u32 s1, $0xD;
	s1 =	sshrl.u32 s1, $0x2  }
0xba: {  	s3 =	sand.u32 $0x4000, s31;
	s1 =	sadd.s32 s1, s30  }
0xbb: {  	s0 =	sor.u32 s3, s0;
	s1 =	sshll.u32 s1, $0x11  }
0xbc: {  	s0 =	sor.u32 s1, s0  }
0xbd: {  	s0 =	sadd.s32 $0x8F2B, s0  }
0xbe: {  	[sflag:s0] =	ssyncadd.remote.s32 $0x1  }
0xbf: {  	_ =	sfence.sel $0xFFFF  }
0xc0: {  	[dreg:$0x0] =	wrdreg $0xFFFFFFFF;
	(pc) =	sbr.abs _section_cstart, $3  }
0xc1: {  	[dreg:$0x1] =	wrdreg $0xFFFFFFFF  }
0xc2: {  	_ =	task.clear_ibuf [dreg:s7], $0x2FFFF;
	_ =	strace $0x9FFFFFFF  }
0xc3: {  	(tm) =	ssettm $0x7FFFFFFF  }
tec
execute0_lowered:
.L_overlay_start_1:
0x0: {  	(tag) =	ssettag $0x1  }
0x1: {  	s1 =	rddreg [dreg:$0x0]  }
0x2: {  	s0 =	rddreg [dreg:$0x1]  }
0x3: {  	s2 =	rddreg [dreg:$0x2];
	s3 =	simm.s32 $0x0;
	s4 =	srdreg.scid  }
0x4: {  	s13 =	stileid.u32;
	s29 =	simm.s32 $0x7B20;
	s28 =	simm.s32 $0x1  }
0x5: {  	s30 =	simm.s32 $0x2;
	s31 =	simm.s32 $0x3;
	[smem:$0x7FF] =	sst s3  }
0x6: {  	s5 =	sadd.s32 $0x26E00, s0;
	s4 =	sand.u32 $0x1, s4;
	s10 =	smul.u32 $0x4E200, s13  }
0x7: {  	s6 =	sadd.s32 $0xDE00, s0;
	s7 =	sadd.s32 $0x8E00, s0;
	s11 =	smul.u32 $0x13880, s13  }
0x8: {  	_ =	strace $0x8000004A;
	s8 =	smul.u32 $0x27100, s4;
	s10 =	sshrl.u32 s10, $0x2  }
0x9: {  	s9 =	ssub.s32 $0x2, s4;
	s4 =	smul.u32 $0x2710, s4;
	s10 =	sadd.s32 s10, s2  }
0xa: {  	s17 =	sshrl.u32 s9, $0x1;
	s0 =	sadd.s32 s8, s0;
	s18 =	sadd.s32 $0x2800, s10  }
0xb: {  	s12 =	ssub.s32 s9, s17;
	s19 =	sadd.s32 $0x5000, s10;
	[dreg:$0x4] =	wrdreg s18  }
0xc: {  	s8 =	smul.u32 $0x2710, s13;
	s20 =	sadd.s32 $0x7800, s10;
	[dreg:$0x5] =	wrdreg s19  }
0xd: {  	s9 =	sadd.s32 s11, s2;
	s21 =	sadd.s32 $0xA000, s10;
	[dreg:$0x6] =	wrdreg s20  }
0xe: {  	s11 =	sshrl.u32 s11, $0x3;
	s22 =	sadd.s32 $0xC800, s10;
	[dreg:$0x7] =	wrdreg s21  }
0xf: {  	v1 =	vmov s4;
	s4 =	simm.s32 $0x4;
	s14 =	sadd.s32 $0xF000, s10;
	[dreg:$0x8] =	wrdreg s22  }
0x10: {  	s10 =	sadd.s32 $0x11800, s10;
	s0 =	sadd.s32 $0x2BE00, s0;
	[dreg:$0x9] =	wrdreg s14  }
0x11: {  	s23 =	sshrl.u32 s8, $0x3;
	[dreg:$0xa] =	wrdreg s10;
	s21 =	sadd.s32 s11, s0  }
0x12: {  	s0 =	simm.s32 $0x50;
	s10 =	simm.s32 $0x5;
	s24 =	sadd.s32 s6, s23  }
0x13: {  	v0 =	vlaneseq.u32;
	s11 =	simm.s32 $0x0;
	s25 =	sadd.s32 s7, s23;
	[dreg:$0xb] =	wrdreg s24  }
0x14: {  	v2 =	vimm.f32 $0.0e+00;
	v3 =	vor.u32 $0x10, v0;
	s19 =	sadd.s32 s5, s23;
	s26 =	sadd.s32 $0xA, s23;
	[dreg:$0xc] =	wrdreg s25  }
0x15: {  	v4 =	vor.u32 $0x20, v0;
	v5 =	vor.u32 $0x30, v0;
	v6 =	vor.u32 $0x40, v0;
	s20 =	sadd.s32 s6, s26;
	s22 =	sadd.s32 s7, s26;
	s23 =	sadd.s32 s5, s26  }
0x16: {  	v7 =	vor.u32 $0x50, v0;
	v8 =	vor.u32 $0x60, v0;
	v9 =	vor.u32 $0x70, v0;
	s24 =	smax.u32 s12, $0x1;
	s25 =	simm.s32 $0x6;
	s26 =	simm.s32 $0x7800  }
.LBB2_1:
0x17: {  	s13 =	simm.s32 $0x0  }
0x18: {  	v13 =	vor.u32 s13, v0;
	_ =	sdelay $0x1  }
0x19: {  	v15 =	vor.u32 s13, v3  }
0x1a: {  	v12 =	vor.u32 s13, v4  }
0x1b: {  	v11 =	vor.u32 s13, v5  }
0x1c: {  	[tilespmem:v13+s3+$0x0] =	vst.idx.msk $0xffff, v2;
	v13 =	vor.u32 s13, v6  }
0x1d: {  	v14 =	vor.u32 s13, v7  }
0x1e: {  	s12 =	simm.s32 $0x1;
	v10 =	vor.u32 s13, v9;
	[tilespmem:v15+s3+$0x0] =	vst.idx.msk $0xffff, v2;
	v15 =	vor.u32 s13, v8  }
.LBB2_2:
0x1f: {  	s13 =	sshll.u32 s12, $0x7;
	p0 =	sne.s32 s12, $0x4F;
	s12 =	sadd.s32 $0x1, s12;
	[tilespmem:v12+s3+$0x0] =	vst.idx.msk $0xffff, v2  }
0x20: {  	v16 =	vor.u32 s13, v0;
	v17 =	vor.u32 s13, v9;
	[tilespmem:v11+s3+$0x0] =	vst.idx.msk $0xffff, v2  }
0x21: {  	v18 =	vor.u32 s13, v3;
	[tilespmem:v13+s3+$0x0] =	vst.idx.msk $0xffff, v2  }
.Ltmp0:
0x22: {  	v12 =	vor.u32 s13, v4;
	[tilespmem:v14+s3+$0x0] =	vst.idx.msk $0xffff, v2;
	(pc) =	sbr.rel @p0 .LBB2_2-.Ltmp0, $4  }
0x23: {  	v11 =	vor.u32 s13, v5;
	[tilespmem:v15+s3+$0x0] =	vst.idx.msk $0xffff, v2  }
0x24: {  	v13 =	vor.u32 s13, v6;
	[tilespmem:v10+s3+$0x0] =	vst.idx.msk $0xffff, v2;
	v10 =	vmov v17  }
0x25: {  	v14 =	vor.u32 s13, v7;
	[tilespmem:v16+s3+$0x0] =	vst.idx.msk $0xffff, v2  }
0x26: {  	v15 =	vor.u32 s13, v8;
	[tilespmem:v18+s3+$0x0] =	vst.idx.msk $0xffff, v2  }
0x27: {  	_ =	sdelay $0x3  }
0x28: {  	[tilespmem:v12+s3+$0x0] =	vst.idx.msk $0xffff, v2  }
0x29: {  	[tilespmem:v11+s3+$0x0] =	vst.idx.msk $0xffff, v2  }
0x2a: {  	[tilespmem:v13+s3+$0x0] =	vst.idx.msk $0xffff, v2  }
0x2b: {  	[tilespmem:v14+s3+$0x0] =	vst.idx.msk $0xffff, v2  }
0x2c: {  	[tilespmem:v15+s3+$0x0] =	vst.idx.msk $0xffff, v2  }
0x2d: {  	s13 =	simm.s32 $0x0;
	[tilespmem:v10+s3+$0x0] =	vst.idx.msk $0xffff, v2  }
0x2e: {  	[spmem:s9] =	stream.linear.scatter [tilespmem:s13], [sflag:$0x6], $0x2800, $0x38;
	[tilespmem:$0x1B530] =	vst v63  }
0x2f: {  	_ =	swait.ge [sflag:s25], $0x2800  }
0x30: {  	[sflag:s25] =	ssyncset.done $0x0  }
0x31: {  	s12 =	rddreg [dreg:$0x4];
	[sflag:s25] =	ssyncadd.s32 $0xFFFFD800  }
0x32: {  	[spmem:s12] =	stream.linear.scatter [tilespmem:s13], [sflag:$0x6], $0x2800, $0x38;
	[tilespmem:$0x1B530] =	vst v63  }
0x33: {  	_ =	swait.ge [sflag:s25], $0x2800  }
0x34: {  	[sflag:s25] =	ssyncset.done $0x0  }
0x35: {  	s18 =	rddreg [dreg:$0x5];
	[sflag:s25] =	ssyncadd.s32 $0xFFFFD800  }
0x36: {  	[spmem:s18] =	stream.linear.scatter [tilespmem:s13], [sflag:$0x6], $0x2800, $0x38;
	[tilespmem:$0x1B530] =	vst v63  }
0x37: {  	_ =	swait.ge [sflag:s25], $0x2800  }
0x38: {  	[sflag:s25] =	ssyncset.done $0x0  }
0x39: {  	s14 =	rddreg [dreg:$0x6];
	[sflag:s25] =	ssyncadd.s32 $0xFFFFD800  }
0x3a: {  	[spmem:s14] =	stream.linear.scatter [tilespmem:s13], [sflag:$0x6], $0x2800, $0x38;
	[tilespmem:$0x1B530] =	vst v63  }
0x3b: {  	_ =	swait.ge [sflag:s25], $0x2800  }
0x3c: {  	[sflag:s25] =	ssyncset.done $0x0  }
0x3d: {  	s15 =	rddreg [dreg:$0x7];
	[sflag:s25] =	ssyncadd.s32 $0xFFFFD800  }
0x3e: {  	[spmem:s15] =	stream.linear.scatter [tilespmem:s13], [sflag:$0x6], $0x2800, $0x38;
	[tilespmem:$0x1B530] =	vst v63  }
0x3f: {  	_ =	swait.ge [sflag:s25], $0x2800  }
0x40: {  	[sflag:s25] =	ssyncset.done $0x0  }
0x41: {  	s16 =	rddreg [dreg:$0x8];
	[sflag:s25] =	ssyncadd.s32 $0xFFFFD800  }
0x42: {  	[spmem:s16] =	stream.linear.scatter [tilespmem:s13], [sflag:$0x6], $0x2800, $0x38;
	[tilespmem:$0x1B530] =	vst v63  }
0x43: {  	_ =	swait.ge [sflag:s25], $0x2800  }
0x44: {  	[sflag:s25] =	ssyncset.done $0x0  }
0x45: {  	s17 =	rddreg [dreg:$0x9];
	[sflag:s25] =	ssyncadd.s32 $0xFFFFD800  }
0x46: {  	[spmem:s17] =	stream.linear.scatter [tilespmem:s13], [sflag:$0x6], $0x2800, $0x38;
	[tilespmem:$0x1B530] =	vst v63  }
0x47: {  	_ =	swait.ge [sflag:s25], $0x2800  }
0x48: {  	[sflag:s25] =	ssyncset.done $0x0  }
0x49: {  	s18 =	rddreg [dreg:$0xa];
	[sflag:s25] =	ssyncadd.s32 $0xFFFFD800  }
0x4a: {  	[spmem:s18] =	stream.linear.scatter [tilespmem:s13], [sflag:$0x6], $0x2080, $0x38;
	[tilespmem:$0x1B530] =	vst v63  }
0x4b: {  	_ =	swait.ge [sflag:s25], $0x2080  }
0x4c: {  	[sflag:s25] =	ssyncset.done $0x0  }
0x4d: {  	[sflag:s25] =	ssyncadd.s32 $0xFFFFDF80  }
0x4e: {  	[bflag:$0x0] =	sbarrier.arrive $0xFFFF  }
0x4f: {  	s14 =	rddreg [dreg:$0xb]  }
0x50: {  	[tilespmem:s26], [sflag:$0x1] =	stream.linear.gather [hbm4b:s14+s13], $0x50, $0x38;
	[tilespmem:$0x1B530] =	vst v63  }
0x51: {  	s15 =	rddreg [dreg:$0xc];
	s14 =	simm.s32 $0x7990  }
0x52: {  	[tilespmem:s14], [sflag:$0x2] =	stream.linear.gather [hbm4b:s15+s13], $0x50, $0x38;
	[tilespmem:$0x1B530] =	vst v63  }
0x53: {  	_ = 	snop  }
0x54: {  	[tilespmem:s29], [sflag:$0x3] =	stream.linear.gather [hbm4b:s19+s13], $0x50, $0x38;
	[tilespmem:$0x1B530] =	vst v63  }
0x55: {  	s16 =	simm.s32 $0x7850  }
0x56: {  	[tilespmem:s16], [sflag:$0x1] =	stream.linear.gather [hbm4b:s20+s13], $0x50, $0x38;
	[tilespmem:$0x1B530] =	vst v63  }
0x57: {  	s17 =	simm.s32 $0x79E0  }
0x58: {  	[tilespmem:s17], [sflag:$0x2] =	stream.linear.gather [hbm4b:s22+s13], $0x50, $0x38;
	[tilespmem:$0x1B530] =	vst v63  }
0x59: {  	s18 =	simm.s32 $0x7B70  }
0x5a: {  	[tilespmem:s18], [sflag:$0x3] =	stream.linear.gather [hbm4b:s23+s13], $0x50, $0x38;
	[tilespmem:$0x1B530] =	vst v63  }
0x5b: {  	_ =	swait.ge [sflag:s28], $0x50  }
0x5c: {  	[sflag:s28] =	ssyncset.done $0x0  }
0x5d: {  	[sflag:s28] =	ssyncadd.s32 $0xFFFFFFB0  }
0x5e: {  	_ =	swait.ge [sflag:s30], $0x50  }
0x5f: {  	[sflag:s30] =	ssyncset.done $0x0  }
0x60: {  	[sflag:s30] =	ssyncadd.s32 $0xFFFFFFB0  }
0x61: {  	_ =	swait.ge [sflag:s31], $0x50  }
0x62: {  	[sflag:s31] =	ssyncset.done $0x0  }
0x63: {  	[sflag:s31] =	ssyncadd.s32 $0xFFFFFFB0  }
0x64: {  	v10 =	vld.idx.msk [tilespmem:v0+s26+$0x0], $0xffff;
	_ =	sdelay $0x4  }
0x65: {  	v10 =	vadd.s32 v1, v10  }
0x66: {  	[tilespmem:v0+s26+$0x0] =	vst.idx.msk $0xffff, v10  }
0x67: {  	v10 =	vld.idx.msk [tilespmem:v3+s26+$0x0], $0xffff;
	_ =	sdelay $0x4  }
0x68: {  	v10 =	vadd.s32 v1, v10  }
0x69: {  	[tilespmem:v3+s26+$0x0] =	vst.idx.msk $0xffff, v10  }
0x6a: {  	v10 =	vld.idx.msk [tilespmem:v4+s26+$0x0], $0xffff;
	_ =	sdelay $0x4  }
0x6b: {  	v10 =	vadd.s32 v1, v10  }
0x6c: {  	[tilespmem:v4+s26+$0x0] =	vst.idx.msk $0xffff, v10  }
0x6d: {  	v10 =	vld.idx.msk [tilespmem:v5+s26+$0x0], $0xffff;
	_ =	sdelay $0x4  }
0x6e: {  	v10 =	vadd.s32 v1, v10  }
0x6f: {  	[tilespmem:v5+s26+$0x0] =	vst.idx.msk $0xffff, v10  }
0x70: {  	v10 =	vld.idx.msk [tilespmem:v6+s26+$0x0], $0xffff;
	_ =	sdelay $0x4  }
0x71: {  	v10 =	vadd.s32 v1, v10  }
0x72: {  	[tilespmem:v6+s26+$0x0] =	vst.idx.msk $0xffff, v10  }
0x73: {  	[tilespmem:s13], [sflag:$0x4] =	stream.indirect.gather [hbm4b:s1+s0], $0x80, s26, s0, $0xb8;
	[tilespmem:$0x1B530] =	vst v63  }
.LBB2_4:
0x74: {  	p0 =	slt.u32 s13, $0x2  }
0x75: {  	p1 =	sne.s32 @!p0 s13, $0x7C  }
0x76: {  	p1 =	por p0, p1  }
.Ltmp1:
0x77: {  	_ = 	snop;
	(pc) =	sbr.rel @p1 .LBB2_6-.Ltmp1, $4  }
0x78: {  	s12 =	simm.s32 @!p0 $0x5  }
0x79: {  	_ =	swait.ge @!p0 [sflag:s12], $0x2800  }
0x7a: {  	[sflag:s12] =	ssyncset.done @!p0 $0x0  }
0x7b: {  	[sflag:s12] =	ssyncadd.s32 @!p0 $0xFFFFD800  }
.Ltmp2:
0x7c: {  	(pc) =	sbr.rel .LBB2_7-.Ltmp2, $4  }
0x7d: {  	_ = 	snop  }
0x7e: {  	_ =	swait.ge [sflag:s4], $0x2800  }
0x7f: {  	[sflag:s4] =	ssyncset.done $0x0  }
0x80: {  	s12 =	simm.s32 $0x7D;
	[sflag:s4] =	ssyncadd.s32 $0xFFFFD800  }
.LBB2_6:
0x81: {  	s12 =	sadd.s32 $0x1, s13  }
0x82: {  	s14 =	smul.u32 $0xCD, s12;
	_ =	sdelay $0x1  }
0x83: {  	s14 =	sshrl.u32 s14, $0xA  }
0x84: {  	s14 =	sand.u32 $0x3F, s14  }
0x85: {  	s14 =	smul.u32 $0x5, s14;
	_ =	sdelay $0x1  }
0x86: {  	s14 =	ssub.s32 s12, s14  }
0x87: {  	s14 =	sand.u32 $0xFF, s14  }
0x88: {  	v10 =	vmov s14  }
0x89: {  	_ =	swait.ge [sflag:s28], $0x50;
	v10 =	vmul.u32 $0x50, v10  }
0x8a: {  	[sflag:s28] =	ssyncset.done $0x0  }
0x8b: {  	[sflag:s28] =	ssyncadd.s32 $0xFFFFFFB0;
	v10 =	vbroadcast v10, $0x0  }
0x8c: {  	_ =	swait.ge [sflag:s30], $0x50  }
0x8d: {  	[sflag:s30] =	ssyncset.done $0x0;
	v11 =	vor.u32 v0, v10  }
0x8e: {  	[sflag:s30] =	ssyncadd.s32 $0xFFFFFFB0  }
0x8f: {  	_ =	swait.ge [sflag:s31], $0x50  }
0x90: {  	[sflag:s31] =	ssyncset.done $0x0  }
0x91: {  	[sflag:s31] =	ssyncadd.s32 $0xFFFFFFB0  }
0x92: {  	v12 =	vld.idx.msk [tilespmem:v11+s26+$0x0], $0xffff;
	_ =	sdelay $0x1  }
0x93: {  	v13 =	vadd.s32 v3, v10;
	_ =	sdelay $0x2  }
0x94: {  	v12 =	vadd.s32 v1, v12  }
0x95: {  	[tilespmem:v11+s26+$0x0] =	vst.idx.msk $0xffff, v12  }
0x96: {  	v11 =	vld.idx.msk [tilespmem:v13+s26+$0x0], $0xffff;
	_ =	sdelay $0x1  }
0x97: {  	v62 =	vadd.s32 v4, v10;
	_ =	sdelay $0x2  }
0x98: {  	v11 =	vadd.s32 v1, v11  }
0x99: {  	[tilespmem:v13+s26+$0x0] =	vst.idx.msk $0xffff, v11  }
0x9a: {  	v11 =	vld.idx.msk [tilespmem:v62+s26+$0x0], $0xffff;
	_ =	sdelay $0x1  }
0x9b: {  	v63 =	vadd.s32 v5, v10;
	_ =	sdelay $0x2  }
0x9c: {  	v11 =	vadd.s32 v1, v11  }
0x9d: {  	[tilespmem:v62+s26+$0x0] =	vst.idx.msk $0xffff, v11  }
0x9e: {  	v11 =	vld.idx.msk [tilespmem:v63+s26+$0x0], $0xffff;
	_ =	sdelay $0x1  }
0x9f: {  	v10 =	vadd.s32 v6, v10;
	_ =	sdelay $0x2  }
0xa0: {  	v11 =	vadd.s32 v1, v11  }
0xa1: {  	s15 =	smul.u32 $0xAB, s12;
	[tilespmem:v63+s26+$0x0] =	vst.idx.msk $0xffff, v11  }
0xa2: {  	v11 =	vld.idx.msk [tilespmem:v10+s26+$0x0], $0xffff  }
0xa3: {  	s15 =	sshrl.u32 s15, $0x9  }
0xa4: {  	p0 =	sgt.u32 s13, $0x7A;
	s15 =	sand.u32 $0x7F, s15  }
0xa5: {  	s16 =	sadd.s32 @!p0 $0x2, s13;
	s15 =	smul.u32 $0x3, s15  }
0xa6: {  	s17 =	smul.u32 @!p0 $0xCD, s16  }
0xa7: {  	s15 =	ssub.s32 s12, s15;
	v11 =	vadd.s32 v1, v11  }
0xa8: {  	s17 =	sshrl.u32 @!p0 s17, $0xA;
	s15 =	sand.u32 $0xFF, s15;
	s14 =	smul.u32 $0x140, s14;
	[tilespmem:v10+s26+$0x0] =	vst.idx.msk $0xffff, v11  }
0xa9: {  	s17 =	sand.u32 @!p0 $0x3F, s17;
	s15 =	smul.u32 $0xA000, s15;
	_ =	swait.ge [sflag:s4], $0x2800  }
0xaa: {  	s17 =	smul.u32 @!p0 $0x5, s17;
	s14 =	sshrl.u32 s14, $0x2;
	[sflag:s4] =	ssyncset.done $0x0  }
0xab: {  	s15 =	sshrl.u32 s15, $0x2;
	s14 =	sor.u32 $0x7800, s14;
	[sflag:s4] =	ssyncadd.s32 $0xFFFFD800  }
0xac: {  	[tilespmem:s15], [sflag:$0x4] =	stream.indirect.gather [hbm4b:s1+s0], $0x80, s14, s0, $0xb8;
	[tilespmem:$0x1B530] =	vst v63  }
0xad: {  	s14 =	ssub.s32 @!p0 s16, s17;
	s15 =	smul.u32 @!p0 $0x50, s16  }
0xae: {  	s14 =	sand.u32 @!p0 $0xFF, s14  }
0xaf: {  	s14 =	smul.u32 @!p0 $0x50, s14;
	s15 =	sadd.s32 @!p0 s8, s15  }
0xb0: {  	s15 =	sshrl.u32 @!p0 s15, $0x3  }
0xb1: {  	s18 =	simm.s32 @!p0 $0x0;
	s16 =	sor.u32 @!p0 $0x7800, s14;
	s17 =	sadd.s32 @!p0 s6, s15  }
0xb2: {  	[tilespmem:s16], [sflag:$0x1] =	stream.linear.gather @!p0 [hbm4b:s17+s18], $0x50, $0x38;
	[tilespmem:$0x1B530] =	vst v63  }
0xb3: {  	s16 =	sadd.s32 @!p0 $0x7990, s14;
	s17 =	sadd.s32 @!p0 s7, s15  }
0xb4: {  	[tilespmem:s16], [sflag:$0x2] =	stream.linear.gather @!p0 [hbm4b:s17+s18], $0x50, $0x38;
	[tilespmem:$0x1B530] =	vst v63  }
0xb5: {  	s12 =	simm.s32 @p0 $0x7C;
	s14 =	sadd.s32 @!p0 $0x7B20, s14;
	s15 =	sadd.s32 @!p0 s5, s15  }
0xb6: {  	[tilespmem:s14], [sflag:$0x3] =	stream.linear.gather @!p0 [hbm4b:s15+s18], $0x50, $0x38;
	[tilespmem:$0x1B530] =	vst v63  }
.LBB2_7:
0xb7: {  	s14 =	smul.u32 $0xAB, s13  }
0xb8: {  	s15 =	smul.u32 $0xCD, s13  }
0xb9: {  	s14 =	sshrl.u32 s14, $0x9  }
0xba: {  	s15 =	sshrl.u32 s15, $0xA;
	s14 =	sand.u32 $0x7F, s14  }
0xbb: {  	s15 =	sand.u32 $0x3F, s15;
	s14 =	smul.u32 $0x3, s14  }
0xbc: {  	s15 =	smul.u32 $0x5, s15;
	_ =	sdelay $0x1  }
0xbd: {  	s14 =	ssub.s32 s13, s14;
	s15 =	ssub.s32 s13, s15  }
0xbe: {  	s13 =	sand.u32 $0xFF, s14;
	s14 =	sand.u32 $0xFF, s15  }
0xbf: {  	v10 =	vmov s13;
	v11 =	vmov s14  }
0xc0: {  	v11 =	vmul.u32 $0x50, v11;
	v12 =	vmul.u32 $0x2800, v10;
	_ =	sdelay $0x1  }
0xc1: {  	s15 =	simm.s32 $0x3;
	v10 =	vbroadcast v11, $0x0;
	v11 =	vbroadcast v12, $0x0  }
.LBB2_8:
0xc2: {  	s16 =	sadd.s32 $0xFFFFFFFD, s15  }
0xc3: {  	v12 =	vmov s16  }
0xc4: {  	v13 =	vand.u32 $0x78, v12  }
0xc5: {  	v14 =	vand.u32 $0x4, v12;
	v12 =	vshll.u32 v12, $0x7;
	v13 =	vadd.s32 v10, v13  }
0xc6: {  	v12 =	vadd.s32 v11, v12;
	v13 =	vor.u32 v14, v13  }
0xc7: {  	v24 =	vor.u32 v0, v12;
	_ =	sdelay $0x3  }
0xc8: {  	v13 =	vld.idx.msk [tilespmem:v13+s29+$0x0], $0xffff  }
0xc9: {  	v15 =	vld.idx.msk [tilespmem:v24+s3+$0x0], $0xffff;
	_ =	sdelay $0x2  }
0xca: {  	v16 =	vor.u32 v3, v12;
	_ =	sdelay $0x1  }
0xcb: {  	v15 =	vmul.f32 v15, v13;
	_ =	sdelay $0x1  }
0xcc: {  	[tilespmem:v24+s3+$0x0] =	vst.idx.msk $0xffff, v15  }
0xcd: {  	v14 =	vld.idx.msk [tilespmem:v16+s3+$0x0], $0xffff;
	_ =	sdelay $0x2  }
0xce: {  	v25 =	vor.u32 v4, v12;
	_ =	sdelay $0x1  }
0xcf: {  	v14 =	vmul.f32 v14, v13;
	_ =	sdelay $0x1  }
0xd0: {  	[tilespmem:v16+s3+$0x0] =	vst.idx.msk $0xffff, v14  }
0xd1: {  	v14 =	vld.idx.msk [tilespmem:v25+s3+$0x0], $0xffff;
	_ =	sdelay $0x2  }
0xd2: {  	v26 =	vor.u32 v5, v12;
	_ =	sdelay $0x1  }
0xd3: {  	v14 =	vmul.f32 v14, v13;
	_ =	sdelay $0x1  }
0xd4: {  	[tilespmem:v25+s3+$0x0] =	vst.idx.msk $0xffff, v14  }
0xd5: {  	v14 =	vld.idx.msk [tilespmem:v26+s3+$0x0], $0xffff;
	_ =	sdelay $0x2  }
0xd6: {  	v27 =	vor.u32 v6, v12;
	_ =	sdelay $0x1  }
0xd7: {  	v14 =	vmul.f32 v14, v13;
	_ =	sdelay $0x1  }
0xd8: {  	[tilespmem:v26+s3+$0x0] =	vst.idx.msk $0xffff, v14  }
0xd9: {  	v14 =	vld.idx.msk [tilespmem:v27+s3+$0x0], $0xffff;
	_ =	sdelay $0x2  }
0xda: {  	v28 =	vor.u32 v7, v12;
	_ =	sdelay $0x1  }
0xdb: {  	v14 =	vmul.f32 v14, v13;
	_ =	sdelay $0x1  }
0xdc: {  	[tilespmem:v27+s3+$0x0] =	vst.idx.msk $0xffff, v14  }
0xdd: {  	v14 =	vld.idx.msk [tilespmem:v28+s3+$0x0], $0xffff;
	_ =	sdelay $0x2  }
0xde: {  	v29 =	vor.u32 v8, v12;
	_ =	sdelay $0x1  }
0xdf: {  	v14 =	vmul.f32 v14, v13;
	_ =	sdelay $0x1  }
0xe0: {  	[tilespmem:v28+s3+$0x0] =	vst.idx.msk $0xffff, v14  }
0xe1: {  	v14 =	vld.idx.msk [tilespmem:v29+s3+$0x0], $0xffff;
	_ =	sdelay $0x2  }
0xe2: {  	v12 =	vor.u32 v9, v12;
	_ =	sdelay $0x1  }
0xe3: {  	v14 =	vmul.f32 v14, v13;
	_ =	sdelay $0x1  }
0xe4: {  	s17 =	sadd.s32 $0xFFFFFFFE, s15;
	[tilespmem:v29+s3+$0x0] =	vst.idx.msk $0xffff, v14  }
0xe5: {  	v30 =	vmov s17;
	v14 =	vld.idx.msk [tilespmem:v12+s3+$0x0], $0xffff  }
0xe6: {  	v31 =	vand.u32 $0x78, v30  }
0xe7: {  	v17 =	vand.u32 $0x5, v30;
	v15 =	vshll.u32 v30, $0x7;
	v16 =	vadd.s32 v10, v31  }
0xe8: {  	v15 =	vadd.s32 v11, v15;
	v16 =	vor.u32 v17, v16  }
0xe9: {  	v32 =	vor.u32 v0, v15  }
0xea: {  	v13 =	vmul.f32 v14, v13;
	_ =	sdelay $0x1  }
0xeb: {  	[tilespmem:v12+s3+$0x0] =	vst.idx.msk $0xffff, v13  }
0xec: {  	v12 =	vld.idx.msk [tilespmem:v16+s29+$0x0], $0xffff  }
0xed: {  	v13 =	vld.idx.msk [tilespmem:v32+s3+$0x0], $0xffff;
	_ =	sdelay $0x2  }
0xee: {  	v33 =	vor.u32 v3, v15;
	_ =	sdelay $0x1  }
0xef: {  	v13 =	vmul.f32 v13, v12;
	_ =	sdelay $0x1  }
0xf0: {  	[tilespmem:v32+s3+$0x0] =	vst.idx.msk $0xffff, v13  }
0xf1: {  	v13 =	vld.idx.msk [tilespmem:v33+s3+$0x0], $0xffff;
	_ =	sdelay $0x2  }
0xf2: {  	v34 =	vor.u32 v4, v15;
	_ =	sdelay $0x1  }
0xf3: {  	v13 =	vmul.f32 v13, v12;
	_ =	sdelay $0x1  }
0xf4: {  	[tilespmem:v33+s3+$0x0] =	vst.idx.msk $0xffff, v13  }
0xf5: {  	v13 =	vld.idx.msk [tilespmem:v34+s3+$0x0], $0xffff;
	_ =	sdelay $0x2  }
0xf6: {  	v35 =	vor.u32 v5, v15;
	_ =	sdelay $0x1  }
0xf7: {  	v13 =	vmul.f32 v13, v12;
	_ =	sdelay $0x1  }
0xf8: {  	[tilespmem:v34+s3+$0x0] =	vst.idx.msk $0xffff, v13  }
0xf9: {  	v13 =	vld.idx.msk [tilespmem:v35+s3+$0x0], $0xffff;
	_ =	sdelay $0x2  }
0xfa: {  	v36 =	vor.u32 v6, v15;
	_ =	sdelay $0x1  }
0xfb: {  	v13 =	vmul.f32 v13, v12;
	_ =	sdelay $0x1  }
0xfc: {  	[tilespmem:v35+s3+$0x0] =	vst.idx.msk $0xffff, v13  }
0xfd: {  	v13 =	vld.idx.msk [tilespmem:v36+s3+$0x0], $0xffff;
	_ =	sdelay $0x2  }
0xfe: {  	v37 =	vor.u32 v7, v15;
	_ =	sdelay $0x1  }
0xff: {  	v13 =	vmul.f32 v13, v12;
	_ =	sdelay $0x1  }
0x100: {  	[tilespmem:v36+s3+$0x0] =	vst.idx.msk $0xffff, v13  }
0x101: {  	v13 =	vld.idx.msk [tilespmem:v37+s3+$0x0], $0xffff;
	_ =	sdelay $0x2  }
0x102: {  	v38 =	vor.u32 v8, v15;
	_ =	sdelay $0x1  }
0x103: {  	v13 =	vmul.f32 v13, v12;
	_ =	sdelay $0x1  }
0x104: {  	[tilespmem:v37+s3+$0x0] =	vst.idx.msk $0xffff, v13  }
0x105: {  	v13 =	vld.idx.msk [tilespmem:v38+s3+$0x0], $0xffff;
	_ =	sdelay $0x2  }
0x106: {  	v39 =	vor.u32 v9, v15;
	_ =	sdelay $0x1  }
0x107: {  	v13 =	vmul.f32 v13, v12;
	_ =	sdelay $0x1  }
0x108: {  	s18 =	sadd.s32 $0xFFFFFFFF, s15;
	[tilespmem:v38+s3+$0x0] =	vst.idx.msk $0xffff, v13  }
0x109: {  	v40 =	vmov s18;
	v13 =	vld.idx.msk [tilespmem:v39+s3+$0x0], $0xffff  }
0x10a: {  	v41 =	vand.u32 $0x78, v40  }
0x10b: {  	v42 =	vand.u32 $0x6, v40;
	v15 =	vshll.u32 v40, $0x7;
	v16 =	vadd.s32 v10, v41  }
0x10c: {  	v15 =	vadd.s32 v11, v15;
	v16 =	vor.u32 v42, v16  }
0x10d: {  	v43 =	vor.u32 v0, v15  }
0x10e: {  	v12 =	vmul.f32 v13, v12;
	_ =	sdelay $0x1  }
0x10f: {  	[tilespmem:v39+s3+$0x0] =	vst.idx.msk $0xffff, v12  }
0x110: {  	v12 =	vld.idx.msk [tilespmem:v16+s29+$0x0], $0xffff  }
0x111: {  	v44 =	vld.idx.msk [tilespmem:v43+s3+$0x0], $0xffff;
	_ =	sdelay $0x2  }
0x112: {  	v45 =	vor.u32 v3, v15;
	_ =	sdelay $0x1  }
0x113: {  	v13 =	vmul.f32 v44, v12;
	_ =	sdelay $0x1  }
0x114: {  	[tilespmem:v43+s3+$0x0] =	vst.idx.msk $0xffff, v13  }
0x115: {  	v13 =	vld.idx.msk [tilespmem:v45+s3+$0x0], $0xffff;
	_ =	sdelay $0x2  }
0x116: {  	v46 =	vor.u32 v4, v15;
	_ =	sdelay $0x1  }
0x117: {  	v13 =	vmul.f32 v13, v12;
	_ =	sdelay $0x1  }
0x118: {  	[tilespmem:v45+s3+$0x0] =	vst.idx.msk $0xffff, v13  }
0x119: {  	v13 =	vld.idx.msk [tilespmem:v46+s3+$0x0], $0xffff;
	_ =	sdelay $0x2  }
0x11a: {  	v47 =	vor.u32 v5, v15;
	_ =	sdelay $0x1  }
0x11b: {  	v13 =	vmul.f32 v13, v12;
	_ =	sdelay $0x1  }
0x11c: {  	[tilespmem:v46+s3+$0x0] =	vst.idx.msk $0xffff, v13  }
0x11d: {  	v13 =	vld.idx.msk [tilespmem:v47+s3+$0x0], $0xffff;
	_ =	sdelay $0x2  }
0x11e: {  	v48 =	vor.u32 v6, v15;
	_ =	sdelay $0x1  }
0x11f: {  	v13 =	vmul.f32 v13, v12;
	_ =	sdelay $0x1  }
0x120: {  	[tilespmem:v47+s3+$0x0] =	vst.idx.msk $0xffff, v13  }
0x121: {  	v13 =	vld.idx.msk [tilespmem:v48+s3+$0x0], $0xffff;
	_ =	sdelay $0x2  }
0x122: {  	v49 =	vor.u32 v7, v15;
	_ =	sdelay $0x1  }
0x123: {  	v13 =	vmul.f32 v13, v12;
	_ =	sdelay $0x1  }
0x124: {  	[tilespmem:v48+s3+$0x0] =	vst.idx.msk $0xffff, v13  }
0x125: {  	v13 =	vld.idx.msk [tilespmem:v49+s3+$0x0], $0xffff;
	_ =	sdelay $0x2  }
0x126: {  	v50 =	vor.u32 v8, v15;
	_ =	sdelay $0x1  }
0x127: {  	v13 =	vmul.f32 v13, v12;
	_ =	sdelay $0x1  }
0x128: {  	[tilespmem:v49+s3+$0x0] =	vst.idx.msk $0xffff, v13  }
0x129: {  	v13 =	vld.idx.msk [tilespmem:v50+s3+$0x0], $0xffff;
	_ =	sdelay $0x2  }
0x12a: {  	v51 =	vor.u32 v9, v15;
	_ =	sdelay $0x1  }
0x12b: {  	v13 =	vmul.f32 v13, v12;
	_ =	sdelay $0x1  }
0x12c: {  	[tilespmem:v50+s3+$0x0] =	vst.idx.msk $0xffff, v13  }
0x12d: {  	v52 =	vmov s15;
	v13 =	vld.idx.msk [tilespmem:v51+s3+$0x0], $0xffff  }
0x12e: {  	v53 =	vand.u32 $0x78, v52  }
0x12f: {  	v54 =	vand.u32 $0x7, v52;
	v15 =	vshll.u32 v52, $0x7;
	v16 =	vadd.s32 v10, v53  }
0x130: {  	v15 =	vadd.s32 v11, v15;
	v16 =	vor.u32 v54, v16  }
0x131: {  	v55 =	vor.u32 v0, v15  }
0x132: {  	v12 =	vmul.f32 v13, v12;
	_ =	sdelay $0x1  }
0x133: {  	[tilespmem:v51+s3+$0x0] =	vst.idx.msk $0xffff, v12  }
0x134: {  	v12 =	vld.idx.msk [tilespmem:v16+s29+$0x0], $0xffff  }
0x135: {  	v56 =	vld.idx.msk [tilespmem:v55+s3+$0x0], $0xffff;
	_ =	sdelay $0x2  }
0x136: {  	v57 =	vor.u32 v3, v15;
	_ =	sdelay $0x1  }
0x137: {  	v13 =	vmul.f32 v56, v12;
	_ =	sdelay $0x1  }
0x138: {  	[tilespmem:v55+s3+$0x0] =	vst.idx.msk $0xffff, v13  }
0x139: {  	v13 =	vld.idx.msk [tilespmem:v57+s3+$0x0], $0xffff;
	_ =	sdelay $0x2  }
0x13a: {  	v58 =	vor.u32 v4, v15;
	_ =	sdelay $0x1  }
0x13b: {  	v13 =	vmul.f32 v13, v12;
	_ =	sdelay $0x1  }
0x13c: {  	[tilespmem:v57+s3+$0x0] =	vst.idx.msk $0xffff, v13  }
0x13d: {  	v13 =	vld.idx.msk [tilespmem:v58+s3+$0x0], $0xffff;
	_ =	sdelay $0x2  }
0x13e: {  	v59 =	vor.u32 v5, v15;
	_ =	sdelay $0x1  }
0x13f: {  	v13 =	vmul.f32 v13, v12;
	_ =	sdelay $0x1  }
0x140: {  	[tilespmem:v58+s3+$0x0] =	vst.idx.msk $0xffff, v13  }
0x141: {  	v13 =	vld.idx.msk [tilespmem:v59+s3+$0x0], $0xffff;
	_ =	sdelay $0x2  }
0x142: {  	v60 =	vor.u32 v6, v15;
	_ =	sdelay $0x1  }
0x143: {  	v13 =	vmul.f32 v13, v12;
	_ =	sdelay $0x1  }
0x144: {  	[tilespmem:v59+s3+$0x0] =	vst.idx.msk $0xffff, v13  }
0x145: {  	v13 =	vld.idx.msk [tilespmem:v60+s3+$0x0], $0xffff;
	_ =	sdelay $0x2  }
0x146: {  	v61 =	vor.u32 v7, v15;
	_ =	sdelay $0x1  }
0x147: {  	v13 =	vmul.f32 v13, v12;
	_ =	sdelay $0x1  }
0x148: {  	[tilespmem:v60+s3+$0x0] =	vst.idx.msk $0xffff, v13  }
0x149: {  	v13 =	vld.idx.msk [tilespmem:v61+s3+$0x0], $0xffff;
	_ =	sdelay $0x2  }
0x14a: {  	v62 =	vor.u32 v8, v15;
	_ =	sdelay $0x1  }
0x14b: {  	v13 =	vmul.f32 v13, v12;
	_ =	sdelay $0x1  }
0x14c: {  	[tilespmem:v61+s3+$0x0] =	vst.idx.msk $0xffff, v13  }
0x14d: {  	v13 =	vld.idx.msk [tilespmem:v62+s3+$0x0], $0xffff;
	_ =	sdelay $0x2  }
0x14e: {  	v63 =	vor.u32 v9, v15;
	_ =	sdelay $0x1  }
0x14f: {  	v13 =	vmul.f32 v13, v12;
	_ =	sdelay $0x1  }
0x150: {  	[tilespmem:v62+s3+$0x0] =	vst.idx.msk $0xffff, v13  }
0x151: {  	v13 =	vld.idx.msk [tilespmem:v63+s3+$0x0], $0xffff;
	_ =	sdelay $0x1  }
0x152: {  	p0 =	sne.s32 s15, $0x4F  }
.Ltmp3:
0x153: {  	_ = 	snop;
	(pc) =	sbr.rel @p0 .LBB2_8-.Ltmp3, $3  }
0x154: {  	_ = 	snop  }
0x155: {  	v12 =	vmul.f32 v13, v12;
	_ =	sdelay $0x1  }
0x156: {  	s15 =	sadd.s32 $0x4, s15;
	[tilespmem:v63+s3+$0x0] =	vst.idx.msk $0xffff, v12  }
0x157: {  	s14 =	smul.u32 $0x140, s14  }
0x158: {  	s13 =	smul.u32 $0xA000, s13;
	p0 =	slt.u32 s12, $0x7D  }
.Ltmp4:
0x159: {  	_ = 	snop;
	(pc) =	sbr.rel @p0 .LBB2_4-.Ltmp4, $4  }
0x15a: {  	s14 =	sshrl.u32 s14, $0x2  }
0x15b: {  	s13 =	sshrl.u32 s13, $0x2;
	s14 =	sadd.s32 $0x7990, s14  }
0x15c: {  	[spmem:s2] =	stream.indirect.scatter.add.f32 [tilespmem:s13], [sflag:$0x5], $0x80, s14, s0, $0xb8;
	[tilespmem:$0x1B530] =	vst v63  }
0x15d: {  	s13 =	smov.u32 s12  }
0x15e: {  	_ =	swait.ge [sflag:s10], $0x2800  }
0x15f: {  	[sflag:s10] =	ssyncset.done $0x0  }
0x160: {  	[sflag:s10] =	ssyncadd.s32 $0xFFFFD800  }
0x161: {  	s12 =	stileid.u32;
	_ =	swait.ge [sflag:s10], $0x2800  }
0x162: {  	s13 =	sshrl.u32 s9, $0x3;
	s11 =	sadd.s32 $0x1, s11;
	[sflag:s10] =	ssyncset.done $0x0  }
0x163: {  	s12 =	sshll.u32 s12, $0x6;
	p0 =	sne.s32 s11, s24;
	[sflag:s10] =	ssyncadd.s32 $0xFFFFD800  }
.Ltmp5:
0x164: {  	s12 =	sor.u32 $0x1C06, s12;
	[bflag:$0x0] =	sbarrier.arrive $0xFFFF;
	(pc) =	sbr.rel @p0 .LBB2_1-.Ltmp5, $4  }
0x165: {  	[hbm:s21], [sflag:s12] =	dma.local [spmem:s13], $0x2710  }
0x166: {  	_ =	swait.ge [sflag:s25], $0x2710  }
0x167: {  	[sflag:s25] =	ssyncset.done $0x0  }
0x168: {  	[sflag:s25] =	ssyncadd.s32 $0xFFFFD8F0  }
0x169: {  	_ =	sfence.sel $0x180000  }
0x16a: {  	[bflag:$0x0] =	sbarrier.arrive $0xFFFF  }
0x16b: {  	_ =	strace $0x9000004A  }
0x16c: {  	s0 =	stileid.u32;
	[bflag:$0x2] =	sbarrier.arrive $0xFFFF  }
0x16d: {  	p0 =	sne.s32 s0, $0x0;
	s0 =	rddreg [dreg:$0x3]  }
0x16e: {  	s0 =	sadd.s32 @!p0 $0x100000, s0  }
0x16f: {  	[sflag:s0] =	ssyncadd.tile.s32 @!p0 $0x1;
	_ =	shalt  }
.Lfunc_end2:
_tile_overlayer_lowered:
.L_overlay_start_2:
0x170: {  	(tag) =	ssettag $0x2  }
0x171: {  	s0 =	rddreg [dreg:$0x0];
	s2 =	stileid.u32  }
0x172: {  	s1 =	rddreg [dreg:$0x1];
	p0 =	sne.s32 s2, $0x0  }
0x173: {  	s3 =	rddreg [dreg:$0x2];
	[bflag:$0x3] =	sbarrier.arrive $0xFFFF;
	s2 =	simm.s32 @!p0 $0x1C06  }
0x174: {  	[timem:s3], [sflag:s2] =	dma.local @!p0 [hbm:s0], s1  }
0x175: {  	s0 =	simm.s32 @!p0 $0x6  }
0x176: {  	_ =	swait.ge @!p0 [sflag:s0], s1  }
0x177: {  	s1 =	ssub.s32 @!p0 $0x0, s1;
	[sflag:s0] =	ssyncset.done @!p0 $0x0  }
0x178: {  	[sflag:s0] =	ssyncadd.s32 @!p0 s1  }
0x179: {  	[bflag:$0x3] =	sbarrier.arrive $0xFFFF  }
0x17a: {  	_ =	shalt  }

// kernel: kernel.7.cloned.1.call-start
scs
__scs_entry_jumppad:
0x0: {  	(pc) =	sbr.rel $0x88, $3  }
0x1: {  	(tag) =	ssettag $0x0;
	lr =	simm.s32 $0x1  }
0x2: {  	[smem:$0x3F8F] =	sst lr;
	_ =	strace $0xD0000000  }
0x3: {  	_ = 	snop  }
0x4: {  	_ = 	snop  }
0x5: {  	_ = 	snop  }
0x6: {  	_ = 	snop  }
0x7: {  	_ = 	snop  }
__scs_overlays_trampoline_lowered:
0x8: {  	[smem:$0x3F9E] =	sst s0  }
0x9: {  	[smem:$0x3F9F] =	sst s1  }
0xa: {  	[smem:$0x3FA0] =	sst s2  }
0xb: {  	[smem:$0x3FA1] =	sst s3  }
0xc: {  	[smem:$0x3FA2] =	sst s4  }
0xd: {  	[smem:$0x3FA3] =	sst s5  }
0xe: {  	[smem:$0x3FA4] =	sst s6  }
0xf: {  	[smem:$0x3FA5] =	sst s7  }
0x10: {  	[smem:$0x3FA6] =	sst s8  }
0x11: {  	[smem:$0x3FA7] =	sst s9;
	s0 =	simm.s32 @!p0 $0x0  }
0x12: {  	s1 =	sld [smem:$0x3F8D];
	s0 =	simm.s32 @p0 $0x1  }
0x13: {  	[smem:$0x3FA8] =	sst s0;
	s0 =	simm.s32 @!p1 $0x0  }
0x14: {  	s2 =	sld [smem:$0x3F8C];
	s0 =	simm.s32 @p1 $0x1  }
0x15: {  	[smem:$0x3FA9] =	sst s0;
	s0 =	simm.s32 @!p2 $0x0  }
0x16: {  	s3 =	sld [smem:$0x3FDB];
	s0 =	simm.s32 @p2 $0x1  }
0x17: {  	s4 =	simm.s32 $0x1BF5;
	[smem:$0x3FAB] =	sst s0  }
0x18: {  	s0 =	sld [smem:$0x3F8E];
	_ =	swait.ge [sflag:s4], $0x0  }
0x19: {  	s7 =	sld [smem:$0x3F8F]  }
0x1a: {  	s8 =	sadd.s32 $0xFFFFE003, lr  }
0x1b: {  	s9 =	sadd.s32 $0xFFFFFEF7, lr;
	s5 =	simm.s32 $0xFFFFFFFF;
	p2 =	slt.u32 s8, $0xFFFFF086  }
0x1c: {  	p1 =	slt.u32 s9, $0xF7A;
	s5 =	simm.s32 @!p2 $0x0  }
0x1d: {  	s5 =	simm.s32 @p1 $0x1;
	p0 =	seq.s32 s7, s2  }
0x1e: {  	s7 =	smul.u32 @!p0 $0xF7A, s2;
	p2 =	seq.s32 @!p0 s5, $0x0  }
0x1f: {  	s9 =	smul.u32 $0xF7A, s1;
	s8 =	simm.s32 @!p0 $0x1BF5;
	p2 =	por !p2, p0  }
0x20: {  	[sflag:s8] =	ssyncset.s32 @!p0 $0xFFFFF086;
	s6 =	sadd.s32 @!p0 s3, s7;
	s7 =	simm.s32 @!p0 $0x108  }
0x21: {  	s3 =	sadd.s32 s3, s9;
	s6 =	sadd.s32 @!p0 $0x88, s6;
	s7 =	simm.s32 @p2 $0x1082  }
0x22: {  	[simem:s7], [sflag:s8] =	dma.local @!p0 [hbm:s6], $0xF7A  }
0x23: {  	s9 =	sor.u32 $0xD0000000, s2;
	s6 =	simm.s32 $0x108;
	_ =	swait.ge @!p0 [sflag:s8], $0x0  }
0x24: {  	s3 =	sadd.s32 $0x88, s3;
	s6 =	simm.s32 @!p1 $0x1082;
	[sflag:s4] =	ssyncset.s32 $0xFFFFF086  }
0x25: {  	[simem:s6], [sflag:s4] =	dma.local [hbm:s3], $0xF7A  }
0x26: {  	[smem:$0x3F8F] =	sst s1;
	(tag) =	ssettag s2;
	_ =	strace s9  }
0x27: {  	s1 =	sld [smem:$0x3F9F]  }
0x28: {  	s2 =	sld [smem:$0x3FA0]  }
0x29: {  	s4 =	sld [smem:$0x3FA2]  }
0x2a: {  	p0 =	seq.s32 s5, $0x0;
	s5 =	sld [smem:$0x3FA3]  }
0x2b: {  	s6 =	sld [smem:$0x3FA4]  }
0x2c: {  	s7 =	sld [smem:$0x3FA5]  }
0x2d: {  	s3 =	simm.s32 $0x108;
	s8 =	sld [smem:$0x3FA6]  }
0x2e: {  	s3 =	simm.s32 @!p0 $0x1082;
	s9 =	sld [smem:$0x3FA7]  }
0x2f: {  	lr =	sadd.s32 s0, s3;
	s0 =	sld [smem:$0x3F9E]  }
0x30: {  	s3 =	sld [smem:$0x3FA1]  }
0x31: {  	[smem:$0x3FAA] =	sst s10  }
0x32: {  	s10 =	sld [smem:$0x3FA8];
	_ =	sdelay $0x3  }
0x33: {  	p0 =	seq.s32 s10, $0x1;
	s10 =	sld [smem:$0x3FAA];
	_ =	sdelay $0x3  }
0x34: {  	[smem:$0x3FAA] =	sst s10  }
0x35: {  	s10 =	sld [smem:$0x3FA9];
	_ =	sdelay $0x3  }
0x36: {  	p1 =	seq.s32 s10, $0x1;
	s10 =	sld [smem:$0x3FAA];
	_ =	sdelay $0x3  }
0x37: {  	[smem:$0x3FAA] =	sst s10  }
0x38: {  	s10 =	sld [smem:$0x3FAB]  }
0x39: {  	_ = 	snop;
	(pc) =	sbr.ind lr, $3  }
0x3a: {  	_ = 	snop  }
0x3b: {  	_ = 	snop  }
0x3c: {  	p2 =	seq.s32 s10, $0x1;
	s10 =	sld [smem:$0x3FAA]  }
0x3d: {  	_ =	shalt  }
0x3e: {  	_ =	shalt  }
0x3f: {  	_ =	shalt  }
0x40: {  	_ =	shalt  }
0x41: {  	_ =	shalt  }
0x42: {  	_ =	shalt  }
0x43: {  	_ =	shalt  }
0x44: {  	_ =	shalt  }
0x45: {  	_ =	shalt  }
0x46: {  	_ =	shalt  }
0x47: {  	_ =	shalt  }
0x48: {  	_ =	shalt  }
0x49: {  	_ =	shalt  }
0x4a: {  	_ =	shalt  }
0x4b: {  	_ =	shalt  }
0x4c: {  	_ =	shalt  }
0x4d: {  	_ =	shalt  }
0x4e: {  	_ =	shalt  }
0x4f: {  	_ =	shalt  }
0x50: {  	_ =	shalt  }
0x51: {  	_ =	shalt  }
0x52: {  	_ =	shalt  }
0x53: {  	_ =	shalt  }
0x54: {  	_ =	shalt  }
0x55: {  	_ =	shalt  }
0x56: {  	_ =	shalt  }
0x57: {  	_ =	shalt  }
0x58: {  	_ =	shalt  }
0x59: {  	_ =	shalt  }
0x5a: {  	_ =	shalt  }
0x5b: {  	_ =	shalt  }
0x5c: {  	_ =	shalt  }
0x5d: {  	_ =	shalt  }
0x5e: {  	_ =	shalt  }
0x5f: {  	_ =	shalt  }
0x60: {  	_ =	shalt  }
0x61: {  	_ =	shalt  }
0x62: {  	_ =	shalt  }
0x63: {  	_ =	shalt  }
0x64: {  	_ =	shalt  }
0x65: {  	_ =	shalt  }
0x66: {  	_ =	shalt  }
0x67: {  	_ =	shalt  }
0x68: {  	_ =	shalt  }
0x69: {  	_ =	shalt  }
0x6a: {  	_ =	shalt  }
0x6b: {  	_ =	shalt  }
0x6c: {  	_ =	shalt  }
0x6d: {  	_ =	shalt  }
0x6e: {  	_ =	shalt  }
0x6f: {  	_ =	shalt  }
0x70: {  	_ =	shalt  }
0x71: {  	_ =	shalt  }
0x72: {  	_ =	shalt  }
0x73: {  	_ =	shalt  }
0x74: {  	_ =	shalt  }
0x75: {  	_ =	shalt  }
0x76: {  	_ =	shalt  }
0x77: {  	_ =	shalt  }
0x78: {  	_ =	shalt  }
0x79: {  	_ =	shalt  }
0x7a: {  	_ =	shalt  }
0x7b: {  	_ =	shalt  }
0x7c: {  	_ =	shalt  }
0x7d: {  	_ =	shalt  }
0x7e: {  	_ =	shalt  }
0x7f: {  	_ =	shalt  }
0x80: {  	_ =	shalt  }
0x81: {  	_ =	shalt  }
0x82: {  	_ =	shalt  }
0x83: {  	_ =	shalt  }
0x84: {  	_ =	shalt  }
0x85: {  	_ =	shalt  }
0x86: {  	_ =	shalt  }
0x87: {  	_ =	shalt  }
.Lfunc_end0:
.L_simem_size_0:
called_computation_lowered:
.L_overlay_start_0:
0x88: {  	s2 =	sld [smem:$0x3FD9]  }
0x89: {  	s3 =	sld [smem:$0x3FFE];
	_ =	sdelay $0x1  }
0x8a: {  	s1 =	srdreg.scid  }
0x8b: {  	s0 =	sand.u32 $0x1, s1  }
0x8c: {  	s16 =	sshll.u32 s0, $0xA;
	s2 =	sadd.s32 s3, s2  }
0x8d: {  	s2 =	sadd.s32 s2, s16  }
0x8e: {  	[smem:$0x3FB6] =	sst s2  }
0x8f: {  	_ = 	snop  }
0x90: {  	(tm) =	ssettm $0x1  }
0x91: {  	s17 =	sld [smem:$0x3FFB];
	_ =	sdelay $0x3  }
0x92: {  	_ =	strace s17  }
0x93: {  	s2 =	sld [smem:$0x3FFC];
	_ =	sdelay $0x3  }
0x94: {  	_ =	strace s2  }
0x95: {  	s2 =	sld [smem:$0x3FFD];
	_ =	sdelay $0x3  }
0x96: {  	_ =	strace s2  }
0x97: {  	_ =	strace $0x8FFFFFFF  }
0x98: {  	s18 =	sld [smem:$0x3FDB];
	_ =	sdelay $0x1  }
0x99: {  	s19 =	simm.s32 $_scs_section_size  }
0x9a: {  	s4 =	simm.s32 $_size__tile_overlayer_lowered;
	s5 =	simm.s32 $_tile_overlayer_lowered  }
0x9b: {  	s22 =	simm.s32 $0x1BFF;
	s21 =	sshll.u32 s5, $0x1;
	s2 =	sadd.s32 s19, s18  }
0x9c: {  	s6 =	simm.s32 $0x0;
	s20 =	sshll.u32 s4, $0x1;
	s4 =	sadd.s32 s21, s2  }
0x9d: {  	[timem:s6], [sflag:s22] =	dma.local [hbm:s4], s20  }
0x9e: {  	_ =	swait.ge [sflag:s22], s20  }
0x9f: {  	s3 =	ssub.s32 $0x0, s20;
	[sflag:s22] =	ssyncset.done $0x0  }
0xa0: {  	[sflag:s22] =	ssyncadd.s32 s3;
	_ =	sdelay $0x1  }
0xa1: {  	s23 =	simm.s32 $0x1B8B  }
0xa2: {  	_ =	swait.ge [sflag:s23], $0x1  }
0xa3: {  	[sflag:s23] =	ssyncset.done $0x0  }
0xa4: {  	s25 =	simm.s32 $0x1B8E;
	s24 =	sld [smem:$0x3FFE];
	[sflag:s23] =	ssyncadd.s32 $0xFFFFFFFF  }
0xa5: {  	s26 =	simm.s32 $execute0_lowered;
	[smem:$0x3FD2] =	sst s25  }
0xa6: {  	s4 =	sshll.u32 s26, $0x1;
	_ =	strace $0x80000046;
	[dreg:$0x1] =	wrdreg $0xFFFFFFFF  }
0xa7: {  	s28 =	simm.s32 $_size_execute0_lowered;
	s2 =	sadd.s32 s2, s4;
	[dreg:$0x0] =	wrdreg $0x0  }
0xa8: {  	s4 =	sshll.u32 s28, $0x1;
	[dreg:$0x2] =	wrdreg s2  }
0xa9: {  	[dreg:$0x3] =	wrdreg s4  }
0xaa: {  	[dreg:$0x4] =	wrdreg $0xC0  }
0xab: {  	_ =	task [dreg:s6], $0x5FFFF  }
0xac: {  	[dreg:$0x1] =	wrdreg $0xFFFFFFFF  }
0xad: {  	[dreg:$0x0] =	wrdreg $0x60  }
0xae: {  	[dreg:$0x2] =	wrdreg s24  }
0xaf: {  	[dreg:$0x3] =	wrdreg $0x148000  }
0xb0: {  	[dreg:$0x4] =	wrdreg $0x14A800  }
0xb1: {  	[dreg:$0x5] =	wrdreg $0x9  }
0xb2: {  	_ =	task.clear_ibuf [dreg:s6], $0x6FFFF;
	_ =	strace $0x90000046  }
0xb3: {  	s29 =	simm.s32 $0x9;
	_ =	strace $0x80000048  }
0xb4: {  	_ =	swait.ge [sflag:s29], $0x1  }
0xb5: {  	[sflag:s29] =	ssyncadd.s32 $0xFFFFFFFF  }
0xb6: {  	_ =	strace $0x90000048  }
0xb7: {  	_ =	sfence  }
0xb8: {  	s30 =	sld [smem:$0x0];
	_ =	sdelay $0x2  }
0xb9: {  	s31 =	sshll.u32 s1, $0xD;
	s1 =	sshrl.u32 s1, $0x2  }
0xba: {  	s3 =	sand.u32 $0x4000, s31;
	s1 =	sadd.s32 s1, s30  }
0xbb: {  	s0 =	sor.u32 s3, s0;
	s1 =	sshll.u32 s1, $0x11  }
0xbc: {  	s0 =	sor.u32 s1, s0  }
0xbd: {  	s0 =	sadd.s32 $0x8F2B, s0  }
0xbe: {  	[sflag:s0] =	ssyncadd.remote.s32 $0x1  }
0xbf: {  	_ =	sfence.sel $0xFFFF  }
0xc0: {  	[dreg:$0x0] =	wrdreg $0xFFFFFFFF;
	(pc) =	sbr.abs _section_cstart, $3  }
0xc1: {  	[dreg:$0x1] =	wrdreg $0xFFFFFFFF  }
0xc2: {  	_ =	task.clear_ibuf [dreg:s6], $0x2FFFF;
	_ =	strace $0x9FFFFFFF  }
0xc3: {  	(tm) =	ssettm $0x7FFFFFFF  }
tec
execute0_lowered:
.L_overlay_start_1:
0x0: {  	(tag) =	ssettag $0x1  }
0x1: {  	v1 =	vlaneseq.u32  }
0x2: {  	v2 =	vor.u32 $0x10, v1  }
0x3: {  	[tilespmem:$0x1FF40] =	vst v2;
	v2 =	vor.u32 $0x20, v1  }
0x4: {  	[tilespmem:$0x1FF50] =	vst v2;
	v2 =	vor.u32 $0x30, v1  }
0x5: {  	[tilespmem:$0x1FF60] =	vst v2;
	v2 =	vor.u32 $0x40, v1  }
0x6: {  	s1 =	rddreg [dreg:$0x0];
	[tilespmem:$0x1FF70] =	vst v2;
	v2 =	vor.u32 $0x50, v1  }
0x7: {  	s0 =	rddreg [dreg:$0x1];
	[tilespmem:$0x1FF80] =	vst v2;
	v2 =	vor.u32 $0x60, v1  }
0x8: {  	s2 =	rddreg [dreg:$0x2];
	[tilespmem:$0x1FF90] =	vst v2;
	v2 =	vor.u32 $0x70, v1  }
0x9: {  	s3 =	simm.s32 $0x0;
	s12 =	stileid.u32;
	s4 =	srdreg.scid;
	[tilespmem:$0x1FFA0] =	vst v2;
	v2 =	vor.u32 $0x80, v1  }
0xa: {  	s23 =	simm.s32 $0x12B60;
	s28 =	simm.s32 $0x13770;
	s5 =	smul.u32 $0x2710, s12;
	[tilespmem:$0x1FFB0] =	vst v2;
	v2 =	vor.u32 $0x90, v1  }
0xb: {  	s29 =	simm.s32 $0x2710;
	s30 =	simm.s32 $0x11260;
	s9 =	smul.u32 $0xA00, s12;
	[tilespmem:$0x1FFC0] =	vst v2;
	v2 =	vor.u32 $0xA0, v1  }
0xc: {  	[smem:$0x7FF] =	sst s3;
	s4 =	sand.u32 $0x1, s4;
	s11 =	smul.u32 $0x14000, s12;
	[tilespmem:$0x1FFD0] =	vst v2;
	v2 =	vor.u32 $0xB0, v1  }
0xd: {  	v0 =	vimm.f32 $0.0e+00;
	s6 =	sadd.s32 $0x3200, s1;
	s13 =	sadd.s32 $0x3800, s1;
	s12 =	smul.u32 $0x5000, s12;
	[tilespmem:$0x1FFE0] =	vst v2;
	v2 =	vor.u32 $0xC0, v1  }
0xe: {  	v14 =	vor.u32 $0xD0, v1;
	v15 =	vor.u32 $0xE0, v1;
	v16 =	vor.u32 $0xF0, v1;
	s8 =	sadd.s32 $0x275000, s1;
	s14 =	smul.u32 $0xA000, s4;
	s9 =	sshrl.u32 s9, $0x2;
	[tilespmem:$0x1FFF0] =	vst v2  }
0xf: {  	v17 =	vor.u32 $0x100, v1;
	v18 =	vor.u32 $0x110, v1;
	v19 =	vor.u32 $0x120, v1;
	s11 =	sshrl.u32 s11, $0x2;
	_ =	strace $0x80000047;
	[dreg:$0x5] =	wrdreg s6  }
0x10: {  	v20 =	vor.u32 $0x130, v1;
	v21 =	vor.u32 $0x140, v1;
	v22 =	vor.u32 $0x150, v1;
	s9 =	sadd.s32 s9, s0;
	s16 =	sadd.s32 s11, s2;
	[dreg:$0x6] =	wrdreg s13  }
0x11: {  	v23 =	vor.u32 $0x160, v1;
	v24 =	vor.u32 $0x170, v1;
	v25 =	vor.u32 $0x180, v1;
	s10 =	ssub.s32 $0x2, s4;
	s17 =	sadd.s32 $0x2000, s16;
	[dreg:$0x7] =	wrdreg s9  }
0x12: {  	v26 =	vor.u32 $0x190, v1;
	v27 =	vor.u32 $0x1A0, v1;
	v28 =	vor.u32 $0x1B0, v1;
	s7 =	sshrl.u32 s5, $0x3;
	s18 =	sadd.s32 $0x3000, s16;
	[dreg:$0xa] =	wrdreg s17  }
0x13: {  	v29 =	vor.u32 $0x1C0, v1;
	v30 =	vor.u32 $0x1D0, v1;
	v31 =	vor.u32 $0x1E0, v1;
	s7 =	sadd.s32 s7, s1;
	s19 =	sadd.s32 $0x4000, s16;
	[dreg:$0xb] =	wrdreg s18  }
0x14: {  	v32 =	vor.u32 $0x1F0, v1;
	v33 =	vor.u32 $0x200, v1;
	v34 =	vor.u32 $0x210, v1;
	p0 =	seq.s32 s4, $0x1;
	s20 =	sadd.s32 $0xDE00, s7;
	[dreg:$0xc] =	wrdreg s19  }
0x15: {  	v35 =	vor.u32 $0x220, v1;
	v36 =	vor.u32 $0x230, v1;
	v37 =	vor.u32 $0x240, v1;
	s15 =	sshrl.u32 s10, $0x1;
	s21 =	sadd.s32 $0x8E00, s7;
	[dreg:$0xd] =	wrdreg s20  }
0x16: {  	v38 =	vor.u32 $0x250, v1;
	v39 =	vor.u32 $0x260, v1;
	v40 =	vor.u32 $0x270, v1;
	s26 =	sshrl.u32 s12, $0x3;
	s22 =	sadd.s32 $0x3E00, s7;
	[dreg:$0xe] =	wrdreg s21  }
0x17: {  	v41 =	vor.u32 $0x280, v1;
	v42 =	vor.u32 $0x290, v1;
	v43 =	vor.u32 $0x2A0, v1;
	s1 =	sadd.s32 s14, s1;
	s24 =	sadd.s32 $0x26E00, s7;
	[dreg:$0xf] =	wrdreg s22  }
0x18: {  	v44 =	vor.u32 $0x2B0, v1;
	v45 =	vor.u32 $0x2C0, v1;
	v46 =	vor.u32 $0x2D0, v1;
	s25 =	sadd.s32 $0x27072, s7;
	s1 =	sadd.s32 $0x12E00, s1;
	[dreg:$0x4] =	wrdreg s23  }
0x19: {  	v47 =	vor.u32 $0x2E0, v1;
	v48 =	vor.u32 $0x2F0, v1;
	v49 =	vor.u32 $0x300, v1;
	s1 =	sadd.s32 s26, s1;
	s6 =	ssub.s32 s10, s15;
	[dreg:$0x10] =	wrdreg s24  }
0x1a: {  	v50 =	vor.u32 $0x310, v1;
	v51 =	vor.u32 $0x320, v1;
	v52 =	vor.u32 $0x330, v1;
	s10 =	sadd.s32 s12, s2;
	s2 =	sadd.s32 $0x1000, s16;
	[dreg:$0x11] =	wrdreg s25  }
0x1b: {  	v53 =	vor.u32 $0x340, v1;
	v54 =	vor.u32 $0x350, v1;
	v55 =	vor.u32 $0x360, v1;
	s18 =	smul.u32 $0x1390, s4;
	s19 =	sxor.u32 $0x139, s4;
	[dreg:$0x13] =	wrdreg s1  }
0x1c: {  	v56 =	vor.u32 $0x370, v1;
	v57 =	vor.u32 $0x380, v1;
	v58 =	vor.u32 $0x390, v1;
	s20 =	ssub.s32 $0x138, s4;
	s21 =	simm.s32 $0x1;
	[dreg:$0x9] =	wrdreg s2  }
0x1d: {  	v59 =	vor.u32 $0x3A0, v1;
	v60 =	vor.u32 $0x3B0, v1;
	v61 =	vor.u32 $0x3C0, v1;
	s1 =	simm.s32 $0x9C40;
	s31 =	smax.u32 s6, $0x1;
	[dreg:$0x8] =	wrdreg s10  }
0x1e: {  	v62 =	vor.u32 $0x3D0, v1;
	v63 =	vor.u32 $0x3E0, v1;
	s25 =	simm.s32 $0x12F70;
	s4 =	simm.s32 $0x0;
	[dreg:$0x12] =	wrdreg s31;
	v2 =	vmov s18  }
.LBB2_1:
0x1f: {  	[tilespmem:$0x12CF0] =	vst v0  }
0x20: {  	[tilespmem:$0x12D00] =	vst v0  }
0x21: {  	[tilespmem:$0x12D10] =	vst v0  }
0x22: {  	[tilespmem:$0x12D20] =	vst v0  }
0x23: {  	[tilespmem:$0x12D30] =	vst v0  }
0x24: {  	[tilespmem:$0x12D40] =	vst v0  }
0x25: {  	[tilespmem:$0x12D50] =	vst v0  }
0x26: {  	[tilespmem:$0x12D60] =	vst v0  }
0x27: {  	[tilespmem:$0x12D70] =	vst v0  }
0x28: {  	[tilespmem:$0x12D80] =	vst v0  }
0x29: {  	[tilespmem:$0x12D90] =	vst v0  }
0x2a: {  	[tilespmem:$0x12DA0] =	vst v0  }
0x2b: {  	[tilespmem:$0x12DB0] =	vst v0  }
0x2c: {  	[tilespmem:$0x12DC0] =	vst v0  }
0x2d: {  	[tilespmem:$0x12DD0] =	vst v0  }
0x2e: {  	[tilespmem:$0x12DE0] =	vst v0  }
0x2f: {  	[tilespmem:$0x12DF0] =	vst v0  }
0x30: {  	[tilespmem:$0x12E00] =	vst v0  }
0x31: {  	[tilespmem:$0x12E10] =	vst v0  }
0x32: {  	[tilespmem:$0x12E20] =	vst v0  }
0x33: {  	[tilespmem:$0x12E30] =	vst v0  }
0x34: {  	[tilespmem:$0x12E40] =	vst v0  }
0x35: {  	[tilespmem:$0x12E50] =	vst v0  }
0x36: {  	[tilespmem:$0x12E60] =	vst v0  }
0x37: {  	[tilespmem:$0x12E70] =	vst v0  }
0x38: {  	[tilespmem:$0x12E80] =	vst v0  }
0x39: {  	[tilespmem:$0x12E90] =	vst v0  }
0x3a: {  	[tilespmem:$0x12EA0] =	vst v0  }
0x3b: {  	[tilespmem:$0x12EB0] =	vst v0  }
0x3c: {  	[tilespmem:$0x12EC0] =	vst v0  }
0x3d: {  	[tilespmem:$0x12ED0] =	vst v0  }
0x3e: {  	[tilespmem:$0x12EE0] =	vst v0  }
0x3f: {  	[tilespmem:$0x12EF0] =	vst v0  }
0x40: {  	[tilespmem:$0x12F00] =	vst v0  }
0x41: {  	[tilespmem:$0x12F10] =	vst v0  }
0x42: {  	[tilespmem:$0x12F20] =	vst v0  }
0x43: {  	[tilespmem:$0x12F30] =	vst v0  }
0x44: {  	[tilespmem:$0x12F40] =	vst v0  }
0x45: {  	[dreg:$0x14] =	wrdreg s4;
	[tilespmem:$0x12F50] =	vst v0  }
0x46: {  	[tilespmem:$0x12F60] =	vst v0;
	s2 =	rddreg [dreg:$0x7];
	s7 =	simm.s32 $0x12CF0  }
0x47: {  	[spmem:s2] =	stream.linear.scatter [tilespmem:s7], [sflag:$0x1], $0x280, $0x38;
	[tilespmem:$0x19A80] =	vst v63  }
0x48: {  	_ =	swait.ge [sflag:s21], $0x280  }
0x49: {  	v3 =	vld [tilespmem:$0x1FF40];
	_ =	sdelay $0x4  }
0x4a: {  	[sflag:s21] =	ssyncset.done $0x0  }
0x4b: {  	[sflag:s21] =	ssyncadd.s32 $0xFFFFFD80  }
0x4c: {  	[tilespmem:v1+s28+$0x0] =	vst.idx.msk $0xffff, v0  }
0x4d: {  	[tilespmem:v3+s28+$0x0] =	vst.idx.msk $0xffff, v0;
	v3 =	vld [tilespmem:$0x1FF50];
	_ =	sdelay $0x7  }
0x4e: {  	[tilespmem:v3+s28+$0x0] =	vst.idx.msk $0xffff, v0;
	v3 =	vld [tilespmem:$0x1FF60];
	_ =	sdelay $0x7  }
0x4f: {  	[tilespmem:v3+s28+$0x0] =	vst.idx.msk $0xffff, v0;
	v3 =	vld [tilespmem:$0x1FF70];
	_ =	sdelay $0x7  }
0x50: {  	[tilespmem:v3+s28+$0x0] =	vst.idx.msk $0xffff, v0;
	v3 =	vld [tilespmem:$0x1FF80];
	_ =	sdelay $0x7  }
0x51: {  	[tilespmem:v3+s28+$0x0] =	vst.idx.msk $0xffff, v0;
	v3 =	vld [tilespmem:$0x1FF90];
	_ =	sdelay $0x7  }
0x52: {  	[tilespmem:v3+s28+$0x0] =	vst.idx.msk $0xffff, v0;
	v3 =	vld [tilespmem:$0x1FFA0];
	_ =	sdelay $0x7  }
0x53: {  	[tilespmem:v3+s28+$0x0] =	vst.idx.msk $0xffff, v0;
	v3 =	vld [tilespmem:$0x1FFB0];
	_ =	sdelay $0x7  }
0x54: {  	[tilespmem:v3+s28+$0x0] =	vst.idx.msk $0xffff, v0;
	v3 =	vld [tilespmem:$0x1FFC0];
	_ =	sdelay $0x7  }
0x55: {  	[tilespmem:v3+s28+$0x0] =	vst.idx.msk $0xffff, v0;
	v3 =	vld [tilespmem:$0x1FFD0];
	_ =	sdelay $0x7  }
0x56: {  	[tilespmem:v3+s28+$0x0] =	vst.idx.msk $0xffff, v0;
	v3 =	vld [tilespmem:$0x1FFE0];
	_ =	sdelay $0x7  }
0x57: {  	[tilespmem:v3+s28+$0x0] =	vst.idx.msk $0xffff, v0;
	v3 =	vld [tilespmem:$0x1FFF0];
	_ =	sdelay $0x7  }
0x58: {  	[tilespmem:v3+s28+$0x0] =	vst.idx.msk $0xffff, v0  }
0x59: {  	[tilespmem:v14+s28+$0x0] =	vst.idx.msk $0xffff, v0  }
0x5a: {  	[tilespmem:v15+s28+$0x0] =	vst.idx.msk $0xffff, v0  }
0x5b: {  	[tilespmem:v16+s28+$0x0] =	vst.idx.msk $0xffff, v0  }
0x5c: {  	[tilespmem:v17+s28+$0x0] =	vst.idx.msk $0xffff, v0  }
0x5d: {  	[tilespmem:v18+s28+$0x0] =	vst.idx.msk $0xffff, v0  }
0x5e: {  	[tilespmem:v19+s28+$0x0] =	vst.idx.msk $0xffff, v0  }
0x5f: {  	[tilespmem:v20+s28+$0x0] =	vst.idx.msk $0xffff, v0  }
0x60: {  	[tilespmem:v21+s28+$0x0] =	vst.idx.msk $0xffff, v0  }
0x61: {  	[tilespmem:v22+s28+$0x0] =	vst.idx.msk $0xffff, v0  }
0x62: {  	[tilespmem:v23+s28+$0x0] =	vst.idx.msk $0xffff, v0  }
0x63: {  	[tilespmem:v24+s28+$0x0] =	vst.idx.msk $0xffff, v0  }
0x64: {  	[tilespmem:v25+s28+$0x0] =	vst.idx.msk $0xffff, v0  }
0x65: {  	[tilespmem:v26+s28+$0x0] =	vst.idx.msk $0xffff, v0  }
0x66: {  	[tilespmem:v27+s28+$0x0] =	vst.idx.msk $0xffff, v0  }
0x67: {  	[tilespmem:v28+s28+$0x0] =	vst.idx.msk $0xffff, v0  }
0x68: {  	[tilespmem:v29+s28+$0x0] =	vst.idx.msk $0xffff, v0  }
0x69: {  	[tilespmem:v30+s28+$0x0] =	vst.idx.msk $0xffff, v0  }
0x6a: {  	[tilespmem:v31+s28+$0x0] =	vst.idx.msk $0xffff, v0  }
0x6b: {  	[tilespmem:v32+s28+$0x0] =	vst.idx.msk $0xffff, v0  }
0x6c: {  	[tilespmem:v33+s28+$0x0] =	vst.idx.msk $0xffff, v0  }
0x6d: {  	[tilespmem:v34+s28+$0x0] =	vst.idx.msk $0xffff, v0  }
0x6e: {  	[tilespmem:v35+s28+$0x0] =	vst.idx.msk $0xffff, v0  }
0x6f: {  	[tilespmem:v36+s28+$0x0] =	vst.idx.msk $0xffff, v0  }
0x70: {  	[tilespmem:v37+s28+$0x0] =	vst.idx.msk $0xffff, v0  }
0x71: {  	[tilespmem:v38+s28+$0x0] =	vst.idx.msk $0xffff, v0  }
0x72: {  	[tilespmem:v39+s28+$0x0] =	vst.idx.msk $0xffff, v0  }
0x73: {  	[tilespmem:v40+s28+$0x0] =	vst.idx.msk $0xffff, v0  }
0x74: {  	[tilespmem:v41+s28+$0x0] =	vst.idx.msk $0xffff, v0  }
0x75: {  	[tilespmem:v42+s28+$0x0] =	vst.idx.msk $0xffff, v0  }
0x76: {  	[tilespmem:v43+s28+$0x0] =	vst.idx.msk $0xffff, v0  }
0x77: {  	[tilespmem:v44+s28+$0x0] =	vst.idx.msk $0xffff, v0  }
0x78: {  	[tilespmem:v45+s28+$0x0] =	vst.idx.msk $0xffff, v0  }
0x79: {  	[tilespmem:v46+s28+$0x0] =	vst.idx.msk $0xffff, v0  }
0x7a: {  	[tilespmem:v47+s28+$0x0] =	vst.idx.msk $0xffff, v0  }
0x7b: {  	[tilespmem:v48+s28+$0x0] =	vst.idx.msk $0xffff, v0  }
0x7c: {  	[tilespmem:v49+s28+$0x0] =	vst.idx.msk $0xffff, v0  }
0x7d: {  	[tilespmem:v50+s28+$0x0] =	vst.idx.msk $0xffff, v0  }
0x7e: {  	[tilespmem:v51+s28+$0x0] =	vst.idx.msk $0xffff, v0  }
0x7f: {  	[tilespmem:v52+s28+$0x0] =	vst.idx.msk $0xffff, v0  }
0x80: {  	[tilespmem:v53+s28+$0x0] =	vst.idx.msk $0xffff, v0  }
0x81: {  	[tilespmem:v54+s28+$0x0] =	vst.idx.msk $0xffff, v0  }
0x82: {  	[tilespmem:v55+s28+$0x0] =	vst.idx.msk $0xffff, v0  }
0x83: {  	[tilespmem:v56+s28+$0x0] =	vst.idx.msk $0xffff, v0  }
0x84: {  	[tilespmem:v57+s28+$0x0] =	vst.idx.msk $0xffff, v0  }
0x85: {  	[tilespmem:v58+s28+$0x0] =	vst.idx.msk $0xffff, v0  }
0x86: {  	v3 =	vor.u32 $0x3F0, v1;
	[tilespmem:v59+s28+$0x0] =	vst.idx.msk $0xffff, v0  }
0x87: {  	v4 =	vor.u32 $0x400, v1;
	[tilespmem:v60+s28+$0x0] =	vst.idx.msk $0xffff, v0  }
0x88: {  	v5 =	vor.u32 $0x410, v1;
	[tilespmem:v61+s28+$0x0] =	vst.idx.msk $0xffff, v0  }
0x89: {  	v6 =	vor.u32 $0x420, v1;
	[tilespmem:v62+s28+$0x0] =	vst.idx.msk $0xffff, v0  }
0x8a: {  	v7 =	vor.u32 $0x430, v1;
	[tilespmem:v63+s28+$0x0] =	vst.idx.msk $0xffff, v0  }
0x8b: {  	[tilespmem:v3+s28+$0x0] =	vst.idx.msk $0xffff, v0;
	v3 =	vor.u32 $0x440, v1  }
0x8c: {  	[tilespmem:v4+s28+$0x0] =	vst.idx.msk $0xffff, v0;
	v4 =	vor.u32 $0x450, v1  }
0x8d: {  	[tilespmem:v5+s28+$0x0] =	vst.idx.msk $0xffff, v0;
	v5 =	vor.u32 $0x460, v1  }
0x8e: {  	v9 =	vor.u32 $0x470, v1;
	[tilespmem:v6+s28+$0x0] =	vst.idx.msk $0xffff, v0  }
0x8f: {  	v10 =	vor.u32 $0x480, v1;
	[tilespmem:v7+s28+$0x0] =	vst.idx.msk $0xffff, v0  }
0x90: {  	[tilespmem:v3+s28+$0x0] =	vst.idx.msk $0xffff, v0;
	v3 =	vor.u32 $0x490, v1  }
0x91: {  	[tilespmem:v4+s28+$0x0] =	vst.idx.msk $0xffff, v0;
	v4 =	vor.u32 $0x4A0, v1  }
0x92: {  	[tilespmem:v5+s28+$0x0] =	vst.idx.msk $0xffff, v0;
	v5 =	vor.u32 $0x4B0, v1  }
0x93: {  	v11 =	vor.u32 $0x4C0, v1;
	[tilespmem:v9+s28+$0x0] =	vst.idx.msk $0xffff, v0  }
0x94: {  	v9 =	vor.u32 $0x4D0, v1;
	[tilespmem:v10+s28+$0x0] =	vst.idx.msk $0xffff, v0  }
0x95: {  	[tilespmem:v3+s28+$0x0] =	vst.idx.msk $0xffff, v0;
	v3 =	vor.u32 $0x4E0, v1  }
0x96: {  	[tilespmem:v4+s28+$0x0] =	vst.idx.msk $0xffff, v0;
	v4 =	vor.u32 $0x4F0, v1  }
0x97: {  	[tilespmem:v5+s28+$0x0] =	vst.idx.msk $0xffff, v0;
	v5 =	vor.u32 $0x500, v1  }
0x98: {  	v10 =	vor.u32 $0x510, v1;
	[tilespmem:v11+s28+$0x0] =	vst.idx.msk $0xffff, v0  }
0x99: {  	v11 =	vor.u32 $0x520, v1;
	[tilespmem:v9+s28+$0x0] =	vst.idx.msk $0xffff, v0  }
0x9a: {  	[tilespmem:v3+s28+$0x0] =	vst.idx.msk $0xffff, v0;
	v3 =	vor.u32 $0x530, v1  }
0x9b: {  	[tilespmem:v4+s28+$0x0] =	vst.idx.msk $0xffff, v0;
	v4 =	vor.u32 $0x540, v1  }
0x9c: {  	[tilespmem:v5+s28+$0x0] =	vst.idx.msk $0xffff, v0;
	v5 =	vor.u32 $0x550, v1  }
0x9d: {  	v9 =	vor.u32 $0x560, v1;
	[tilespmem:v10+s28+$0x0] =	vst.idx.msk $0xffff, v0  }
0x9e: {  	v10 =	vor.u32 $0x570, v1;
	[tilespmem:v11+s28+$0x0] =	vst.idx.msk $0xffff, v0  }
0x9f: {  	[tilespmem:v3+s28+$0x0] =	vst.idx.msk $0xffff, v0;
	v3 =	vor.u32 $0x580, v1  }
0xa0: {  	[tilespmem:v4+s28+$0x0] =	vst.idx.msk $0xffff, v0;
	v4 =	vor.u32 $0x590, v1  }
0xa1: {  	[tilespmem:v5+s28+$0x0] =	vst.idx.msk $0xffff, v0;
	v5 =	vor.u32 $0x5A0, v1  }
0xa2: {  	v11 =	vor.u32 $0x5B0, v1;
	[tilespmem:v9+s28+$0x0] =	vst.idx.msk $0xffff, v0  }
0xa3: {  	v9 =	vor.u32 $0x5C0, v1;
	[tilespmem:v10+s28+$0x0] =	vst.idx.msk $0xffff, v0  }
0xa4: {  	[tilespmem:v3+s28+$0x0] =	vst.idx.msk $0xffff, v0;
	v3 =	vor.u32 $0x5D0, v1  }
0xa5: {  	[tilespmem:v4+s28+$0x0] =	vst.idx.msk $0xffff, v0;
	v4 =	vor.u32 $0x5E0, v1  }
0xa6: {  	[tilespmem:v5+s28+$0x0] =	vst.idx.msk $0xffff, v0;
	v5 =	vor.u32 $0x5F0, v1  }
0xa7: {  	v10 =	vor.u32 $0x600, v1;
	[tilespmem:v11+s28+$0x0] =	vst.idx.msk $0xffff, v0  }
0xa8: {  	v11 =	vor.u32 $0x610, v1;
	[tilespmem:v9+s28+$0x0] =	vst.idx.msk $0xffff, v0  }
0xa9: {  	[tilespmem:v3+s28+$0x0] =	vst.idx.msk $0xffff, v0;
	v3 =	vor.u32 $0x620, v1  }
0xaa: {  	[tilespmem:v4+s28+$0x0] =	vst.idx.msk $0xffff, v0;
	v4 =	vor.u32 $0x630, v1  }
0xab: {  	[tilespmem:v5+s28+$0x0] =	vst.idx.msk $0xffff, v0;
	v5 =	vor.u32 $0x640, v1  }
0xac: {  	v9 =	vor.u32 $0x650, v1;
	[tilespmem:v10+s28+$0x0] =	vst.idx.msk $0xffff, v0  }
0xad: {  	v10 =	vor.u32 $0x660, v1;
	[tilespmem:v11+s28+$0x0] =	vst.idx.msk $0xffff, v0  }
0xae: {  	[tilespmem:v3+s28+$0x0] =	vst.idx.msk $0xffff, v0;
	v3 =	vor.u32 $0x670, v1  }
0xaf: {  	[tilespmem:v4+s28+$0x0] =	vst.idx.msk $0xffff, v0;
	v4 =	vor.u32 $0x680, v1  }
0xb0: {  	[tilespmem:v5+s28+$0x0] =	vst.idx.msk $0xffff, v0;
	v5 =	vor.u32 $0x690, v1  }
0xb1: {  	v11 =	vor.u32 $0x6A0, v1;
	[tilespmem:v9+s28+$0x0] =	vst.idx.msk $0xffff, v0  }
0xb2: {  	v9 =	vor.u32 $0x6B0, v1;
	[tilespmem:v10+s28+$0x0] =	vst.idx.msk $0xffff, v0  }
0xb3: {  	[tilespmem:v3+s28+$0x0] =	vst.idx.msk $0xffff, v0;
	v3 =	vor.u32 $0x6C0, v1  }
0xb4: {  	[tilespmem:v4+s28+$0x0] =	vst.idx.msk $0xffff, v0;
	v4 =	vor.u32 $0x6D0, v1  }
0xb5: {  	[tilespmem:v5+s28+$0x0] =	vst.idx.msk $0xffff, v0;
	v5 =	vor.u32 $0x6E0, v1  }
0xb6: {  	v10 =	vor.u32 $0x6F0, v1;
	[tilespmem:v11+s28+$0x0] =	vst.idx.msk $0xffff, v0  }
0xb7: {  	v11 =	vor.u32 $0x700, v1;
	[tilespmem:v9+s28+$0x0] =	vst.idx.msk $0xffff, v0  }
0xb8: {  	[tilespmem:v3+s28+$0x0] =	vst.idx.msk $0xffff, v0;
	v3 =	vor.u32 $0x710, v1  }
0xb9: {  	[tilespmem:v4+s28+$0x0] =	vst.idx.msk $0xffff, v0;
	v4 =	vor.u32 $0x720, v1  }
0xba: {  	[tilespmem:v5+s28+$0x0] =	vst.idx.msk $0xffff, v0;
	v5 =	vor.u32 $0x730, v1  }
0xbb: {  	v9 =	vor.u32 $0x740, v1;
	[tilespmem:v10+s28+$0x0] =	vst.idx.msk $0xffff, v0  }
0xbc: {  	v10 =	vor.u32 $0x750, v1;
	[tilespmem:v11+s28+$0x0] =	vst.idx.msk $0xffff, v0  }
0xbd: {  	[tilespmem:v3+s28+$0x0] =	vst.idx.msk $0xffff, v0;
	v3 =	vor.u32 $0x760, v1  }
0xbe: {  	[tilespmem:v4+s28+$0x0] =	vst.idx.msk $0xffff, v0;
	v4 =	vor.u32 $0x770, v1  }
0xbf: {  	[tilespmem:v5+s28+$0x0] =	vst.idx.msk $0xffff, v0;
	v5 =	vor.u32 $0x780, v1  }
0xc0: {  	v11 =	vor.u32 $0x790, v1;
	[tilespmem:v9+s28+$0x0] =	vst.idx.msk $0xffff, v0  }
0xc1: {  	v9 =	vor.u32 $0x7A0, v1;
	[tilespmem:v10+s28+$0x0] =	vst.idx.msk $0xffff, v0  }
0xc2: {  	[tilespmem:v3+s28+$0x0] =	vst.idx.msk $0xffff, v0;
	v3 =	vor.u32 $0x7B0, v1  }
0xc3: {  	[tilespmem:v4+s28+$0x0] =	vst.idx.msk $0xffff, v0;
	v4 =	vor.u32 $0x7C0, v1  }
0xc4: {  	[tilespmem:v5+s28+$0x0] =	vst.idx.msk $0xffff, v0;
	v5 =	vor.u32 $0x7D0, v1  }
0xc5: {  	v10 =	vor.u32 $0x7E0, v1;
	[tilespmem:v11+s28+$0x0] =	vst.idx.msk $0xffff, v0  }
0xc6: {  	v11 =	vor.u32 $0x7F0, v1;
	[tilespmem:v9+s28+$0x0] =	vst.idx.msk $0xffff, v0  }
0xc7: {  	[tilespmem:v3+s28+$0x0] =	vst.idx.msk $0xffff, v0;
	v3 =	vor.u32 $0x800, v1  }
0xc8: {  	[tilespmem:v4+s28+$0x0] =	vst.idx.msk $0xffff, v0;
	v4 =	vor.u32 $0x810, v1  }
0xc9: {  	[tilespmem:v5+s28+$0x0] =	vst.idx.msk $0xffff, v0;
	v5 =	vor.u32 $0x820, v1  }
0xca: {  	v9 =	vor.u32 $0x830, v1;
	[tilespmem:v10+s28+$0x0] =	vst.idx.msk $0xffff, v0  }
0xcb: {  	v10 =	vor.u32 $0x840, v1;
	[tilespmem:v11+s28+$0x0] =	vst.idx.msk $0xffff, v0  }
0xcc: {  	[tilespmem:v3+s28+$0x0] =	vst.idx.msk $0xffff, v0;
	v3 =	vor.u32 $0x850, v1  }
0xcd: {  	[tilespmem:v4+s28+$0x0] =	vst.idx.msk $0xffff, v0;
	v4 =	vor.u32 $0x860, v1  }
0xce: {  	[tilespmem:v5+s28+$0x0] =	vst.idx.msk $0xffff, v0;
	v5 =	vor.u32 $0x870, v1  }
0xcf: {  	v11 =	vor.u32 $0x880, v1;
	[tilespmem:v9+s28+$0x0] =	vst.idx.msk $0xffff, v0  }
0xd0: {  	v9 =	vor.u32 $0x890, v1;
	[tilespmem:v10+s28+$0x0] =	vst.idx.msk $0xffff, v0  }
0xd1: {  	[tilespmem:v3+s28+$0x0] =	vst.idx.msk $0xffff, v0;
	v3 =	vor.u32 $0x8A0, v1  }
0xd2: {  	[tilespmem:v4+s28+$0x0] =	vst.idx.msk $0xffff, v0;
	v4 =	vor.u32 $0x8B0, v1  }
0xd3: {  	[tilespmem:v5+s28+$0x0] =	vst.idx.msk $0xffff, v0;
	v5 =	vor.u32 $0x8C0, v1  }
0xd4: {  	v10 =	vor.u32 $0x8D0, v1;
	[tilespmem:v11+s28+$0x0] =	vst.idx.msk $0xffff, v0  }
0xd5: {  	v11 =	vor.u32 $0x8E0, v1;
	[tilespmem:v9+s28+$0x0] =	vst.idx.msk $0xffff, v0  }
0xd6: {  	[tilespmem:v3+s28+$0x0] =	vst.idx.msk $0xffff, v0;
	v3 =	vor.u32 $0x8F0, v1  }
0xd7: {  	[tilespmem:v4+s28+$0x0] =	vst.idx.msk $0xffff, v0;
	v4 =	vor.u32 $0x900, v1  }
0xd8: {  	[tilespmem:v5+s28+$0x0] =	vst.idx.msk $0xffff, v0;
	v5 =	vor.u32 $0x910, v1  }
0xd9: {  	v9 =	vor.u32 $0x920, v1;
	[tilespmem:v10+s28+$0x0] =	vst.idx.msk $0xffff, v0  }
0xda: {  	v10 =	vor.u32 $0x930, v1;
	[tilespmem:v11+s28+$0x0] =	vst.idx.msk $0xffff, v0  }
0xdb: {  	[tilespmem:v3+s28+$0x0] =	vst.idx.msk $0xffff, v0;
	v3 =	vor.u32 $0x940, v1  }
0xdc: {  	[tilespmem:v4+s28+$0x0] =	vst.idx.msk $0xffff, v0;
	v4 =	vor.u32 $0x950, v1  }
0xdd: {  	[tilespmem:v5+s28+$0x0] =	vst.idx.msk $0xffff, v0;
	v5 =	vor.u32 $0x960, v1  }
0xde: {  	v11 =	vor.u32 $0x970, v1;
	[tilespmem:v9+s28+$0x0] =	vst.idx.msk $0xffff, v0  }
0xdf: {  	v9 =	vor.u32 $0x980, v1;
	[tilespmem:v10+s28+$0x0] =	vst.idx.msk $0xffff, v0  }
0xe0: {  	[tilespmem:v3+s28+$0x0] =	vst.idx.msk $0xffff, v0;
	v3 =	vor.u32 $0x990, v1  }
0xe1: {  	[tilespmem:v4+s28+$0x0] =	vst.idx.msk $0xffff, v0;
	v4 =	vor.u32 $0x9A0, v1  }
0xe2: {  	[tilespmem:v5+s28+$0x0] =	vst.idx.msk $0xffff, v0;
	v5 =	vor.u32 $0x9B0, v1  }
0xe3: {  	v10 =	vor.u32 $0x9C0, v1;
	[tilespmem:v11+s28+$0x0] =	vst.idx.msk $0xffff, v0  }
0xe4: {  	v11 =	vor.u32 $0x9D0, v1;
	[tilespmem:v9+s28+$0x0] =	vst.idx.msk $0xffff, v0  }
0xe5: {  	[tilespmem:v3+s28+$0x0] =	vst.idx.msk $0xffff, v0;
	v3 =	vor.u32 $0x9E0, v1  }
0xe6: {  	[tilespmem:v4+s28+$0x0] =	vst.idx.msk $0xffff, v0;
	v4 =	vor.u32 $0x9F0, v1  }
0xe7: {  	[tilespmem:v5+s28+$0x0] =	vst.idx.msk $0xffff, v0;
	v5 =	vor.u32 $0xA00, v1  }
0xe8: {  	v9 =	vor.u32 $0xA10, v1;
	[tilespmem:v10+s28+$0x0] =	vst.idx.msk $0xffff, v0  }
0xe9: {  	v10 =	vor.u32 $0xA20, v1;
	[tilespmem:v11+s28+$0x0] =	vst.idx.msk $0xffff, v0  }
0xea: {  	[tilespmem:v3+s28+$0x0] =	vst.idx.msk $0xffff, v0;
	v3 =	vor.u32 $0xA30, v1  }
0xeb: {  	[tilespmem:v4+s28+$0x0] =	vst.idx.msk $0xffff, v0;
	v4 =	vor.u32 $0xA40, v1  }
0xec: {  	[tilespmem:v5+s28+$0x0] =	vst.idx.msk $0xffff, v0;
	v5 =	vor.u32 $0xA50, v1  }
0xed: {  	v11 =	vor.u32 $0xA60, v1;
	[tilespmem:v9+s28+$0x0] =	vst.idx.msk $0xffff, v0  }
0xee: {  	v9 =	vor.u32 $0xA70, v1;
	[tilespmem:v10+s28+$0x0] =	vst.idx.msk $0xffff, v0  }
0xef: {  	[tilespmem:v3+s28+$0x0] =	vst.idx.msk $0xffff, v0;
	v3 =	vor.u32 $0xA80, v1  }
0xf0: {  	[tilespmem:v4+s28+$0x0] =	vst.idx.msk $0xffff, v0;
	v4 =	vor.u32 $0xA90, v1  }
0xf1: {  	[tilespmem:v5+s28+$0x0] =	vst.idx.msk $0xffff, v0;
	v5 =	vor.u32 $0xAA0, v1  }
0xf2: {  	v10 =	vor.u32 $0xAB0, v1;
	[tilespmem:v11+s28+$0x0] =	vst.idx.msk $0xffff, v0  }
0xf3: {  	v11 =	vor.u32 $0xAC0, v1;
	[tilespmem:v9+s28+$0x0] =	vst.idx.msk $0xffff, v0  }
0xf4: {  	[tilespmem:v3+s28+$0x0] =	vst.idx.msk $0xffff, v0;
	v3 =	vor.u32 $0xAD0, v1  }
0xf5: {  	[tilespmem:v4+s28+$0x0] =	vst.idx.msk $0xffff, v0;
	v4 =	vor.u32 $0xAE0, v1  }
0xf6: {  	[tilespmem:v5+s28+$0x0] =	vst.idx.msk $0xffff, v0;
	v5 =	vor.u32 $0xAF0, v1  }
0xf7: {  	v9 =	vor.u32 $0xB00, v1;
	[tilespmem:v10+s28+$0x0] =	vst.idx.msk $0xffff, v0  }
0xf8: {  	v10 =	vor.u32 $0xB10, v1;
	[tilespmem:v11+s28+$0x0] =	vst.idx.msk $0xffff, v0  }
0xf9: {  	[tilespmem:v3+s28+$0x0] =	vst.idx.msk $0xffff, v0;
	v3 =	vor.u32 $0xB20, v1  }
0xfa: {  	[tilespmem:v4+s28+$0x0] =	vst.idx.msk $0xffff, v0;
	v4 =	vor.u32 $0xB30, v1  }
0xfb: {  	[tilespmem:v5+s28+$0x0] =	vst.idx.msk $0xffff, v0;
	v5 =	vor.u32 $0xB40, v1  }
0xfc: {  	v11 =	vor.u32 $0xB50, v1;
	[tilespmem:v9+s28+$0x0] =	vst.idx.msk $0xffff, v0  }
0xfd: {  	v9 =	vor.u32 $0xB60, v1;
	[tilespmem:v10+s28+$0x0] =	vst.idx.msk $0xffff, v0  }
0xfe: {  	[tilespmem:v3+s28+$0x0] =	vst.idx.msk $0xffff, v0;
	v3 =	vor.u32 $0xB70, v1  }
0xff: {  	[tilespmem:v4+s28+$0x0] =	vst.idx.msk $0xffff, v0;
	v4 =	vor.u32 $0xB80, v1  }
0x100: {  	[tilespmem:v5+s28+$0x0] =	vst.idx.msk $0xffff, v0;
	v5 =	vor.u32 $0xB90, v1  }
0x101: {  	v10 =	vor.u32 $0xBA0, v1;
	[tilespmem:v11+s28+$0x0] =	vst.idx.msk $0xffff, v0  }
0x102: {  	v11 =	vor.u32 $0xBB0, v1;
	[tilespmem:v9+s28+$0x0] =	vst.idx.msk $0xffff, v0  }
0x103: {  	[tilespmem:v3+s28+$0x0] =	vst.idx.msk $0xffff, v0;
	v3 =	vor.u32 $0xBC0, v1  }
0x104: {  	[tilespmem:v4+s28+$0x0] =	vst.idx.msk $0xffff, v0;
	v4 =	vor.u32 $0xBD0, v1  }
0x105: {  	[tilespmem:v5+s28+$0x0] =	vst.idx.msk $0xffff, v0;
	v5 =	vor.u32 $0xBE0, v1  }
0x106: {  	v9 =	vor.u32 $0xBF0, v1;
	[tilespmem:v10+s28+$0x0] =	vst.idx.msk $0xffff, v0  }
0x107: {  	v10 =	vor.u32 $0xC00, v1;
	[tilespmem:v11+s28+$0x0] =	vst.idx.msk $0xffff, v0  }
0x108: {  	[tilespmem:v3+s28+$0x0] =	vst.idx.msk $0xffff, v0;
	v3 =	vor.u32 $0xC10, v1  }
0x109: {  	[tilespmem:v4+s28+$0x0] =	vst.idx.msk $0xffff, v0;
	v4 =	vor.u32 $0xC20, v1  }
0x10a: {  	[tilespmem:v5+s28+$0x0] =	vst.idx.msk $0xffff, v0;
	v5 =	vor.u32 $0xC30, v1  }
0x10b: {  	v11 =	vor.u32 $0xC40, v1;
	[tilespmem:v9+s28+$0x0] =	vst.idx.msk $0xffff, v0  }
0x10c: {  	v9 =	vor.u32 $0xC50, v1;
	[tilespmem:v10+s28+$0x0] =	vst.idx.msk $0xffff, v0  }
0x10d: {  	[tilespmem:v3+s28+$0x0] =	vst.idx.msk $0xffff, v0;
	v3 =	vor.u32 $0xC60, v1  }
0x10e: {  	[tilespmem:v4+s28+$0x0] =	vst.idx.msk $0xffff, v0;
	v4 =	vor.u32 $0xC70, v1  }
0x10f: {  	[tilespmem:v5+s28+$0x0] =	vst.idx.msk $0xffff, v0;
	v5 =	vor.u32 $0xC80, v1  }
0x110: {  	v10 =	vor.u32 $0xC90, v1;
	[tilespmem:v11+s28+$0x0] =	vst.idx.msk $0xffff, v0  }
0x111: {  	v11 =	vor.u32 $0xCA0, v1;
	[tilespmem:v9+s28+$0x0] =	vst.idx.msk $0xffff, v0  }
0x112: {  	[tilespmem:v3+s28+$0x0] =	vst.idx.msk $0xffff, v0;
	v3 =	vor.u32 $0xCB0, v1  }
0x113: {  	[tilespmem:v4+s28+$0x0] =	vst.idx.msk $0xffff, v0;
	v4 =	vor.u32 $0xCC0, v1  }
0x114: {  	[tilespmem:v5+s28+$0x0] =	vst.idx.msk $0xffff, v0;
	v5 =	vor.u32 $0xCD0, v1  }
0x115: {  	v9 =	vor.u32 $0xCE0, v1;
	[tilespmem:v10+s28+$0x0] =	vst.idx.msk $0xffff, v0  }
0x116: {  	v10 =	vor.u32 $0xCF0, v1;
	[tilespmem:v11+s28+$0x0] =	vst.idx.msk $0xffff, v0  }
0x117: {  	[tilespmem:v3+s28+$0x0] =	vst.idx.msk $0xffff, v0;
	v3 =	vor.u32 $0xD00, v1  }
0x118: {  	[tilespmem:v4+s28+$0x0] =	vst.idx.msk $0xffff, v0;
	v4 =	vor.u32 $0xD10, v1  }
0x119: {  	[tilespmem:v5+s28+$0x0] =	vst.idx.msk $0xffff, v0;
	v5 =	vor.u32 $0xD20, v1  }
0x11a: {  	v11 =	vor.u32 $0xD30, v1;
	[tilespmem:v9+s28+$0x0] =	vst.idx.msk $0xffff, v0  }
0x11b: {  	v9 =	vor.u32 $0xD40, v1;
	[tilespmem:v10+s28+$0x0] =	vst.idx.msk $0xffff, v0  }
0x11c: {  	[tilespmem:v3+s28+$0x0] =	vst.idx.msk $0xffff, v0;
	v3 =	vor.u32 $0xD50, v1  }
0x11d: {  	[tilespmem:v4+s28+$0x0] =	vst.idx.msk $0xffff, v0;
	v4 =	vor.u32 $0xD60, v1  }
0x11e: {  	[tilespmem:v5+s28+$0x0] =	vst.idx.msk $0xffff, v0;
	v5 =	vor.u32 $0xD70, v1  }
0x11f: {  	v10 =	vor.u32 $0xD80, v1;
	[tilespmem:v11+s28+$0x0] =	vst.idx.msk $0xffff, v0  }
0x120: {  	v11 =	vor.u32 $0xD90, v1;
	[tilespmem:v9+s28+$0x0] =	vst.idx.msk $0xffff, v0  }
0x121: {  	[tilespmem:v3+s28+$0x0] =	vst.idx.msk $0xffff, v0;
	v3 =	vor.u32 $0xDA0, v1  }
0x122: {  	[tilespmem:v4+s28+$0x0] =	vst.idx.msk $0xffff, v0;
	v4 =	vor.u32 $0xDB0, v1  }
0x123: {  	[tilespmem:v5+s28+$0x0] =	vst.idx.msk $0xffff, v0;
	v5 =	vor.u32 $0xDC0, v1  }
0x124: {  	v9 =	vor.u32 $0xDD0, v1;
	[tilespmem:v10+s28+$0x0] =	vst.idx.msk $0xffff, v0  }
0x125: {  	v10 =	vor.u32 $0xDE0, v1;
	[tilespmem:v11+s28+$0x0] =	vst.idx.msk $0xffff, v0  }
0x126: {  	[tilespmem:v3+s28+$0x0] =	vst.idx.msk $0xffff, v0;
	v3 =	vor.u32 $0xDF0, v1  }
0x127: {  	[tilespmem:v4+s28+$0x0] =	vst.idx.msk $0xffff, v0;
	v4 =	vor.u32 $0xE00, v1  }
0x128: {  	[tilespmem:v5+s28+$0x0] =	vst.idx.msk $0xffff, v0;
	v5 =	vor.u32 $0xE10, v1  }
0x129: {  	v11 =	vor.u32 $0xE20, v1;
	[tilespmem:v9+s28+$0x0] =	vst.idx.msk $0xffff, v0  }
0x12a: {  	v9 =	vor.u32 $0xE30, v1;
	[tilespmem:v10+s28+$0x0] =	vst.idx.msk $0xffff, v0  }
0x12b: {  	[tilespmem:v3+s28+$0x0] =	vst.idx.msk $0xffff, v0;
	v3 =	vor.u32 $0xE40, v1  }
0x12c: {  	[tilespmem:v4+s28+$0x0] =	vst.idx.msk $0xffff, v0;
	v4 =	vor.u32 $0xE50, v1  }
0x12d: {  	[tilespmem:v5+s28+$0x0] =	vst.idx.msk $0xffff, v0;
	v5 =	vor.u32 $0xE60, v1  }
0x12e: {  	v10 =	vor.u32 $0xE70, v1;
	[tilespmem:v11+s28+$0x0] =	vst.idx.msk $0xffff, v0  }
0x12f: {  	v11 =	vor.u32 $0xE80, v1;
	[tilespmem:v9+s28+$0x0] =	vst.idx.msk $0xffff, v0  }
0x130: {  	[tilespmem:v3+s28+$0x0] =	vst.idx.msk $0xffff, v0;
	v3 =	vor.u32 $0xE90, v1  }
0x131: {  	[tilespmem:v4+s28+$0x0] =	vst.idx.msk $0xffff, v0;
	v4 =	vor.u32 $0xEA0, v1  }
0x132: {  	[tilespmem:v5+s28+$0x0] =	vst.idx.msk $0xffff, v0;
	v5 =	vor.u32 $0xEB0, v1  }
0x133: {  	v9 =	vor.u32 $0xEC0, v1;
	[tilespmem:v10+s28+$0x0] =	vst.idx.msk $0xffff, v0  }
0x134: {  	v10 =	vor.u32 $0xED0, v1;
	[tilespmem:v11+s28+$0x0] =	vst.idx.msk $0xffff, v0  }
0x135: {  	[tilespmem:v3+s28+$0x0] =	vst.idx.msk $0xffff, v0;
	v3 =	vor.u32 $0xEE0, v1  }
0x136: {  	[tilespmem:v4+s28+$0x0] =	vst.idx.msk $0xffff, v0;
	v4 =	vor.u32 $0xEF0, v1  }
0x137: {  	[tilespmem:v5+s28+$0x0] =	vst.idx.msk $0xffff, v0;
	v5 =	vor.u32 $0xF00, v1  }
0x138: {  	v11 =	vor.u32 $0xF10, v1;
	[tilespmem:v9+s28+$0x0] =	vst.idx.msk $0xffff, v0  }
0x139: {  	v9 =	vor.u32 $0xF20, v1;
	[tilespmem:v10+s28+$0x0] =	vst.idx.msk $0xffff, v0  }
0x13a: {  	[tilespmem:v3+s28+$0x0] =	vst.idx.msk $0xffff, v0;
	v3 =	vor.u32 $0xF30, v1  }
0x13b: {  	[tilespmem:v4+s28+$0x0] =	vst.idx.msk $0xffff, v0;
	v4 =	vor.u32 $0xF40, v1  }
0x13c: {  	[tilespmem:v5+s28+$0x0] =	vst.idx.msk $0xffff, v0;
	v5 =	vor.u32 $0xF50, v1  }
0x13d: {  	v10 =	vor.u32 $0xF60, v1;
	[tilespmem:v11+s28+$0x0] =	vst.idx.msk $0xffff, v0  }
0x13e: {  	v11 =	vor.u32 $0xF70, v1;
	[tilespmem:v9+s28+$0x0] =	vst.idx.msk $0xffff, v0  }
0x13f: {  	[tilespmem:v3+s28+$0x0] =	vst.idx.msk $0xffff, v0;
	v3 =	vor.u32 $0xF80, v1  }
0x140: {  	[tilespmem:v4+s28+$0x0] =	vst.idx.msk $0xffff, v0;
	v4 =	vor.u32 $0xF90, v1  }
0x141: {  	[tilespmem:v5+s28+$0x0] =	vst.idx.msk $0xffff, v0;
	v5 =	vor.u32 $0xFA0, v1  }
0x142: {  	v9 =	vor.u32 $0xFB0, v1;
	[tilespmem:v10+s28+$0x0] =	vst.idx.msk $0xffff, v0  }
0x143: {  	v10 =	vor.u32 $0xFC0, v1;
	[tilespmem:v11+s28+$0x0] =	vst.idx.msk $0xffff, v0  }
0x144: {  	[tilespmem:v3+s28+$0x0] =	vst.idx.msk $0xffff, v0;
	v3 =	vor.u32 $0xFD0, v1  }
0x145: {  	[tilespmem:v4+s28+$0x0] =	vst.idx.msk $0xffff, v0;
	v4 =	vor.u32 $0xFE0, v1  }
0x146: {  	[tilespmem:v5+s28+$0x0] =	vst.idx.msk $0xffff, v0;
	v5 =	vor.u32 $0xFF0, v1  }
0x147: {  	[tilespmem:v9+s28+$0x0] =	vst.idx.msk $0xffff, v0  }
0x148: {  	[tilespmem:v10+s28+$0x0] =	vst.idx.msk $0xffff, v0  }
0x149: {  	[tilespmem:v3+s28+$0x0] =	vst.idx.msk $0xffff, v0  }
0x14a: {  	[tilespmem:v4+s28+$0x0] =	vst.idx.msk $0xffff, v0  }
0x14b: {  	[tilespmem:v5+s28+$0x0] =	vst.idx.msk $0xffff, v0  }
0x14c: {  	[spmem:s10] =	stream.linear.scatter [tilespmem:s28], [sflag:$0x1], $0x1000, $0x38;
	[tilespmem:$0x19A80] =	vst v63  }
0x14d: {  	_ =	swait.ge [sflag:s21], $0x1000  }
0x14e: {  	[sflag:s21] =	ssyncset.done $0x0  }
0x14f: {  	s9 =	rddreg [dreg:$0x9];
	[sflag:s21] =	ssyncadd.s32 $0xFFFFF000  }
0x150: {  	[spmem:s9] =	stream.linear.scatter [tilespmem:s28], [sflag:$0x1], $0x1000, $0x38;
	[tilespmem:$0x19A80] =	vst v63  }
0x151: {  	_ =	swait.ge [sflag:s21], $0x1000  }
0x152: {  	[sflag:s21] =	ssyncset.done $0x0  }
0x153: {  	s10 =	rddreg [dreg:$0xa];
	[sflag:s21] =	ssyncadd.s32 $0xFFFFF000  }
0x154: {  	[spmem:s10] =	stream.linear.scatter [tilespmem:s28], [sflag:$0x1], $0x1000, $0x38;
	[tilespmem:$0x19A80] =	vst v63  }
0x155: {  	_ =	swait.ge [sflag:s21], $0x1000  }
0x156: {  	[sflag:s21] =	ssyncset.done $0x0  }
0x157: {  	s11 =	rddreg [dreg:$0xb];
	[sflag:s21] =	ssyncadd.s32 $0xFFFFF000  }
0x158: {  	[spmem:s11] =	stream.linear.scatter [tilespmem:s28], [sflag:$0x1], $0x1000, $0x38;
	[tilespmem:$0x19A80] =	vst v63  }
0x159: {  	_ =	swait.ge [sflag:s21], $0x1000  }
0x15a: {  	[sflag:s21] =	ssyncset.done $0x0  }
0x15b: {  	s12 =	rddreg [dreg:$0xc];
	[sflag:s21] =	ssyncadd.s32 $0xFFFFF000  }
0x15c: {  	[spmem:s12] =	stream.linear.scatter [tilespmem:s28], [sflag:$0x1], $0x1000, $0x38;
	[tilespmem:$0x19A80] =	vst v63  }
0x15d: {  	_ =	swait.ge [sflag:s21], $0x1000  }
0x15e: {  	[sflag:s21] =	ssyncset.done $0x0  }
0x15f: {  	s13 =	rddreg [dreg:$0x5];
	[sflag:s21] =	ssyncadd.s32 $0xFFFFF000  }
0x160: {  	[tilespmem:s3], [sflag:$0x1] =	stream.linear.gather [hbm4b:s13+s3], $0x2710, $0x38;
	[tilespmem:$0x19A80] =	vst v63  }
0x161: {  	_ =	swait.ge [sflag:s21], $0x2710  }
0x162: {  	[sflag:s21] =	ssyncset.done $0x0  }
0x163: {  	s14 =	rddreg [dreg:$0x6];
	[sflag:s21] =	ssyncadd.s32 $0xFFFFD8F0  }
0x164: {  	[tilespmem:s29], [sflag:$0x1] =	stream.linear.gather [hbm4b:s14+s3], $0x2710, $0x38;
	[tilespmem:$0x19A80] =	vst v63  }
0x165: {  	_ =	swait.ge [sflag:s21], $0x2710  }
0x166: {  	[sflag:s21] =	ssyncset.done $0x0  }
0x167: {  	s9 =	simm.s32 $0x4E20;
	s15 =	rddreg [dreg:$0xd];
	[sflag:s21] =	ssyncadd.s32 $0xFFFFD8F0  }
0x168: {  	[tilespmem:s9], [sflag:$0x1] =	stream.linear.gather [hbm4b:s15+s3], $0x2710, $0x38;
	[tilespmem:$0x19A80] =	vst v63  }
0x169: {  	_ =	swait.ge [sflag:s21], $0x2710  }
0x16a: {  	[sflag:s21] =	ssyncset.done $0x0  }
0x16b: {  	s11 =	simm.s32 $0x7530;
	s16 =	rddreg [dreg:$0xe];
	[sflag:s21] =	ssyncadd.s32 $0xFFFFD8F0  }
0x16c: {  	[tilespmem:s11], [sflag:$0x1] =	stream.linear.gather [hbm4b:s16+s3], $0x2710, $0x38;
	[tilespmem:$0x19A80] =	vst v63  }
0x16d: {  	_ =	swait.ge [sflag:s21], $0x2710  }
0x16e: {  	[sflag:s21] =	ssyncset.done $0x0  }
0x16f: {  	s17 =	rddreg [dreg:$0xf];
	[sflag:s21] =	ssyncadd.s32 $0xFFFFD8F0  }
0x170: {  	[tilespmem:s1], [sflag:$0x1] =	stream.linear.gather [hbm4b:s17+s3], $0x2710, $0x38;
	[tilespmem:$0x19A80] =	vst v63  }
0x171: {  	_ =	swait.ge [sflag:s21], $0x2710  }
0x172: {  	[sflag:s21] =	ssyncset.done $0x0  }
0x173: {  	[sflag:s21] =	ssyncadd.s32 $0xFFFFD8F0  }
0x174: {  	[bflag:$0x0] =	sbarrier.arrive $0xFFFF  }
0x175: {  	v4 =	vld [tilespmem:s11+$0x0]  }
0x176: {  	v3 =	vld [tilespmem:s9+$0x0];
	_ =	sdelay $0x6  }
0x177: {  	v5 =	vld.idx.msk [tilespmem:v4+s29+$0x0], $0xffff  }
0x178: {  	v3 =	vld.idx.msk [tilespmem:v3+s3+$0x0], $0xffff  }
0x179: {  	s22 =	smul.u32 $0x47AF, s3  }
0x17a: {  	v11 =	vld [tilespmem:s1+$0x0]  }
0x17b: {  	s11 =	sshrl.u32 s22, $0x10  }
0x17c: {  	s12 =	ssub.s32 $0x0, s11  }
0x17d: {  	s12 =	sand.u32 $0xFFFE, s12;
	v3 =	vadd.f32 v5, v3  }
0x17e: {  	s12 =	sshrl.u32 s12, $0x1  }
0x17f: {  	s11 =	sadd.s32 s11, s12;
	v3 =	vadd.f32 v3, v11  }
0x180: {  	s11 =	sand.u32 $0xFFF0, s11  }
0x181: {  	s11 =	sshrl.u32 s11, $0x4;
	v3 =	vmul.f32 $1.442695020e+00, v3  }
0x182: {  	s11 =	smul.u32 $0x19, s11  }
0x183: {  	(erf) = vpow2.f32 v3  }
0x184: {  	s11 =	ssub.s32 $0x0, s11  }
0x185: {  	s23 =	sshll.u32 s11, $0x4  }
0x186: {  	s12 =	sand.u32 $0xFFF0, s23  }
0x187: {  	v3 =	vmov s12  }
0x188: {  	s12 =	sshll.u32 s12, $0x4;
	v5 =	vshll.u32 v3, $0x4  }
0x189: {  	s13 =	sor.u32 $0x10, s12;
	v3 =	vor.u32 v1, v5  }
0x18a: {  	s14 =	sor.u32 $0x20, s12;
	v6 =	vor.u32 s13, v1  }
0x18b: {  	s24 =	sor.u32 $0x30, s12;
	v7 =	vor.u32 s14, v1  }
0x18c: {  	s26 =	simm.s32 $0xC350;
	s31 =	sor.u32 $0x40, s12;
	v8 =	vor.u32 s24, v1;
	v9 =	vpop (erf)  }
0x18d: {  	s15 =	sor.u32 $0x50, s12;
	v10 =	vor.u32 s31, v1;
	[tilespmem:s26+$0x0] =	vst v9  }
0x18e: {  	s2 =	sand.u32 $0xFFFF, s11;
	s4 =	sor.u32 $0x60, s12;
	v11 =	vor.u32 s15, v1;
	[tilespmem:v3+s30+$0x0] =	vst.idx.msk $0xffff, v0  }
0x18f: {  	s6 =	smul.u32 $0x34, s2;
	s16 =	sor.u32 $0x70, s12;
	v3 =	vor.u32 s4, v1;
	[tilespmem:v6+s30+$0x0] =	vst.idx.msk $0xffff, v0  }
0x190: {  	s7 =	sor.u32 $0x80, s12;
	v6 =	vor.u32 s16, v1;
	[tilespmem:v7+s30+$0x0] =	vst.idx.msk $0xffff, v0  }
0x191: {  	s10 =	sor.u32 $0x90, s12;
	s15 =	sshrl.u32 s6, $0x8;
	v7 =	vor.u32 s7, v1;
	[tilespmem:v8+s30+$0x0] =	vst.idx.msk $0xffff, v0  }
0x192: {  	s17 =	sor.u32 $0xA0, s12;
	s21 =	smul.u32 $0x5, s15;
	v8 =	vor.u32 s10, v1;
	[tilespmem:v10+s30+$0x0] =	vst.idx.msk $0xffff, v0  }
0x193: {  	s22 =	sor.u32 $0xB0, s12;
	v10 =	vor.u32 s17, v1;
	[tilespmem:v11+s30+$0x0] =	vst.idx.msk $0xffff, v0  }
0x194: {  	s23 =	sor.u32 $0xC0, s12;
	v12 =	vor.u32 s22, v1;
	s11 =	ssub.s32 s11, s21;
	v11 =	vmov s15;
	[tilespmem:v3+s30+$0x0] =	vst.idx.msk $0xffff, v0  }
0x195: {  	s24 =	sor.u32 $0xD0, s12;
	v13 =	vor.u32 s23, v1;
	s11 =	sshll.u32 s11, $0x4;
	v3 =	vmul.u32 $0x10, v1;
	v11 =	vmul.u32 $0x50, v11;
	[tilespmem:v6+s30+$0x0] =	vst.idx.msk $0xffff, v0  }
0x196: {  	s11 =	sand.u32 $0xF0, s11;
	s26 =	sor.u32 $0xE0, s12;
	v6 =	vor.u32 s24, v1;
	[tilespmem:v7+s30+$0x0] =	vst.idx.msk $0xffff, v0  }
0x197: {  	s12 =	sor.u32 $0xF0, s12;
	v5 =	vor.u32 v3, v5;
	v7 =	vadd.s32 s11, v11;
	v11 =	vor.u32 s26, v1;
	[tilespmem:v8+s30+$0x0] =	vst.idx.msk $0xffff, v0  }
0x198: {  	v7 =	vbroadcast v7, $0x0;
	v8 =	vor.u32 s12, v1;
	[tilespmem:v10+s30+$0x0] =	vst.idx.msk $0xffff, v0;
	v10 =	vand.u32 $0xF, v4  }
0x199: {  	[tilespmem:v12+s30+$0x0] =	vst.idx.msk $0xffff, v0;
	v5 =	vor.u32 v5, v10  }
0x19a: {  	v7 =	vor.u32 v1, v7;
	[tilespmem:v13+s30+$0x0] =	vst.idx.msk $0xffff, v0  }
0x19b: {  	[tilespmem:v6+s30+$0x0] =	vst.idx.msk $0xffff, v0  }
0x19c: {  	[tilespmem:v11+s30+$0x0] =	vst.idx.msk $0xffff, v0  }
0x19d: {  	p2 =	sne.s32 s2, $0x18;
	[tilespmem:v8+s30+$0x0] =	vst.idx.msk $0xffff, v0  }
0x19e: {  	s31 =	rddreg [dreg:$0x4];
	s13 =	simm.s32 @!p2 $0x11260;
	v4 =	vshrl.u32 v4, $0x4;
	[tilespmem:v5+s30+$0x0] =	vst.idx.msk $0xffff, v9  }
0x19f: {  	s14 =	simm.s32 @!p2 $0x2;
	s11 =	simm.s32 @!p2 $0x12B60;
	s12 =	simm.s32 @!p2 $0x50;
	[tilespmem:v7+s31+$0x0] =	vst.idx.msk $0xffff, v4  }
0x1a0: {  	[spmem:s0] =	stream.indirect.scatter.add.f32 @!p2 [tilespmem:s13], [sflag:$0x2], $0x10, s11, s12, $0xb8;
	[tilespmem:$0x19A80] =	vst v63  }
0x1a1: {  	_ =	swait.ge @!p2 [sflag:s14], $0x500  }
0x1a2: {  	[sflag:s14] =	ssyncset.done @!p2 $0x0  }
0x1a3: {  	s11 =	simm.s32 @!p2 $0x12BB0;
	s13 =	simm.s32 @!p2 $0x11760;
	[sflag:s14] =	ssyncadd.s32 @!p2 $0xFFFFFB00  }
0x1a4: {  	[spmem:s0] =	stream.indirect.scatter.add.f32 @!p2 [tilespmem:s13], [sflag:$0x2], $0x10, s11, s12, $0xb8;
	[tilespmem:$0x19A80] =	vst v63  }
0x1a5: {  	_ =	swait.ge @!p2 [sflag:s14], $0x500  }
0x1a6: {  	[sflag:s14] =	ssyncset.done @!p2 $0x0  }
0x1a7: {  	s11 =	simm.s32 @!p2 $0x12C00;
	s13 =	simm.s32 @!p2 $0x11C60;
	[sflag:s14] =	ssyncadd.s32 @!p2 $0xFFFFFB00  }
0x1a8: {  	[spmem:s0] =	stream.indirect.scatter.add.f32 @!p2 [tilespmem:s13], [sflag:$0x2], $0x10, s11, s12, $0xb8;
	[tilespmem:$0x19A80] =	vst v63  }
0x1a9: {  	_ =	swait.ge @!p2 [sflag:s14], $0x500  }
0x1aa: {  	[sflag:s14] =	ssyncset.done @!p2 $0x0  }
0x1ab: {  	s11 =	simm.s32 @!p2 $0x12C50;
	s13 =	simm.s32 @!p2 $0x12160;
	[sflag:s14] =	ssyncadd.s32 @!p2 $0xFFFFFB00  }
0x1ac: {  	[spmem:s0] =	stream.indirect.scatter.add.f32 @!p2 [tilespmem:s13], [sflag:$0x2], $0x10, s11, s12, $0xb8;
	[tilespmem:$0x19A80] =	vst v63  }
0x1ad: {  	_ =	swait.ge @!p2 [sflag:s14], $0x500  }
0x1ae: {  	[sflag:s14] =	ssyncset.done @!p2 $0x0  }
0x1af: {  	s11 =	simm.s32 @!p2 $0x12CA0;
	s13 =	simm.s32 @!p2 $0x12660;
	[sflag:s14] =	ssyncadd.s32 @!p2 $0xFFFFFB00  }
0x1b0: {  	[spmem:s0] =	stream.indirect.scatter.add.f32 @!p2 [tilespmem:s13], [sflag:$0x1], $0x10, s11, s12, $0xb8;
	[tilespmem:$0x19A80] =	vst v63  }
0x1b1: {  	s15 =	simm.s32 @!p2 $0x1;
	s14 =	simm.s32 $0x9C50;
	s11 =	simm.s32 $0x1  }
0x1b2: {  	s12 =	simm.s32 $0xC360;
	s13 =	simm.s32 $0x7540;
	_ =	swait.ge @!p2 [sflag:s15], $0x500  }
.LBB2_2:
0x1b3: {  	[sflag:s15] =	ssyncset.done @!p2 $0x0  }
0x1b4: {  	[sflag:s15] =	ssyncadd.s32 @!p2 $0xFFFFFB00  }
0x1b5: {  	s9 =	sadd.s32 $0x10, s9;
	v4 =	vld [tilespmem:s13+$0x0]  }
0x1b6: {  	v5 =	vld [tilespmem:s9+$0x0];
	_ =	sdelay $0x6  }
0x1b7: {  	v6 =	vld.idx.msk [tilespmem:v4+s29+$0x0], $0xffff  }
0x1b8: {  	s16 =	smov.u32 s11;
	v5 =	vld.idx.msk [tilespmem:v5+s3+$0x0], $0xffff  }
0x1b9: {  	s7 =	smul.u32 $0x47AF, s16  }
0x1ba: {  	v7 =	vld [tilespmem:s14+$0x0]  }
0x1bb: {  	s15 =	sshrl.u32 s7, $0x10  }
0x1bc: {  	s17 =	ssub.s32 s16, s15  }
0x1bd: {  	s17 =	sand.u32 $0xFFFE, s17;
	v5 =	vadd.f32 v6, v5  }
0x1be: {  	s17 =	sshrl.u32 s17, $0x1  }
0x1bf: {  	s15 =	sadd.s32 s15, s17;
	v5 =	vadd.f32 v5, v7  }
0x1c0: {  	s15 =	sand.u32 $0xFFF0, s15  }
0x1c1: {  	s15 =	sshrl.u32 s15, $0x4;
	v5 =	vmul.f32 $1.442695020e+00, v5  }
0x1c2: {  	s15 =	smul.u32 $0x19, s15  }
0x1c3: {  	(erf) = vpow2.f32 v5  }
0x1c4: {  	s16 =	ssub.s32 s16, s15  }
0x1c5: {  	s10 =	sshll.u32 s16, $0x4  }
0x1c6: {  	s17 =	sand.u32 $0xFFF0, s10  }
0x1c7: {  	v5 =	vmov s17  }
0x1c8: {  	s17 =	sshll.u32 s17, $0x4;
	v5 =	vshll.u32 v5, $0x4  }
0x1c9: {  	s22 =	sor.u32 $0x10, s17;
	v6 =	vor.u32 v1, v5  }
0x1ca: {  	s23 =	sor.u32 $0x20, s17;
	v7 =	vor.u32 s22, v1  }
0x1cb: {  	s24 =	sor.u32 $0x30, s17;
	v8 =	vor.u32 s23, v1  }
0x1cc: {  	v10 =	vor.u32 s24, v1;
	s24 =	sor.u32 $0x40, s17;
	v12 =	vpop (erf)  }
0x1cd: {  	s10 =	sor.u32 $0x50, s17;
	v11 =	vor.u32 s24, v1;
	[tilespmem:s12+$0x0] =	vst v12  }
0x1ce: {  	s15 =	sand.u32 $0xFFFF, s16;
	s7 =	sor.u32 $0x60, s17;
	v13 =	vor.u32 s10, v1;
	[tilespmem:v6+s30+$0x0] =	vst.idx.msk $0xffff, v0  }
0x1cf: {  	s21 =	smul.u32 $0x34, s15;
	s4 =	sor.u32 $0x70, s17;
	v6 =	vor.u32 s7, v1;
	[tilespmem:v7+s30+$0x0] =	vst.idx.msk $0xffff, v0  }
0x1d0: {  	s22 =	sor.u32 $0x80, s17;
	v7 =	vor.u32 s4, v1;
	[tilespmem:v8+s30+$0x0] =	vst.idx.msk $0xffff, v0  }
0x1d1: {  	s21 =	sshrl.u32 s21, $0x8;
	s6 =	sor.u32 $0x90, s17;
	v8 =	vor.u32 s22, v1;
	[tilespmem:v10+s30+$0x0] =	vst.idx.msk $0xffff, v0  }
0x1d2: {  	v9 =	vmov s21;
	s21 =	smul.u32 $0x5, s21;
	s23 =	sor.u32 $0xA0, s17;
	v10 =	vor.u32 s6, v1;
	[tilespmem:v11+s30+$0x0] =	vst.idx.msk $0xffff, v0  }
0x1d3: {  	s31 =	sor.u32 $0xB0, s17;
	v11 =	vor.u32 s23, v1;
	[tilespmem:v13+s30+$0x0] =	vst.idx.msk $0xffff, v0  }
0x1d4: {  	s16 =	ssub.s32 s16, s21;
	s26 =	sor.u32 $0xC0, s17;
	v13 =	vor.u32 s31, v1;
	[tilespmem:v6+s30+$0x0] =	vst.idx.msk $0xffff, v0  }
0x1d5: {  	v9 =	vmul.u32 $0x50, v9;
	s16 =	sshll.u32 s16, $0x4;
	s2 =	sor.u32 $0xD0, s17;
	v6 =	vor.u32 s26, v1;
	[tilespmem:v7+s30+$0x0] =	vst.idx.msk $0xffff, v0  }
0x1d6: {  	s21 =	sand.u32 $0xF0, s16;
	s24 =	sor.u32 $0xE0, s17;
	v7 =	vor.u32 s2, v1;
	[tilespmem:v8+s30+$0x0] =	vst.idx.msk $0xffff, v0  }
0x1d7: {  	v9 =	vadd.s32 s21, v9;
	v5 =	vor.u32 v3, v5;
	s17 =	sor.u32 $0xF0, s17;
	v8 =	vor.u32 s24, v1;
	[tilespmem:v10+s30+$0x0] =	vst.idx.msk $0xffff, v0  }
0x1d8: {  	v9 =	vbroadcast v9, $0x0;
	v10 =	vor.u32 s17, v1;
	[tilespmem:v11+s30+$0x0] =	vst.idx.msk $0xffff, v0;
	v11 =	vand.u32 $0xF, v4  }
0x1d9: {  	[tilespmem:v13+s30+$0x0] =	vst.idx.msk $0xffff, v0;
	v5 =	vor.u32 v5, v11  }
0x1da: {  	v9 =	vor.u32 v1, v9;
	[tilespmem:v6+s30+$0x0] =	vst.idx.msk $0xffff, v0  }
0x1db: {  	[tilespmem:v7+s30+$0x0] =	vst.idx.msk $0xffff, v0  }
0x1dc: {  	[tilespmem:v8+s30+$0x0] =	vst.idx.msk $0xffff, v0  }
0x1dd: {  	p2 =	sne.s32 s15, $0x18;
	[tilespmem:v10+s30+$0x0] =	vst.idx.msk $0xffff, v0  }
0x1de: {  	s7 =	simm.s32 @!p2 $0x11260;
	s31 =	rddreg [dreg:$0x4];
	v4 =	vshrl.u32 v4, $0x4;
	[tilespmem:v5+s30+$0x0] =	vst.idx.msk $0xffff, v12  }
0x1df: {  	s4 =	simm.s32 @!p2 $0x50;
	s6 =	simm.s32 @!p2 $0x12B60;
	s2 =	simm.s32 @!p2 $0x2;
	[tilespmem:v9+s31+$0x0] =	vst.idx.msk $0xffff, v4  }
0x1e0: {  	[spmem:s0] =	stream.indirect.scatter.add.f32 @!p2 [tilespmem:s7], [sflag:$0x2], $0x10, s6, s4, $0xb8;
	[tilespmem:$0x19A80] =	vst v63  }
0x1e1: {  	_ =	swait.ge @!p2 [sflag:s2], $0x500  }
0x1e2: {  	[sflag:s2] =	ssyncset.done @!p2 $0x0  }
0x1e3: {  	s6 =	simm.s32 @!p2 $0x12BB0;
	s7 =	simm.s32 @!p2 $0x11760;
	[sflag:s2] =	ssyncadd.s32 @!p2 $0xFFFFFB00  }
0x1e4: {  	[spmem:s0] =	stream.indirect.scatter.add.f32 @!p2 [tilespmem:s7], [sflag:$0x2], $0x10, s6, s4, $0xb8;
	[tilespmem:$0x19A80] =	vst v63  }
0x1e5: {  	_ =	swait.ge @!p2 [sflag:s2], $0x500  }
0x1e6: {  	[sflag:s2] =	ssyncset.done @!p2 $0x0  }
0x1e7: {  	s6 =	simm.s32 @!p2 $0x12C00;
	s7 =	simm.s32 @!p2 $0x11C60;
	[sflag:s2] =	ssyncadd.s32 @!p2 $0xFFFFFB00  }
0x1e8: {  	[spmem:s0] =	stream.indirect.scatter.add.f32 @!p2 [tilespmem:s7], [sflag:$0x2], $0x10, s6, s4, $0xb8;
	[tilespmem:$0x19A80] =	vst v63  }
0x1e9: {  	s11 =	sadd.s32 $0x1, s11;
	_ =	swait.ge @!p2 [sflag:s2], $0x500  }
0x1ea: {  	p1 =	sne.s32 s11, $0x271;
	[sflag:s2] =	ssyncset.done @!p2 $0x0  }
0x1eb: {  	s6 =	simm.s32 @!p2 $0x12C50;
	s7 =	simm.s32 @!p2 $0x12160;
	[sflag:s2] =	ssyncadd.s32 @!p2 $0xFFFFFB00  }
0x1ec: {  	[spmem:s0] =	stream.indirect.scatter.add.f32 @!p2 [tilespmem:s7], [sflag:$0x2], $0x10, s6, s4, $0xb8;
	[tilespmem:$0x19A80] =	vst v63  }
.Ltmp0:
0x1ed: {  	_ =	swait.ge @!p2 [sflag:s2], $0x500;
	(pc) =	sbr.rel @p1 .LBB2_2-.Ltmp0, $4  }
0x1ee: {  	s13 =	sadd.s32 $0x10, s13;
	s15 =	simm.s32 @!p2 $0x1;
	[sflag:s2] =	ssyncset.done @!p2 $0x0  }
0x1ef: {  	s6 =	simm.s32 @!p2 $0x12CA0;
	s7 =	simm.s32 @!p2 $0x12660;
	[sflag:s2] =	ssyncadd.s32 @!p2 $0xFFFFFB00  }
0x1f0: {  	[spmem:s0] =	stream.indirect.scatter.add.f32 @!p2 [tilespmem:s7], [sflag:$0x1], $0x10, s6, s4, $0xb8;
	[tilespmem:$0x19A80] =	vst v63  }
0x1f1: {  	s14 =	sadd.s32 $0x10, s14;
	s12 =	sadd.s32 $0x10, s12;
	_ =	swait.ge @!p2 [sflag:s15], $0x500  }
0x1f2: {  	[sflag:s15] =	ssyncset.done @!p2 $0x0  }
0x1f3: {  	[sflag:s15] =	ssyncadd.s32 @!p2 $0xFFFFFB00  }
0x1f4: {  	s22 =	simm.s32 $0xEA60;
	s21 =	simm.s32 $0x1;
	[bflag:$0x0] =	sbarrier.arrive $0xFFFF  }
0x1f5: {  	[tilespmem:s22], [sflag:$0x1] =	stream.linear.gather [spmem:s0], $0x2800, $0x38;
	[tilespmem:$0x19A80] =	vst v63  }
0x1f6: {  	_ =	swait.ge [sflag:s21], $0x2800  }
0x1f7: {  	s9 =	simm.s32 $0x0;
	s11 =	smov.u32 s18;
	[sflag:s21] =	ssyncset.done $0x0  }
0x1f8: {  	s12 =	simm.s32 $0x0;
	s10 =	rddreg [dreg:$0x8];
	[sflag:s21] =	ssyncadd.s32 $0xFFFFD800  }
0x1f9: {  	s23 =	simm.s32 $0x14770;
	s24 =	simm.s32 $0x147F0;
	s7 =	rddreg [dreg:$0x2]  }
.LBB2_4:
0x1fa: {  	_ =	sdelay $0x2  }
0x1fb: {  	s2 =	sshll.u32 s12, $0x4  }
0x1fc: {  	v3 =	vld.idx.msk [tilespmem:v2+s2+$0x7530 ss:$0x1], $0xffff;
	_ =	sdelay $0x7  }
0x1fd: {  	v4 =	vld.idx.msk [tilespmem:v3+s22+$0x0], $0xffff;
	_ =	sdelay $0x4  }
0x1fe: {  	(erf) = vrcp.f32 v4;
	_ =	sdelay $0x4  }
0x1ff: {  	v4 =	vld.idx.msk [tilespmem:v2+s2+$0xC350 ss:$0x1], $0xffff;
	_ =	sdelay $0x2  }
0x200: {  	s13 =	sand.u32 $0x7, s12;
	s4 =	sand.u32 $0x7, s9  }
0x201: {  	s6 =	sadd.s32 s18, s2;
	p1 =	sne.s32 s13, $0x0;
	s14 =	sshll.u32 s4, $0x4;
	v5 =	vpop (erf)  }
0x202: {  	s4 =	sadd.s32 @!p1 s5, s6;
	s17 =	sadd.s32 $0x0, s14;
	v4 =	vmul.f32 v5, v4  }
0x203: {  	s26 =	sadd.s32 $0x0, s11;
	s4 =	sshll.u32 @!p1 s4, $0x1;
	v8 =	vmov s17  }
0x204: {  	s6 =	simm.s32 @!p1 $0x12F70;
	v5 =	vshll.u32 v8, $0x4;
	[tilespmem:v2+s2+$0x9C40 ss:$0x1] =	vst.idx.msk $0xffff, v4;
	s2 =	sadd.s32 @!p1 s8, s4;
	s4 =	simm.s32 @!p1 $0x0  }
0x205: {  	v5 =	vor.u32 v1, v5;
	[tilespmem:s6], [sflag:$0x2] =	stream.linear.gather @!p1 [hbm4b:s2+s4], $0x800, $0x38;
	[tilespmem:$0x19A80] =	vst v63  }
0x206: {  	v7 =	vmov s26;
	s4 =	simm.s32 @!p1 $0x2  }
0x207: {  	_ =	swait.ge @!p1 [sflag:s4], $0x800  }
0x208: {  	[sflag:s4] =	ssyncset.done @!p1 $0x0  }
0x209: {  	[sflag:s4] =	ssyncadd.s32 @!p1 $0xFFFFF800  }
0x20a: {  	v6 =	vld.idx.msk [tilespmem:v5+s25+$0x0], $0xffff  }
0x20b: {  	s31 =	sadd.s32 $0x1, s14;
	v7 =	vld.idx.msk [tilespmem:v7+s1+$0x0], $0xffff  }
0x20c: {  	s16 =	simm.s32 $0x1;
	s15 =	sshll.u32 s13, $0x4;
	s17 =	simm.s32 $0x2;
	v8 =	vshll.u32 v8, $0x5;
	v5 =	vmov s31  }
.LBB2_5:
0x20d: {  	p1 =	sne.s32 s17, $0xF;
	v9 =	vshll.u32 v5, $0x4;
	v8 =	vor.u32 v1, v8  }
0x20e: {  	s2 =	sadd.s32 s16, s11;
	s16 =	smov.u32 s17;
	v9 =	vor.u32 v1, v9  }
0x20f: {  	v10 =	vmov s2  }
0x210: {  	v6 =	vmul.f32 v6, v7;
	_ =	sdelay $0x1  }
.Ltmp1:
0x211: {  	[tilespmem:v8+s28+$0x0] =	vst.idx.msk $0xffff, v6;
	(pc) =	sbr.rel @p1 .LBB2_5-.Ltmp1, $4  }
0x212: {  	v6 =	vld.idx.msk [tilespmem:v9+s25+$0x0], $0xffff  }
0x213: {  	v7 =	vld.idx.msk [tilespmem:v10+s1+$0x0], $0xffff  }
0x214: {  	s2 =	sadd.s32 s17, s14  }
0x215: {  	s17 =	sadd.s32 $0x1, s17;
	v8 =	vshll.u32 v5, $0x5;
	v5 =	vmov s2  }
0x216: {  	v9 =	vshll.u32 v5, $0x4;
	v8 =	vor.u32 v1, v8  }
0x217: {  	s2 =	sadd.s32 s16, s11;
	v9 =	vor.u32 v1, v9  }
0x218: {  	v10 =	vmov s2  }
0x219: {  	v6 =	vmul.f32 v6, v7;
	_ =	sdelay $0x1  }
0x21a: {  	[tilespmem:v8+s28+$0x0] =	vst.idx.msk $0xffff, v6  }
0x21b: {  	v6 =	vld.idx.msk [tilespmem:v9+s25+$0x0], $0xffff  }
0x21c: {  	v7 =	vld.idx.msk [tilespmem:v10+s1+$0x0], $0xffff  }
0x21d: {  	v5 =	vshll.u32 v5, $0x5;
	v8 =	vor.u32 s15, v1  }
0x21e: {  	v5 =	vor.u32 v1, v5;
	v9 =	vshll.u32 v8, $0x5  }
0x21f: {  	v10 =	vor.u32 $0xFFFFFFF8, v1;
	v9 =	vor.u32 $0x10, v9  }
0x220: {  	v8 =	vand.u32 v10, v8  }
0x221: {  	v6 =	vmul.f32 v6, v7;
	_ =	sdelay $0x1  }
0x222: {  	p1 =	sne.s32 s13, $0x7;
	[tilespmem:v5+s28+$0x0] =	vst.idx.msk $0xffff, v6  }
0x223: {  	p2 =	sne.s32 @p1 s12, s20;
	[tilespmem:v9+s28+$0x0] =	vst.idx.msk $0xffff, v4  }
0x224: {  	p2 =	por p2, !p1;
	[tilespmem:v8+s23+$0x0] =	vst.idx.msk $0xffff, v3  }
0x225: {  	s2 =	simm.s32 @!p2 $0x10;
	s4 =	simm.s32 @!p2 $0x147F0;
	s6 =	simm.s32 @!p2 $0x13770;
	[tilespmem:v1+s24+$0x0] =	vst.idx.msk $0xffff, v3  }
0x226: {  	[spmem:s7] =	stream.indirect.scatter.add.f32 @!p2 [tilespmem:s6], [sflag:$0x1], $0x20, s4, s2, $0xb8;
	[tilespmem:$0x19A80] =	vst v63  }
0x227: {  	s2 =	simm.s32 @!p2 $0x1  }
0x228: {  	s12 =	sadd.s32 $0x1, s12;
	_ =	swait.ge @!p2 [sflag:s2], $0x200  }
0x229: {  	s4 =	simm.s32 @!p1 $0x14770;
	s6 =	simm.s32 @!p1 $0x13770;
	[sflag:s2] =	ssyncset.done @!p2 $0x0  }
0x22a: {  	[sflag:s2] =	ssyncadd.s32 @!p2 $0xFFFFFE00;
	s2 =	simm.s32 @!p1 $0x80;
	p2 =	sne.s32 s12, s19  }
0x22b: {  	[spmem:s7] =	stream.indirect.scatter.add.f32 @!p1 [tilespmem:s6], [sflag:$0x2], $0x20, s4, s2, $0xb8;
	[tilespmem:$0x19A80] =	vst v63  }
.Ltmp2:
0x22c: {  	_ = 	snop;
	(pc) =	sbr.rel @p2 .LBB2_4-.Ltmp2, $4  }
0x22d: {  	s2 =	simm.s32 @!p1 $0x2  }
0x22e: {  	_ =	swait.ge @!p1 [sflag:s2], $0x1000  }
0x22f: {  	[sflag:s2] =	ssyncset.done @!p1 $0x0  }
0x230: {  	s11 =	sadd.s32 $0x10, s11;
	s9 =	sadd.s32 $0x1, s9;
	[sflag:s2] =	ssyncadd.s32 @!p1 $0xFFFFF000  }
0x231: {  	s2 =	simm.s32 @p0 $0x0;
	s4 =	simm.s32 @p0 $0xAFD0;
	s6 =	rddreg [dreg:$0x11]  }
0x232: {  	[hbm4b:s6+s2] =	stream.linear.scatter @p0 [tilespmem:s4], [sflag:$0x1], $0x1380, $0x38;
	[tilespmem:$0x19A80] =	vst v63  }
0x233: {  	s2 =	simm.s32 @p0 $0x1  }
0x234: {  	_ =	swait.ge @p0 [sflag:s2], $0x1380  }
0x235: {  	s4 =	simm.s32 @!p0 $0x9C40;
	[sflag:s2] =	ssyncset.done @p0 $0x0  }
0x236: {  	s6 =	rddreg [dreg:$0x10];
	[sflag:s2] =	ssyncadd.s32 @p0 $0xFFFFEC80;
	s2 =	simm.s32 @!p0 $0x0  }
0x237: {  	[hbm4b:s6+s2] =	stream.linear.scatter @!p0 [tilespmem:s4], [sflag:$0x1], $0x1390, $0x38;
	[tilespmem:$0x19A80] =	vst v63  }
0x238: {  	s2 =	simm.s32 @!p0 $0x1  }
0x239: {  	_ =	swait.ge @!p0 [sflag:s2], $0x1390  }
0x23a: {  	[sflag:s2] =	ssyncset.done @!p0 $0x0  }
0x23b: {  	s22 =	stileid.u32;
	[sflag:s2] =	ssyncadd.s32 @!p0 $0xFFFFEC70  }
0x23c: {  	s2 =	sshll.u32 s22, $0x6;
	[bflag:$0x0] =	sbarrier.arrive $0xFFFF  }
0x23d: {  	s23 =	sshrl.u32 s10, $0x3;
	s2 =	sor.u32 $0x1C01, s2;
	s24 =	rddreg [dreg:$0x13]  }
0x23e: {  	[hbm:s24], [sflag:s2] =	dma.local [spmem:s23], $0xA00  }
0x23f: {  	_ =	swait.ge [sflag:s21], $0xA00  }
0x240: {  	s26 =	rddreg [dreg:$0x14]  }
0x241: {  	s31 =	rddreg [dreg:$0x12];
	s4 =	sadd.s32 $0x1, s26  }
0x242: {  	p1 =	sne.s32 s4, s31  }
.Ltmp3:
0x243: {  	_ = 	snop;
	(pc) =	sbr.rel @p1 .LBB2_1-.Ltmp3, $3  }
0x244: {  	_ =	sdelay $0x1  }
0x245: {  	[sflag:s21] =	ssyncset.done $0x0  }
0x246: {  	[sflag:s21] =	ssyncadd.s32 $0xFFFFF600  }
0x247: {  	_ =	sfence.sel $0x180000  }
0x248: {  	[bflag:$0x0] =	sbarrier.arrive $0xFFFF  }
0x249: {  	_ =	strace $0x90000047  }
0x24a: {  	s0 =	stileid.u32;
	[bflag:$0x2] =	sbarrier.arrive $0xFFFF  }
0x24b: {  	p0 =	sne.s32 s0, $0x0;
	s0 =	rddreg [dreg:$0x3]  }
0x24c: {  	s0 =	sadd.s32 @!p0 $0x100000, s0  }
0x24d: {  	[sflag:s0] =	ssyncadd.tile.s32 @!p0 $0x1;
	_ =	shalt  }
.Lfunc_end2:
_tile_overlayer_lowered:
.L_overlay_start_2:
0x24e: {  	(tag) =	ssettag $0x2  }
0x24f: {  	s0 =	rddreg [dreg:$0x0];
	s2 =	stileid.u32  }
0x250: {  	s1 =	rddreg [dreg:$0x1];
	p0 =	sne.s32 s2, $0x0  }
0x251: {  	s3 =	rddreg [dreg:$0x2];
	[bflag:$0x3] =	sbarrier.arrive $0xFFFF;
	s2 =	simm.s32 @!p0 $0x1C01  }
0x252: {  	[timem:s3], [sflag:s2] =	dma.local @!p0 [hbm:s0], s1  }
0x253: {  	s0 =	simm.s32 @!p0 $0x1  }
0x254: {  	_ =	swait.ge @!p0 [sflag:s0], s1  }
0x255: {  	s1 =	ssub.s32 @!p0 $0x0, s1;
	[sflag:s0] =	ssyncset.done @!p0 $0x0  }
0x256: {  	[sflag:s0] =	ssyncadd.s32 @!p0 s1  }
0x257: {  	[bflag:$0x3] =	sbarrier.arrive $0xFFFF  }
0x258: {  	_ =	shalt  }

</sc_bundles>
